<compile_context>
chip_gen: v7x
topology: tpu7x:2x2x1
jax: 0.10.2.dev20260603
libtpu: 0.0.44.dev20260713+nightly
codegen_flags: <defaults>
</compile_context>

<pallas_src>
import functools

import jax
import jax.numpy as jnp
from jax import lax
from jax.experimental import pallas as pl
from jax.experimental.pallas import tpu as pltpu
from jax.experimental.pallas import tpu_sc as plsc

TASK = 8
PE = 64
ND = 128
DEPTH = 7
DEV = PE * ND
NT = 16
CHUNK = DEV // NT
L = 16
NROW = 7
BLK = NROW * L
NNODE = 2 ** DEPTH - 1
DIMS = [TASK + PE * (ND >> d) for d in range(DEPTH)]
W = CHUNK + TASK


def _lane_iota():
    return lax.iota(jnp.int32, L)


def _allsum(v):
    iota = _lane_iota()
    for s in (8, 4, 2, 1):
        v = v + v.at[iota ^ s].get(mode="promise_in_bounds",
                                   unique_indices=True)
    return v


def _lane_pick(vec, lane):
    sel = jnp.where(_lane_iota() == lane, vec, jnp.float32(0.0))
    return _allsum(sel)


def _tree_body(x_hbm, w0, w1, w2, w3, w4, w5, w6, b_hbm, p_hbm, out_hbm,
               xv, xtv, bv, wva, wv5, wv6, localf, shared, pv, accv, outv,
               sem):
    t = lax.axis_index("s")
    wfs = (w0, w1, w2, w3, w4)

    copies = [
        pltpu.async_copy(x_hbm.at[pl.ds(TASK + t * CHUNK, CHUNK)], xv, sem),
        pltpu.async_copy(x_hbm.at[pl.ds(0, L)], xtv, sem),
        pltpu.async_copy(b_hbm, bv, sem),
    ]
    nodes = []
    masks = []
    for d in range(5):
        shift = 4 - d
        node = lax.shift_right_logical(t, shift)
        k = t & ((1 << shift) - 1)
        nodes.append(node)
        masks.append(k == 0)
        start = node * DIMS[d] + CHUNK * k
        copies.append(pltpu.async_copy(
            wfs[d].at[pl.ds(start, W)], wva.at[pl.ds(d * W, W)], sem))
    copies.append(pltpu.async_copy(
        w5.at[pl.ds(2 * t * DIMS[5], 2 * DIMS[5])], wv5, sem))
    copies.append(pltpu.async_copy(
        w6.at[pl.ds(4 * t * DIMS[6], 4 * DIMS[6])], wv6, sem))

    @pl.when(t == 0)
    def _():
        pltpu.async_copy(p_hbm, pv, sem).wait()

    for c in copies:
        c.wait()

    iota = _lane_iota()
    zero = jnp.float32(0.0)
    xtm = jnp.where(iota < TASK, xtv[...], zero)
    lane0 = iota == 0

    def taskbias(wref, wbase, brow):
        return (wref[pl.ds(wbase, L)] * xtm
                + jnp.where(lane0, bv[pl.ds(brow, L)], zero))

    acc = [jnp.zeros((L,), jnp.float32) for _ in range(5)]
    acc5 = [jnp.zeros((L,), jnp.float32) for _ in range(2)]
    acc6 = [jnp.zeros((L,), jnp.float32) for _ in range(4)]
    for i in range(CHUNK // L):
        xl = xv[pl.ds(i * L, L)]
        for d in range(5):
            acc[d] = acc[d] + wva[pl.ds(d * W + TASK + i * L, L)] * xl
        j5 = i // 16
        acc5[j5] = acc5[j5] + wv5[pl.ds(j5 * DIMS[5] + TASK
                                        + (i % 16) * L, L)] * xl
        j6 = i // 8
        acc6[j6] = acc6[j6] + wv6[pl.ds(j6 * DIMS[6] + TASK
                                        + (i % 8) * L, L)] * xl

    for d in range(5):
        extra = taskbias(wva, d * W, (2 ** d - 1) + nodes[d])
        val = _allsum(acc[d] + jnp.where(masks[d], extra, zero))
        localf[pl.ds(d * L, L)] = jnp.where(iota == nodes[d], val, zero)
    v5s = []
    for j in range(2):
        v5s.append(_allsum(acc5[j]
                           + taskbias(wv5, j * DIMS[5], 31 + 2 * t + j)))
    l0 = (2 * t) & (L - 1)
    localf[pl.ds(5 * L, L)] = jnp.where(
        iota == l0, v5s[0], jnp.where(iota == l0 + 1, v5s[1], zero))
    v6s = []
    for j in range(4):
        v6s.append(_allsum(acc6[j]
                           + taskbias(wv6, j * DIMS[6], 63 + 4 * t + j)))
    m0 = (4 * t) & (L - 1)
    localf[pl.ds(6 * L, L)] = jnp.where(
        iota == m0, v6s[0],
        jnp.where(iota == m0 + 1, v6s[1],
                  jnp.where(iota == m0 + 2, v6s[2],
                            jnp.where(iota == m0 + 3, v6s[3], zero))))

    pltpu.sync_copy(localf, shared.at[pl.ds(t * BLK, BLK)])
    plsc.subcore_barrier()

    @pl.when(t == 0)
    def _():
        pltpu.sync_copy(shared, accv)

        def blk(tt, r):
            return accv[pl.ds(tt * BLK + r * L, L)]

        rows = []
        for r in range(5):
            s = blk(0, r)
            for tt in range(1, NT):
                s = s + blk(tt, r)
            rows.append(s)
        for half in range(2):
            s = blk(8 * half, 5)
            for tt in range(8 * half + 1, 8 * half + 8):
                s = s + blk(tt, 5)
            rows.append(s)
        for g in range(4):
            s = blk(4 * g, 6)
            for tt in range(4 * g + 1, 4 * g + 4):
                s = s + blk(tt, 6)
            rows.append(s)

        one = jnp.float32(1.0)
        idx = jnp.int32(0)
        vden = jnp.full((L,), one, jnp.float32)
        for d in range(DEPTH):
            if d <= 4:
                logit = _lane_pick(rows[d], idx)
            elif d == 5:
                logit = _lane_pick(jnp.where(idx < L, rows[5], rows[6]),
                                   idx & (L - 1))
            else:
                grp = lax.shift_right_logical(idx, 4)
                sel = jnp.where(grp == 0, rows[7],
                                jnp.where(grp == 1, rows[8],
                                          jnp.where(grp == 2, rows[9],
                                                    rows[10])))
                logit = _lane_pick(sel, idx & (L - 1))
            vden = vden * (one + jnp.exp(-logit))
            rvec = jnp.where(logit >= zero, jnp.int32(1), jnp.int32(0))
            idx = 2 * idx + rvec[0]
        base = lax.shift_left(lax.shift_right_logical(idx, 4), 4)
        pval = _lane_pick(pv[pl.ds(base, L)], idx & (L - 1))
        outv[...] = pval / vden
        pltpu.sync_copy(outv.at[pl.ds(0, 1)], out_hbm)


@functools.partial(jax.jit, static_argnums=())
def kernel(x, W0, W1, W2, W3, W4, W5, W6, b, P):
    wfs = [w.reshape(-1) for w in (W0, W1, W2, W3, W4, W5, W6)]
    pfl = P.reshape(-1)

    mesh = plsc.VectorSubcoreMesh(core_axis_name="c", subcore_axis_name="s",
                                  num_cores=1, num_subcores=NT)
    run = pl.kernel(
        _tree_body,
        out_type=jax.ShapeDtypeStruct((1,), jnp.float32),
        mesh=mesh,
        scratch_types=[
            pltpu.VMEM((CHUNK,), jnp.float32),
            pltpu.VMEM((L,), jnp.float32),
            pltpu.VMEM((NNODE,), jnp.float32),
            pltpu.VMEM((5 * W,), jnp.float32),
            pltpu.VMEM((2 * DIMS[5],), jnp.float32),
            pltpu.VMEM((4 * DIMS[6],), jnp.float32),
            pltpu.VMEM((BLK,), jnp.float32),
            pltpu.VMEM_SHARED((NT * BLK,), jnp.float32),
            pltpu.VMEM((ND,), jnp.float32),
            pltpu.VMEM((NT * BLK,), jnp.float32),
            pltpu.VMEM((L,), jnp.float32),
            pltpu.SemaphoreType.DMA,
        ],
    )
    return run(x, *wfs, b, pfl)

# --- scband reference (transcript-rebuilt; emitter-appended) ---
"""Pipeline reference for scband-device-cluster-tree-38199439131226 (READ-ONLY COPY).

The authoritative reference and input builder live on the scoring server;
editing this copy changes nothing except your own understanding.
"""

import jax, jax.numpy as jnp
import numpy as np

TASK = 8      # task_num_input (onehot_kind=True)
PE = 64       # learning_config['pe_num_features']
ND = 128      # number of devices at the root
DEPTH = 7     # max_depth; leaves hold ND >> DEPTH = 1 device each


def setup_inputs(seed: int = 0):
    key = jax.random.key(seed)
    ks = jax.random.split(key, DEPTH + 3)
    inp = {}
    # forward input: task features (8) + per-device features (64 each for 128 devices)
    inp["x"] = jax.random.normal(ks[0], (TASK + PE * ND,), dtype=jnp.float32)
    # learned parameters: one routing weight vector + bias per internal node,
    # stacked per level d (2**d nodes, each sees 8 + 64*(128>>d) features),
    # matching nn.Parameter(torch.empty(num_input + pe_num_features*len(devices)).normal_(0, 0.1))
    for d in range(DEPTH):
        dim = TASK + PE * (ND >> d)
        inp["W%d" % d] = jax.random.normal(ks[1 + d], (2 ** d, dim), dtype=jnp.float32) * 0.1
    # biases initialized to zeros(1) per node -> stacked [2**DEPTH - 1]
    inp["b"] = jnp.zeros((2 ** DEPTH - 1,), dtype=jnp.float32)
    # leaf prob_dist parameters: 2**DEPTH leaves x 1 device each
    inp["P"] = jax.random.normal(ks[DEPTH + 1], (2 ** DEPTH, ND >> DEPTH), dtype=jnp.float32) * 0.1
    return inp


def reference(x, W0, W1, W2, W3, W4, W5, W6, b, P):
    # Faithful eager translation of DeviceClusterTree.forward with
    # should_explore=False and balance_kmeans_cluster splitting the device
    # list into left = first half, right = second half (balanced 2-way split).
    Ws = [W0, W1, W2, W3, W4, W5, W6]
    v = jnp.asarray(1.0, dtype=jnp.float32)
    idx = jnp.asarray(0, dtype=jnp.int32)
    xc = x
    for d in range(DEPTH):
        # val = sigmoid(x @ w + bias)
        val = jax.nn.sigmoid(jnp.dot(xc, Ws[d][idx]) + b[2 ** d - 1 + idx])
        half = (ND >> d) // 2
        r = (val >= 0.5).astype(jnp.int32)
        # gather the chosen child's per-device feature rows
        temp = xc[TASK:].reshape(-1, PE)
        sel = r * half + jnp.arange(half)
        xc = jnp.concatenate([xc[:TASK], temp[sel].reshape(-1)])
        idx = idx * 2 + r
        v = v * val
    # leaf: return product of path vals times the leaf prob_dist
    return v * P[idx]

if __name__ == "__main__":
    import jax
    _d = setup_inputs()
    print(jax.jit(kernel)(*tuple(_d.values())))

</pallas_src>

<mosaic_0001>
#map = affine_map<(d0, d1) -> (0)>
module attributes {stable_mosaic.version = 14 : i64} {
  func.func @_tree_body(%arg0: i32, %arg1: i32, %arg2: memref<8200xf32, #tpu.memory_space<hbm>>, %arg3: memref<8200xf32, #tpu.memory_space<hbm>>, %arg4: memref<8208xf32, #tpu.memory_space<hbm>>, %arg5: memref<8224xf32, #tpu.memory_space<hbm>>, %arg6: memref<8256xf32, #tpu.memory_space<hbm>>, %arg7: memref<8320xf32, #tpu.memory_space<hbm>>, %arg8: memref<8448xf32, #tpu.memory_space<hbm>>, %arg9: memref<8704xf32, #tpu.memory_space<hbm>>, %arg10: memref<127xf32, #tpu.memory_space<hbm>>, %arg11: memref<128xf32, #tpu.memory_space<hbm>>, %arg12: memref<1xf32, #tpu.memory_space<hbm>>, %arg13: memref<512xf32, #tpu.memory_space<vmem>>, %arg14: memref<16xf32, #tpu.memory_space<vmem>>, %arg15: memref<127xf32, #tpu.memory_space<vmem>>, %arg16: memref<2600xf32, #tpu.memory_space<vmem>>, %arg17: memref<528xf32, #tpu.memory_space<vmem>>, %arg18: memref<544xf32, #tpu.memory_space<vmem>>, %arg19: memref<112xf32, #tpu.memory_space<vmem>>, %arg20: memref<1792xf32, #tpu.memory_space<vmem_shared>>, %arg21: memref<128xf32, #tpu.memory_space<vmem>>, %arg22: memref<1792xf32, #tpu.memory_space<vmem>>, %arg23: memref<16xf32, #tpu.memory_space<vmem>>, %arg24: memref<!tpu.dma_semaphore, #tpu.memory_space<semaphore_mem>>) attributes {dimension_semantics = [#tpu.dimension_semantics<core_parallel>, #tpu.dimension_semantics<subcore_parallel>], iteration_bounds = array<i64: 1, 16>, scalar_prefetch = 0 : i64, scratch_operands = 12 : i64, tpu.core_type = #tpu.core_type<sc_vector_subcore>, window_params = [{transform_indices = #map}, {transform_indices = #map}, {transform_indices = #map}, {transform_indices = #map}, {transform_indices = #map}, {transform_indices = #map}, {transform_indices = #map}, {transform_indices = #map}, {transform_indices = #map}, {transform_indices = #map}, {transform_indices = #map}]} {
    %mul3A = arith.constant 512 : i32
    %mul3A_0 = arith.muli %arg1, %mul3A : i32
    %add3A = arith.constant 8 : i32
    %add3A_1 = arith.addi %add3A, %mul3A_0 : i32
    %dma_start3A = tpu.memref_slice %arg2[%add3A_1] : memref<8200xf32, #tpu.memory_space<hbm>> -> memref<512xf32, #tpu.memory_space<hbm>>
    %dma_start3A_2 = tpu.memref_slice %arg2[%add3A_1] : memref<8200xf32, #tpu.memory_space<hbm>> -> memref<512xf32, #tpu.memory_space<hbm>>
    tpu.enqueue_dma source(%dma_start3A_2 : memref<512xf32, #tpu.memory_space<hbm>>) target(%arg13 : memref<512xf32, #tpu.memory_space<vmem>>) target_semaphore(%arg24 : memref<!tpu.dma_semaphore, #tpu.memory_space<semaphore_mem>>)
    %dma_start3A_3 = arith.constant 0 : i32
    %dma_start3A_4 = tpu.memref_slice %arg2[%dma_start3A_3] : memref<8200xf32, #tpu.memory_space<hbm>> -> memref<16xf32, #tpu.memory_space<hbm>>
    %dma_start3A_5 = arith.constant 0 : i32
    %dma_start3A_6 = tpu.memref_slice %arg2[%dma_start3A_5] : memref<8200xf32, #tpu.memory_space<hbm>> -> memref<16xf32, #tpu.memory_space<hbm>>
    tpu.enqueue_dma source(%dma_start3A_6 : memref<16xf32, #tpu.memory_space<hbm>>) target(%arg14 : memref<16xf32, #tpu.memory_space<vmem>>) target_semaphore(%arg24 : memref<!tpu.dma_semaphore, #tpu.memory_space<semaphore_mem>>)
    tpu.enqueue_dma source(%arg10 : memref<127xf32, #tpu.memory_space<hbm>>) target(%arg15 : memref<127xf32, #tpu.memory_space<vmem>>) target_semaphore(%arg24 : memref<!tpu.dma_semaphore, #tpu.memory_space<semaphore_mem>>)
    %shift_right_logical3A = arith.constant 4 : i32
    %shift_right_logical3A_7 = arith.shrui %arg1, %shift_right_logical3A : i32
    %and3A = arith.constant 15 : i32
    %and3A_8 = arith.andi %arg1, %and3A : i32
    %eq3A = arith.constant 0 : i32
    %eq3A_9 = arith.cmpi eq, %and3A_8, %eq3A : i32
    %mul3A_10 = arith.constant 8200 : i32
    %mul3A_11 = arith.muli %shift_right_logical3A_7, %mul3A_10 : i32
    %mul3A_12 = arith.constant 512 : i32
    %mul3A_13 = arith.muli %mul3A_12, %and3A_8 : i32
    %add3A_14 = arith.addi %mul3A_11, %mul3A_13 : i32
    %dma_start3A_15 = arith.constant 0 : i32
    %dma_start3A_16 = tpu.memref_slice %arg16[%dma_start3A_15] : memref<2600xf32, #tpu.memory_space<vmem>> -> memref<520xf32, #tpu.memory_space<vmem>>
    %dma_start3A_17 = tpu.memref_slice %arg3[%add3A_14] : memref<8200xf32, #tpu.memory_space<hbm>> -> memref<520xf32, #tpu.memory_space<hbm>>
    %dma_start3A_18 = arith.constant 0 : i32
    %dma_start3A_19 = tpu.memref_slice %arg16[%dma_start3A_18] : memref<2600xf32, #tpu.memory_space<vmem>> -> memref<520xf32, #tpu.memory_space<vmem>>
    %dma_start3A_20 = tpu.memref_slice %arg3[%add3A_14] : memref<8200xf32, #tpu.memory_space<hbm>> -> memref<520xf32, #tpu.memory_space<hbm>>
    tpu.enqueue_dma source(%dma_start3A_20 : memref<520xf32, #tpu.memory_space<hbm>>) target(%dma_start3A_19 : memref<520xf32, #tpu.memory_space<vmem>>) target_semaphore(%arg24 : memref<!tpu.dma_semaphore, #tpu.memory_space<semaphore_mem>>)
    %shift_right_logical3A_21 = arith.constant 3 : i32
    %shift_right_logical3A_22 = arith.shrui %arg1, %shift_right_logical3A_21 : i32
    %and3A_23 = arith.constant 7 : i32
    %and3A_24 = arith.andi %arg1, %and3A_23 : i32
    %eq3A_25 = arith.constant 0 : i32
    %eq3A_26 = arith.cmpi eq, %and3A_24, %eq3A_25 : i32
    %mul3A_27 = arith.constant 4104 : i32
    %mul3A_28 = arith.muli %shift_right_logical3A_22, %mul3A_27 : i32
    %mul3A_29 = arith.constant 512 : i32
    %mul3A_30 = arith.muli %mul3A_29, %and3A_24 : i32
    %add3A_31 = arith.addi %mul3A_28, %mul3A_30 : i32
    %dma_start3A_32 = arith.constant 520 : i32
    %dma_start3A_33 = tpu.memref_slice %arg16[%dma_start3A_32] : memref<2600xf32, #tpu.memory_space<vmem>> -> memref<520xf32, #tpu.memory_space<vmem>>
    %dma_start3A_34 = tpu.memref_slice %arg4[%add3A_31] : memref<8208xf32, #tpu.memory_space<hbm>> -> memref<520xf32, #tpu.memory_space<hbm>>
    %dma_start3A_35 = arith.constant 520 : i32
    %dma_start3A_36 = tpu.memref_slice %arg16[%dma_start3A_35] : memref<2600xf32, #tpu.memory_space<vmem>> -> memref<520xf32, #tpu.memory_space<vmem>>
    %dma_start3A_37 = tpu.memref_slice %arg4[%add3A_31] : memref<8208xf32, #tpu.memory_space<hbm>> -> memref<520xf32, #tpu.memory_space<hbm>>
    tpu.enqueue_dma source(%dma_start3A_37 : memref<520xf32, #tpu.memory_space<hbm>>) target(%dma_start3A_36 : memref<520xf32, #tpu.memory_space<vmem>>) target_semaphore(%arg24 : memref<!tpu.dma_semaphore, #tpu.memory_space<semaphore_mem>>)
    %shift_right_logical3A_38 = arith.constant 2 : i32
    %shift_right_logical3A_39 = arith.shrui %arg1, %shift_right_logical3A_38 : i32
    %and3A_40 = arith.constant 3 : i32
    %and3A_41 = arith.andi %arg1, %and3A_40 : i32
    %eq3A_42 = arith.constant 0 : i32
    %eq3A_43 = arith.cmpi eq, %and3A_41, %eq3A_42 : i32
    %mul3A_44 = arith.constant 2056 : i32
    %mul3A_45 = arith.muli %shift_right_logical3A_39, %mul3A_44 : i32
    %mul3A_46 = arith.constant 512 : i32
    %mul3A_47 = arith.muli %mul3A_46, %and3A_41 : i32
    %add3A_48 = arith.addi %mul3A_45, %mul3A_47 : i32
    %dma_start3A_49 = arith.constant 1040 : i32
    %dma_start3A_50 = tpu.memref_slice %arg16[%dma_start3A_49] : memref<2600xf32, #tpu.memory_space<vmem>> -> memref<520xf32, #tpu.memory_space<vmem>>
    %dma_start3A_51 = tpu.memref_slice %arg5[%add3A_48] : memref<8224xf32, #tpu.memory_space<hbm>> -> memref<520xf32, #tpu.memory_space<hbm>>
    %dma_start3A_52 = arith.constant 1040 : i32
    %dma_start3A_53 = tpu.memref_slice %arg16[%dma_start3A_52] : memref<2600xf32, #tpu.memory_space<vmem>> -> memref<520xf32, #tpu.memory_space<vmem>>
    %dma_start3A_54 = tpu.memref_slice %arg5[%add3A_48] : memref<8224xf32, #tpu.memory_space<hbm>> -> memref<520xf32, #tpu.memory_space<hbm>>
    tpu.enqueue_dma source(%dma_start3A_54 : memref<520xf32, #tpu.memory_space<hbm>>) target(%dma_start3A_53 : memref<520xf32, #tpu.memory_space<vmem>>) target_semaphore(%arg24 : memref<!tpu.dma_semaphore, #tpu.memory_space<semaphore_mem>>)
    %shift_right_logical3A_55 = arith.constant 1 : i32
    %shift_right_logical3A_56 = arith.shrui %arg1, %shift_right_logical3A_55 : i32
    %and3A_57 = arith.constant 1 : i32
    %and3A_58 = arith.andi %arg1, %and3A_57 : i32
    %eq3A_59 = arith.constant 0 : i32
    %eq3A_60 = arith.cmpi eq, %and3A_58, %eq3A_59 : i32
    %mul3A_61 = arith.constant 1032 : i32
    %mul3A_62 = arith.muli %shift_right_logical3A_56, %mul3A_61 : i32
    %mul3A_63 = arith.constant 512 : i32
    %mul3A_64 = arith.muli %mul3A_63, %and3A_58 : i32
    %add3A_65 = arith.addi %mul3A_62, %mul3A_64 : i32
    %dma_start3A_66 = arith.constant 1560 : i32
    %dma_start3A_67 = tpu.memref_slice %arg16[%dma_start3A_66] : memref<2600xf32, #tpu.memory_space<vmem>> -> memref<520xf32, #tpu.memory_space<vmem>>
    %dma_start3A_68 = tpu.memref_slice %arg6[%add3A_65] : memref<8256xf32, #tpu.memory_space<hbm>> -> memref<520xf32, #tpu.memory_space<hbm>>
    %dma_start3A_69 = arith.constant 1560 : i32
    %dma_start3A_70 = tpu.memref_slice %arg16[%dma_start3A_69] : memref<2600xf32, #tpu.memory_space<vmem>> -> memref<520xf32, #tpu.memory_space<vmem>>
    %dma_start3A_71 = tpu.memref_slice %arg6[%add3A_65] : memref<8256xf32, #tpu.memory_space<hbm>> -> memref<520xf32, #tpu.memory_space<hbm>>
    tpu.enqueue_dma source(%dma_start3A_71 : memref<520xf32, #tpu.memory_space<hbm>>) target(%dma_start3A_70 : memref<520xf32, #tpu.memory_space<vmem>>) target_semaphore(%arg24 : memref<!tpu.dma_semaphore, #tpu.memory_space<semaphore_mem>>)
    %shift_right_logical3A_72 = arith.constant 0 : i32
    %shift_right_logical3A_73 = arith.shrui %arg1, %shift_right_logical3A_72 : i32
    %and3A_74 = arith.constant 0 : i32
    %and3A_75 = arith.andi %arg1, %and3A_74 : i32
    %eq3A_76 = arith.constant 0 : i32
    %eq3A_77 = arith.cmpi eq, %and3A_75, %eq3A_76 : i32
    %mul3A_78 = arith.constant 520 : i32
    %mul3A_79 = arith.muli %shift_right_logical3A_73, %mul3A_78 : i32
    %mul3A_80 = arith.constant 512 : i32
    %mul3A_81 = arith.muli %mul3A_80, %and3A_75 : i32
    %add3A_82 = arith.addi %mul3A_79, %mul3A_81 : i32
    %dma_start3A_83 = arith.constant 2080 : i32
    %dma_start3A_84 = tpu.memref_slice %arg16[%dma_start3A_83] : memref<2600xf32, #tpu.memory_space<vmem>> -> memref<520xf32, #tpu.memory_space<vmem>>
    %dma_start3A_85 = tpu.memref_slice %arg7[%add3A_82] : memref<8320xf32, #tpu.memory_space<hbm>> -> memref<520xf32, #tpu.memory_space<hbm>>
    %dma_start3A_86 = arith.constant 2080 : i32
    %dma_start3A_87 = tpu.memref_slice %arg16[%dma_start3A_86] : memref<2600xf32, #tpu.memory_space<vmem>> -> memref<520xf32, #tpu.memory_space<vmem>>
    %dma_start3A_88 = tpu.memref_slice %arg7[%add3A_82] : memref<8320xf32, #tpu.memory_space<hbm>> -> memref<520xf32, #tpu.memory_space<hbm>>
    tpu.enqueue_dma source(%dma_start3A_88 : memref<520xf32, #tpu.memory_space<hbm>>) target(%dma_start3A_87 : memref<520xf32, #tpu.memory_space<vmem>>) target_semaphore(%arg24 : memref<!tpu.dma_semaphore, #tpu.memory_space<semaphore_mem>>)
    %mul3A_89 = arith.constant 2 : i32
    %mul3A_90 = arith.muli %mul3A_89, %arg1 : i32
    %mul3A_91 = arith.constant 264 : i32
    %mul3A_92 = arith.muli %mul3A_90, %mul3A_91 : i32
    %dma_start3A_93 = tpu.memref_slice %arg8[%mul3A_92] : memref<8448xf32, #tpu.memory_space<hbm>> -> memref<528xf32, #tpu.memory_space<hbm>>
    %dma_start3A_94 = tpu.memref_slice %arg8[%mul3A_92] : memref<8448xf32, #tpu.memory_space<hbm>> -> memref<528xf32, #tpu.memory_space<hbm>>
    tpu.enqueue_dma source(%dma_start3A_94 : memref<528xf32, #tpu.memory_space<hbm>>) target(%arg17 : memref<528xf32, #tpu.memory_space<vmem>>) target_semaphore(%arg24 : memref<!tpu.dma_semaphore, #tpu.memory_space<semaphore_mem>>)
    %mul3A_95 = arith.constant 4 : i32
    %mul3A_96 = arith.muli %mul3A_95, %arg1 : i32
    %mul3A_97 = arith.constant 136 : i32
    %mul3A_98 = arith.muli %mul3A_96, %mul3A_97 : i32
    %dma_start3A_99 = tpu.memref_slice %arg9[%mul3A_98] : memref<8704xf32, #tpu.memory_space<hbm>> -> memref<544xf32, #tpu.memory_space<hbm>>
    %dma_start3A_100 = tpu.memref_slice %arg9[%mul3A_98] : memref<8704xf32, #tpu.memory_space<hbm>> -> memref<544xf32, #tpu.memory_space<hbm>>
    tpu.enqueue_dma source(%dma_start3A_100 : memref<544xf32, #tpu.memory_space<hbm>>) target(%arg18 : memref<544xf32, #tpu.memory_space<vmem>>) target_semaphore(%arg24 : memref<!tpu.dma_semaphore, #tpu.memory_space<semaphore_mem>>)
    %eq3A_101 = arith.constant 0 : i32
    %eq3A_102 = arith.cmpi eq, %arg1, %eq3A_101 : i32
    %convert_element_type3A = arith.extui %eq3A_102 : i1 to i32
    %cond3A = arith.constant 0 : i32
    %cond3A_103 = arith.cmpi ne, %convert_element_type3A, %cond3A : i32
    scf.if %cond3A_103 {
      tpu.enqueue_dma source(%arg11 : memref<128xf32, #tpu.memory_space<hbm>>) target(%arg21 : memref<128xf32, #tpu.memory_space<vmem>>) target_semaphore(%arg24 : memref<!tpu.dma_semaphore, #tpu.memory_space<semaphore_mem>>)
      tpu.wait_dma2 semaphore(%arg24 : memref<!tpu.dma_semaphore, #tpu.memory_space<semaphore_mem>>) src(%arg11 : memref<128xf32, #tpu.memory_space<hbm>>) dst(%arg21 : memref<128xf32, #tpu.memory_space<vmem>>)
    } else {
    }
    %dma_wait3A = tpu.memref_slice %arg2[%add3A_1] : memref<8200xf32, #tpu.memory_space<hbm>> -> memref<512xf32, #tpu.memory_space<hbm>>
    %dma_wait3A_104 = tpu.memref_slice %arg2[%add3A_1] : memref<8200xf32, #tpu.memory_space<hbm>> -> memref<512xf32, #tpu.memory_space<hbm>>
    tpu.wait_dma2 semaphore(%arg24 : memref<!tpu.dma_semaphore, #tpu.memory_space<semaphore_mem>>) src(%dma_wait3A_104 : memref<512xf32, #tpu.memory_space<hbm>>) dst(%arg13 : memref<512xf32, #tpu.memory_space<vmem>>)
    %dma_wait3A_105 = arith.constant 0 : i32
    %dma_wait3A_106 = tpu.memref_slice %arg2[%dma_wait3A_105] : memref<8200xf32, #tpu.memory_space<hbm>> -> memref<16xf32, #tpu.memory_space<hbm>>
    %dma_wait3A_107 = arith.constant 0 : i32
    %dma_wait3A_108 = tpu.memref_slice %arg2[%dma_wait3A_107] : memref<8200xf32, #tpu.memory_space<hbm>> -> memref<16xf32, #tpu.memory_space<hbm>>
    tpu.wait_dma2 semaphore(%arg24 : memref<!tpu.dma_semaphore, #tpu.memory_space<semaphore_mem>>) src(%dma_wait3A_108 : memref<16xf32, #tpu.memory_space<hbm>>) dst(%arg14 : memref<16xf32, #tpu.memory_space<vmem>>)
    tpu.wait_dma2 semaphore(%arg24 : memref<!tpu.dma_semaphore, #tpu.memory_space<semaphore_mem>>) src(%arg10 : memref<127xf32, #tpu.memory_space<hbm>>) dst(%arg15 : memref<127xf32, #tpu.memory_space<vmem>>)
    %dma_wait3A_109 = arith.constant 0 : i32
    %dma_wait3A_110 = tpu.memref_slice %arg16[%dma_wait3A_109] : memref<2600xf32, #tpu.memory_space<vmem>> -> memref<520xf32, #tpu.memory_space<vmem>>
    %dma_wait3A_111 = tpu.memref_slice %arg3[%add3A_14] : memref<8200xf32, #tpu.memory_space<hbm>> -> memref<520xf32, #tpu.memory_space<hbm>>
    %dma_wait3A_112 = arith.constant 0 : i32
    %dma_wait3A_113 = tpu.memref_slice %arg16[%dma_wait3A_112] : memref<2600xf32, #tpu.memory_space<vmem>> -> memref<520xf32, #tpu.memory_space<vmem>>
    %dma_wait3A_114 = tpu.memref_slice %arg3[%add3A_14] : memref<8200xf32, #tpu.memory_space<hbm>> -> memref<520xf32, #tpu.memory_space<hbm>>
    tpu.wait_dma2 semaphore(%arg24 : memref<!tpu.dma_semaphore, #tpu.memory_space<semaphore_mem>>) src(%dma_wait3A_114 : memref<520xf32, #tpu.memory_space<hbm>>) dst(%dma_wait3A_113 : memref<520xf32, #tpu.memory_space<vmem>>)
    %dma_wait3A_115 = arith.constant 520 : i32
    %dma_wait3A_116 = tpu.memref_slice %arg16[%dma_wait3A_115] : memref<2600xf32, #tpu.memory_space<vmem>> -> memref<520xf32, #tpu.memory_space<vmem>>
    %dma_wait3A_117 = tpu.memref_slice %arg4[%add3A_31] : memref<8208xf32, #tpu.memory_space<hbm>> -> memref<520xf32, #tpu.memory_space<hbm>>
    %dma_wait3A_118 = arith.constant 520 : i32
    %dma_wait3A_119 = tpu.memref_slice %arg16[%dma_wait3A_118] : memref<2600xf32, #tpu.memory_space<vmem>> -> memref<520xf32, #tpu.memory_space<vmem>>
    %dma_wait3A_120 = tpu.memref_slice %arg4[%add3A_31] : memref<8208xf32, #tpu.memory_space<hbm>> -> memref<520xf32, #tpu.memory_space<hbm>>
    tpu.wait_dma2 semaphore(%arg24 : memref<!tpu.dma_semaphore, #tpu.memory_space<semaphore_mem>>) src(%dma_wait3A_120 : memref<520xf32, #tpu.memory_space<hbm>>) dst(%dma_wait3A_119 : memref<520xf32, #tpu.memory_space<vmem>>)
    %dma_wait3A_121 = arith.constant 1040 : i32
    %dma_wait3A_122 = tpu.memref_slice %arg16[%dma_wait3A_121] : memref<2600xf32, #tpu.memory_space<vmem>> -> memref<520xf32, #tpu.memory_space<vmem>>
    %dma_wait3A_123 = tpu.memref_slice %arg5[%add3A_48] : memref<8224xf32, #tpu.memory_space<hbm>> -> memref<520xf32, #tpu.memory_space<hbm>>
    %dma_wait3A_124 = arith.constant 1040 : i32
    %dma_wait3A_125 = tpu.memref_slice %arg16[%dma_wait3A_124] : memref<2600xf32, #tpu.memory_space<vmem>> -> memref<520xf32, #tpu.memory_space<vmem>>
    %dma_wait3A_126 = tpu.memref_slice %arg5[%add3A_48] : memref<8224xf32, #tpu.memory_space<hbm>> -> memref<520xf32, #tpu.memory_space<hbm>>
    tpu.wait_dma2 semaphore(%arg24 : memref<!tpu.dma_semaphore, #tpu.memory_space<semaphore_mem>>) src(%dma_wait3A_126 : memref<520xf32, #tpu.memory_space<hbm>>) dst(%dma_wait3A_125 : memref<520xf32, #tpu.memory_space<vmem>>)
    %dma_wait3A_127 = arith.constant 1560 : i32
    %dma_wait3A_128 = tpu.memref_slice %arg16[%dma_wait3A_127] : memref<2600xf32, #tpu.memory_space<vmem>> -> memref<520xf32, #tpu.memory_space<vmem>>
    %dma_wait3A_129 = tpu.memref_slice %arg6[%add3A_65] : memref<8256xf32, #tpu.memory_space<hbm>> -> memref<520xf32, #tpu.memory_space<hbm>>
    %dma_wait3A_130 = arith.constant 1560 : i32
    %dma_wait3A_131 = tpu.memref_slice %arg16[%dma_wait3A_130] : memref<2600xf32, #tpu.memory_space<vmem>> -> memref<520xf32, #tpu.memory_space<vmem>>
    %dma_wait3A_132 = tpu.memref_slice %arg6[%add3A_65] : memref<8256xf32, #tpu.memory_space<hbm>> -> memref<520xf32, #tpu.memory_space<hbm>>
    tpu.wait_dma2 semaphore(%arg24 : memref<!tpu.dma_semaphore, #tpu.memory_space<semaphore_mem>>) src(%dma_wait3A_132 : memref<520xf32, #tpu.memory_space<hbm>>) dst(%dma_wait3A_131 : memref<520xf32, #tpu.memory_space<vmem>>)
    %dma_wait3A_133 = arith.constant 2080 : i32
    %dma_wait3A_134 = tpu.memref_slice %arg16[%dma_wait3A_133] : memref<2600xf32, #tpu.memory_space<vmem>> -> memref<520xf32, #tpu.memory_space<vmem>>
    %dma_wait3A_135 = tpu.memref_slice %arg7[%add3A_82] : memref<8320xf32, #tpu.memory_space<hbm>> -> memref<520xf32, #tpu.memory_space<hbm>>
    %dma_wait3A_136 = arith.constant 2080 : i32
    %dma_wait3A_137 = tpu.memref_slice %arg16[%dma_wait3A_136] : memref<2600xf32, #tpu.memory_space<vmem>> -> memref<520xf32, #tpu.memory_space<vmem>>
    %dma_wait3A_138 = tpu.memref_slice %arg7[%add3A_82] : memref<8320xf32, #tpu.memory_space<hbm>> -> memref<520xf32, #tpu.memory_space<hbm>>
    tpu.wait_dma2 semaphore(%arg24 : memref<!tpu.dma_semaphore, #tpu.memory_space<semaphore_mem>>) src(%dma_wait3A_138 : memref<520xf32, #tpu.memory_space<hbm>>) dst(%dma_wait3A_137 : memref<520xf32, #tpu.memory_space<vmem>>)
    %dma_wait3A_139 = tpu.memref_slice %arg8[%mul3A_92] : memref<8448xf32, #tpu.memory_space<hbm>> -> memref<528xf32, #tpu.memory_space<hbm>>
    %dma_wait3A_140 = tpu.memref_slice %arg8[%mul3A_92] : memref<8448xf32, #tpu.memory_space<hbm>> -> memref<528xf32, #tpu.memory_space<hbm>>
    tpu.wait_dma2 semaphore(%arg24 : memref<!tpu.dma_semaphore, #tpu.memory_space<semaphore_mem>>) src(%dma_wait3A_140 : memref<528xf32, #tpu.memory_space<hbm>>) dst(%arg17 : memref<528xf32, #tpu.memory_space<vmem>>)
    %dma_wait3A_141 = tpu.memref_slice %arg9[%mul3A_98] : memref<8704xf32, #tpu.memory_space<hbm>> -> memref<544xf32, #tpu.memory_space<hbm>>
    %dma_wait3A_142 = tpu.memref_slice %arg9[%mul3A_98] : memref<8704xf32, #tpu.memory_space<hbm>> -> memref<544xf32, #tpu.memory_space<hbm>>
    tpu.wait_dma2 semaphore(%arg24 : memref<!tpu.dma_semaphore, #tpu.memory_space<semaphore_mem>>) src(%dma_wait3A_142 : memref<544xf32, #tpu.memory_space<hbm>>) dst(%arg18 : memref<544xf32, #tpu.memory_space<vmem>>)
    %iota3A = tpu.iota {dimensions = array<i32: 0>} : vector<16xi32>
    %lt3A = arith.constant 8 : i32
    %lt3A_143 = vector.broadcast %lt3A : i32 to vector<16xi32>
    %lt3A_144 = arith.cmpi slt, %iota3A, %lt3A_143 : vector<16xi32>
    %get3A = arith.constant 0 : index
    %get3A_145 = tpu.vector_load %arg14[%get3A] {strides = array<i32>} : memref<16xf32, #tpu.memory_space<vmem>>, vector<16xf32>,
    %get3A_146 = vector.shape_cast %get3A_145 : vector<16xf32> to vector<16xf32>
    %jit3A = arith.constant 0.000000e+00 : f32
    %broadcast_in_dim3A = vector.broadcast %jit3A : f32 to vector<16xf32>
    %select_n3A = arith.select %lt3A_144, %get3A_146, %broadcast_in_dim3A : vector<16xi1>, vector<16xf32>
    %eq3A_147 = arith.constant 0 : i32
    %eq3A_148 = vector.broadcast %eq3A_147 : i32 to vector<16xi32>
    %eq3A_149 = arith.cmpi eq, %iota3A, %eq3A_148 : vector<16xi32>
    %broadcast_in_dim3A_150 = arith.constant 0.000000e+00 : f32
    %broadcast_in_dim3A_151 = vector.broadcast %broadcast_in_dim3A_150 : f32 to vector<16xf32>
    %broadcast_in_dim3A_152 = arith.constant 0.000000e+00 : f32
    %broadcast_in_dim3A_153 = vector.broadcast %broadcast_in_dim3A_152 : f32 to vector<16xf32>
    %broadcast_in_dim3A_154 = arith.constant 0.000000e+00 : f32
    %broadcast_in_dim3A_155 = vector.broadcast %broadcast_in_dim3A_154 : f32 to vector<16xf32>
    %broadcast_in_dim3A_156 = arith.constant 0.000000e+00 : f32
    %broadcast_in_dim3A_157 = vector.broadcast %broadcast_in_dim3A_156 : f32 to vector<16xf32>
    %broadcast_in_dim3A_158 = arith.constant 0.000000e+00 : f32
    %broadcast_in_dim3A_159 = vector.broadcast %broadcast_in_dim3A_158 : f32 to vector<16xf32>
    %broadcast_in_dim3A_160 = arith.constant 0.000000e+00 : f32
    %broadcast_in_dim3A_161 = vector.broadcast %broadcast_in_dim3A_160 : f32 to vector<16xf32>
    %broadcast_in_dim3A_162 = arith.constant 0.000000e+00 : f32
    %broadcast_in_dim3A_163 = vector.broadcast %broadcast_in_dim3A_162 : f32 to vector<16xf32>
    %broadcast_in_dim3A_164 = arith.constant 0.000000e+00 : f32
    %broadcast_in_dim3A_165 = vector.broadcast %broadcast_in_dim3A_164 : f32 to vector<16xf32>
    %broadcast_in_dim3A_166 = arith.constant 0.000000e+00 : f32
    %broadcast_in_dim3A_167 = vector.broadcast %broadcast_in_dim3A_166 : f32 to vector<16xf32>
    %broadcast_in_dim3A_168 = arith.constant 0.000000e+00 : f32
    %broadcast_in_dim3A_169 = vector.broadcast %broadcast_in_dim3A_168 : f32 to vector<16xf32>
    %broadcast_in_dim3A_170 = arith.constant 0.000000e+00 : f32
    %broadcast_in_dim3A_171 = vector.broadcast %broadcast_in_dim3A_170 : f32 to vector<16xf32>
    %get3A_172 = arith.constant 0 : index
    %get3A_173 = tpu.vector_load %arg13[%get3A_172] {strides = array<i32>} : memref<512xf32, #tpu.memory_space<vmem>>, vector<16xf32>,
    %get3A_174 = vector.shape_cast %get3A_173 : vector<16xf32> to vector<16xf32>
    %get3A_175 = arith.constant 8 : index
    %get3A_176 = tpu.vector_load %arg16[%get3A_175] {strides = array<i32>} : memref<2600xf32, #tpu.memory_space<vmem>>, vector<16xf32>,
    %get3A_177 = vector.shape_cast %get3A_176 : vector<16xf32> to vector<16xf32>
    %mul3A_178 = arith.mulf %get3A_177, %get3A_174 : vector<16xf32>
    %add3A_179 = arith.addf %broadcast_in_dim3A_151, %mul3A_178 : vector<16xf32>
    %get3A_180 = arith.constant 528 : index
    %get3A_181 = tpu.vector_load %arg16[%get3A_180] {strides = array<i32>} : memref<2600xf32, #tpu.memory_space<vmem>>, vector<16xf32>,
    %get3A_182 = vector.shape_cast %get3A_181 : vector<16xf32> to vector<16xf32>
    %mul3A_183 = arith.mulf %get3A_182, %get3A_174 : vector<16xf32>
    %add3A_184 = arith.addf %broadcast_in_dim3A_153, %mul3A_183 : vector<16xf32>
    %get3A_185 = arith.constant 1048 : index
    %get3A_186 = tpu.vector_load %arg16[%get3A_185] {strides = array<i32>} : memref<2600xf32, #tpu.memory_space<vmem>>, vector<16xf32>,
    %get3A_187 = vector.shape_cast %get3A_186 : vector<16xf32> to vector<16xf32>
    %mul3A_188 = arith.mulf %get3A_187, %get3A_174 : vector<16xf32>
    %add3A_189 = arith.addf %broadcast_in_dim3A_155, %mul3A_188 : vector<16xf32>
    %get3A_190 = arith.constant 1568 : index
    %get3A_191 = tpu.vector_load %arg16[%get3A_190] {strides = array<i32>} : memref<2600xf32, #tpu.memory_space<vmem>>, vector<16xf32>,
    %get3A_192 = vector.shape_cast %get3A_191 : vector<16xf32> to vector<16xf32>
    %mul3A_193 = arith.mulf %get3A_192, %get3A_174 : vector<16xf32>
    %add3A_194 = arith.addf %broadcast_in_dim3A_157, %mul3A_193 : vector<16xf32>
    %get3A_195 = arith.constant 2088 : index
    %get3A_196 = tpu.vector_load %arg16[%get3A_195] {strides = array<i32>} : memref<2600xf32, #tpu.memory_space<vmem>>, vector<16xf32>,
    %get3A_197 = vector.shape_cast %get3A_196 : vector<16xf32> to vector<16xf32>
    %mul3A_198 = arith.mulf %get3A_197, %get3A_174 : vector<16xf32>
    %add3A_199 = arith.addf %broadcast_in_dim3A_159, %mul3A_198 : vector<16xf32>
    %get3A_200 = arith.constant 8 : index
    %get3A_201 = tpu.vector_load %arg17[%get3A_200] {strides = array<i32>} : memref<528xf32, #tpu.memory_space<vmem>>, vector<16xf32>,
    %get3A_202 = vector.shape_cast %get3A_201 : vector<16xf32> to vector<16xf32>
    %mul3A_203 = arith.mulf %get3A_202, %get3A_174 : vector<16xf32>
    %add3A_204 = arith.addf %broadcast_in_dim3A_161, %mul3A_203 : vector<16xf32>
    %get3A_205 = arith.constant 8 : index
    %get3A_206 = tpu.vector_load %arg18[%get3A_205] {strides = array<i32>} : memref<544xf32, #tpu.memory_space<vmem>>, vector<16xf32>,
    %get3A_207 = vector.shape_cast %get3A_206 : vector<16xf32> to vector<16xf32>
    %mul3A_208 = arith.mulf %get3A_207, %get3A_174 : vector<16xf32>
    %add3A_209 = arith.addf %broadcast_in_dim3A_165, %mul3A_208 : vector<16xf32>
    %get3A_210 = arith.constant 16 : index
    %get3A_211 = tpu.vector_load %arg13[%get3A_210] {strides = array<i32>} : memref<512xf32, #tpu.memory_space<vmem>>, vector<16xf32>,
    %get3A_212 = vector.shape_cast %get3A_211 : vector<16xf32> to vector<16xf32>
    %get3A_213 = arith.constant 24 : index
    %get3A_214 = tpu.vector_load %arg16[%get3A_213] {strides = array<i32>} : memref<2600xf32, #tpu.memory_space<vmem>>, vector<16xf32>,
    %get3A_215 = vector.shape_cast %get3A_214 : vector<16xf32> to vector<16xf32>
    %mul3A_216 = arith.mulf %get3A_215, %get3A_212 : vector<16xf32>
    %add3A_217 = arith.addf %add3A_179, %mul3A_216 : vector<16xf32>
    %get3A_218 = arith.constant 544 : index
    %get3A_219 = tpu.vector_load %arg16[%get3A_218] {strides = array<i32>} : memref<2600xf32, #tpu.memory_space<vmem>>, vector<16xf32>,
    %get3A_220 = vector.shape_cast %get3A_219 : vector<16xf32> to vector<16xf32>
    %mul3A_221 = arith.mulf %get3A_220, %get3A_212 : vector<16xf32>
    %add3A_222 = arith.addf %add3A_184, %mul3A_221 : vector<16xf32>
    %get3A_223 = arith.constant 1064 : index
    %get3A_224 = tpu.vector_load %arg16[%get3A_223] {strides = array<i32>} : memref<2600xf32, #tpu.memory_space<vmem>>, vector<16xf32>,
    %get3A_225 = vector.shape_cast %get3A_224 : vector<16xf32> to vector<16xf32>
    %mul3A_226 = arith.mulf %get3A_225, %get3A_212 : vector<16xf32>
    %add3A_227 = arith.addf %add3A_189, %mul3A_226 : vector<16xf32>
    %get3A_228 = arith.constant 1584 : index
    %get3A_229 = tpu.vector_load %arg16[%get3A_228] {strides = array<i32>} : memref<2600xf32, #tpu.memory_space<vmem>>, vector<16xf32>,
    %get3A_230 = vector.shape_cast %get3A_229 : vector<16xf32> to vector<16xf32>
    %mul3A_231 = arith.mulf %get3A_230, %get3A_212 : vector<16xf32>
    %add3A_232 = arith.addf %add3A_194, %mul3A_231 : vector<16xf32>
    %get3A_233 = arith.constant 2104 : index
    %get3A_234 = tpu.vector_load %arg16[%get3A_233] {strides = array<i32>} : memref<2600xf32, #tpu.memory_space<vmem>>, vector<16xf32>,
    %get3A_235 = vector.shape_cast %get3A_234 : vector<16xf32> to vector<16xf32>
    %mul3A_236 = arith.mulf %get3A_235, %get3A_212 : vector<16xf32>
    %add3A_237 = arith.addf %add3A_199, %mul3A_236 : vector<16xf32>
    %get3A_238 = arith.constant 24 : index
    %get3A_239 = tpu.vector_load %arg17[%get3A_238] {strides = array<i32>} : memref<528xf32, #tpu.memory_space<vmem>>, vector<16xf32>,
    %get3A_240 = vector.shape_cast %get3A_239 : vector<16xf32> to vector<16xf32>
    %mul3A_241 = arith.mulf %get3A_240, %get3A_212 : vector<16xf32>
    %add3A_242 = arith.addf %add3A_204, %mul3A_241 : vector<16xf32>
    %get3A_243 = arith.constant 24 : index
    %get3A_244 = tpu.vector_load %arg18[%get3A_243] {strides = array<i32>} : memref<544xf32, #tpu.memory_space<vmem>>, vector<16xf32>,
    %get3A_245 = vector.shape_cast %get3A_244 : vector<16xf32> to vector<16xf32>
    %mul3A_246 = arith.mulf %get3A_245, %get3A_212 : vector<16xf32>
    %add3A_247 = arith.addf %add3A_209, %mul3A_246 : vector<16xf32>
    %get3A_248 = arith.constant 32 : index
    %get3A_249 = tpu.vector_load %arg13[%get3A_248] {strides = array<i32>} : memref<512xf32, #tpu.memory_space<vmem>>, vector<16xf32>,
    %get3A_250 = vector.shape_cast %get3A_249 : vector<16xf32> to vector<16xf32>
    %get3A_251 = arith.constant 40 : index
    %get3A_252 = tpu.vector_load %arg16[%get3A_251] {strides = array<i32>} : memref<2600xf32, #tpu.memory_space<vmem>>, vector<16xf32>,
    %get3A_253 = vector.shape_cast %get3A_252 : vector<16xf32> to vector<16xf32>
    %mul3A_254 = arith.mulf %get3A_253, %get3A_250 : vector<16xf32>
    %add3A_255 = arith.addf %add3A_217, %mul3A_254 : vector<16xf32>
    %get3A_256 = arith.constant 560 : index
    %get3A_257 = tpu.vector_load %arg16[%get3A_256] {strides = array<i32>} : memref<2600xf32, #tpu.memory_space<vmem>>, vector<16xf32>,
    %get3A_258 = vector.shape_cast %get3A_257 : vector<16xf32> to vector<16xf32>
    %mul3A_259 = arith.mulf %get3A_258, %get3A_250 : vector<16xf32>
    %add3A_260 = arith.addf %add3A_222, %mul3A_259 : vector<16xf32>
    %get3A_261 = arith.constant 1080 : index
    %get3A_262 = tpu.vector_load %arg16[%get3A_261] {strides = array<i32>} : memref<2600xf32, #tpu.memory_space<vmem>>, vector<16xf32>,
    %get3A_263 = vector.shape_cast %get3A_262 : vector<16xf32> to vector<16xf32>
    %mul3A_264 = arith.mulf %get3A_263, %get3A_250 : vector<16xf32>
    %add3A_265 = arith.addf %add3A_227, %mul3A_264 : vector<16xf32>
    %get3A_266 = arith.constant 1600 : index
    %get3A_267 = tpu.vector_load %arg16[%get3A_266] {strides = array<i32>} : memref<2600xf32, #tpu.memory_space<vmem>>, vector<16xf32>,
    %get3A_268 = vector.shape_cast %get3A_267 : vector<16xf32> to vector<16xf32>
    %mul3A_269 = arith.mulf %get3A_268, %get3A_250 : vector<16xf32>
    %add3A_270 = arith.addf %add3A_232, %mul3A_269 : vector<16xf32>
    %get3A_271 = arith.constant 2120 : index
    %get3A_272 = tpu.vector_load %arg16[%get3A_271] {strides = array<i32>} : memref<2600xf32, #tpu.memory_space<vmem>>, vector<16xf32>,
    %get3A_273 = vector.shape_cast %get3A_272 : vector<16xf32> to vector<16xf32>
    %mul3A_274 = arith.mulf %get3A_273, %get3A_250 : vector<16xf32>
    %add3A_275 = arith.addf %add3A_237, %mul3A_274 : vector<16xf32>
    %get3A_276 = arith.constant 40 : index
    %get3A_277 = tpu.vector_load %arg17[%get3A_276] {strides = array<i32>} : memref<528xf32, #tpu.memory_space<vmem>>, vector<16xf32>,
    %get3A_278 = vector.shape_cast %get3A_277 : vector<16xf32> to vector<16xf32>
    %mul3A_279 = arith.mulf %get3A_278, %get3A_250 : vector<16xf32>
    %add3A_280 = arith.addf %add3A_242, %mul3A_279 : vector<16xf32>
    %get3A_281 = arith.constant 40 : index
    %get3A_282 = tpu.vector_load %arg18[%get3A_281] {strides = array<i32>} : memref<544xf32, #tpu.memory_space<vmem>>, vector<16xf32>,
    %get3A_283 = vector.shape_cast %get3A_282 : vector<16xf32> to vector<16xf32>
    %mul3A_284 = arith.mulf %get3A_283, %get3A_250 : vector<16xf32>
    %add3A_285 = arith.addf %add3A_247, %mul3A_284 : vector<16xf32>
    %get3A_286 = arith.constant 48 : index
    %get3A_287 = tpu.vector_load %arg13[%get3A_286] {strides = array<i32>} : memref<512xf32, #tpu.memory_space<vmem>>, vector<16xf32>,
    %get3A_288 = vector.shape_cast %get3A_287 : vector<16xf32> to vector<16xf32>
    %get3A_289 = arith.constant 56 : index
    %get3A_290 = tpu.vector_load %arg16[%get3A_289] {strides = array<i32>} : memref<2600xf32, #tpu.memory_space<vmem>>, vector<16xf32>,
    %get3A_291 = vector.shape_cast %get3A_290 : vector<16xf32> to vector<16xf32>
    %mul3A_292 = arith.mulf %get3A_291, %get3A_288 : vector<16xf32>
    %add3A_293 = arith.addf %add3A_255, %mul3A_292 : vector<16xf32>
    %get3A_294 = arith.constant 576 : index
    %get3A_295 = tpu.vector_load %arg16[%get3A_294] {strides = array<i32>} : memref<2600xf32, #tpu.memory_space<vmem>>, vector<16xf32>,
    %get3A_296 = vector.shape_cast %get3A_295 : vector<16xf32> to vector<16xf32>
    %mul3A_297 = arith.mulf %get3A_296, %get3A_288 : vector<16xf32>
    %add3A_298 = arith.addf %add3A_260, %mul3A_297 : vector<16xf32>
    %get3A_299 = arith.constant 1096 : index
    %get3A_300 = tpu.vector_load %arg16[%get3A_299] {strides = array<i32>} : memref<2600xf32, #tpu.memory_space<vmem>>, vector<16xf32>,
    %get3A_301 = vector.shape_cast %get3A_300 : vector<16xf32> to vector<16xf32>
    %mul3A_302 = arith.mulf %get3A_301, %get3A_288 : vector<16xf32>
    %add3A_303 = arith.addf %add3A_265, %mul3A_302 : vector<16xf32>
    %get3A_304 = arith.constant 1616 : index
    %get3A_305 = tpu.vector_load %arg16[%get3A_304] {strides = array<i32>} : memref<2600xf32, #tpu.memory_space<vmem>>, vector<16xf32>,
    %get3A_306 = vector.shape_cast %get3A_305 : vector<16xf32> to vector<16xf32>
    %mul3A_307 = arith.mulf %get3A_306, %get3A_288 : vector<16xf32>
    %add3A_308 = arith.addf %add3A_270, %mul3A_307 : vector<16xf32>
    %get3A_309 = arith.constant 2136 : index
    %get3A_310 = tpu.vector_load %arg16[%get3A_309] {strides = array<i32>} : memref<2600xf32, #tpu.memory_space<vmem>>, vector<16xf32>,
    %get3A_311 = vector.shape_cast %get3A_310 : vector<16xf32> to vector<16xf32>
    %mul3A_312 = arith.mulf %get3A_311, %get3A_288 : vector<16xf32>
    %add3A_313 = arith.addf %add3A_275, %mul3A_312 : vector<16xf32>
    %get3A_314 = arith.constant 56 : index
    %get3A_315 = tpu.vector_load %arg17[%get3A_314] {strides = array<i32>} : memref<528xf32, #tpu.memory_space<vmem>>, vector<16xf32>,
    %get3A_316 = vector.shape_cast %get3A_315 : vector<16xf32> to vector<16xf32>
    %mul3A_317 = arith.mulf %get3A_316, %get3A_288 : vector<16xf32>
    %add3A_318 = arith.addf %add3A_280, %mul3A_317 : vector<16xf32>
    %get3A_319 = arith.constant 56 : index
    %get3A_320 = tpu.vector_load %arg18[%get3A_319] {strides = array<i32>} : memref<544xf32, #tpu.memory_space<vmem>>, vector<16xf32>,
    %get3A_321 = vector.shape_cast %get3A_320 : vector<16xf32> to vector<16xf32>
    %mul3A_322 = arith.mulf %get3A_321, %get3A_288 : vector<16xf32>
    %add3A_323 = arith.addf %add3A_285, %mul3A_322 : vector<16xf32>
    %get3A_324 = arith.constant 64 : index
    %get3A_325 = tpu.vector_load %arg13[%get3A_324] {strides = array<i32>} : memref<512xf32, #tpu.memory_space<vmem>>, vector<16xf32>,
    %get3A_326 = vector.shape_cast %get3A_325 : vector<16xf32> to vector<16xf32>
    %get3A_327 = arith.constant 72 : index
    %get3A_328 = tpu.vector_load %arg16[%get3A_327] {strides = array<i32>} : memref<2600xf32, #tpu.memory_space<vmem>>, vector<16xf32>,
    %get3A_329 = vector.shape_cast %get3A_328 : vector<16xf32> to vector<16xf32>
    %mul3A_330 = arith.mulf %get3A_329, %get3A_326 : vector<16xf32>
    %add3A_331 = arith.addf %add3A_293, %mul3A_330 : vector<16xf32>
    %get3A_332 = arith.constant 592 : index
    %get3A_333 = tpu.vector_load %arg16[%get3A_332] {strides = array<i32>} : memref<2600xf32, #tpu.memory_space<vmem>>, vector<16xf32>,
    %get3A_334 = vector.shape_cast %get3A_333 : vector<16xf32> to vector<16xf32>
    %mul3A_335 = arith.mulf %get3A_334, %get3A_326 : vector<16xf32>
    %add3A_336 = arith.addf %add3A_298, %mul3A_335 : vector<16xf32>
    %get3A_337 = arith.constant 1112 : index
    %get3A_338 = tpu.vector_load %arg16[%get3A_337] {strides = array<i32>} : memref<2600xf32, #tpu.memory_space<vmem>>, vector<16xf32>,
    %get3A_339 = vector.shape_cast %get3A_338 : vector<16xf32> to vector<16xf32>
    %mul3A_340 = arith.mulf %get3A_339, %get3A_326 : vector<16xf32>
    %add3A_341 = arith.addf %add3A_303, %mul3A_340 : vector<16xf32>
    %get3A_342 = arith.constant 1632 : index
    %get3A_343 = tpu.vector_load %arg16[%get3A_342] {strides = array<i32>} : memref<2600xf32, #tpu.memory_space<vmem>>, vector<16xf32>,
    %get3A_344 = vector.shape_cast %get3A_343 : vector<16xf32> to vector<16xf32>
    %mul3A_345 = arith.mulf %get3A_344, %get3A_326 : vector<16xf32>
    %add3A_346 = arith.addf %add3A_308, %mul3A_345 : vector<16xf32>
    %get3A_347 = arith.constant 2152 : index
    %get3A_348 = tpu.vector_load %arg16[%get3A_347] {strides = array<i32>} : memref<2600xf32, #tpu.memory_space<vmem>>, vector<16xf32>,
    %get3A_349 = vector.shape_cast %get3A_348 : vector<16xf32> to vector<16xf32>
    %mul3A_350 = arith.mulf %get3A_349, %get3A_326 : vector<16xf32>
    %add3A_351 = arith.addf %add3A_313, %mul3A_350 : vector<16xf32>
    %get3A_352 = arith.constant 72 : index
    %get3A_353 = tpu.vector_load %arg17[%get3A_352] {strides = array<i32>} : memref<528xf32, #tpu.memory_space<vmem>>, vector<16xf32>,
    %get3A_354 = vector.shape_cast %get3A_353 : vector<16xf32> to vector<16xf32>
    %mul3A_355 = arith.mulf %get3A_354, %get3A_326 : vector<16xf32>
    %add3A_356 = arith.addf %add3A_318, %mul3A_355 : vector<16xf32>
    %get3A_357 = arith.constant 72 : index
    %get3A_358 = tpu.vector_load %arg18[%get3A_357] {strides = array<i32>} : memref<544xf32, #tpu.memory_space<vmem>>, vector<16xf32>,
    %get3A_359 = vector.shape_cast %get3A_358 : vector<16xf32> to vector<16xf32>
    %mul3A_360 = arith.mulf %get3A_359, %get3A_326 : vector<16xf32>
    %add3A_361 = arith.addf %add3A_323, %mul3A_360 : vector<16xf32>
    %get3A_362 = arith.constant 80 : index
    %get3A_363 = tpu.vector_load %arg13[%get3A_362] {strides = array<i32>} : memref<512xf32, #tpu.memory_space<vmem>>, vector<16xf32>,
    %get3A_364 = vector.shape_cast %get3A_363 : vector<16xf32> to vector<16xf32>
    %get3A_365 = arith.constant 88 : index
    %get3A_366 = tpu.vector_load %arg16[%get3A_365] {strides = array<i32>} : memref<2600xf32, #tpu.memory_space<vmem>>, vector<16xf32>,
    %get3A_367 = vector.shape_cast %get3A_366 : vector<16xf32> to vector<16xf32>
    %mul3A_368 = arith.mulf %get3A_367, %get3A_364 : vector<16xf32>
    %add3A_369 = arith.addf %add3A_331, %mul3A_368 : vector<16xf32>
    %get3A_370 = arith.constant 608 : index
    %get3A_371 = tpu.vector_load %arg16[%get3A_370] {strides = array<i32>} : memref<2600xf32, #tpu.memory_space<vmem>>, vector<16xf32>,
    %get3A_372 = vector.shape_cast %get3A_371 : vector<16xf32> to vector<16xf32>
    %mul3A_373 = arith.mulf %get3A_372, %get3A_364 : vector<16xf32>
    %add3A_374 = arith.addf %add3A_336, %mul3A_373 : vector<16xf32>
    %get3A_375 = arith.constant 1128 : index
    %get3A_376 = tpu.vector_load %arg16[%get3A_375] {strides = array<i32>} : memref<2600xf32, #tpu.memory_space<vmem>>, vector<16xf32>,
    %get3A_377 = vector.shape_cast %get3A_376 : vector<16xf32> to vector<16xf32>
    %mul3A_378 = arith.mulf %get3A_377, %get3A_364 : vector<16xf32>
    %add3A_379 = arith.addf %add3A_341, %mul3A_378 : vector<16xf32>
    %get3A_380 = arith.constant 1648 : index
    %get3A_381 = tpu.vector_load %arg16[%get3A_380] {strides = array<i32>} : memref<2600xf32, #tpu.memory_space<vmem>>, vector<16xf32>,
    %get3A_382 = vector.shape_cast %get3A_381 : vector<16xf32> to vector<16xf32>
    %mul3A_383 = arith.mulf %get3A_382, %get3A_364 : vector<16xf32>
    %add3A_384 = arith.addf %add3A_346, %mul3A_383 : vector<16xf32>
    %get3A_385 = arith.constant 2168 : index
    %get3A_386 = tpu.vector_load %arg16[%get3A_385] {strides = array<i32>} : memref<2600xf32, #tpu.memory_space<vmem>>, vector<16xf32>,
    %get3A_387 = vector.shape_cast %get3A_386 : vector<16xf32> to vector<16xf32>
    %mul3A_388 = arith.mulf %get3A_387, %get3A_364 : vector<16xf32>
    %add3A_389 = arith.addf %add3A_351, %mul3A_388 : vector<16xf32>
    %get3A_390 = arith.constant 88 : index
    %get3A_391 = tpu.vector_load %arg17[%get3A_390] {strides = array<i32>} : memref<528xf32, #tpu.memory_space<vmem>>, vector<16xf32>,
    %get3A_392 = vector.shape_cast %get3A_391 : vector<16xf32> to vector<16xf32>
    %mul3A_393 = arith.mulf %get3A_392, %get3A_364 : vector<16xf32>
    %add3A_394 = arith.addf %add3A_356, %mul3A_393 : vector<16xf32>
    %get3A_395 = arith.constant 88 : index
    %get3A_396 = tpu.vector_load %arg18[%get3A_395] {strides = array<i32>} : memref<544xf32, #tpu.memory_space<vmem>>, vector<16xf32>,
    %get3A_397 = vector.shape_cast %get3A_396 : vector<16xf32> to vector<16xf32>
    %mul3A_398 = arith.mulf %get3A_397, %get3A_364 : vector<16xf32>
    %add3A_399 = arith.addf %add3A_361, %mul3A_398 : vector<16xf32>
    %get3A_400 = arith.constant 96 : index
    %get3A_401 = tpu.vector_load %arg13[%get3A_400] {strides = array<i32>} : memref<512xf32, #tpu.memory_space<vmem>>, vector<16xf32>,
    %get3A_402 = vector.shape_cast %get3A_401 : vector<16xf32> to vector<16xf32>
    %get3A_403 = arith.constant 104 : index
    %get3A_404 = tpu.vector_load %arg16[%get3A_403] {strides = array<i32>} : memref<2600xf32, #tpu.memory_space<vmem>>, vector<16xf32>,
    %get3A_405 = vector.shape_cast %get3A_404 : vector<16xf32> to vector<16xf32>
    %mul3A_406 = arith.mulf %get3A_405, %get3A_402 : vector<16xf32>
    %add3A_407 = arith.addf %add3A_369, %mul3A_406 : vector<16xf32>
    %get3A_408 = arith.constant 624 : index
    %get3A_409 = tpu.vector_load %arg16[%get3A_408] {strides = array<i32>} : memref<2600xf32, #tpu.memory_space<vmem>>, vector<16xf32>,
    %get3A_410 = vector.shape_cast %get3A_409 : vector<16xf32> to vector<16xf32>
    %mul3A_411 = arith.mulf %get3A_410, %get3A_402 : vector<16xf32>
    %add3A_412 = arith.addf %add3A_374, %mul3A_411 : vector<16xf32>
    %get3A_413 = arith.constant 1144 : index
    %get3A_414 = tpu.vector_load %arg16[%get3A_413] {strides = array<i32>} : memref<2600xf32, #tpu.memory_space<vmem>>, vector<16xf32>,
    %get3A_415 = vector.shape_cast %get3A_414 : vector<16xf32> to vector<16xf32>
    %mul3A_416 = arith.mulf %get3A_415, %get3A_402 : vector<16xf32>
    %add3A_417 = arith.addf %add3A_379, %mul3A_416 : vector<16xf32>
    %get3A_418 = arith.constant 1664 : index
    %get3A_419 = tpu.vector_load %arg16[%get3A_418] {strides = array<i32>} : memref<2600xf32, #tpu.memory_space<vmem>>, vector<16xf32>,
    %get3A_420 = vector.shape_cast %get3A_419 : vector<16xf32> to vector<16xf32>
    %mul3A_421 = arith.mulf %get3A_420, %get3A_402 : vector<16xf32>
    %add3A_422 = arith.addf %add3A_384, %mul3A_421 : vector<16xf32>
    %get3A_423 = arith.constant 2184 : index
    %get3A_424 = tpu.vector_load %arg16[%get3A_423] {strides = array<i32>} : memref<2600xf32, #tpu.memory_space<vmem>>, vector<16xf32>,
    %get3A_425 = vector.shape_cast %get3A_424 : vector<16xf32> to vector<16xf32>
    %mul3A_426 = arith.mulf %get3A_425, %get3A_402 : vector<16xf32>
    %add3A_427 = arith.addf %add3A_389, %mul3A_426 : vector<16xf32>
    %get3A_428 = arith.constant 104 : index
    %get3A_429 = tpu.vector_load %arg17[%get3A_428] {strides = array<i32>} : memref<528xf32, #tpu.memory_space<vmem>>, vector<16xf32>,
    %get3A_430 = vector.shape_cast %get3A_429 : vector<16xf32> to vector<16xf32>
    %mul3A_431 = arith.mulf %get3A_430, %get3A_402 : vector<16xf32>
    %add3A_432 = arith.addf %add3A_394, %mul3A_431 : vector<16xf32>
    %get3A_433 = arith.constant 104 : index
    %get3A_434 = tpu.vector_load %arg18[%get3A_433] {strides = array<i32>} : memref<544xf32, #tpu.memory_space<vmem>>, vector<16xf32>,
    %get3A_435 = vector.shape_cast %get3A_434 : vector<16xf32> to vector<16xf32>
    %mul3A_436 = arith.mulf %get3A_435, %get3A_402 : vector<16xf32>
    %add3A_437 = arith.addf %add3A_399, %mul3A_436 : vector<16xf32>
    %get3A_438 = arith.constant 112 : index
    %get3A_439 = tpu.vector_load %arg13[%get3A_438] {strides = array<i32>} : memref<512xf32, #tpu.memory_space<vmem>>, vector<16xf32>,
    %get3A_440 = vector.shape_cast %get3A_439 : vector<16xf32> to vector<16xf32>
    %get3A_441 = arith.constant 120 : index
    %get3A_442 = tpu.vector_load %arg16[%get3A_441] {strides = array<i32>} : memref<2600xf32, #tpu.memory_space<vmem>>, vector<16xf32>,
    %get3A_443 = vector.shape_cast %get3A_442 : vector<16xf32> to vector<16xf32>
    %mul3A_444 = arith.mulf %get3A_443, %get3A_440 : vector<16xf32>
    %add3A_445 = arith.addf %add3A_407, %mul3A_444 : vector<16xf32>
    %get3A_446 = arith.constant 640 : index
    %get3A_447 = tpu.vector_load %arg16[%get3A_446] {strides = array<i32>} : memref<2600xf32, #tpu.memory_space<vmem>>, vector<16xf32>,
    %get3A_448 = vector.shape_cast %get3A_447 : vector<16xf32> to vector<16xf32>
    %mul3A_449 = arith.mulf %get3A_448, %get3A_440 : vector<16xf32>
    %add3A_450 = arith.addf %add3A_412, %mul3A_449 : vector<16xf32>
    %get3A_451 = arith.constant 1160 : index
    %get3A_452 = tpu.vector_load %arg16[%get3A_451] {strides = array<i32>} : memref<2600xf32, #tpu.memory_space<vmem>>, vector<16xf32>,
    %get3A_453 = vector.shape_cast %get3A_452 : vector<16xf32> to vector<16xf32>
    %mul3A_454 = arith.mulf %get3A_453, %get3A_440 : vector<16xf32>
    %add3A_455 = arith.addf %add3A_417, %mul3A_454 : vector<16xf32>
    %get3A_456 = arith.constant 1680 : index
    %get3A_457 = tpu.vector_load %arg16[%get3A_456] {strides = array<i32>} : memref<2600xf32, #tpu.memory_space<vmem>>, vector<16xf32>,
    %get3A_458 = vector.shape_cast %get3A_457 : vector<16xf32> to vector<16xf32>
    %mul3A_459 = arith.mulf %get3A_458, %get3A_440 : vector<16xf32>
    %add3A_460 = arith.addf %add3A_422, %mul3A_459 : vector<16xf32>
    %get3A_461 = arith.constant 2200 : index
    %get3A_462 = tpu.vector_load %arg16[%get3A_461] {strides = array<i32>} : memref<2600xf32, #tpu.memory_space<vmem>>, vector<16xf32>,
    %get3A_463 = vector.shape_cast %get3A_462 : vector<16xf32> to vector<16xf32>
    %mul3A_464 = arith.mulf %get3A_463, %get3A_440 : vector<16xf32>
    %add3A_465 = arith.addf %add3A_427, %mul3A_464 : vector<16xf32>
    %get3A_466 = arith.constant 120 : index
    %get3A_467 = tpu.vector_load %arg17[%get3A_466] {strides = array<i32>} : memref<528xf32, #tpu.memory_space<vmem>>, vector<16xf32>,
    %get3A_468 = vector.shape_cast %get3A_467 : vector<16xf32> to vector<16xf32>
    %mul3A_469 = arith.mulf %get3A_468, %get3A_440 : vector<16xf32>
    %add3A_470 = arith.addf %add3A_432, %mul3A_469 : vector<16xf32>
    %get3A_471 = arith.constant 120 : index
    %get3A_472 = tpu.vector_load %arg18[%get3A_471] {strides = array<i32>} : memref<544xf32, #tpu.memory_space<vmem>>, vector<16xf32>,
    %get3A_473 = vector.shape_cast %get3A_472 : vector<16xf32> to vector<16xf32>
    %mul3A_474 = arith.mulf %get3A_473, %get3A_440 : vector<16xf32>
    %add3A_475 = arith.addf %add3A_437, %mul3A_474 : vector<16xf32>
    %get3A_476 = arith.constant 128 : index
    %get3A_477 = tpu.vector_load %arg13[%get3A_476] {strides = array<i32>} : memref<512xf32, #tpu.memory_space<vmem>>, vector<16xf32>,
    %get3A_478 = vector.shape_cast %get3A_477 : vector<16xf32> to vector<16xf32>
    %get3A_479 = arith.constant 136 : index
    %get3A_480 = tpu.vector_load %arg16[%get3A_479] {strides = array<i32>} : memref<2600xf32, #tpu.memory_space<vmem>>, vector<16xf32>,
    %get3A_481 = vector.shape_cast %get3A_480 : vector<16xf32> to vector<16xf32>
    %mul3A_482 = arith.mulf %get3A_481, %get3A_478 : vector<16xf32>
    %add3A_483 = arith.addf %add3A_445, %mul3A_482 : vector<16xf32>
    %get3A_484 = arith.constant 656 : index
    %get3A_485 = tpu.vector_load %arg16[%get3A_484] {strides = array<i32>} : memref<2600xf32, #tpu.memory_space<vmem>>, vector<16xf32>,
    %get3A_486 = vector.shape_cast %get3A_485 : vector<16xf32> to vector<16xf32>
    %mul3A_487 = arith.mulf %get3A_486, %get3A_478 : vector<16xf32>
    %add3A_488 = arith.addf %add3A_450, %mul3A_487 : vector<16xf32>
    %get3A_489 = arith.constant 1176 : index
    %get3A_490 = tpu.vector_load %arg16[%get3A_489] {strides = array<i32>} : memref<2600xf32, #tpu.memory_space<vmem>>, vector<16xf32>,
    %get3A_491 = vector.shape_cast %get3A_490 : vector<16xf32> to vector<16xf32>
    %mul3A_492 = arith.mulf %get3A_491, %get3A_478 : vector<16xf32>
    %add3A_493 = arith.addf %add3A_455, %mul3A_492 : vector<16xf32>
    %get3A_494 = arith.constant 1696 : index
    %get3A_495 = tpu.vector_load %arg16[%get3A_494] {strides = array<i32>} : memref<2600xf32, #tpu.memory_space<vmem>>, vector<16xf32>,
    %get3A_496 = vector.shape_cast %get3A_495 : vector<16xf32> to vector<16xf32>
    %mul3A_497 = arith.mulf %get3A_496, %get3A_478 : vector<16xf32>
    %add3A_498 = arith.addf %add3A_460, %mul3A_497 : vector<16xf32>
    %get3A_499 = arith.constant 2216 : index
    %get3A_500 = tpu.vector_load %arg16[%get3A_499] {strides = array<i32>} : memref<2600xf32, #tpu.memory_space<vmem>>, vector<16xf32>,
    %get3A_501 = vector.shape_cast %get3A_500 : vector<16xf32> to vector<16xf32>
    %mul3A_502 = arith.mulf %get3A_501, %get3A_478 : vector<16xf32>
    %add3A_503 = arith.addf %add3A_465, %mul3A_502 : vector<16xf32>
    %get3A_504 = arith.constant 136 : index
    %get3A_505 = tpu.vector_load %arg17[%get3A_504] {strides = array<i32>} : memref<528xf32, #tpu.memory_space<vmem>>, vector<16xf32>,
    %get3A_506 = vector.shape_cast %get3A_505 : vector<16xf32> to vector<16xf32>
    %mul3A_507 = arith.mulf %get3A_506, %get3A_478 : vector<16xf32>
    %add3A_508 = arith.addf %add3A_470, %mul3A_507 : vector<16xf32>
    %get3A_509 = arith.constant 144 : index
    %get3A_510 = tpu.vector_load %arg18[%get3A_509] {strides = array<i32>} : memref<544xf32, #tpu.memory_space<vmem>>, vector<16xf32>,
    %get3A_511 = vector.shape_cast %get3A_510 : vector<16xf32> to vector<16xf32>
    %mul3A_512 = arith.mulf %get3A_511, %get3A_478 : vector<16xf32>
    %add3A_513 = arith.addf %broadcast_in_dim3A_167, %mul3A_512 : vector<16xf32>
    %get3A_514 = arith.constant 144 : index
    %get3A_515 = tpu.vector_load %arg13[%get3A_514] {strides = array<i32>} : memref<512xf32, #tpu.memory_space<vmem>>, vector<16xf32>,
    %get3A_516 = vector.shape_cast %get3A_515 : vector<16xf32> to vector<16xf32>
    %get3A_517 = arith.constant 152 : index
    %get3A_518 = tpu.vector_load %arg16[%get3A_517] {strides = array<i32>} : memref<2600xf32, #tpu.memory_space<vmem>>, vector<16xf32>,
    %get3A_519 = vector.shape_cast %get3A_518 : vector<16xf32> to vector<16xf32>
    %mul3A_520 = arith.mulf %get3A_519, %get3A_516 : vector<16xf32>
    %add3A_521 = arith.addf %add3A_483, %mul3A_520 : vector<16xf32>
    %get3A_522 = arith.constant 672 : index
    %get3A_523 = tpu.vector_load %arg16[%get3A_522] {strides = array<i32>} : memref<2600xf32, #tpu.memory_space<vmem>>, vector<16xf32>,
    %get3A_524 = vector.shape_cast %get3A_523 : vector<16xf32> to vector<16xf32>
    %mul3A_525 = arith.mulf %get3A_524, %get3A_516 : vector<16xf32>
    %add3A_526 = arith.addf %add3A_488, %mul3A_525 : vector<16xf32>
    %get3A_527 = arith.constant 1192 : index
    %get3A_528 = tpu.vector_load %arg16[%get3A_527] {strides = array<i32>} : memref<2600xf32, #tpu.memory_space<vmem>>, vector<16xf32>,
    %get3A_529 = vector.shape_cast %get3A_528 : vector<16xf32> to vector<16xf32>
    %mul3A_530 = arith.mulf %get3A_529, %get3A_516 : vector<16xf32>
    %add3A_531 = arith.addf %add3A_493, %mul3A_530 : vector<16xf32>
    %get3A_532 = arith.constant 1712 : index
    %get3A_533 = tpu.vector_load %arg16[%get3A_532] {strides = array<i32>} : memref<2600xf32, #tpu.memory_space<vmem>>, vector<16xf32>,
    %get3A_534 = vector.shape_cast %get3A_533 : vector<16xf32> to vector<16xf32>
    %mul3A_535 = arith.mulf %get3A_534, %get3A_516 : vector<16xf32>
    %add3A_536 = arith.addf %add3A_498, %mul3A_535 : vector<16xf32>
    %get3A_537 = arith.constant 2232 : index
    %get3A_538 = tpu.vector_load %arg16[%get3A_537] {strides = array<i32>} : memref<2600xf32, #tpu.memory_space<vmem>>, vector<16xf32>,
    %get3A_539 = vector.shape_cast %get3A_538 : vector<16xf32> to vector<16xf32>
    %mul3A_540 = arith.mulf %get3A_539, %get3A_516 : vector<16xf32>
    %add3A_541 = arith.addf %add3A_503, %mul3A_540 : vector<16xf32>
    %get3A_542 = arith.constant 152 : index
    %get3A_543 = tpu.vector_load %arg17[%get3A_542] {strides = array<i32>} : memref<528xf32, #tpu.memory_space<vmem>>, vector<16xf32>,
    %get3A_544 = vector.shape_cast %get3A_543 : vector<16xf32> to vector<16xf32>
    %mul3A_545 = arith.mulf %get3A_544, %get3A_516 : vector<16xf32>
    %add3A_546 = arith.addf %add3A_508, %mul3A_545 : vector<16xf32>
    %get3A_547 = arith.constant 160 : index
    %get3A_548 = tpu.vector_load %arg18[%get3A_547] {strides = array<i32>} : memref<544xf32, #tpu.memory_space<vmem>>, vector<16xf32>,
    %get3A_549 = vector.shape_cast %get3A_548 : vector<16xf32> to vector<16xf32>
    %mul3A_550 = arith.mulf %get3A_549, %get3A_516 : vector<16xf32>
    %add3A_551 = arith.addf %add3A_513, %mul3A_550 : vector<16xf32>
    %get3A_552 = arith.constant 160 : index
    %get3A_553 = tpu.vector_load %arg13[%get3A_552] {strides = array<i32>} : memref<512xf32, #tpu.memory_space<vmem>>, vector<16xf32>,
    %get3A_554 = vector.shape_cast %get3A_553 : vector<16xf32> to vector<16xf32>
    %get3A_555 = arith.constant 168 : index
    %get3A_556 = tpu.vector_load %arg16[%get3A_555] {strides = array<i32>} : memref<2600xf32, #tpu.memory_space<vmem>>, vector<16xf32>,
    %get3A_557 = vector.shape_cast %get3A_556 : vector<16xf32> to vector<16xf32>
    %mul3A_558 = arith.mulf %get3A_557, %get3A_554 : vector<16xf32>
    %add3A_559 = arith.addf %add3A_521, %mul3A_558 : vector<16xf32>
    %get3A_560 = arith.constant 688 : index
    %get3A_561 = tpu.vector_load %arg16[%get3A_560] {strides = array<i32>} : memref<2600xf32, #tpu.memory_space<vmem>>, vector<16xf32>,
    %get3A_562 = vector.shape_cast %get3A_561 : vector<16xf32> to vector<16xf32>
    %mul3A_563 = arith.mulf %get3A_562, %get3A_554 : vector<16xf32>
    %add3A_564 = arith.addf %add3A_526, %mul3A_563 : vector<16xf32>
    %get3A_565 = arith.constant 1208 : index
    %get3A_566 = tpu.vector_load %arg16[%get3A_565] {strides = array<i32>} : memref<2600xf32, #tpu.memory_space<vmem>>, vector<16xf32>,
    %get3A_567 = vector.shape_cast %get3A_566 : vector<16xf32> to vector<16xf32>
    %mul3A_568 = arith.mulf %get3A_567, %get3A_554 : vector<16xf32>
    %add3A_569 = arith.addf %add3A_531, %mul3A_568 : vector<16xf32>
    %get3A_570 = arith.constant 1728 : index
    %get3A_571 = tpu.vector_load %arg16[%get3A_570] {strides = array<i32>} : memref<2600xf32, #tpu.memory_space<vmem>>, vector<16xf32>,
    %get3A_572 = vector.shape_cast %get3A_571 : vector<16xf32> to vector<16xf32>
    %mul3A_573 = arith.mulf %get3A_572, %get3A_554 : vector<16xf32>
    %add3A_574 = arith.addf %add3A_536, %mul3A_573 : vector<16xf32>
    %get3A_575 = arith.constant 2248 : index
    %get3A_576 = tpu.vector_load %arg16[%get3A_575] {strides = array<i32>} : memref<2600xf32, #tpu.memory_space<vmem>>, vector<16xf32>,
    %get3A_577 = vector.shape_cast %get3A_576 : vector<16xf32> to vector<16xf32>
    %mul3A_578 = arith.mulf %get3A_577, %get3A_554 : vector<16xf32>
    %add3A_579 = arith.addf %add3A_541, %mul3A_578 : vector<16xf32>
    %get3A_580 = arith.constant 168 : index
    %get3A_581 = tpu.vector_load %arg17[%get3A_580] {strides = array<i32>} : memref<528xf32, #tpu.memory_space<vmem>>, vector<16xf32>,
    %get3A_582 = vector.shape_cast %get3A_581 : vector<16xf32> to vector<16xf32>
    %mul3A_583 = arith.mulf %get3A_582, %get3A_554 : vector<16xf32>
    %add3A_584 = arith.addf %add3A_546, %mul3A_583 : vector<16xf32>
    %get3A_585 = arith.constant 176 : index
    %get3A_586 = tpu.vector_load %arg18[%get3A_585] {strides = array<i32>} : memref<544xf32, #tpu.memory_space<vmem>>, vector<16xf32>,
    %get3A_587 = vector.shape_cast %get3A_586 : vector<16xf32> to vector<16xf32>
    %mul3A_588 = arith.mulf %get3A_587, %get3A_554 : vector<16xf32>
    %add3A_589 = arith.addf %add3A_551, %mul3A_588 : vector<16xf32>
    %get3A_590 = arith.constant 176 : index
    %get3A_591 = tpu.vector_load %arg13[%get3A_590] {strides = array<i32>} : memref<512xf32, #tpu.memory_space<vmem>>, vector<16xf32>,
    %get3A_592 = vector.shape_cast %get3A_591 : vector<16xf32> to vector<16xf32>
    %get3A_593 = arith.constant 184 : index
    %get3A_594 = tpu.vector_load %arg16[%get3A_593] {strides = array<i32>} : memref<2600xf32, #tpu.memory_space<vmem>>, vector<16xf32>,
    %get3A_595 = vector.shape_cast %get3A_594 : vector<16xf32> to vector<16xf32>
    %mul3A_596 = arith.mulf %get3A_595, %get3A_592 : vector<16xf32>
    %add3A_597 = arith.addf %add3A_559, %mul3A_596 : vector<16xf32>
    %get3A_598 = arith.constant 704 : index
    %get3A_599 = tpu.vector_load %arg16[%get3A_598] {strides = array<i32>} : memref<2600xf32, #tpu.memory_space<vmem>>, vector<16xf32>,
    %get3A_600 = vector.shape_cast %get3A_599 : vector<16xf32> to vector<16xf32>
    %mul3A_601 = arith.mulf %get3A_600, %get3A_592 : vector<16xf32>
    %add3A_602 = arith.addf %add3A_564, %mul3A_601 : vector<16xf32>
    %get3A_603 = arith.constant 1224 : index
    %get3A_604 = tpu.vector_load %arg16[%get3A_603] {strides = array<i32>} : memref<2600xf32, #tpu.memory_space<vmem>>, vector<16xf32>,
    %get3A_605 = vector.shape_cast %get3A_604 : vector<16xf32> to vector<16xf32>
    %mul3A_606 = arith.mulf %get3A_605, %get3A_592 : vector<16xf32>
    %add3A_607 = arith.addf %add3A_569, %mul3A_606 : vector<16xf32>
    %get3A_608 = arith.constant 1744 : index
    %get3A_609 = tpu.vector_load %arg16[%get3A_608] {strides = array<i32>} : memref<2600xf32, #tpu.memory_space<vmem>>, vector<16xf32>,
    %get3A_610 = vector.shape_cast %get3A_609 : vector<16xf32> to vector<16xf32>
    %mul3A_611 = arith.mulf %get3A_610, %get3A_592 : vector<16xf32>
    %add3A_612 = arith.addf %add3A_574, %mul3A_611 : vector<16xf32>
    %get3A_613 = arith.constant 2264 : index
    %get3A_614 = tpu.vector_load %arg16[%get3A_613] {strides = array<i32>} : memref<2600xf32, #tpu.memory_space<vmem>>, vector<16xf32>,
    %get3A_615 = vector.shape_cast %get3A_614 : vector<16xf32> to vector<16xf32>
    %mul3A_616 = arith.mulf %get3A_615, %get3A_592 : vector<16xf32>
    %add3A_617 = arith.addf %add3A_579, %mul3A_616 : vector<16xf32>
    %get3A_618 = arith.constant 184 : index
    %get3A_619 = tpu.vector_load %arg17[%get3A_618] {strides = array<i32>} : memref<528xf32, #tpu.memory_space<vmem>>, vector<16xf32>,
    %get3A_620 = vector.shape_cast %get3A_619 : vector<16xf32> to vector<16xf32>
    %mul3A_621 = arith.mulf %get3A_620, %get3A_592 : vector<16xf32>
    %add3A_622 = arith.addf %add3A_584, %mul3A_621 : vector<16xf32>
    %get3A_623 = arith.constant 192 : index
    %get3A_624 = tpu.vector_load %arg18[%get3A_623] {strides = array<i32>} : memref<544xf32, #tpu.memory_space<vmem>>, vector<16xf32>,
    %get3A_625 = vector.shape_cast %get3A_624 : vector<16xf32> to vector<16xf32>
    %mul3A_626 = arith.mulf %get3A_625, %get3A_592 : vector<16xf32>
    %add3A_627 = arith.addf %add3A_589, %mul3A_626 : vector<16xf32>
    %get3A_628 = arith.constant 192 : index
    %get3A_629 = tpu.vector_load %arg13[%get3A_628] {strides = array<i32>} : memref<512xf32, #tpu.memory_space<vmem>>, vector<16xf32>,
    %get3A_630 = vector.shape_cast %get3A_629 : vector<16xf32> to vector<16xf32>
    %get3A_631 = arith.constant 200 : index
    %get3A_632 = tpu.vector_load %arg16[%get3A_631] {strides = array<i32>} : memref<2600xf32, #tpu.memory_space<vmem>>, vector<16xf32>,
    %get3A_633 = vector.shape_cast %get3A_632 : vector<16xf32> to vector<16xf32>
    %mul3A_634 = arith.mulf %get3A_633, %get3A_630 : vector<16xf32>
    %add3A_635 = arith.addf %add3A_597, %mul3A_634 : vector<16xf32>
    %get3A_636 = arith.constant 720 : index
    %get3A_637 = tpu.vector_load %arg16[%get3A_636] {strides = array<i32>} : memref<2600xf32, #tpu.memory_space<vmem>>, vector<16xf32>,
    %get3A_638 = vector.shape_cast %get3A_637 : vector<16xf32> to vector<16xf32>
    %mul3A_639 = arith.mulf %get3A_638, %get3A_630 : vector<16xf32>
    %add3A_640 = arith.addf %add3A_602, %mul3A_639 : vector<16xf32>
    %get3A_641 = arith.constant 1240 : index
    %get3A_642 = tpu.vector_load %arg16[%get3A_641] {strides = array<i32>} : memref<2600xf32, #tpu.memory_space<vmem>>, vector<16xf32>,
    %get3A_643 = vector.shape_cast %get3A_642 : vector<16xf32> to vector<16xf32>
    %mul3A_644 = arith.mulf %get3A_643, %get3A_630 : vector<16xf32>
    %add3A_645 = arith.addf %add3A_607, %mul3A_644 : vector<16xf32>
    %get3A_646 = arith.constant 1760 : index
    %get3A_647 = tpu.vector_load %arg16[%get3A_646] {strides = array<i32>} : memref<2600xf32, #tpu.memory_space<vmem>>, vector<16xf32>,
    %get3A_648 = vector.shape_cast %get3A_647 : vector<16xf32> to vector<16xf32>
    %mul3A_649 = arith.mulf %get3A_648, %get3A_630 : vector<16xf32>
    %add3A_650 = arith.addf %add3A_612, %mul3A_649 : vector<16xf32>
    %get3A_651 = arith.constant 2280 : index
    %get3A_652 = tpu.vector_load %arg16[%get3A_651] {strides = array<i32>} : memref<2600xf32, #tpu.memory_space<vmem>>, vector<16xf32>,
    %get3A_653 = vector.shape_cast %get3A_652 : vector<16xf32> to vector<16xf32>
    %mul3A_654 = arith.mulf %get3A_653, %get3A_630 : vector<16xf32>
    %add3A_655 = arith.addf %add3A_617, %mul3A_654 : vector<16xf32>
    %get3A_656 = arith.constant 200 : index
    %get3A_657 = tpu.vector_load %arg17[%get3A_656] {strides = array<i32>} : memref<528xf32, #tpu.memory_space<vmem>>, vector<16xf32>,
    %get3A_658 = vector.shape_cast %get3A_657 : vector<16xf32> to vector<16xf32>
    %mul3A_659 = arith.mulf %get3A_658, %get3A_630 : vector<16xf32>
    %add3A_660 = arith.addf %add3A_622, %mul3A_659 : vector<16xf32>
    %get3A_661 = arith.constant 208 : index
    %get3A_662 = tpu.vector_load %arg18[%get3A_661] {strides = array<i32>} : memref<544xf32, #tpu.memory_space<vmem>>, vector<16xf32>,
    %get3A_663 = vector.shape_cast %get3A_662 : vector<16xf32> to vector<16xf32>
    %mul3A_664 = arith.mulf %get3A_663, %get3A_630 : vector<16xf32>
    %add3A_665 = arith.addf %add3A_627, %mul3A_664 : vector<16xf32>
    %get3A_666 = arith.constant 208 : index
    %get3A_667 = tpu.vector_load %arg13[%get3A_666] {strides = array<i32>} : memref<512xf32, #tpu.memory_space<vmem>>, vector<16xf32>,
    %get3A_668 = vector.shape_cast %get3A_667 : vector<16xf32> to vector<16xf32>
    %get3A_669 = arith.constant 216 : index
    %get3A_670 = tpu.vector_load %arg16[%get3A_669] {strides = array<i32>} : memref<2600xf32, #tpu.memory_space<vmem>>, vector<16xf32>,
    %get3A_671 = vector.shape_cast %get3A_670 : vector<16xf32> to vector<16xf32>
    %mul3A_672 = arith.mulf %get3A_671, %get3A_668 : vector<16xf32>
    %add3A_673 = arith.addf %add3A_635, %mul3A_672 : vector<16xf32>
    %get3A_674 = arith.constant 736 : index
    %get3A_675 = tpu.vector_load %arg16[%get3A_674] {strides = array<i32>} : memref<2600xf32, #tpu.memory_space<vmem>>, vector<16xf32>,
    %get3A_676 = vector.shape_cast %get3A_675 : vector<16xf32> to vector<16xf32>
    %mul3A_677 = arith.mulf %get3A_676, %get3A_668 : vector<16xf32>
    %add3A_678 = arith.addf %add3A_640, %mul3A_677 : vector<16xf32>
    %get3A_679 = arith.constant 1256 : index
    %get3A_680 = tpu.vector_load %arg16[%get3A_679] {strides = array<i32>} : memref<2600xf32, #tpu.memory_space<vmem>>, vector<16xf32>,
    %get3A_681 = vector.shape_cast %get3A_680 : vector<16xf32> to vector<16xf32>
    %mul3A_682 = arith.mulf %get3A_681, %get3A_668 : vector<16xf32>
    %add3A_683 = arith.addf %add3A_645, %mul3A_682 : vector<16xf32>
    %get3A_684 = arith.constant 1776 : index
    %get3A_685 = tpu.vector_load %arg16[%get3A_684] {strides = array<i32>} : memref<2600xf32, #tpu.memory_space<vmem>>, vector<16xf32>,
    %get3A_686 = vector.shape_cast %get3A_685 : vector<16xf32> to vector<16xf32>
    %mul3A_687 = arith.mulf %get3A_686, %get3A_668 : vector<16xf32>
    %add3A_688 = arith.addf %add3A_650, %mul3A_687 : vector<16xf32>
    %get3A_689 = arith.constant 2296 : index
    %get3A_690 = tpu.vector_load %arg16[%get3A_689] {strides = array<i32>} : memref<2600xf32, #tpu.memory_space<vmem>>, vector<16xf32>,
    %get3A_691 = vector.shape_cast %get3A_690 : vector<16xf32> to vector<16xf32>
    %mul3A_692 = arith.mulf %get3A_691, %get3A_668 : vector<16xf32>
    %add3A_693 = arith.addf %add3A_655, %mul3A_692 : vector<16xf32>
    %get3A_694 = arith.constant 216 : index
    %get3A_695 = tpu.vector_load %arg17[%get3A_694] {strides = array<i32>} : memref<528xf32, #tpu.memory_space<vmem>>, vector<16xf32>,
    %get3A_696 = vector.shape_cast %get3A_695 : vector<16xf32> to vector<16xf32>
    %mul3A_697 = arith.mulf %get3A_696, %get3A_668 : vector<16xf32>
    %add3A_698 = arith.addf %add3A_660, %mul3A_697 : vector<16xf32>
    %get3A_699 = arith.constant 224 : index
    %get3A_700 = tpu.vector_load %arg18[%get3A_699] {strides = array<i32>} : memref<544xf32, #tpu.memory_space<vmem>>, vector<16xf32>,
    %get3A_701 = vector.shape_cast %get3A_700 : vector<16xf32> to vector<16xf32>
    %mul3A_702 = arith.mulf %get3A_701, %get3A_668 : vector<16xf32>
    %add3A_703 = arith.addf %add3A_665, %mul3A_702 : vector<16xf32>
    %get3A_704 = arith.constant 224 : index
    %get3A_705 = tpu.vector_load %arg13[%get3A_704] {strides = array<i32>} : memref<512xf32, #tpu.memory_space<vmem>>, vector<16xf32>,
    %get3A_706 = vector.shape_cast %get3A_705 : vector<16xf32> to vector<16xf32>
    %get3A_707 = arith.constant 232 : index
    %get3A_708 = tpu.vector_load %arg16[%get3A_707] {strides = array<i32>} : memref<2600xf32, #tpu.memory_space<vmem>>, vector<16xf32>,
    %get3A_709 = vector.shape_cast %get3A_708 : vector<16xf32> to vector<16xf32>
    %mul3A_710 = arith.mulf %get3A_709, %get3A_706 : vector<16xf32>
    %add3A_711 = arith.addf %add3A_673, %mul3A_710 : vector<16xf32>
    %get3A_712 = arith.constant 752 : index
    %get3A_713 = tpu.vector_load %arg16[%get3A_712] {strides = array<i32>} : memref<2600xf32, #tpu.memory_space<vmem>>, vector<16xf32>,
    %get3A_714 = vector.shape_cast %get3A_713 : vector<16xf32> to vector<16xf32>
    %mul3A_715 = arith.mulf %get3A_714, %get3A_706 : vector<16xf32>
    %add3A_716 = arith.addf %add3A_678, %mul3A_715 : vector<16xf32>
    %get3A_717 = arith.constant 1272 : index
    %get3A_718 = tpu.vector_load %arg16[%get3A_717] {strides = array<i32>} : memref<2600xf32, #tpu.memory_space<vmem>>, vector<16xf32>,
    %get3A_719 = vector.shape_cast %get3A_718 : vector<16xf32> to vector<16xf32>
    %mul3A_720 = arith.mulf %get3A_719, %get3A_706 : vector<16xf32>
    %add3A_721 = arith.addf %add3A_683, %mul3A_720 : vector<16xf32>
    %get3A_722 = arith.constant 1792 : index
    %get3A_723 = tpu.vector_load %arg16[%get3A_722] {strides = array<i32>} : memref<2600xf32, #tpu.memory_space<vmem>>, vector<16xf32>,
    %get3A_724 = vector.shape_cast %get3A_723 : vector<16xf32> to vector<16xf32>
    %mul3A_725 = arith.mulf %get3A_724, %get3A_706 : vector<16xf32>
    %add3A_726 = arith.addf %add3A_688, %mul3A_725 : vector<16xf32>
    %get3A_727 = arith.constant 2312 : index
    %get3A_728 = tpu.vector_load %arg16[%get3A_727] {strides = array<i32>} : memref<2600xf32, #tpu.memory_space<vmem>>, vector<16xf32>,
    %get3A_729 = vector.shape_cast %get3A_728 : vector<16xf32> to vector<16xf32>
    %mul3A_730 = arith.mulf %get3A_729, %get3A_706 : vector<16xf32>
    %add3A_731 = arith.addf %add3A_693, %mul3A_730 : vector<16xf32>
    %get3A_732 = arith.constant 232 : index
    %get3A_733 = tpu.vector_load %arg17[%get3A_732] {strides = array<i32>} : memref<528xf32, #tpu.memory_space<vmem>>, vector<16xf32>,
    %get3A_734 = vector.shape_cast %get3A_733 : vector<16xf32> to vector<16xf32>
    %mul3A_735 = arith.mulf %get3A_734, %get3A_706 : vector<16xf32>
    %add3A_736 = arith.addf %add3A_698, %mul3A_735 : vector<16xf32>
    %get3A_737 = arith.constant 240 : index
    %get3A_738 = tpu.vector_load %arg18[%get3A_737] {strides = array<i32>} : memref<544xf32, #tpu.memory_space<vmem>>, vector<16xf32>,
    %get3A_739 = vector.shape_cast %get3A_738 : vector<16xf32> to vector<16xf32>
    %mul3A_740 = arith.mulf %get3A_739, %get3A_706 : vector<16xf32>
    %add3A_741 = arith.addf %add3A_703, %mul3A_740 : vector<16xf32>
    %get3A_742 = arith.constant 240 : index
    %get3A_743 = tpu.vector_load %arg13[%get3A_742] {strides = array<i32>} : memref<512xf32, #tpu.memory_space<vmem>>, vector<16xf32>,
    %get3A_744 = vector.shape_cast %get3A_743 : vector<16xf32> to vector<16xf32>
    %get3A_745 = arith.constant 248 : index
    %get3A_746 = tpu.vector_load %arg16[%get3A_745] {strides = array<i32>} : memref<2600xf32, #tpu.memory_space<vmem>>, vector<16xf32>,
    %get3A_747 = vector.shape_cast %get3A_746 : vector<16xf32> to vector<16xf32>
    %mul3A_748 = arith.mulf %get3A_747, %get3A_744 : vector<16xf32>
    %add3A_749 = arith.addf %add3A_711, %mul3A_748 : vector<16xf32>
    %get3A_750 = arith.constant 768 : index
    %get3A_751 = tpu.vector_load %arg16[%get3A_750] {strides = array<i32>} : memref<2600xf32, #tpu.memory_space<vmem>>, vector<16xf32>,
    %get3A_752 = vector.shape_cast %get3A_751 : vector<16xf32> to vector<16xf32>
    %mul3A_753 = arith.mulf %get3A_752, %get3A_744 : vector<16xf32>
    %add3A_754 = arith.addf %add3A_716, %mul3A_753 : vector<16xf32>
    %get3A_755 = arith.constant 1288 : index
    %get3A_756 = tpu.vector_load %arg16[%get3A_755] {strides = array<i32>} : memref<2600xf32, #tpu.memory_space<vmem>>, vector<16xf32>,
    %get3A_757 = vector.shape_cast %get3A_756 : vector<16xf32> to vector<16xf32>
    %mul3A_758 = arith.mulf %get3A_757, %get3A_744 : vector<16xf32>
    %add3A_759 = arith.addf %add3A_721, %mul3A_758 : vector<16xf32>
    %get3A_760 = arith.constant 1808 : index
    %get3A_761 = tpu.vector_load %arg16[%get3A_760] {strides = array<i32>} : memref<2600xf32, #tpu.memory_space<vmem>>, vector<16xf32>,
    %get3A_762 = vector.shape_cast %get3A_761 : vector<16xf32> to vector<16xf32>
    %mul3A_763 = arith.mulf %get3A_762, %get3A_744 : vector<16xf32>
    %add3A_764 = arith.addf %add3A_726, %mul3A_763 : vector<16xf32>
    %get3A_765 = arith.constant 2328 : index
    %get3A_766 = tpu.vector_load %arg16[%get3A_765] {strides = array<i32>} : memref<2600xf32, #tpu.memory_space<vmem>>, vector<16xf32>,
    %get3A_767 = vector.shape_cast %get3A_766 : vector<16xf32> to vector<16xf32>
    %mul3A_768 = arith.mulf %get3A_767, %get3A_744 : vector<16xf32>
    %add3A_769 = arith.addf %add3A_731, %mul3A_768 : vector<16xf32>
    %get3A_770 = arith.constant 248 : index
    %get3A_771 = tpu.vector_load %arg17[%get3A_770] {strides = array<i32>} : memref<528xf32, #tpu.memory_space<vmem>>, vector<16xf32>,
    %get3A_772 = vector.shape_cast %get3A_771 : vector<16xf32> to vector<16xf32>
    %mul3A_773 = arith.mulf %get3A_772, %get3A_744 : vector<16xf32>
    %add3A_774 = arith.addf %add3A_736, %mul3A_773 : vector<16xf32>
    %get3A_775 = arith.constant 256 : index
    %get3A_776 = tpu.vector_load %arg18[%get3A_775] {strides = array<i32>} : memref<544xf32, #tpu.memory_space<vmem>>, vector<16xf32>,
    %get3A_777 = vector.shape_cast %get3A_776 : vector<16xf32> to vector<16xf32>
    %mul3A_778 = arith.mulf %get3A_777, %get3A_744 : vector<16xf32>
    %add3A_779 = arith.addf %add3A_741, %mul3A_778 : vector<16xf32>
    %get3A_780 = arith.constant 256 : index
    %get3A_781 = tpu.vector_load %arg13[%get3A_780] {strides = array<i32>} : memref<512xf32, #tpu.memory_space<vmem>>, vector<16xf32>,
    %get3A_782 = vector.shape_cast %get3A_781 : vector<16xf32> to vector<16xf32>
    %get3A_783 = arith.constant 264 : index
    %get3A_784 = tpu.vector_load %arg16[%get3A_783] {strides = array<i32>} : memref<2600xf32, #tpu.memory_space<vmem>>, vector<16xf32>,
    %get3A_785 = vector.shape_cast %get3A_784 : vector<16xf32> to vector<16xf32>
    %mul3A_786 = arith.mulf %get3A_785, %get3A_782 : vector<16xf32>
    %add3A_787 = arith.addf %add3A_749, %mul3A_786 : vector<16xf32>
    %get3A_788 = arith.constant 784 : index
    %get3A_789 = tpu.vector_load %arg16[%get3A_788] {strides = array<i32>} : memref<2600xf32, #tpu.memory_space<vmem>>, vector<16xf32>,
    %get3A_790 = vector.shape_cast %get3A_789 : vector<16xf32> to vector<16xf32>
    %mul3A_791 = arith.mulf %get3A_790, %get3A_782 : vector<16xf32>
    %add3A_792 = arith.addf %add3A_754, %mul3A_791 : vector<16xf32>
    %get3A_793 = arith.constant 1304 : index
    %get3A_794 = tpu.vector_load %arg16[%get3A_793] {strides = array<i32>} : memref<2600xf32, #tpu.memory_space<vmem>>, vector<16xf32>,
    %get3A_795 = vector.shape_cast %get3A_794 : vector<16xf32> to vector<16xf32>
    %mul3A_796 = arith.mulf %get3A_795, %get3A_782 : vector<16xf32>
    %add3A_797 = arith.addf %add3A_759, %mul3A_796 : vector<16xf32>
    %get3A_798 = arith.constant 1824 : index
    %get3A_799 = tpu.vector_load %arg16[%get3A_798] {strides = array<i32>} : memref<2600xf32, #tpu.memory_space<vmem>>, vector<16xf32>,
    %get3A_800 = vector.shape_cast %get3A_799 : vector<16xf32> to vector<16xf32>
    %mul3A_801 = arith.mulf %get3A_800, %get3A_782 : vector<16xf32>
    %add3A_802 = arith.addf %add3A_764, %mul3A_801 : vector<16xf32>
    %get3A_803 = arith.constant 2344 : index
    %get3A_804 = tpu.vector_load %arg16[%get3A_803] {strides = array<i32>} : memref<2600xf32, #tpu.memory_space<vmem>>, vector<16xf32>,
    %get3A_805 = vector.shape_cast %get3A_804 : vector<16xf32> to vector<16xf32>
    %mul3A_806 = arith.mulf %get3A_805, %get3A_782 : vector<16xf32>
    %add3A_807 = arith.addf %add3A_769, %mul3A_806 : vector<16xf32>
    %get3A_808 = arith.constant 272 : index
    %get3A_809 = tpu.vector_load %arg17[%get3A_808] {strides = array<i32>} : memref<528xf32, #tpu.memory_space<vmem>>, vector<16xf32>,
    %get3A_810 = vector.shape_cast %get3A_809 : vector<16xf32> to vector<16xf32>
    %mul3A_811 = arith.mulf %get3A_810, %get3A_782 : vector<16xf32>
    %add3A_812 = arith.addf %broadcast_in_dim3A_163, %mul3A_811 : vector<16xf32>
    %get3A_813 = arith.constant 280 : index
    %get3A_814 = tpu.vector_load %arg18[%get3A_813] {strides = array<i32>} : memref<544xf32, #tpu.memory_space<vmem>>, vector<16xf32>,
    %get3A_815 = vector.shape_cast %get3A_814 : vector<16xf32> to vector<16xf32>
    %mul3A_816 = arith.mulf %get3A_815, %get3A_782 : vector<16xf32>
    %add3A_817 = arith.addf %broadcast_in_dim3A_169, %mul3A_816 : vector<16xf32>
    %get3A_818 = arith.constant 272 : index
    %get3A_819 = tpu.vector_load %arg13[%get3A_818] {strides = array<i32>} : memref<512xf32, #tpu.memory_space<vmem>>, vector<16xf32>,
    %get3A_820 = vector.shape_cast %get3A_819 : vector<16xf32> to vector<16xf32>
    %get3A_821 = arith.constant 280 : index
    %get3A_822 = tpu.vector_load %arg16[%get3A_821] {strides = array<i32>} : memref<2600xf32, #tpu.memory_space<vmem>>, vector<16xf32>,
    %get3A_823 = vector.shape_cast %get3A_822 : vector<16xf32> to vector<16xf32>
    %mul3A_824 = arith.mulf %get3A_823, %get3A_820 : vector<16xf32>
    %add3A_825 = arith.addf %add3A_787, %mul3A_824 : vector<16xf32>
    %get3A_826 = arith.constant 800 : index
    %get3A_827 = tpu.vector_load %arg16[%get3A_826] {strides = array<i32>} : memref<2600xf32, #tpu.memory_space<vmem>>, vector<16xf32>,
    %get3A_828 = vector.shape_cast %get3A_827 : vector<16xf32> to vector<16xf32>
    %mul3A_829 = arith.mulf %get3A_828, %get3A_820 : vector<16xf32>
    %add3A_830 = arith.addf %add3A_792, %mul3A_829 : vector<16xf32>
    %get3A_831 = arith.constant 1320 : index
    %get3A_832 = tpu.vector_load %arg16[%get3A_831] {strides = array<i32>} : memref<2600xf32, #tpu.memory_space<vmem>>, vector<16xf32>,
    %get3A_833 = vector.shape_cast %get3A_832 : vector<16xf32> to vector<16xf32>
    %mul3A_834 = arith.mulf %get3A_833, %get3A_820 : vector<16xf32>
    %add3A_835 = arith.addf %add3A_797, %mul3A_834 : vector<16xf32>
    %get3A_836 = arith.constant 1840 : index
    %get3A_837 = tpu.vector_load %arg16[%get3A_836] {strides = array<i32>} : memref<2600xf32, #tpu.memory_space<vmem>>, vector<16xf32>,
    %get3A_838 = vector.shape_cast %get3A_837 : vector<16xf32> to vector<16xf32>
    %mul3A_839 = arith.mulf %get3A_838, %get3A_820 : vector<16xf32>
    %add3A_840 = arith.addf %add3A_802, %mul3A_839 : vector<16xf32>
    %get3A_841 = arith.constant 2360 : index
    %get3A_842 = tpu.vector_load %arg16[%get3A_841] {strides = array<i32>} : memref<2600xf32, #tpu.memory_space<vmem>>, vector<16xf32>,
    %get3A_843 = vector.shape_cast %get3A_842 : vector<16xf32> to vector<16xf32>
    %mul3A_844 = arith.mulf %get3A_843, %get3A_820 : vector<16xf32>
    %add3A_845 = arith.addf %add3A_807, %mul3A_844 : vector<16xf32>
    %get3A_846 = arith.constant 288 : index
    %get3A_847 = tpu.vector_load %arg17[%get3A_846] {strides = array<i32>} : memref<528xf32, #tpu.memory_space<vmem>>, vector<16xf32>,
    %get3A_848 = vector.shape_cast %get3A_847 : vector<16xf32> to vector<16xf32>
    %mul3A_849 = arith.mulf %get3A_848, %get3A_820 : vector<16xf32>
    %add3A_850 = arith.addf %add3A_812, %mul3A_849 : vector<16xf32>
    %get3A_851 = arith.constant 296 : index
    %get3A_852 = tpu.vector_load %arg18[%get3A_851] {strides = array<i32>} : memref<544xf32, #tpu.memory_space<vmem>>, vector<16xf32>,
    %get3A_853 = vector.shape_cast %get3A_852 : vector<16xf32> to vector<16xf32>
    %mul3A_854 = arith.mulf %get3A_853, %get3A_820 : vector<16xf32>
    %add3A_855 = arith.addf %add3A_817, %mul3A_854 : vector<16xf32>
    %get3A_856 = arith.constant 288 : index
    %get3A_857 = tpu.vector_load %arg13[%get3A_856] {strides = array<i32>} : memref<512xf32, #tpu.memory_space<vmem>>, vector<16xf32>,
    %get3A_858 = vector.shape_cast %get3A_857 : vector<16xf32> to vector<16xf32>
    %get3A_859 = arith.constant 296 : index
    %get3A_860 = tpu.vector_load %arg16[%get3A_859] {strides = array<i32>} : memref<2600xf32, #tpu.memory_space<vmem>>, vector<16xf32>,
    %get3A_861 = vector.shape_cast %get3A_860 : vector<16xf32> to vector<16xf32>
    %mul3A_862 = arith.mulf %get3A_861, %get3A_858 : vector<16xf32>
    %add3A_863 = arith.addf %add3A_825, %mul3A_862 : vector<16xf32>
    %get3A_864 = arith.constant 816 : index
    %get3A_865 = tpu.vector_load %arg16[%get3A_864] {strides = array<i32>} : memref<2600xf32, #tpu.memory_space<vmem>>, vector<16xf32>,
    %get3A_866 = vector.shape_cast %get3A_865 : vector<16xf32> to vector<16xf32>
    %mul3A_867 = arith.mulf %get3A_866, %get3A_858 : vector<16xf32>
    %add3A_868 = arith.addf %add3A_830, %mul3A_867 : vector<16xf32>
    %get3A_869 = arith.constant 1336 : index
    %get3A_870 = tpu.vector_load %arg16[%get3A_869] {strides = array<i32>} : memref<2600xf32, #tpu.memory_space<vmem>>, vector<16xf32>,
    %get3A_871 = vector.shape_cast %get3A_870 : vector<16xf32> to vector<16xf32>
    %mul3A_872 = arith.mulf %get3A_871, %get3A_858 : vector<16xf32>
    %add3A_873 = arith.addf %add3A_835, %mul3A_872 : vector<16xf32>
    %get3A_874 = arith.constant 1856 : index
    %get3A_875 = tpu.vector_load %arg16[%get3A_874] {strides = array<i32>} : memref<2600xf32, #tpu.memory_space<vmem>>, vector<16xf32>,
    %get3A_876 = vector.shape_cast %get3A_875 : vector<16xf32> to vector<16xf32>
    %mul3A_877 = arith.mulf %get3A_876, %get3A_858 : vector<16xf32>
    %add3A_878 = arith.addf %add3A_840, %mul3A_877 : vector<16xf32>
    %get3A_879 = arith.constant 2376 : index
    %get3A_880 = tpu.vector_load %arg16[%get3A_879] {strides = array<i32>} : memref<2600xf32, #tpu.memory_space<vmem>>, vector<16xf32>,
    %get3A_881 = vector.shape_cast %get3A_880 : vector<16xf32> to vector<16xf32>
    %mul3A_882 = arith.mulf %get3A_881, %get3A_858 : vector<16xf32>
    %add3A_883 = arith.addf %add3A_845, %mul3A_882 : vector<16xf32>
    %get3A_884 = arith.constant 304 : index
    %get3A_885 = tpu.vector_load %arg17[%get3A_884] {strides = array<i32>} : memref<528xf32, #tpu.memory_space<vmem>>, vector<16xf32>,
    %get3A_886 = vector.shape_cast %get3A_885 : vector<16xf32> to vector<16xf32>
    %mul3A_887 = arith.mulf %get3A_886, %get3A_858 : vector<16xf32>
    %add3A_888 = arith.addf %add3A_850, %mul3A_887 : vector<16xf32>
    %get3A_889 = arith.constant 312 : index
    %get3A_890 = tpu.vector_load %arg18[%get3A_889] {strides = array<i32>} : memref<544xf32, #tpu.memory_space<vmem>>, vector<16xf32>,
    %get3A_891 = vector.shape_cast %get3A_890 : vector<16xf32> to vector<16xf32>
    %mul3A_892 = arith.mulf %get3A_891, %get3A_858 : vector<16xf32>
    %add3A_893 = arith.addf %add3A_855, %mul3A_892 : vector<16xf32>
    %get3A_894 = arith.constant 304 : index
    %get3A_895 = tpu.vector_load %arg13[%get3A_894] {strides = array<i32>} : memref<512xf32, #tpu.memory_space<vmem>>, vector<16xf32>,
    %get3A_896 = vector.shape_cast %get3A_895 : vector<16xf32> to vector<16xf32>
    %get3A_897 = arith.constant 312 : index
    %get3A_898 = tpu.vector_load %arg16[%get3A_897] {strides = array<i32>} : memref<2600xf32, #tpu.memory_space<vmem>>, vector<16xf32>,
    %get3A_899 = vector.shape_cast %get3A_898 : vector<16xf32> to vector<16xf32>
    %mul3A_900 = arith.mulf %get3A_899, %get3A_896 : vector<16xf32>
    %add3A_901 = arith.addf %add3A_863, %mul3A_900 : vector<16xf32>
    %get3A_902 = arith.constant 832 : index
    %get3A_903 = tpu.vector_load %arg16[%get3A_902] {strides = array<i32>} : memref<2600xf32, #tpu.memory_space<vmem>>, vector<16xf32>,
    %get3A_904 = vector.shape_cast %get3A_903 : vector<16xf32> to vector<16xf32>
    %mul3A_905 = arith.mulf %get3A_904, %get3A_896 : vector<16xf32>
    %add3A_906 = arith.addf %add3A_868, %mul3A_905 : vector<16xf32>
    %get3A_907 = arith.constant 1352 : index
    %get3A_908 = tpu.vector_load %arg16[%get3A_907] {strides = array<i32>} : memref<2600xf32, #tpu.memory_space<vmem>>, vector<16xf32>,
    %get3A_909 = vector.shape_cast %get3A_908 : vector<16xf32> to vector<16xf32>
    %mul3A_910 = arith.mulf %get3A_909, %get3A_896 : vector<16xf32>
    %add3A_911 = arith.addf %add3A_873, %mul3A_910 : vector<16xf32>
    %get3A_912 = arith.constant 1872 : index
    %get3A_913 = tpu.vector_load %arg16[%get3A_912] {strides = array<i32>} : memref<2600xf32, #tpu.memory_space<vmem>>, vector<16xf32>,
    %get3A_914 = vector.shape_cast %get3A_913 : vector<16xf32> to vector<16xf32>
    %mul3A_915 = arith.mulf %get3A_914, %get3A_896 : vector<16xf32>
    %add3A_916 = arith.addf %add3A_878, %mul3A_915 : vector<16xf32>
    %get3A_917 = arith.constant 2392 : index
    %get3A_918 = tpu.vector_load %arg16[%get3A_917] {strides = array<i32>} : memref<2600xf32, #tpu.memory_space<vmem>>, vector<16xf32>,
    %get3A_919 = vector.shape_cast %get3A_918 : vector<16xf32> to vector<16xf32>
    %mul3A_920 = arith.mulf %get3A_919, %get3A_896 : vector<16xf32>
    %add3A_921 = arith.addf %add3A_883, %mul3A_920 : vector<16xf32>
    %get3A_922 = arith.constant 320 : index
    %get3A_923 = tpu.vector_load %arg17[%get3A_922] {strides = array<i32>} : memref<528xf32, #tpu.memory_space<vmem>>, vector<16xf32>,
    %get3A_924 = vector.shape_cast %get3A_923 : vector<16xf32> to vector<16xf32>
    %mul3A_925 = arith.mulf %get3A_924, %get3A_896 : vector<16xf32>
    %add3A_926 = arith.addf %add3A_888, %mul3A_925 : vector<16xf32>
    %get3A_927 = arith.constant 328 : index
    %get3A_928 = tpu.vector_load %arg18[%get3A_927] {strides = array<i32>} : memref<544xf32, #tpu.memory_space<vmem>>, vector<16xf32>,
    %get3A_929 = vector.shape_cast %get3A_928 : vector<16xf32> to vector<16xf32>
    %mul3A_930 = arith.mulf %get3A_929, %get3A_896 : vector<16xf32>
    %add3A_931 = arith.addf %add3A_893, %mul3A_930 : vector<16xf32>
    %get3A_932 = arith.constant 320 : index
    %get3A_933 = tpu.vector_load %arg13[%get3A_932] {strides = array<i32>} : memref<512xf32, #tpu.memory_space<vmem>>, vector<16xf32>,
    %get3A_934 = vector.shape_cast %get3A_933 : vector<16xf32> to vector<16xf32>
    %get3A_935 = arith.constant 328 : index
    %get3A_936 = tpu.vector_load %arg16[%get3A_935] {strides = array<i32>} : memref<2600xf32, #tpu.memory_space<vmem>>, vector<16xf32>,
    %get3A_937 = vector.shape_cast %get3A_936 : vector<16xf32> to vector<16xf32>
    %mul3A_938 = arith.mulf %get3A_937, %get3A_934 : vector<16xf32>
    %add3A_939 = arith.addf %add3A_901, %mul3A_938 : vector<16xf32>
    %get3A_940 = arith.constant 848 : index
    %get3A_941 = tpu.vector_load %arg16[%get3A_940] {strides = array<i32>} : memref<2600xf32, #tpu.memory_space<vmem>>, vector<16xf32>,
    %get3A_942 = vector.shape_cast %get3A_941 : vector<16xf32> to vector<16xf32>
    %mul3A_943 = arith.mulf %get3A_942, %get3A_934 : vector<16xf32>
    %add3A_944 = arith.addf %add3A_906, %mul3A_943 : vector<16xf32>
    %get3A_945 = arith.constant 1368 : index
    %get3A_946 = tpu.vector_load %arg16[%get3A_945] {strides = array<i32>} : memref<2600xf32, #tpu.memory_space<vmem>>, vector<16xf32>,
    %get3A_947 = vector.shape_cast %get3A_946 : vector<16xf32> to vector<16xf32>
    %mul3A_948 = arith.mulf %get3A_947, %get3A_934 : vector<16xf32>
    %add3A_949 = arith.addf %add3A_911, %mul3A_948 : vector<16xf32>
    %get3A_950 = arith.constant 1888 : index
    %get3A_951 = tpu.vector_load %arg16[%get3A_950] {strides = array<i32>} : memref<2600xf32, #tpu.memory_space<vmem>>, vector<16xf32>,
    %get3A_952 = vector.shape_cast %get3A_951 : vector<16xf32> to vector<16xf32>
    %mul3A_953 = arith.mulf %get3A_952, %get3A_934 : vector<16xf32>
    %add3A_954 = arith.addf %add3A_916, %mul3A_953 : vector<16xf32>
    %get3A_955 = arith.constant 2408 : index
    %get3A_956 = tpu.vector_load %arg16[%get3A_955] {strides = array<i32>} : memref<2600xf32, #tpu.memory_space<vmem>>, vector<16xf32>,
    %get3A_957 = vector.shape_cast %get3A_956 : vector<16xf32> to vector<16xf32>
    %mul3A_958 = arith.mulf %get3A_957, %get3A_934 : vector<16xf32>
    %add3A_959 = arith.addf %add3A_921, %mul3A_958 : vector<16xf32>
    %get3A_960 = arith.constant 336 : index
    %get3A_961 = tpu.vector_load %arg17[%get3A_960] {strides = array<i32>} : memref<528xf32, #tpu.memory_space<vmem>>, vector<16xf32>,
    %get3A_962 = vector.shape_cast %get3A_961 : vector<16xf32> to vector<16xf32>
    %mul3A_963 = arith.mulf %get3A_962, %get3A_934 : vector<16xf32>
    %add3A_964 = arith.addf %add3A_926, %mul3A_963 : vector<16xf32>
    %get3A_965 = arith.constant 344 : index
    %get3A_966 = tpu.vector_load %arg18[%get3A_965] {strides = array<i32>} : memref<544xf32, #tpu.memory_space<vmem>>, vector<16xf32>,
    %get3A_967 = vector.shape_cast %get3A_966 : vector<16xf32> to vector<16xf32>
    %mul3A_968 = arith.mulf %get3A_967, %get3A_934 : vector<16xf32>
    %add3A_969 = arith.addf %add3A_931, %mul3A_968 : vector<16xf32>
    %get3A_970 = arith.constant 336 : index
    %get3A_971 = tpu.vector_load %arg13[%get3A_970] {strides = array<i32>} : memref<512xf32, #tpu.memory_space<vmem>>, vector<16xf32>,
    %get3A_972 = vector.shape_cast %get3A_971 : vector<16xf32> to vector<16xf32>
    %get3A_973 = arith.constant 344 : index
    %get3A_974 = tpu.vector_load %arg16[%get3A_973] {strides = array<i32>} : memref<2600xf32, #tpu.memory_space<vmem>>, vector<16xf32>,
    %get3A_975 = vector.shape_cast %get3A_974 : vector<16xf32> to vector<16xf32>
    %mul3A_976 = arith.mulf %get3A_975, %get3A_972 : vector<16xf32>
    %add3A_977 = arith.addf %add3A_939, %mul3A_976 : vector<16xf32>
    %get3A_978 = arith.constant 864 : index
    %get3A_979 = tpu.vector_load %arg16[%get3A_978] {strides = array<i32>} : memref<2600xf32, #tpu.memory_space<vmem>>, vector<16xf32>,
    %get3A_980 = vector.shape_cast %get3A_979 : vector<16xf32> to vector<16xf32>
    %mul3A_981 = arith.mulf %get3A_980, %get3A_972 : vector<16xf32>
    %add3A_982 = arith.addf %add3A_944, %mul3A_981 : vector<16xf32>
    %get3A_983 = arith.constant 1384 : index
    %get3A_984 = tpu.vector_load %arg16[%get3A_983] {strides = array<i32>} : memref<2600xf32, #tpu.memory_space<vmem>>, vector<16xf32>,
    %get3A_985 = vector.shape_cast %get3A_984 : vector<16xf32> to vector<16xf32>
    %mul3A_986 = arith.mulf %get3A_985, %get3A_972 : vector<16xf32>
    %add3A_987 = arith.addf %add3A_949, %mul3A_986 : vector<16xf32>
    %get3A_988 = arith.constant 1904 : index
    %get3A_989 = tpu.vector_load %arg16[%get3A_988] {strides = array<i32>} : memref<2600xf32, #tpu.memory_space<vmem>>, vector<16xf32>,
    %get3A_990 = vector.shape_cast %get3A_989 : vector<16xf32> to vector<16xf32>
    %mul3A_991 = arith.mulf %get3A_990, %get3A_972 : vector<16xf32>
    %add3A_992 = arith.addf %add3A_954, %mul3A_991 : vector<16xf32>
    %get3A_993 = arith.constant 2424 : index
    %get3A_994 = tpu.vector_load %arg16[%get3A_993] {strides = array<i32>} : memref<2600xf32, #tpu.memory_space<vmem>>, vector<16xf32>,
    %get3A_995 = vector.shape_cast %get3A_994 : vector<16xf32> to vector<16xf32>
    %mul3A_996 = arith.mulf %get3A_995, %get3A_972 : vector<16xf32>
    %add3A_997 = arith.addf %add3A_959, %mul3A_996 : vector<16xf32>
    %get3A_998 = arith.constant 352 : index
    %get3A_999 = tpu.vector_load %arg17[%get3A_998] {strides = array<i32>} : memref<528xf32, #tpu.memory_space<vmem>>, vector<16xf32>,
    %get3A_1000 = vector.shape_cast %get3A_999 : vector<16xf32> to vector<16xf32>
    %mul3A_1001 = arith.mulf %get3A_1000, %get3A_972 : vector<16xf32>
    %add3A_1002 = arith.addf %add3A_964, %mul3A_1001 : vector<16xf32>
    %get3A_1003 = arith.constant 360 : index
    %get3A_1004 = tpu.vector_load %arg18[%get3A_1003] {strides = array<i32>} : memref<544xf32, #tpu.memory_space<vmem>>, vector<16xf32>,
    %get3A_1005 = vector.shape_cast %get3A_1004 : vector<16xf32> to vector<16xf32>
    %mul3A_1006 = arith.mulf %get3A_1005, %get3A_972 : vector<16xf32>
    %add3A_1007 = arith.addf %add3A_969, %mul3A_1006 : vector<16xf32>
    %get3A_1008 = arith.constant 352 : index
    %get3A_1009 = tpu.vector_load %arg13[%get3A_1008] {strides = array<i32>} : memref<512xf32, #tpu.memory_space<vmem>>, vector<16xf32>,
    %get3A_1010 = vector.shape_cast %get3A_1009 : vector<16xf32> to vector<16xf32>
    %get3A_1011 = arith.constant 360 : index
    %get3A_1012 = tpu.vector_load %arg16[%get3A_1011] {strides = array<i32>} : memref<2600xf32, #tpu.memory_space<vmem>>, vector<16xf32>,
    %get3A_1013 = vector.shape_cast %get3A_1012 : vector<16xf32> to vector<16xf32>
    %mul3A_1014 = arith.mulf %get3A_1013, %get3A_1010 : vector<16xf32>
    %add3A_1015 = arith.addf %add3A_977, %mul3A_1014 : vector<16xf32>
    %get3A_1016 = arith.constant 880 : index
    %get3A_1017 = tpu.vector_load %arg16[%get3A_1016] {strides = array<i32>} : memref<2600xf32, #tpu.memory_space<vmem>>, vector<16xf32>,
    %get3A_1018 = vector.shape_cast %get3A_1017 : vector<16xf32> to vector<16xf32>
    %mul3A_1019 = arith.mulf %get3A_1018, %get3A_1010 : vector<16xf32>
    %add3A_1020 = arith.addf %add3A_982, %mul3A_1019 : vector<16xf32>
    %get3A_1021 = arith.constant 1400 : index
    %get3A_1022 = tpu.vector_load %arg16[%get3A_1021] {strides = array<i32>} : memref<2600xf32, #tpu.memory_space<vmem>>, vector<16xf32>,
    %get3A_1023 = vector.shape_cast %get3A_1022 : vector<16xf32> to vector<16xf32>
    %mul3A_1024 = arith.mulf %get3A_1023, %get3A_1010 : vector<16xf32>
    %add3A_1025 = arith.addf %add3A_987, %mul3A_1024 : vector<16xf32>
    %get3A_1026 = arith.constant 1920 : index
    %get3A_1027 = tpu.vector_load %arg16[%get3A_1026] {strides = array<i32>} : memref<2600xf32, #tpu.memory_space<vmem>>, vector<16xf32>,
    %get3A_1028 = vector.shape_cast %get3A_1027 : vector<16xf32> to vector<16xf32>
    %mul3A_1029 = arith.mulf %get3A_1028, %get3A_1010 : vector<16xf32>
    %add3A_1030 = arith.addf %add3A_992, %mul3A_1029 : vector<16xf32>
    %get3A_1031 = arith.constant 2440 : index
    %get3A_1032 = tpu.vector_load %arg16[%get3A_1031] {strides = array<i32>} : memref<2600xf32, #tpu.memory_space<vmem>>, vector<16xf32>,
    %get3A_1033 = vector.shape_cast %get3A_1032 : vector<16xf32> to vector<16xf32>
    %mul3A_1034 = arith.mulf %get3A_1033, %get3A_1010 : vector<16xf32>
    %add3A_1035 = arith.addf %add3A_997, %mul3A_1034 : vector<16xf32>
    %get3A_1036 = arith.constant 368 : index
    %get3A_1037 = tpu.vector_load %arg17[%get3A_1036] {strides = array<i32>} : memref<528xf32, #tpu.memory_space<vmem>>, vector<16xf32>,
    %get3A_1038 = vector.shape_cast %get3A_1037 : vector<16xf32> to vector<16xf32>
    %mul3A_1039 = arith.mulf %get3A_1038, %get3A_1010 : vector<16xf32>
    %add3A_1040 = arith.addf %add3A_1002, %mul3A_1039 : vector<16xf32>
    %get3A_1041 = arith.constant 376 : index
    %get3A_1042 = tpu.vector_load %arg18[%get3A_1041] {strides = array<i32>} : memref<544xf32, #tpu.memory_space<vmem>>, vector<16xf32>,
    %get3A_1043 = vector.shape_cast %get3A_1042 : vector<16xf32> to vector<16xf32>
    %mul3A_1044 = arith.mulf %get3A_1043, %get3A_1010 : vector<16xf32>
    %add3A_1045 = arith.addf %add3A_1007, %mul3A_1044 : vector<16xf32>
    %get3A_1046 = arith.constant 368 : index
    %get3A_1047 = tpu.vector_load %arg13[%get3A_1046] {strides = array<i32>} : memref<512xf32, #tpu.memory_space<vmem>>, vector<16xf32>,
    %get3A_1048 = vector.shape_cast %get3A_1047 : vector<16xf32> to vector<16xf32>
    %get3A_1049 = arith.constant 376 : index
    %get3A_1050 = tpu.vector_load %arg16[%get3A_1049] {strides = array<i32>} : memref<2600xf32, #tpu.memory_space<vmem>>, vector<16xf32>,
    %get3A_1051 = vector.shape_cast %get3A_1050 : vector<16xf32> to vector<16xf32>
    %mul3A_1052 = arith.mulf %get3A_1051, %get3A_1048 : vector<16xf32>
    %add3A_1053 = arith.addf %add3A_1015, %mul3A_1052 : vector<16xf32>
    %get3A_1054 = arith.constant 896 : index
    %get3A_1055 = tpu.vector_load %arg16[%get3A_1054] {strides = array<i32>} : memref<2600xf32, #tpu.memory_space<vmem>>, vector<16xf32>,
    %get3A_1056 = vector.shape_cast %get3A_1055 : vector<16xf32> to vector<16xf32>
    %mul3A_1057 = arith.mulf %get3A_1056, %get3A_1048 : vector<16xf32>
    %add3A_1058 = arith.addf %add3A_1020, %mul3A_1057 : vector<16xf32>
    %get3A_1059 = arith.constant 1416 : index
    %get3A_1060 = tpu.vector_load %arg16[%get3A_1059] {strides = array<i32>} : memref<2600xf32, #tpu.memory_space<vmem>>, vector<16xf32>,
    %get3A_1061 = vector.shape_cast %get3A_1060 : vector<16xf32> to vector<16xf32>
    %mul3A_1062 = arith.mulf %get3A_1061, %get3A_1048 : vector<16xf32>
    %add3A_1063 = arith.addf %add3A_1025, %mul3A_1062 : vector<16xf32>
    %get3A_1064 = arith.constant 1936 : index
    %get3A_1065 = tpu.vector_load %arg16[%get3A_1064] {strides = array<i32>} : memref<2600xf32, #tpu.memory_space<vmem>>, vector<16xf32>,
    %get3A_1066 = vector.shape_cast %get3A_1065 : vector<16xf32> to vector<16xf32>
    %mul3A_1067 = arith.mulf %get3A_1066, %get3A_1048 : vector<16xf32>
    %add3A_1068 = arith.addf %add3A_1030, %mul3A_1067 : vector<16xf32>
    %get3A_1069 = arith.constant 2456 : index
    %get3A_1070 = tpu.vector_load %arg16[%get3A_1069] {strides = array<i32>} : memref<2600xf32, #tpu.memory_space<vmem>>, vector<16xf32>,
    %get3A_1071 = vector.shape_cast %get3A_1070 : vector<16xf32> to vector<16xf32>
    %mul3A_1072 = arith.mulf %get3A_1071, %get3A_1048 : vector<16xf32>
    %add3A_1073 = arith.addf %add3A_1035, %mul3A_1072 : vector<16xf32>
    %get3A_1074 = arith.constant 384 : index
    %get3A_1075 = tpu.vector_load %arg17[%get3A_1074] {strides = array<i32>} : memref<528xf32, #tpu.memory_space<vmem>>, vector<16xf32>,
    %get3A_1076 = vector.shape_cast %get3A_1075 : vector<16xf32> to vector<16xf32>
    %mul3A_1077 = arith.mulf %get3A_1076, %get3A_1048 : vector<16xf32>
    %add3A_1078 = arith.addf %add3A_1040, %mul3A_1077 : vector<16xf32>
    %get3A_1079 = arith.constant 392 : index
    %get3A_1080 = tpu.vector_load %arg18[%get3A_1079] {strides = array<i32>} : memref<544xf32, #tpu.memory_space<vmem>>, vector<16xf32>,
    %get3A_1081 = vector.shape_cast %get3A_1080 : vector<16xf32> to vector<16xf32>
    %mul3A_1082 = arith.mulf %get3A_1081, %get3A_1048 : vector<16xf32>
    %add3A_1083 = arith.addf %add3A_1045, %mul3A_1082 : vector<16xf32>
    %get3A_1084 = arith.constant 384 : index
    %get3A_1085 = tpu.vector_load %arg13[%get3A_1084] {strides = array<i32>} : memref<512xf32, #tpu.memory_space<vmem>>, vector<16xf32>,
    %get3A_1086 = vector.shape_cast %get3A_1085 : vector<16xf32> to vector<16xf32>
    %get3A_1087 = arith.constant 392 : index
    %get3A_1088 = tpu.vector_load %arg16[%get3A_1087] {strides = array<i32>} : memref<2600xf32, #tpu.memory_space<vmem>>, vector<16xf32>,
    %get3A_1089 = vector.shape_cast %get3A_1088 : vector<16xf32> to vector<16xf32>
    %mul3A_1090 = arith.mulf %get3A_1089, %get3A_1086 : vector<16xf32>
    %add3A_1091 = arith.addf %add3A_1053, %mul3A_1090 : vector<16xf32>
    %get3A_1092 = arith.constant 912 : index
    %get3A_1093 = tpu.vector_load %arg16[%get3A_1092] {strides = array<i32>} : memref<2600xf32, #tpu.memory_space<vmem>>, vector<16xf32>,
    %get3A_1094 = vector.shape_cast %get3A_1093 : vector<16xf32> to vector<16xf32>
    %mul3A_1095 = arith.mulf %get3A_1094, %get3A_1086 : vector<16xf32>
    %add3A_1096 = arith.addf %add3A_1058, %mul3A_1095 : vector<16xf32>
    %get3A_1097 = arith.constant 1432 : index
    %get3A_1098 = tpu.vector_load %arg16[%get3A_1097] {strides = array<i32>} : memref<2600xf32, #tpu.memory_space<vmem>>, vector<16xf32>,
    %get3A_1099 = vector.shape_cast %get3A_1098 : vector<16xf32> to vector<16xf32>
    %mul3A_1100 = arith.mulf %get3A_1099, %get3A_1086 : vector<16xf32>
    %add3A_1101 = arith.addf %add3A_1063, %mul3A_1100 : vector<16xf32>
    %get3A_1102 = arith.constant 1952 : index
    %get3A_1103 = tpu.vector_load %arg16[%get3A_1102] {strides = array<i32>} : memref<2600xf32, #tpu.memory_space<vmem>>, vector<16xf32>,
    %get3A_1104 = vector.shape_cast %get3A_1103 : vector<16xf32> to vector<16xf32>
    %mul3A_1105 = arith.mulf %get3A_1104, %get3A_1086 : vector<16xf32>
    %add3A_1106 = arith.addf %add3A_1068, %mul3A_1105 : vector<16xf32>
    %get3A_1107 = arith.constant 2472 : index
    %get3A_1108 = tpu.vector_load %arg16[%get3A_1107] {strides = array<i32>} : memref<2600xf32, #tpu.memory_space<vmem>>, vector<16xf32>,
    %get3A_1109 = vector.shape_cast %get3A_1108 : vector<16xf32> to vector<16xf32>
    %mul3A_1110 = arith.mulf %get3A_1109, %get3A_1086 : vector<16xf32>
    %add3A_1111 = arith.addf %add3A_1073, %mul3A_1110 : vector<16xf32>
    %get3A_1112 = arith.constant 400 : index
    %get3A_1113 = tpu.vector_load %arg17[%get3A_1112] {strides = array<i32>} : memref<528xf32, #tpu.memory_space<vmem>>, vector<16xf32>,
    %get3A_1114 = vector.shape_cast %get3A_1113 : vector<16xf32> to vector<16xf32>
    %mul3A_1115 = arith.mulf %get3A_1114, %get3A_1086 : vector<16xf32>
    %add3A_1116 = arith.addf %add3A_1078, %mul3A_1115 : vector<16xf32>
    %get3A_1117 = arith.constant 416 : index
    %get3A_1118 = tpu.vector_load %arg18[%get3A_1117] {strides = array<i32>} : memref<544xf32, #tpu.memory_space<vmem>>, vector<16xf32>,
    %get3A_1119 = vector.shape_cast %get3A_1118 : vector<16xf32> to vector<16xf32>
    %mul3A_1120 = arith.mulf %get3A_1119, %get3A_1086 : vector<16xf32>
    %add3A_1121 = arith.addf %broadcast_in_dim3A_171, %mul3A_1120 : vector<16xf32>
    %get3A_1122 = arith.constant 400 : index
    %get3A_1123 = tpu.vector_load %arg13[%get3A_1122] {strides = array<i32>} : memref<512xf32, #tpu.memory_space<vmem>>, vector<16xf32>,
    %get3A_1124 = vector.shape_cast %get3A_1123 : vector<16xf32> to vector<16xf32>
    %get3A_1125 = arith.constant 408 : index
    %get3A_1126 = tpu.vector_load %arg16[%get3A_1125] {strides = array<i32>} : memref<2600xf32, #tpu.memory_space<vmem>>, vector<16xf32>,
    %get3A_1127 = vector.shape_cast %get3A_1126 : vector<16xf32> to vector<16xf32>
    %mul3A_1128 = arith.mulf %get3A_1127, %get3A_1124 : vector<16xf32>
    %add3A_1129 = arith.addf %add3A_1091, %mul3A_1128 : vector<16xf32>
    %get3A_1130 = arith.constant 928 : index
    %get3A_1131 = tpu.vector_load %arg16[%get3A_1130] {strides = array<i32>} : memref<2600xf32, #tpu.memory_space<vmem>>, vector<16xf32>,
    %get3A_1132 = vector.shape_cast %get3A_1131 : vector<16xf32> to vector<16xf32>
    %mul3A_1133 = arith.mulf %get3A_1132, %get3A_1124 : vector<16xf32>
    %add3A_1134 = arith.addf %add3A_1096, %mul3A_1133 : vector<16xf32>
    %get3A_1135 = arith.constant 1448 : index
    %get3A_1136 = tpu.vector_load %arg16[%get3A_1135] {strides = array<i32>} : memref<2600xf32, #tpu.memory_space<vmem>>, vector<16xf32>,
    %get3A_1137 = vector.shape_cast %get3A_1136 : vector<16xf32> to vector<16xf32>
    %mul3A_1138 = arith.mulf %get3A_1137, %get3A_1124 : vector<16xf32>
    %add3A_1139 = arith.addf %add3A_1101, %mul3A_1138 : vector<16xf32>
    %get3A_1140 = arith.constant 1968 : index
    %get3A_1141 = tpu.vector_load %arg16[%get3A_1140] {strides = array<i32>} : memref<2600xf32, #tpu.memory_space<vmem>>, vector<16xf32>,
    %get3A_1142 = vector.shape_cast %get3A_1141 : vector<16xf32> to vector<16xf32>
    %mul3A_1143 = arith.mulf %get3A_1142, %get3A_1124 : vector<16xf32>
    %add3A_1144 = arith.addf %add3A_1106, %mul3A_1143 : vector<16xf32>
    %get3A_1145 = arith.constant 2488 : index
    %get3A_1146 = tpu.vector_load %arg16[%get3A_1145] {strides = array<i32>} : memref<2600xf32, #tpu.memory_space<vmem>>, vector<16xf32>,
    %get3A_1147 = vector.shape_cast %get3A_1146 : vector<16xf32> to vector<16xf32>
    %mul3A_1148 = arith.mulf %get3A_1147, %get3A_1124 : vector<16xf32>
    %add3A_1149 = arith.addf %add3A_1111, %mul3A_1148 : vector<16xf32>
    %get3A_1150 = arith.constant 416 : index
    %get3A_1151 = tpu.vector_load %arg17[%get3A_1150] {strides = array<i32>} : memref<528xf32, #tpu.memory_space<vmem>>, vector<16xf32>,
    %get3A_1152 = vector.shape_cast %get3A_1151 : vector<16xf32> to vector<16xf32>
    %mul3A_1153 = arith.mulf %get3A_1152, %get3A_1124 : vector<16xf32>
    %add3A_1154 = arith.addf %add3A_1116, %mul3A_1153 : vector<16xf32>
    %get3A_1155 = arith.constant 432 : index
    %get3A_1156 = tpu.vector_load %arg18[%get3A_1155] {strides = array<i32>} : memref<544xf32, #tpu.memory_space<vmem>>, vector<16xf32>,
    %get3A_1157 = vector.shape_cast %get3A_1156 : vector<16xf32> to vector<16xf32>
    %mul3A_1158 = arith.mulf %get3A_1157, %get3A_1124 : vector<16xf32>
    %add3A_1159 = arith.addf %add3A_1121, %mul3A_1158 : vector<16xf32>
    %get3A_1160 = arith.constant 416 : index
    %get3A_1161 = tpu.vector_load %arg13[%get3A_1160] {strides = array<i32>} : memref<512xf32, #tpu.memory_space<vmem>>, vector<16xf32>,
    %get3A_1162 = vector.shape_cast %get3A_1161 : vector<16xf32> to vector<16xf32>
    %get3A_1163 = arith.constant 424 : index
    %get3A_1164 = tpu.vector_load %arg16[%get3A_1163] {strides = array<i32>} : memref<2600xf32, #tpu.memory_space<vmem>>, vector<16xf32>,
    %get3A_1165 = vector.shape_cast %get3A_1164 : vector<16xf32> to vector<16xf32>
    %mul3A_1166 = arith.mulf %get3A_1165, %get3A_1162 : vector<16xf32>
    %add3A_1167 = arith.addf %add3A_1129, %mul3A_1166 : vector<16xf32>
    %get3A_1168 = arith.constant 944 : index
    %get3A_1169 = tpu.vector_load %arg16[%get3A_1168] {strides = array<i32>} : memref<2600xf32, #tpu.memory_space<vmem>>, vector<16xf32>,
    %get3A_1170 = vector.shape_cast %get3A_1169 : vector<16xf32> to vector<16xf32>
    %mul3A_1171 = arith.mulf %get3A_1170, %get3A_1162 : vector<16xf32>
    %add3A_1172 = arith.addf %add3A_1134, %mul3A_1171 : vector<16xf32>
    %get3A_1173 = arith.constant 1464 : index
    %get3A_1174 = tpu.vector_load %arg16[%get3A_1173] {strides = array<i32>} : memref<2600xf32, #tpu.memory_space<vmem>>, vector<16xf32>,
    %get3A_1175 = vector.shape_cast %get3A_1174 : vector<16xf32> to vector<16xf32>
    %mul3A_1176 = arith.mulf %get3A_1175, %get3A_1162 : vector<16xf32>
    %add3A_1177 = arith.addf %add3A_1139, %mul3A_1176 : vector<16xf32>
    %get3A_1178 = arith.constant 1984 : index
    %get3A_1179 = tpu.vector_load %arg16[%get3A_1178] {strides = array<i32>} : memref<2600xf32, #tpu.memory_space<vmem>>, vector<16xf32>,
    %get3A_1180 = vector.shape_cast %get3A_1179 : vector<16xf32> to vector<16xf32>
    %mul3A_1181 = arith.mulf %get3A_1180, %get3A_1162 : vector<16xf32>
    %add3A_1182 = arith.addf %add3A_1144, %mul3A_1181 : vector<16xf32>
    %get3A_1183 = arith.constant 2504 : index
    %get3A_1184 = tpu.vector_load %arg16[%get3A_1183] {strides = array<i32>} : memref<2600xf32, #tpu.memory_space<vmem>>, vector<16xf32>,
    %get3A_1185 = vector.shape_cast %get3A_1184 : vector<16xf32> to vector<16xf32>
    %mul3A_1186 = arith.mulf %get3A_1185, %get3A_1162 : vector<16xf32>
    %add3A_1187 = arith.addf %add3A_1149, %mul3A_1186 : vector<16xf32>
    %get3A_1188 = arith.constant 432 : index
    %get3A_1189 = tpu.vector_load %arg17[%get3A_1188] {strides = array<i32>} : memref<528xf32, #tpu.memory_space<vmem>>, vector<16xf32>,
    %get3A_1190 = vector.shape_cast %get3A_1189 : vector<16xf32> to vector<16xf32>
    %mul3A_1191 = arith.mulf %get3A_1190, %get3A_1162 : vector<16xf32>
    %add3A_1192 = arith.addf %add3A_1154, %mul3A_1191 : vector<16xf32>
    %get3A_1193 = arith.constant 448 : index
    %get3A_1194 = tpu.vector_load %arg18[%get3A_1193] {strides = array<i32>} : memref<544xf32, #tpu.memory_space<vmem>>, vector<16xf32>,
    %get3A_1195 = vector.shape_cast %get3A_1194 : vector<16xf32> to vector<16xf32>
    %mul3A_1196 = arith.mulf %get3A_1195, %get3A_1162 : vector<16xf32>
    %add3A_1197 = arith.addf %add3A_1159, %mul3A_1196 : vector<16xf32>
    %get3A_1198 = arith.constant 432 : index
    %get3A_1199 = tpu.vector_load %arg13[%get3A_1198] {strides = array<i32>} : memref<512xf32, #tpu.memory_space<vmem>>, vector<16xf32>,
    %get3A_1200 = vector.shape_cast %get3A_1199 : vector<16xf32> to vector<16xf32>
    %get3A_1201 = arith.constant 440 : index
    %get3A_1202 = tpu.vector_load %arg16[%get3A_1201] {strides = array<i32>} : memref<2600xf32, #tpu.memory_space<vmem>>, vector<16xf32>,
    %get3A_1203 = vector.shape_cast %get3A_1202 : vector<16xf32> to vector<16xf32>
    %mul3A_1204 = arith.mulf %get3A_1203, %get3A_1200 : vector<16xf32>
    %add3A_1205 = arith.addf %add3A_1167, %mul3A_1204 : vector<16xf32>
    %get3A_1206 = arith.constant 960 : index
    %get3A_1207 = tpu.vector_load %arg16[%get3A_1206] {strides = array<i32>} : memref<2600xf32, #tpu.memory_space<vmem>>, vector<16xf32>,
    %get3A_1208 = vector.shape_cast %get3A_1207 : vector<16xf32> to vector<16xf32>
    %mul3A_1209 = arith.mulf %get3A_1208, %get3A_1200 : vector<16xf32>
    %add3A_1210 = arith.addf %add3A_1172, %mul3A_1209 : vector<16xf32>
    %get3A_1211 = arith.constant 1480 : index
    %get3A_1212 = tpu.vector_load %arg16[%get3A_1211] {strides = array<i32>} : memref<2600xf32, #tpu.memory_space<vmem>>, vector<16xf32>,
    %get3A_1213 = vector.shape_cast %get3A_1212 : vector<16xf32> to vector<16xf32>
    %mul3A_1214 = arith.mulf %get3A_1213, %get3A_1200 : vector<16xf32>
    %add3A_1215 = arith.addf %add3A_1177, %mul3A_1214 : vector<16xf32>
    %get3A_1216 = arith.constant 2000 : index
    %get3A_1217 = tpu.vector_load %arg16[%get3A_1216] {strides = array<i32>} : memref<2600xf32, #tpu.memory_space<vmem>>, vector<16xf32>,
    %get3A_1218 = vector.shape_cast %get3A_1217 : vector<16xf32> to vector<16xf32>
    %mul3A_1219 = arith.mulf %get3A_1218, %get3A_1200 : vector<16xf32>
    %add3A_1220 = arith.addf %add3A_1182, %mul3A_1219 : vector<16xf32>
    %get3A_1221 = arith.constant 2520 : index
    %get3A_1222 = tpu.vector_load %arg16[%get3A_1221] {strides = array<i32>} : memref<2600xf32, #tpu.memory_space<vmem>>, vector<16xf32>,
    %get3A_1223 = vector.shape_cast %get3A_1222 : vector<16xf32> to vector<16xf32>
    %mul3A_1224 = arith.mulf %get3A_1223, %get3A_1200 : vector<16xf32>
    %add3A_1225 = arith.addf %add3A_1187, %mul3A_1224 : vector<16xf32>
    %get3A_1226 = arith.constant 448 : index
    %get3A_1227 = tpu.vector_load %arg17[%get3A_1226] {strides = array<i32>} : memref<528xf32, #tpu.memory_space<vmem>>, vector<16xf32>,
    %get3A_1228 = vector.shape_cast %get3A_1227 : vector<16xf32> to vector<16xf32>
    %mul3A_1229 = arith.mulf %get3A_1228, %get3A_1200 : vector<16xf32>
    %add3A_1230 = arith.addf %add3A_1192, %mul3A_1229 : vector<16xf32>
    %get3A_1231 = arith.constant 464 : index
    %get3A_1232 = tpu.vector_load %arg18[%get3A_1231] {strides = array<i32>} : memref<544xf32, #tpu.memory_space<vmem>>, vector<16xf32>,
    %get3A_1233 = vector.shape_cast %get3A_1232 : vector<16xf32> to vector<16xf32>
    %mul3A_1234 = arith.mulf %get3A_1233, %get3A_1200 : vector<16xf32>
    %add3A_1235 = arith.addf %add3A_1197, %mul3A_1234 : vector<16xf32>
    %get3A_1236 = arith.constant 448 : index
    %get3A_1237 = tpu.vector_load %arg13[%get3A_1236] {strides = array<i32>} : memref<512xf32, #tpu.memory_space<vmem>>, vector<16xf32>,
    %get3A_1238 = vector.shape_cast %get3A_1237 : vector<16xf32> to vector<16xf32>
    %get3A_1239 = arith.constant 456 : index
    %get3A_1240 = tpu.vector_load %arg16[%get3A_1239] {strides = array<i32>} : memref<2600xf32, #tpu.memory_space<vmem>>, vector<16xf32>,
    %get3A_1241 = vector.shape_cast %get3A_1240 : vector<16xf32> to vector<16xf32>
    %mul3A_1242 = arith.mulf %get3A_1241, %get3A_1238 : vector<16xf32>
    %add3A_1243 = arith.addf %add3A_1205, %mul3A_1242 : vector<16xf32>
    %get3A_1244 = arith.constant 976 : index
    %get3A_1245 = tpu.vector_load %arg16[%get3A_1244] {strides = array<i32>} : memref<2600xf32, #tpu.memory_space<vmem>>, vector<16xf32>,
    %get3A_1246 = vector.shape_cast %get3A_1245 : vector<16xf32> to vector<16xf32>
    %mul3A_1247 = arith.mulf %get3A_1246, %get3A_1238 : vector<16xf32>
    %add3A_1248 = arith.addf %add3A_1210, %mul3A_1247 : vector<16xf32>
    %get3A_1249 = arith.constant 1496 : index
    %get3A_1250 = tpu.vector_load %arg16[%get3A_1249] {strides = array<i32>} : memref<2600xf32, #tpu.memory_space<vmem>>, vector<16xf32>,
    %get3A_1251 = vector.shape_cast %get3A_1250 : vector<16xf32> to vector<16xf32>
    %mul3A_1252 = arith.mulf %get3A_1251, %get3A_1238 : vector<16xf32>
    %add3A_1253 = arith.addf %add3A_1215, %mul3A_1252 : vector<16xf32>
    %get3A_1254 = arith.constant 2016 : index
    %get3A_1255 = tpu.vector_load %arg16[%get3A_1254] {strides = array<i32>} : memref<2600xf32, #tpu.memory_space<vmem>>, vector<16xf32>,
    %get3A_1256 = vector.shape_cast %get3A_1255 : vector<16xf32> to vector<16xf32>
    %mul3A_1257 = arith.mulf %get3A_1256, %get3A_1238 : vector<16xf32>
    %add3A_1258 = arith.addf %add3A_1220, %mul3A_1257 : vector<16xf32>
    %get3A_1259 = arith.constant 2536 : index
    %get3A_1260 = tpu.vector_load %arg16[%get3A_1259] {strides = array<i32>} : memref<2600xf32, #tpu.memory_space<vmem>>, vector<16xf32>,
    %get3A_1261 = vector.shape_cast %get3A_1260 : vector<16xf32> to vector<16xf32>
    %mul3A_1262 = arith.mulf %get3A_1261, %get3A_1238 : vector<16xf32>
    %add3A_1263 = arith.addf %add3A_1225, %mul3A_1262 : vector<16xf32>
    %get3A_1264 = arith.constant 464 : index
    %get3A_1265 = tpu.vector_load %arg17[%get3A_1264] {strides = array<i32>} : memref<528xf32, #tpu.memory_space<vmem>>, vector<16xf32>,
    %get3A_1266 = vector.shape_cast %get3A_1265 : vector<16xf32> to vector<16xf32>
    %mul3A_1267 = arith.mulf %get3A_1266, %get3A_1238 : vector<16xf32>
    %add3A_1268 = arith.addf %add3A_1230, %mul3A_1267 : vector<16xf32>
    %get3A_1269 = arith.constant 480 : index
    %get3A_1270 = tpu.vector_load %arg18[%get3A_1269] {strides = array<i32>} : memref<544xf32, #tpu.memory_space<vmem>>, vector<16xf32>,
    %get3A_1271 = vector.shape_cast %get3A_1270 : vector<16xf32> to vector<16xf32>
    %mul3A_1272 = arith.mulf %get3A_1271, %get3A_1238 : vector<16xf32>
    %add3A_1273 = arith.addf %add3A_1235, %mul3A_1272 : vector<16xf32>
    %get3A_1274 = arith.constant 464 : index
    %get3A_1275 = tpu.vector_load %arg13[%get3A_1274] {strides = array<i32>} : memref<512xf32, #tpu.memory_space<vmem>>, vector<16xf32>,
    %get3A_1276 = vector.shape_cast %get3A_1275 : vector<16xf32> to vector<16xf32>
    %get3A_1277 = arith.constant 472 : index
    %get3A_1278 = tpu.vector_load %arg16[%get3A_1277] {strides = array<i32>} : memref<2600xf32, #tpu.memory_space<vmem>>, vector<16xf32>,
    %get3A_1279 = vector.shape_cast %get3A_1278 : vector<16xf32> to vector<16xf32>
    %mul3A_1280 = arith.mulf %get3A_1279, %get3A_1276 : vector<16xf32>
    %add3A_1281 = arith.addf %add3A_1243, %mul3A_1280 : vector<16xf32>
    %get3A_1282 = arith.constant 992 : index
    %get3A_1283 = tpu.vector_load %arg16[%get3A_1282] {strides = array<i32>} : memref<2600xf32, #tpu.memory_space<vmem>>, vector<16xf32>,
    %get3A_1284 = vector.shape_cast %get3A_1283 : vector<16xf32> to vector<16xf32>
    %mul3A_1285 = arith.mulf %get3A_1284, %get3A_1276 : vector<16xf32>
    %add3A_1286 = arith.addf %add3A_1248, %mul3A_1285 : vector<16xf32>
    %get3A_1287 = arith.constant 1512 : index
    %get3A_1288 = tpu.vector_load %arg16[%get3A_1287] {strides = array<i32>} : memref<2600xf32, #tpu.memory_space<vmem>>, vector<16xf32>,
    %get3A_1289 = vector.shape_cast %get3A_1288 : vector<16xf32> to vector<16xf32>
    %mul3A_1290 = arith.mulf %get3A_1289, %get3A_1276 : vector<16xf32>
    %add3A_1291 = arith.addf %add3A_1253, %mul3A_1290 : vector<16xf32>
    %get3A_1292 = arith.constant 2032 : index
    %get3A_1293 = tpu.vector_load %arg16[%get3A_1292] {strides = array<i32>} : memref<2600xf32, #tpu.memory_space<vmem>>, vector<16xf32>,
    %get3A_1294 = vector.shape_cast %get3A_1293 : vector<16xf32> to vector<16xf32>
    %mul3A_1295 = arith.mulf %get3A_1294, %get3A_1276 : vector<16xf32>
    %add3A_1296 = arith.addf %add3A_1258, %mul3A_1295 : vector<16xf32>
    %get3A_1297 = arith.constant 2552 : index
    %get3A_1298 = tpu.vector_load %arg16[%get3A_1297] {strides = array<i32>} : memref<2600xf32, #tpu.memory_space<vmem>>, vector<16xf32>,
    %get3A_1299 = vector.shape_cast %get3A_1298 : vector<16xf32> to vector<16xf32>
    %mul3A_1300 = arith.mulf %get3A_1299, %get3A_1276 : vector<16xf32>
    %add3A_1301 = arith.addf %add3A_1263, %mul3A_1300 : vector<16xf32>
    %get3A_1302 = arith.constant 480 : index
    %get3A_1303 = tpu.vector_load %arg17[%get3A_1302] {strides = array<i32>} : memref<528xf32, #tpu.memory_space<vmem>>, vector<16xf32>,
    %get3A_1304 = vector.shape_cast %get3A_1303 : vector<16xf32> to vector<16xf32>
    %mul3A_1305 = arith.mulf %get3A_1304, %get3A_1276 : vector<16xf32>
    %add3A_1306 = arith.addf %add3A_1268, %mul3A_1305 : vector<16xf32>
    %get3A_1307 = arith.constant 496 : index
    %get3A_1308 = tpu.vector_load %arg18[%get3A_1307] {strides = array<i32>} : memref<544xf32, #tpu.memory_space<vmem>>, vector<16xf32>,
    %get3A_1309 = vector.shape_cast %get3A_1308 : vector<16xf32> to vector<16xf32>
    %mul3A_1310 = arith.mulf %get3A_1309, %get3A_1276 : vector<16xf32>
    %add3A_1311 = arith.addf %add3A_1273, %mul3A_1310 : vector<16xf32>
    %get3A_1312 = arith.constant 480 : index
    %get3A_1313 = tpu.vector_load %arg13[%get3A_1312] {strides = array<i32>} : memref<512xf32, #tpu.memory_space<vmem>>, vector<16xf32>,
    %get3A_1314 = vector.shape_cast %get3A_1313 : vector<16xf32> to vector<16xf32>
    %get3A_1315 = arith.constant 488 : index
    %get3A_1316 = tpu.vector_load %arg16[%get3A_1315] {strides = array<i32>} : memref<2600xf32, #tpu.memory_space<vmem>>, vector<16xf32>,
    %get3A_1317 = vector.shape_cast %get3A_1316 : vector<16xf32> to vector<16xf32>
    %mul3A_1318 = arith.mulf %get3A_1317, %get3A_1314 : vector<16xf32>
    %add3A_1319 = arith.addf %add3A_1281, %mul3A_1318 : vector<16xf32>
    %get3A_1320 = arith.constant 1008 : index
    %get3A_1321 = tpu.vector_load %arg16[%get3A_1320] {strides = array<i32>} : memref<2600xf32, #tpu.memory_space<vmem>>, vector<16xf32>,
    %get3A_1322 = vector.shape_cast %get3A_1321 : vector<16xf32> to vector<16xf32>
    %mul3A_1323 = arith.mulf %get3A_1322, %get3A_1314 : vector<16xf32>
    %add3A_1324 = arith.addf %add3A_1286, %mul3A_1323 : vector<16xf32>
    %get3A_1325 = arith.constant 1528 : index
    %get3A_1326 = tpu.vector_load %arg16[%get3A_1325] {strides = array<i32>} : memref<2600xf32, #tpu.memory_space<vmem>>, vector<16xf32>,
    %get3A_1327 = vector.shape_cast %get3A_1326 : vector<16xf32> to vector<16xf32>
    %mul3A_1328 = arith.mulf %get3A_1327, %get3A_1314 : vector<16xf32>
    %add3A_1329 = arith.addf %add3A_1291, %mul3A_1328 : vector<16xf32>
    %get3A_1330 = arith.constant 2048 : index
    %get3A_1331 = tpu.vector_load %arg16[%get3A_1330] {strides = array<i32>} : memref<2600xf32, #tpu.memory_space<vmem>>, vector<16xf32>,
    %get3A_1332 = vector.shape_cast %get3A_1331 : vector<16xf32> to vector<16xf32>
    %mul3A_1333 = arith.mulf %get3A_1332, %get3A_1314 : vector<16xf32>
    %add3A_1334 = arith.addf %add3A_1296, %mul3A_1333 : vector<16xf32>
    %get3A_1335 = arith.constant 2568 : index
    %get3A_1336 = tpu.vector_load %arg16[%get3A_1335] {strides = array<i32>} : memref<2600xf32, #tpu.memory_space<vmem>>, vector<16xf32>,
    %get3A_1337 = vector.shape_cast %get3A_1336 : vector<16xf32> to vector<16xf32>
    %mul3A_1338 = arith.mulf %get3A_1337, %get3A_1314 : vector<16xf32>
    %add3A_1339 = arith.addf %add3A_1301, %mul3A_1338 : vector<16xf32>
    %get3A_1340 = arith.constant 496 : index
    %get3A_1341 = tpu.vector_load %arg17[%get3A_1340] {strides = array<i32>} : memref<528xf32, #tpu.memory_space<vmem>>, vector<16xf32>,
    %get3A_1342 = vector.shape_cast %get3A_1341 : vector<16xf32> to vector<16xf32>
    %mul3A_1343 = arith.mulf %get3A_1342, %get3A_1314 : vector<16xf32>
    %add3A_1344 = arith.addf %add3A_1306, %mul3A_1343 : vector<16xf32>
    %get3A_1345 = arith.constant 512 : index
    %get3A_1346 = tpu.vector_load %arg18[%get3A_1345] {strides = array<i32>} : memref<544xf32, #tpu.memory_space<vmem>>, vector<16xf32>,
    %get3A_1347 = vector.shape_cast %get3A_1346 : vector<16xf32> to vector<16xf32>
    %mul3A_1348 = arith.mulf %get3A_1347, %get3A_1314 : vector<16xf32>
    %add3A_1349 = arith.addf %add3A_1311, %mul3A_1348 : vector<16xf32>
    %get3A_1350 = arith.constant 496 : index
    %get3A_1351 = tpu.vector_load %arg13[%get3A_1350] {strides = array<i32>} : memref<512xf32, #tpu.memory_space<vmem>>, vector<16xf32>,
    %get3A_1352 = vector.shape_cast %get3A_1351 : vector<16xf32> to vector<16xf32>
    %get3A_1353 = arith.constant 504 : index
    %get3A_1354 = tpu.vector_load %arg16[%get3A_1353] {strides = array<i32>} : memref<2600xf32, #tpu.memory_space<vmem>>, vector<16xf32>,
    %get3A_1355 = vector.shape_cast %get3A_1354 : vector<16xf32> to vector<16xf32>
    %mul3A_1356 = arith.mulf %get3A_1355, %get3A_1352 : vector<16xf32>
    %add3A_1357 = arith.addf %add3A_1319, %mul3A_1356 : vector<16xf32>
    %get3A_1358 = arith.constant 1024 : index
    %get3A_1359 = tpu.vector_load %arg16[%get3A_1358] {strides = array<i32>} : memref<2600xf32, #tpu.memory_space<vmem>>, vector<16xf32>,
    %get3A_1360 = vector.shape_cast %get3A_1359 : vector<16xf32> to vector<16xf32>
    %mul3A_1361 = arith.mulf %get3A_1360, %get3A_1352 : vector<16xf32>
    %add3A_1362 = arith.addf %add3A_1324, %mul3A_1361 : vector<16xf32>
    %get3A_1363 = arith.constant 1544 : index
    %get3A_1364 = tpu.vector_load %arg16[%get3A_1363] {strides = array<i32>} : memref<2600xf32, #tpu.memory_space<vmem>>, vector<16xf32>,
    %get3A_1365 = vector.shape_cast %get3A_1364 : vector<16xf32> to vector<16xf32>
    %mul3A_1366 = arith.mulf %get3A_1365, %get3A_1352 : vector<16xf32>
    %add3A_1367 = arith.addf %add3A_1329, %mul3A_1366 : vector<16xf32>
    %get3A_1368 = arith.constant 2064 : index
    %get3A_1369 = tpu.vector_load %arg16[%get3A_1368] {strides = array<i32>} : memref<2600xf32, #tpu.memory_space<vmem>>, vector<16xf32>,
    %get3A_1370 = vector.shape_cast %get3A_1369 : vector<16xf32> to vector<16xf32>
    %mul3A_1371 = arith.mulf %get3A_1370, %get3A_1352 : vector<16xf32>
    %add3A_1372 = arith.addf %add3A_1334, %mul3A_1371 : vector<16xf32>
    %get3A_1373 = arith.constant 2584 : index
    %get3A_1374 = tpu.vector_load %arg16[%get3A_1373] {strides = array<i32>} : memref<2600xf32, #tpu.memory_space<vmem>>, vector<16xf32>,
    %get3A_1375 = vector.shape_cast %get3A_1374 : vector<16xf32> to vector<16xf32>
    %mul3A_1376 = arith.mulf %get3A_1375, %get3A_1352 : vector<16xf32>
    %add3A_1377 = arith.addf %add3A_1339, %mul3A_1376 : vector<16xf32>
    %get3A_1378 = arith.constant 512 : index
    %get3A_1379 = tpu.vector_load %arg17[%get3A_1378] {strides = array<i32>} : memref<528xf32, #tpu.memory_space<vmem>>, vector<16xf32>,
    %get3A_1380 = vector.shape_cast %get3A_1379 : vector<16xf32> to vector<16xf32>
    %mul3A_1381 = arith.mulf %get3A_1380, %get3A_1352 : vector<16xf32>
    %add3A_1382 = arith.addf %add3A_1344, %mul3A_1381 : vector<16xf32>
    %get3A_1383 = arith.constant 528 : index
    %get3A_1384 = tpu.vector_load %arg18[%get3A_1383] {strides = array<i32>} : memref<544xf32, #tpu.memory_space<vmem>>, vector<16xf32>,
    %get3A_1385 = vector.shape_cast %get3A_1384 : vector<16xf32> to vector<16xf32>
    %mul3A_1386 = arith.mulf %get3A_1385, %get3A_1352 : vector<16xf32>
    %add3A_1387 = arith.addf %add3A_1349, %mul3A_1386 : vector<16xf32>
    %add3A_1388 = arith.constant 0 : i32
    %add3A_1389 = arith.addi %add3A_1388, %shift_right_logical3A_7 : i32
    %get3A_1390 = arith.constant 0 : index
    %get3A_1391 = tpu.vector_load %arg16[%get3A_1390] {strides = array<i32>} : memref<2600xf32, #tpu.memory_space<vmem>>, vector<16xf32>,
    %get3A_1392 = vector.shape_cast %get3A_1391 : vector<16xf32> to vector<16xf32>
    %mul3A_1393 = arith.mulf %get3A_1392, %select_n3A : vector<16xf32>
    %get3A_1394 = arith.index_cast %add3A_1389 : i32 to index
    %get3A_1395 = tpu.vector_load %arg15[%get3A_1394] {strides = array<i32>} : memref<127xf32, #tpu.memory_space<vmem>>, vector<16xf32>,
    %get3A_1396 = vector.shape_cast %get3A_1395 : vector<16xf32> to vector<16xf32>
    %jit3A_1397 = arith.constant 0.000000e+00 : f32
    %broadcast_in_dim3A_1398 = vector.broadcast %jit3A_1397 : f32 to vector<16xf32>
    %select_n3A_1399 = arith.select %eq3A_149, %get3A_1396, %broadcast_in_dim3A_1398 : vector<16xi1>, vector<16xf32>
    %add3A_1400 = arith.addf %mul3A_1393, %select_n3A_1399 : vector<16xf32>
    %jit3A_1401 = arith.constant 0.000000e+00 : f32
    %broadcast_in_dim3A_1402 = vector.broadcast %jit3A_1401 : f32 to vector<16xf32>
    %select_n3A_1403 = arith.select %eq3A_9, %add3A_1400, %broadcast_in_dim3A_1402 : vector<16xf32>
    %add3A_1404 = arith.addf %add3A_1357, %select_n3A_1403 : vector<16xf32>
    %iota3A_1405 = tpu.iota {dimensions = array<i32: 0>} : vector<16xi32>
    %xor3A = arith.constant 8 : i32
    %xor3A_1406 = vector.broadcast %xor3A : i32 to vector<16xi32>
    %xor3A_1407 = arith.xori %iota3A_1405, %xor3A_1406 : vector<16xi32>
    %lt3A_1408 = arith.constant 0 : i32
    %lt3A_1409 = vector.broadcast %lt3A_1408 : i32 to vector<16xi32>
    %lt3A_1410 = arith.cmpi slt, %xor3A_1407, %lt3A_1409 : vector<16xi32>
    %add3A_1411 = arith.constant 16 : i32
    %add3A_1412 = vector.broadcast %add3A_1411 : i32 to vector<16xi32>
    %add3A_1413 = arith.addi %xor3A_1407, %add3A_1412 : vector<16xi32>
    %select_n3A_1414 = arith.select %lt3A_1410, %add3A_1413, %xor3A_1407 : vector<16xi1>, vector<16xi32>
    %broadcast_in_dim3A_1415 = vector.shape_cast %select_n3A_1414 : vector<16xi32> to vector<16x1xi32>
    %gather3A = vector.shape_cast %broadcast_in_dim3A_1415 : vector<16x1xi32> to vector<16xi32>
    %gather3A_1416 = tpu.dynamic_gather %add3A_1404[%gather3A] in [0] : vector<16xf32>, vector<16xi32> -> vector<16xf32>
    %add3A_1417 = arith.addf %add3A_1404, %gather3A_1416 : vector<16xf32>
    %xor3A_1418 = arith.constant 4 : i32
    %xor3A_1419 = vector.broadcast %xor3A_1418 : i32 to vector<16xi32>
    %xor3A_1420 = arith.xori %iota3A_1405, %xor3A_1419 : vector<16xi32>
    %lt3A_1421 = arith.constant 0 : i32
    %lt3A_1422 = vector.broadcast %lt3A_1421 : i32 to vector<16xi32>
    %lt3A_1423 = arith.cmpi slt, %xor3A_1420, %lt3A_1422 : vector<16xi32>
    %add3A_1424 = arith.constant 16 : i32
    %add3A_1425 = vector.broadcast %add3A_1424 : i32 to vector<16xi32>
    %add3A_1426 = arith.addi %xor3A_1420, %add3A_1425 : vector<16xi32>
    %select_n3A_1427 = arith.select %lt3A_1423, %add3A_1426, %xor3A_1420 : vector<16xi1>, vector<16xi32>
    %broadcast_in_dim3A_1428 = vector.shape_cast %select_n3A_1427 : vector<16xi32> to vector<16x1xi32>
    %gather3A_1429 = vector.shape_cast %broadcast_in_dim3A_1428 : vector<16x1xi32> to vector<16xi32>
    %gather3A_1430 = tpu.dynamic_gather %add3A_1417[%gather3A_1429] in [0] : vector<16xf32>, vector<16xi32> -> vector<16xf32>
    %add3A_1431 = arith.addf %add3A_1417, %gather3A_1430 : vector<16xf32>
    %xor3A_1432 = arith.constant 2 : i32
    %xor3A_1433 = vector.broadcast %xor3A_1432 : i32 to vector<16xi32>
    %xor3A_1434 = arith.xori %iota3A_1405, %xor3A_1433 : vector<16xi32>
    %lt3A_1435 = arith.constant 0 : i32
    %lt3A_1436 = vector.broadcast %lt3A_1435 : i32 to vector<16xi32>
    %lt3A_1437 = arith.cmpi slt, %xor3A_1434, %lt3A_1436 : vector<16xi32>
    %add3A_1438 = arith.constant 16 : i32
    %add3A_1439 = vector.broadcast %add3A_1438 : i32 to vector<16xi32>
    %add3A_1440 = arith.addi %xor3A_1434, %add3A_1439 : vector<16xi32>
    %select_n3A_1441 = arith.select %lt3A_1437, %add3A_1440, %xor3A_1434 : vector<16xi1>, vector<16xi32>
    %broadcast_in_dim3A_1442 = vector.shape_cast %select_n3A_1441 : vector<16xi32> to vector<16x1xi32>
    %gather3A_1443 = vector.shape_cast %broadcast_in_dim3A_1442 : vector<16x1xi32> to vector<16xi32>
    %gather3A_1444 = tpu.dynamic_gather %add3A_1431[%gather3A_1443] in [0] : vector<16xf32>, vector<16xi32> -> vector<16xf32>
    %add3A_1445 = arith.addf %add3A_1431, %gather3A_1444 : vector<16xf32>
    %xor3A_1446 = arith.constant 1 : i32
    %xor3A_1447 = vector.broadcast %xor3A_1446 : i32 to vector<16xi32>
    %xor3A_1448 = arith.xori %iota3A_1405, %xor3A_1447 : vector<16xi32>
    %lt3A_1449 = arith.constant 0 : i32
    %lt3A_1450 = vector.broadcast %lt3A_1449 : i32 to vector<16xi32>
    %lt3A_1451 = arith.cmpi slt, %xor3A_1448, %lt3A_1450 : vector<16xi32>
    %add3A_1452 = arith.constant 16 : i32
    %add3A_1453 = vector.broadcast %add3A_1452 : i32 to vector<16xi32>
    %add3A_1454 = arith.addi %xor3A_1448, %add3A_1453 : vector<16xi32>
    %select_n3A_1455 = arith.select %lt3A_1451, %add3A_1454, %xor3A_1448 : vector<16xi1>, vector<16xi32>
    %broadcast_in_dim3A_1456 = vector.shape_cast %select_n3A_1455 : vector<16xi32> to vector<16x1xi32>
    %gather3A_1457 = vector.shape_cast %broadcast_in_dim3A_1456 : vector<16x1xi32> to vector<16xi32>
    %gather3A_1458 = tpu.dynamic_gather %add3A_1445[%gather3A_1457] in [0] : vector<16xf32>, vector<16xi32> -> vector<16xf32>
    %add3A_1459 = arith.addf %add3A_1445, %gather3A_1458 : vector<16xf32>
    %eq3A_1460 = vector.broadcast %shift_right_logical3A_7 : i32 to vector<16xi32>
    %eq3A_1461 = arith.cmpi eq, %iota3A, %eq3A_1460 : vector<16xi32>
    %jit3A_1462 = arith.constant 0.000000e+00 : f32
    %broadcast_in_dim3A_1463 = vector.broadcast %jit3A_1462 : f32 to vector<16xf32>
    %select_n3A_1464 = arith.select %eq3A_1461, %add3A_1459, %broadcast_in_dim3A_1463 : vector<16xi1>, vector<16xf32>
    %swap3A = arith.constant 0 : index
    %swap3A_1465 = tpu.vector_load %arg19[%swap3A] {strides = array<i32>} : memref<112xf32, #tpu.memory_space<vmem>>, vector<16xf32>,
    %swap3A_1466 = vector.shape_cast %swap3A_1465 : vector<16xf32> to vector<16xf32>
    %swap3A_1467 = vector.shape_cast %select_n3A_1464 : vector<16xf32> to vector<16xf32>
    tpu.vector_store %arg19[%swap3A], %swap3A_1467 {strides = array<i32>} : memref<112xf32, #tpu.memory_space<vmem>>, vector<16xf32>,
    %add3A_1468 = arith.constant 1 : i32
    %add3A_1469 = arith.addi %add3A_1468, %shift_right_logical3A_22 : i32
    %get3A_1470 = arith.constant 520 : index
    %get3A_1471 = tpu.vector_load %arg16[%get3A_1470] {strides = array<i32>} : memref<2600xf32, #tpu.memory_space<vmem>>, vector<16xf32>,
    %get3A_1472 = vector.shape_cast %get3A_1471 : vector<16xf32> to vector<16xf32>
    %mul3A_1473 = arith.mulf %get3A_1472, %select_n3A : vector<16xf32>
    %get3A_1474 = arith.index_cast %add3A_1469 : i32 to index
    %get3A_1475 = tpu.vector_load %arg15[%get3A_1474] {strides = array<i32>} : memref<127xf32, #tpu.memory_space<vmem>>, vector<16xf32>,
    %get3A_1476 = vector.shape_cast %get3A_1475 : vector<16xf32> to vector<16xf32>
    %jit3A_1477 = arith.constant 0.000000e+00 : f32
    %broadcast_in_dim3A_1478 = vector.broadcast %jit3A_1477 : f32 to vector<16xf32>
    %select_n3A_1479 = arith.select %eq3A_149, %get3A_1476, %broadcast_in_dim3A_1478 : vector<16xi1>, vector<16xf32>
    %add3A_1480 = arith.addf %mul3A_1473, %select_n3A_1479 : vector<16xf32>
    %jit3A_1481 = arith.constant 0.000000e+00 : f32
    %broadcast_in_dim3A_1482 = vector.broadcast %jit3A_1481 : f32 to vector<16xf32>
    %select_n3A_1483 = arith.select %eq3A_26, %add3A_1480, %broadcast_in_dim3A_1482 : vector<16xf32>
    %add3A_1484 = arith.addf %add3A_1362, %select_n3A_1483 : vector<16xf32>
    %iota3A_1485 = tpu.iota {dimensions = array<i32: 0>} : vector<16xi32>
    %xor3A_1486 = arith.constant 8 : i32
    %xor3A_1487 = vector.broadcast %xor3A_1486 : i32 to vector<16xi32>
    %xor3A_1488 = arith.xori %iota3A_1485, %xor3A_1487 : vector<16xi32>
    %lt3A_1489 = arith.constant 0 : i32
    %lt3A_1490 = vector.broadcast %lt3A_1489 : i32 to vector<16xi32>
    %lt3A_1491 = arith.cmpi slt, %xor3A_1488, %lt3A_1490 : vector<16xi32>
    %add3A_1492 = arith.constant 16 : i32
    %add3A_1493 = vector.broadcast %add3A_1492 : i32 to vector<16xi32>
    %add3A_1494 = arith.addi %xor3A_1488, %add3A_1493 : vector<16xi32>
    %select_n3A_1495 = arith.select %lt3A_1491, %add3A_1494, %xor3A_1488 : vector<16xi1>, vector<16xi32>
    %broadcast_in_dim3A_1496 = vector.shape_cast %select_n3A_1495 : vector<16xi32> to vector<16x1xi32>
    %gather3A_1497 = vector.shape_cast %broadcast_in_dim3A_1496 : vector<16x1xi32> to vector<16xi32>
    %gather3A_1498 = tpu.dynamic_gather %add3A_1484[%gather3A_1497] in [0] : vector<16xf32>, vector<16xi32> -> vector<16xf32>
    %add3A_1499 = arith.addf %add3A_1484, %gather3A_1498 : vector<16xf32>
    %xor3A_1500 = arith.constant 4 : i32
    %xor3A_1501 = vector.broadcast %xor3A_1500 : i32 to vector<16xi32>
    %xor3A_1502 = arith.xori %iota3A_1485, %xor3A_1501 : vector<16xi32>
    %lt3A_1503 = arith.constant 0 : i32
    %lt3A_1504 = vector.broadcast %lt3A_1503 : i32 to vector<16xi32>
    %lt3A_1505 = arith.cmpi slt, %xor3A_1502, %lt3A_1504 : vector<16xi32>
    %add3A_1506 = arith.constant 16 : i32
    %add3A_1507 = vector.broadcast %add3A_1506 : i32 to vector<16xi32>
    %add3A_1508 = arith.addi %xor3A_1502, %add3A_1507 : vector<16xi32>
    %select_n3A_1509 = arith.select %lt3A_1505, %add3A_1508, %xor3A_1502 : vector<16xi1>, vector<16xi32>
    %broadcast_in_dim3A_1510 = vector.shape_cast %select_n3A_1509 : vector<16xi32> to vector<16x1xi32>
    %gather3A_1511 = vector.shape_cast %broadcast_in_dim3A_1510 : vector<16x1xi32> to vector<16xi32>
    %gather3A_1512 = tpu.dynamic_gather %add3A_1499[%gather3A_1511] in [0] : vector<16xf32>, vector<16xi32> -> vector<16xf32>
    %add3A_1513 = arith.addf %add3A_1499, %gather3A_1512 : vector<16xf32>
    %xor3A_1514 = arith.constant 2 : i32
    %xor3A_1515 = vector.broadcast %xor3A_1514 : i32 to vector<16xi32>
    %xor3A_1516 = arith.xori %iota3A_1485, %xor3A_1515 : vector<16xi32>
    %lt3A_1517 = arith.constant 0 : i32
    %lt3A_1518 = vector.broadcast %lt3A_1517 : i32 to vector<16xi32>
    %lt3A_1519 = arith.cmpi slt, %xor3A_1516, %lt3A_1518 : vector<16xi32>
    %add3A_1520 = arith.constant 16 : i32
    %add3A_1521 = vector.broadcast %add3A_1520 : i32 to vector<16xi32>
    %add3A_1522 = arith.addi %xor3A_1516, %add3A_1521 : vector<16xi32>
    %select_n3A_1523 = arith.select %lt3A_1519, %add3A_1522, %xor3A_1516 : vector<16xi1>, vector<16xi32>
    %broadcast_in_dim3A_1524 = vector.shape_cast %select_n3A_1523 : vector<16xi32> to vector<16x1xi32>
    %gather3A_1525 = vector.shape_cast %broadcast_in_dim3A_1524 : vector<16x1xi32> to vector<16xi32>
    %gather3A_1526 = tpu.dynamic_gather %add3A_1513[%gather3A_1525] in [0] : vector<16xf32>, vector<16xi32> -> vector<16xf32>
    %add3A_1527 = arith.addf %add3A_1513, %gather3A_1526 : vector<16xf32>
    %xor3A_1528 = arith.constant 1 : i32
    %xor3A_1529 = vector.broadcast %xor3A_1528 : i32 to vector<16xi32>
    %xor3A_1530 = arith.xori %iota3A_1485, %xor3A_1529 : vector<16xi32>
    %lt3A_1531 = arith.constant 0 : i32
    %lt3A_1532 = vector.broadcast %lt3A_1531 : i32 to vector<16xi32>
    %lt3A_1533 = arith.cmpi slt, %xor3A_1530, %lt3A_1532 : vector<16xi32>
    %add3A_1534 = arith.constant 16 : i32
    %add3A_1535 = vector.broadcast %add3A_1534 : i32 to vector<16xi32>
    %add3A_1536 = arith.addi %xor3A_1530, %add3A_1535 : vector<16xi32>
    %select_n3A_1537 = arith.select %lt3A_1533, %add3A_1536, %xor3A_1530 : vector<16xi1>, vector<16xi32>
    %broadcast_in_dim3A_1538 = vector.shape_cast %select_n3A_1537 : vector<16xi32> to vector<16x1xi32>
    %gather3A_1539 = vector.shape_cast %broadcast_in_dim3A_1538 : vector<16x1xi32> to vector<16xi32>
    %gather3A_1540 = tpu.dynamic_gather %add3A_1527[%gather3A_1539] in [0] : vector<16xf32>, vector<16xi32> -> vector<16xf32>
    %add3A_1541 = arith.addf %add3A_1527, %gather3A_1540 : vector<16xf32>
    %eq3A_1542 = vector.broadcast %shift_right_logical3A_22 : i32 to vector<16xi32>
    %eq3A_1543 = arith.cmpi eq, %iota3A, %eq3A_1542 : vector<16xi32>
    %jit3A_1544 = arith.constant 0.000000e+00 : f32
    %broadcast_in_dim3A_1545 = vector.broadcast %jit3A_1544 : f32 to vector<16xf32>
    %select_n3A_1546 = arith.select %eq3A_1543, %add3A_1541, %broadcast_in_dim3A_1545 : vector<16xi1>, vector<16xf32>
    %swap3A_1547 = arith.constant 16 : index
    %swap3A_1548 = tpu.vector_load %arg19[%swap3A_1547] {strides = array<i32>} : memref<112xf32, #tpu.memory_space<vmem>>, vector<16xf32>,
    %swap3A_1549 = vector.shape_cast %swap3A_1548 : vector<16xf32> to vector<16xf32>
    %swap3A_1550 = vector.shape_cast %select_n3A_1546 : vector<16xf32> to vector<16xf32>
    tpu.vector_store %arg19[%swap3A_1547], %swap3A_1550 {strides = array<i32>} : memref<112xf32, #tpu.memory_space<vmem>>, vector<16xf32>,
    %add3A_1551 = arith.constant 3 : i32
    %add3A_1552 = arith.addi %add3A_1551, %shift_right_logical3A_39 : i32
    %get3A_1553 = arith.constant 1040 : index
    %get3A_1554 = tpu.vector_load %arg16[%get3A_1553] {strides = array<i32>} : memref<2600xf32, #tpu.memory_space<vmem>>, vector<16xf32>,
    %get3A_1555 = vector.shape_cast %get3A_1554 : vector<16xf32> to vector<16xf32>
    %mul3A_1556 = arith.mulf %get3A_1555, %select_n3A : vector<16xf32>
    %get3A_1557 = arith.index_cast %add3A_1552 : i32 to index
    %get3A_1558 = tpu.vector_load %arg15[%get3A_1557] {strides = array<i32>} : memref<127xf32, #tpu.memory_space<vmem>>, vector<16xf32>,
    %get3A_1559 = vector.shape_cast %get3A_1558 : vector<16xf32> to vector<16xf32>
    %jit3A_1560 = arith.constant 0.000000e+00 : f32
    %broadcast_in_dim3A_1561 = vector.broadcast %jit3A_1560 : f32 to vector<16xf32>
    %select_n3A_1562 = arith.select %eq3A_149, %get3A_1559, %broadcast_in_dim3A_1561 : vector<16xi1>, vector<16xf32>
    %add3A_1563 = arith.addf %mul3A_1556, %select_n3A_1562 : vector<16xf32>
    %jit3A_1564 = arith.constant 0.000000e+00 : f32
    %broadcast_in_dim3A_1565 = vector.broadcast %jit3A_1564 : f32 to vector<16xf32>
    %select_n3A_1566 = arith.select %eq3A_43, %add3A_1563, %broadcast_in_dim3A_1565 : vector<16xf32>
    %add3A_1567 = arith.addf %add3A_1367, %select_n3A_1566 : vector<16xf32>
    %iota3A_1568 = tpu.iota {dimensions = array<i32: 0>} : vector<16xi32>
    %xor3A_1569 = arith.constant 8 : i32
    %xor3A_1570 = vector.broadcast %xor3A_1569 : i32 to vector<16xi32>
    %xor3A_1571 = arith.xori %iota3A_1568, %xor3A_1570 : vector<16xi32>
    %lt3A_1572 = arith.constant 0 : i32
    %lt3A_1573 = vector.broadcast %lt3A_1572 : i32 to vector<16xi32>
    %lt3A_1574 = arith.cmpi slt, %xor3A_1571, %lt3A_1573 : vector<16xi32>
    %add3A_1575 = arith.constant 16 : i32
    %add3A_1576 = vector.broadcast %add3A_1575 : i32 to vector<16xi32>
    %add3A_1577 = arith.addi %xor3A_1571, %add3A_1576 : vector<16xi32>
    %select_n3A_1578 = arith.select %lt3A_1574, %add3A_1577, %xor3A_1571 : vector<16xi1>, vector<16xi32>
    %broadcast_in_dim3A_1579 = vector.shape_cast %select_n3A_1578 : vector<16xi32> to vector<16x1xi32>
    %gather3A_1580 = vector.shape_cast %broadcast_in_dim3A_1579 : vector<16x1xi32> to vector<16xi32>
    %gather3A_1581 = tpu.dynamic_gather %add3A_1567[%gather3A_1580] in [0] : vector<16xf32>, vector<16xi32> -> vector<16xf32>
    %add3A_1582 = arith.addf %add3A_1567, %gather3A_1581 : vector<16xf32>
    %xor3A_1583 = arith.constant 4 : i32
    %xor3A_1584 = vector.broadcast %xor3A_1583 : i32 to vector<16xi32>
    %xor3A_1585 = arith.xori %iota3A_1568, %xor3A_1584 : vector<16xi32>
    %lt3A_1586 = arith.constant 0 : i32
    %lt3A_1587 = vector.broadcast %lt3A_1586 : i32 to vector<16xi32>
    %lt3A_1588 = arith.cmpi slt, %xor3A_1585, %lt3A_1587 : vector<16xi32>
    %add3A_1589 = arith.constant 16 : i32
    %add3A_1590 = vector.broadcast %add3A_1589 : i32 to vector<16xi32>
    %add3A_1591 = arith.addi %xor3A_1585, %add3A_1590 : vector<16xi32>
    %select_n3A_1592 = arith.select %lt3A_1588, %add3A_1591, %xor3A_1585 : vector<16xi1>, vector<16xi32>
    %broadcast_in_dim3A_1593 = vector.shape_cast %select_n3A_1592 : vector<16xi32> to vector<16x1xi32>
    %gather3A_1594 = vector.shape_cast %broadcast_in_dim3A_1593 : vector<16x1xi32> to vector<16xi32>
    %gather3A_1595 = tpu.dynamic_gather %add3A_1582[%gather3A_1594] in [0] : vector<16xf32>, vector<16xi32> -> vector<16xf32>
    %add3A_1596 = arith.addf %add3A_1582, %gather3A_1595 : vector<16xf32>
    %xor3A_1597 = arith.constant 2 : i32
    %xor3A_1598 = vector.broadcast %xor3A_1597 : i32 to vector<16xi32>
    %xor3A_1599 = arith.xori %iota3A_1568, %xor3A_1598 : vector<16xi32>
    %lt3A_1600 = arith.constant 0 : i32
    %lt3A_1601 = vector.broadcast %lt3A_1600 : i32 to vector<16xi32>
    %lt3A_1602 = arith.cmpi slt, %xor3A_1599, %lt3A_1601 : vector<16xi32>
    %add3A_1603 = arith.constant 16 : i32
    %add3A_1604 = vector.broadcast %add3A_1603 : i32 to vector<16xi32>
    %add3A_1605 = arith.addi %xor3A_1599, %add3A_1604 : vector<16xi32>
    %select_n3A_1606 = arith.select %lt3A_1602, %add3A_1605, %xor3A_1599 : vector<16xi1>, vector<16xi32>
    %broadcast_in_dim3A_1607 = vector.shape_cast %select_n3A_1606 : vector<16xi32> to vector<16x1xi32>
    %gather3A_1608 = vector.shape_cast %broadcast_in_dim3A_1607 : vector<16x1xi32> to vector<16xi32>
    %gather3A_1609 = tpu.dynamic_gather %add3A_1596[%gather3A_1608] in [0] : vector<16xf32>, vector<16xi32> -> vector<16xf32>
    %add3A_1610 = arith.addf %add3A_1596, %gather3A_1609 : vector<16xf32>
    %xor3A_1611 = arith.constant 1 : i32
    %xor3A_1612 = vector.broadcast %xor3A_1611 : i32 to vector<16xi32>
    %xor3A_1613 = arith.xori %iota3A_1568, %xor3A_1612 : vector<16xi32>
    %lt3A_1614 = arith.constant 0 : i32
    %lt3A_1615 = vector.broadcast %lt3A_1614 : i32 to vector<16xi32>
    %lt3A_1616 = arith.cmpi slt, %xor3A_1613, %lt3A_1615 : vector<16xi32>
    %add3A_1617 = arith.constant 16 : i32
    %add3A_1618 = vector.broadcast %add3A_1617 : i32 to vector<16xi32>
    %add3A_1619 = arith.addi %xor3A_1613, %add3A_1618 : vector<16xi32>
    %select_n3A_1620 = arith.select %lt3A_1616, %add3A_1619, %xor3A_1613 : vector<16xi1>, vector<16xi32>
    %broadcast_in_dim3A_1621 = vector.shape_cast %select_n3A_1620 : vector<16xi32> to vector<16x1xi32>
    %gather3A_1622 = vector.shape_cast %broadcast_in_dim3A_1621 : vector<16x1xi32> to vector<16xi32>
    %gather3A_1623 = tpu.dynamic_gather %add3A_1610[%gather3A_1622] in [0] : vector<16xf32>, vector<16xi32> -> vector<16xf32>
    %add3A_1624 = arith.addf %add3A_1610, %gather3A_1623 : vector<16xf32>
    %eq3A_1625 = vector.broadcast %shift_right_logical3A_39 : i32 to vector<16xi32>
    %eq3A_1626 = arith.cmpi eq, %iota3A, %eq3A_1625 : vector<16xi32>
    %jit3A_1627 = arith.constant 0.000000e+00 : f32
    %broadcast_in_dim3A_1628 = vector.broadcast %jit3A_1627 : f32 to vector<16xf32>
    %select_n3A_1629 = arith.select %eq3A_1626, %add3A_1624, %broadcast_in_dim3A_1628 : vector<16xi1>, vector<16xf32>
    %swap3A_1630 = arith.constant 32 : index
    %swap3A_1631 = tpu.vector_load %arg19[%swap3A_1630] {strides = array<i32>} : memref<112xf32, #tpu.memory_space<vmem>>, vector<16xf32>,
    %swap3A_1632 = vector.shape_cast %swap3A_1631 : vector<16xf32> to vector<16xf32>
    %swap3A_1633 = vector.shape_cast %select_n3A_1629 : vector<16xf32> to vector<16xf32>
    tpu.vector_store %arg19[%swap3A_1630], %swap3A_1633 {strides = array<i32>} : memref<112xf32, #tpu.memory_space<vmem>>, vector<16xf32>,
    %add3A_1634 = arith.constant 7 : i32
    %add3A_1635 = arith.addi %add3A_1634, %shift_right_logical3A_56 : i32
    %get3A_1636 = arith.constant 1560 : index
    %get3A_1637 = tpu.vector_load %arg16[%get3A_1636] {strides = array<i32>} : memref<2600xf32, #tpu.memory_space<vmem>>, vector<16xf32>,
    %get3A_1638 = vector.shape_cast %get3A_1637 : vector<16xf32> to vector<16xf32>
    %mul3A_1639 = arith.mulf %get3A_1638, %select_n3A : vector<16xf32>
    %get3A_1640 = arith.index_cast %add3A_1635 : i32 to index
    %get3A_1641 = tpu.vector_load %arg15[%get3A_1640] {strides = array<i32>} : memref<127xf32, #tpu.memory_space<vmem>>, vector<16xf32>,
    %get3A_1642 = vector.shape_cast %get3A_1641 : vector<16xf32> to vector<16xf32>
    %jit3A_1643 = arith.constant 0.000000e+00 : f32
    %broadcast_in_dim3A_1644 = vector.broadcast %jit3A_1643 : f32 to vector<16xf32>
    %select_n3A_1645 = arith.select %eq3A_149, %get3A_1642, %broadcast_in_dim3A_1644 : vector<16xi1>, vector<16xf32>
    %add3A_1646 = arith.addf %mul3A_1639, %select_n3A_1645 : vector<16xf32>
    %jit3A_1647 = arith.constant 0.000000e+00 : f32
    %broadcast_in_dim3A_1648 = vector.broadcast %jit3A_1647 : f32 to vector<16xf32>
    %select_n3A_1649 = arith.select %eq3A_60, %add3A_1646, %broadcast_in_dim3A_1648 : vector<16xf32>
    %add3A_1650 = arith.addf %add3A_1372, %select_n3A_1649 : vector<16xf32>
    %iota3A_1651 = tpu.iota {dimensions = array<i32: 0>} : vector<16xi32>
    %xor3A_1652 = arith.constant 8 : i32
    %xor3A_1653 = vector.broadcast %xor3A_1652 : i32 to vector<16xi32>
    %xor3A_1654 = arith.xori %iota3A_1651, %xor3A_1653 : vector<16xi32>
    %lt3A_1655 = arith.constant 0 : i32
    %lt3A_1656 = vector.broadcast %lt3A_1655 : i32 to vector<16xi32>
    %lt3A_1657 = arith.cmpi slt, %xor3A_1654, %lt3A_1656 : vector<16xi32>
    %add3A_1658 = arith.constant 16 : i32
    %add3A_1659 = vector.broadcast %add3A_1658 : i32 to vector<16xi32>
    %add3A_1660 = arith.addi %xor3A_1654, %add3A_1659 : vector<16xi32>
    %select_n3A_1661 = arith.select %lt3A_1657, %add3A_1660, %xor3A_1654 : vector<16xi1>, vector<16xi32>
    %broadcast_in_dim3A_1662 = vector.shape_cast %select_n3A_1661 : vector<16xi32> to vector<16x1xi32>
    %gather3A_1663 = vector.shape_cast %broadcast_in_dim3A_1662 : vector<16x1xi32> to vector<16xi32>
    %gather3A_1664 = tpu.dynamic_gather %add3A_1650[%gather3A_1663] in [0] : vector<16xf32>, vector<16xi32> -> vector<16xf32>
    %add3A_1665 = arith.addf %add3A_1650, %gather3A_1664 : vector<16xf32>
    %xor3A_1666 = arith.constant 4 : i32
    %xor3A_1667 = vector.broadcast %xor3A_1666 : i32 to vector<16xi32>
    %xor3A_1668 = arith.xori %iota3A_1651, %xor3A_1667 : vector<16xi32>
    %lt3A_1669 = arith.constant 0 : i32
    %lt3A_1670 = vector.broadcast %lt3A_1669 : i32 to vector<16xi32>
    %lt3A_1671 = arith.cmpi slt, %xor3A_1668, %lt3A_1670 : vector<16xi32>
    %add3A_1672 = arith.constant 16 : i32
    %add3A_1673 = vector.broadcast %add3A_1672 : i32 to vector<16xi32>
    %add3A_1674 = arith.addi %xor3A_1668, %add3A_1673 : vector<16xi32>
    %select_n3A_1675 = arith.select %lt3A_1671, %add3A_1674, %xor3A_1668 : vector<16xi1>, vector<16xi32>
    %broadcast_in_dim3A_1676 = vector.shape_cast %select_n3A_1675 : vector<16xi32> to vector<16x1xi32>
    %gather3A_1677 = vector.shape_cast %broadcast_in_dim3A_1676 : vector<16x1xi32> to vector<16xi32>
    %gather3A_1678 = tpu.dynamic_gather %add3A_1665[%gather3A_1677] in [0] : vector<16xf32>, vector<16xi32> -> vector<16xf32>
    %add3A_1679 = arith.addf %add3A_1665, %gather3A_1678 : vector<16xf32>
    %xor3A_1680 = arith.constant 2 : i32
    %xor3A_1681 = vector.broadcast %xor3A_1680 : i32 to vector<16xi32>
    %xor3A_1682 = arith.xori %iota3A_1651, %xor3A_1681 : vector<16xi32>
    %lt3A_1683 = arith.constant 0 : i32
    %lt3A_1684 = vector.broadcast %lt3A_1683 : i32 to vector<16xi32>
    %lt3A_1685 = arith.cmpi slt, %xor3A_1682, %lt3A_1684 : vector<16xi32>
    %add3A_1686 = arith.constant 16 : i32
    %add3A_1687 = vector.broadcast %add3A_1686 : i32 to vector<16xi32>
    %add3A_1688 = arith.addi %xor3A_1682, %add3A_1687 : vector<16xi32>
    %select_n3A_1689 = arith.select %lt3A_1685, %add3A_1688, %xor3A_1682 : vector<16xi1>, vector<16xi32>
    %broadcast_in_dim3A_1690 = vector.shape_cast %select_n3A_1689 : vector<16xi32> to vector<16x1xi32>
    %gather3A_1691 = vector.shape_cast %broadcast_in_dim3A_1690 : vector<16x1xi32> to vector<16xi32>
    %gather3A_1692 = tpu.dynamic_gather %add3A_1679[%gather3A_1691] in [0] : vector<16xf32>, vector<16xi32> -> vector<16xf32>
    %add3A_1693 = arith.addf %add3A_1679, %gather3A_1692 : vector<16xf32>
    %xor3A_1694 = arith.constant 1 : i32
    %xor3A_1695 = vector.broadcast %xor3A_1694 : i32 to vector<16xi32>
    %xor3A_1696 = arith.xori %iota3A_1651, %xor3A_1695 : vector<16xi32>
    %lt3A_1697 = arith.constant 0 : i32
    %lt3A_1698 = vector.broadcast %lt3A_1697 : i32 to vector<16xi32>
    %lt3A_1699 = arith.cmpi slt, %xor3A_1696, %lt3A_1698 : vector<16xi32>
    %add3A_1700 = arith.constant 16 : i32
    %add3A_1701 = vector.broadcast %add3A_1700 : i32 to vector<16xi32>
    %add3A_1702 = arith.addi %xor3A_1696, %add3A_1701 : vector<16xi32>
    %select_n3A_1703 = arith.select %lt3A_1699, %add3A_1702, %xor3A_1696 : vector<16xi1>, vector<16xi32>
    %broadcast_in_dim3A_1704 = vector.shape_cast %select_n3A_1703 : vector<16xi32> to vector<16x1xi32>
    %gather3A_1705 = vector.shape_cast %broadcast_in_dim3A_1704 : vector<16x1xi32> to vector<16xi32>
    %gather3A_1706 = tpu.dynamic_gather %add3A_1693[%gather3A_1705] in [0] : vector<16xf32>, vector<16xi32> -> vector<16xf32>
    %add3A_1707 = arith.addf %add3A_1693, %gather3A_1706 : vector<16xf32>
    %eq3A_1708 = vector.broadcast %shift_right_logical3A_56 : i32 to vector<16xi32>
    %eq3A_1709 = arith.cmpi eq, %iota3A, %eq3A_1708 : vector<16xi32>
    %jit3A_1710 = arith.constant 0.000000e+00 : f32
    %broadcast_in_dim3A_1711 = vector.broadcast %jit3A_1710 : f32 to vector<16xf32>
    %select_n3A_1712 = arith.select %eq3A_1709, %add3A_1707, %broadcast_in_dim3A_1711 : vector<16xi1>, vector<16xf32>
    %swap3A_1713 = arith.constant 48 : index
    %swap3A_1714 = tpu.vector_load %arg19[%swap3A_1713] {strides = array<i32>} : memref<112xf32, #tpu.memory_space<vmem>>, vector<16xf32>,
    %swap3A_1715 = vector.shape_cast %swap3A_1714 : vector<16xf32> to vector<16xf32>
    %swap3A_1716 = vector.shape_cast %select_n3A_1712 : vector<16xf32> to vector<16xf32>
    tpu.vector_store %arg19[%swap3A_1713], %swap3A_1716 {strides = array<i32>} : memref<112xf32, #tpu.memory_space<vmem>>, vector<16xf32>,
    %add3A_1717 = arith.constant 15 : i32
    %add3A_1718 = arith.addi %add3A_1717, %shift_right_logical3A_73 : i32
    %get3A_1719 = arith.constant 2080 : index
    %get3A_1720 = tpu.vector_load %arg16[%get3A_1719] {strides = array<i32>} : memref<2600xf32, #tpu.memory_space<vmem>>, vector<16xf32>,
    %get3A_1721 = vector.shape_cast %get3A_1720 : vector<16xf32> to vector<16xf32>
    %mul3A_1722 = arith.mulf %get3A_1721, %select_n3A : vector<16xf32>
    %get3A_1723 = arith.index_cast %add3A_1718 : i32 to index
    %get3A_1724 = tpu.vector_load %arg15[%get3A_1723] {strides = array<i32>} : memref<127xf32, #tpu.memory_space<vmem>>, vector<16xf32>,
    %get3A_1725 = vector.shape_cast %get3A_1724 : vector<16xf32> to vector<16xf32>
    %jit3A_1726 = arith.constant 0.000000e+00 : f32
    %broadcast_in_dim3A_1727 = vector.broadcast %jit3A_1726 : f32 to vector<16xf32>
    %select_n3A_1728 = arith.select %eq3A_149, %get3A_1725, %broadcast_in_dim3A_1727 : vector<16xi1>, vector<16xf32>
    %add3A_1729 = arith.addf %mul3A_1722, %select_n3A_1728 : vector<16xf32>
    %jit3A_1730 = arith.constant 0.000000e+00 : f32
    %broadcast_in_dim3A_1731 = vector.broadcast %jit3A_1730 : f32 to vector<16xf32>
    %select_n3A_1732 = arith.select %eq3A_77, %add3A_1729, %broadcast_in_dim3A_1731 : vector<16xf32>
    %add3A_1733 = arith.addf %add3A_1377, %select_n3A_1732 : vector<16xf32>
    %iota3A_1734 = tpu.iota {dimensions = array<i32: 0>} : vector<16xi32>
    %xor3A_1735 = arith.constant 8 : i32
    %xor3A_1736 = vector.broadcast %xor3A_1735 : i32 to vector<16xi32>
    %xor3A_1737 = arith.xori %iota3A_1734, %xor3A_1736 : vector<16xi32>
    %lt3A_1738 = arith.constant 0 : i32
    %lt3A_1739 = vector.broadcast %lt3A_1738 : i32 to vector<16xi32>
    %lt3A_1740 = arith.cmpi slt, %xor3A_1737, %lt3A_1739 : vector<16xi32>
    %add3A_1741 = arith.constant 16 : i32
    %add3A_1742 = vector.broadcast %add3A_1741 : i32 to vector<16xi32>
    %add3A_1743 = arith.addi %xor3A_1737, %add3A_1742 : vector<16xi32>
    %select_n3A_1744 = arith.select %lt3A_1740, %add3A_1743, %xor3A_1737 : vector<16xi1>, vector<16xi32>
    %broadcast_in_dim3A_1745 = vector.shape_cast %select_n3A_1744 : vector<16xi32> to vector<16x1xi32>
    %gather3A_1746 = vector.shape_cast %broadcast_in_dim3A_1745 : vector<16x1xi32> to vector<16xi32>
    %gather3A_1747 = tpu.dynamic_gather %add3A_1733[%gather3A_1746] in [0] : vector<16xf32>, vector<16xi32> -> vector<16xf32>
    %add3A_1748 = arith.addf %add3A_1733, %gather3A_1747 : vector<16xf32>
    %xor3A_1749 = arith.constant 4 : i32
    %xor3A_1750 = vector.broadcast %xor3A_1749 : i32 to vector<16xi32>
    %xor3A_1751 = arith.xori %iota3A_1734, %xor3A_1750 : vector<16xi32>
    %lt3A_1752 = arith.constant 0 : i32
    %lt3A_1753 = vector.broadcast %lt3A_1752 : i32 to vector<16xi32>
    %lt3A_1754 = arith.cmpi slt, %xor3A_1751, %lt3A_1753 : vector<16xi32>
    %add3A_1755 = arith.constant 16 : i32
    %add3A_1756 = vector.broadcast %add3A_1755 : i32 to vector<16xi32>
    %add3A_1757 = arith.addi %xor3A_1751, %add3A_1756 : vector<16xi32>
    %select_n3A_1758 = arith.select %lt3A_1754, %add3A_1757, %xor3A_1751 : vector<16xi1>, vector<16xi32>
    %broadcast_in_dim3A_1759 = vector.shape_cast %select_n3A_1758 : vector<16xi32> to vector<16x1xi32>
    %gather3A_1760 = vector.shape_cast %broadcast_in_dim3A_1759 : vector<16x1xi32> to vector<16xi32>
    %gather3A_1761 = tpu.dynamic_gather %add3A_1748[%gather3A_1760] in [0] : vector<16xf32>, vector<16xi32> -> vector<16xf32>
    %add3A_1762 = arith.addf %add3A_1748, %gather3A_1761 : vector<16xf32>
    %xor3A_1763 = arith.constant 2 : i32
    %xor3A_1764 = vector.broadcast %xor3A_1763 : i32 to vector<16xi32>
    %xor3A_1765 = arith.xori %iota3A_1734, %xor3A_1764 : vector<16xi32>
    %lt3A_1766 = arith.constant 0 : i32
    %lt3A_1767 = vector.broadcast %lt3A_1766 : i32 to vector<16xi32>
    %lt3A_1768 = arith.cmpi slt, %xor3A_1765, %lt3A_1767 : vector<16xi32>
    %add3A_1769 = arith.constant 16 : i32
    %add3A_1770 = vector.broadcast %add3A_1769 : i32 to vector<16xi32>
    %add3A_1771 = arith.addi %xor3A_1765, %add3A_1770 : vector<16xi32>
    %select_n3A_1772 = arith.select %lt3A_1768, %add3A_1771, %xor3A_1765 : vector<16xi1>, vector<16xi32>
    %broadcast_in_dim3A_1773 = vector.shape_cast %select_n3A_1772 : vector<16xi32> to vector<16x1xi32>
    %gather3A_1774 = vector.shape_cast %broadcast_in_dim3A_1773 : vector<16x1xi32> to vector<16xi32>
    %gather3A_1775 = tpu.dynamic_gather %add3A_1762[%gather3A_1774] in [0] : vector<16xf32>, vector<16xi32> -> vector<16xf32>
    %add3A_1776 = arith.addf %add3A_1762, %gather3A_1775 : vector<16xf32>
    %xor3A_1777 = arith.constant 1 : i32
    %xor3A_1778 = vector.broadcast %xor3A_1777 : i32 to vector<16xi32>
    %xor3A_1779 = arith.xori %iota3A_1734, %xor3A_1778 : vector<16xi32>
    %lt3A_1780 = arith.constant 0 : i32
    %lt3A_1781 = vector.broadcast %lt3A_1780 : i32 to vector<16xi32>
    %lt3A_1782 = arith.cmpi slt, %xor3A_1779, %lt3A_1781 : vector<16xi32>
    %add3A_1783 = arith.constant 16 : i32
    %add3A_1784 = vector.broadcast %add3A_1783 : i32 to vector<16xi32>
    %add3A_1785 = arith.addi %xor3A_1779, %add3A_1784 : vector<16xi32>
    %select_n3A_1786 = arith.select %lt3A_1782, %add3A_1785, %xor3A_1779 : vector<16xi1>, vector<16xi32>
    %broadcast_in_dim3A_1787 = vector.shape_cast %select_n3A_1786 : vector<16xi32> to vector<16x1xi32>
    %gather3A_1788 = vector.shape_cast %broadcast_in_dim3A_1787 : vector<16x1xi32> to vector<16xi32>
    %gather3A_1789 = tpu.dynamic_gather %add3A_1776[%gather3A_1788] in [0] : vector<16xf32>, vector<16xi32> -> vector<16xf32>
    %add3A_1790 = arith.addf %add3A_1776, %gather3A_1789 : vector<16xf32>
    %eq3A_1791 = vector.broadcast %shift_right_logical3A_73 : i32 to vector<16xi32>
    %eq3A_1792 = arith.cmpi eq, %iota3A, %eq3A_1791 : vector<16xi32>
    %jit3A_1793 = arith.constant 0.000000e+00 : f32
    %broadcast_in_dim3A_1794 = vector.broadcast %jit3A_1793 : f32 to vector<16xf32>
    %select_n3A_1795 = arith.select %eq3A_1792, %add3A_1790, %broadcast_in_dim3A_1794 : vector<16xi1>, vector<16xf32>
    %swap3A_1796 = arith.constant 64 : index
    %swap3A_1797 = tpu.vector_load %arg19[%swap3A_1796] {strides = array<i32>} : memref<112xf32, #tpu.memory_space<vmem>>, vector<16xf32>,
    %swap3A_1798 = vector.shape_cast %swap3A_1797 : vector<16xf32> to vector<16xf32>
    %swap3A_1799 = vector.shape_cast %select_n3A_1795 : vector<16xf32> to vector<16xf32>
    tpu.vector_store %arg19[%swap3A_1796], %swap3A_1799 {strides = array<i32>} : memref<112xf32, #tpu.memory_space<vmem>>, vector<16xf32>,
    %mul3A_1800 = arith.constant 2 : i32
    %mul3A_1801 = arith.muli %mul3A_1800, %arg1 : i32
    %add3A_1802 = arith.constant 31 : i32
    %add3A_1803 = arith.addi %add3A_1802, %mul3A_1801 : i32
    %add3A_1804 = arith.constant 0 : i32
    %add3A_1805 = arith.addi %add3A_1803, %add3A_1804 : i32
    %get3A_1806 = arith.constant 0 : index
    %get3A_1807 = tpu.vector_load %arg17[%get3A_1806] {strides = array<i32>} : memref<528xf32, #tpu.memory_space<vmem>>, vector<16xf32>,
    %get3A_1808 = vector.shape_cast %get3A_1807 : vector<16xf32> to vector<16xf32>
    %mul3A_1809 = arith.mulf %get3A_1808, %select_n3A : vector<16xf32>
    %get3A_1810 = arith.index_cast %add3A_1805 : i32 to index
    %get3A_1811 = tpu.vector_load %arg15[%get3A_1810] {strides = array<i32>} : memref<127xf32, #tpu.memory_space<vmem>>, vector<16xf32>,
    %get3A_1812 = vector.shape_cast %get3A_1811 : vector<16xf32> to vector<16xf32>
    %jit3A_1813 = arith.constant 0.000000e+00 : f32
    %broadcast_in_dim3A_1814 = vector.broadcast %jit3A_1813 : f32 to vector<16xf32>
    %select_n3A_1815 = arith.select %eq3A_149, %get3A_1812, %broadcast_in_dim3A_1814 : vector<16xi1>, vector<16xf32>
    %add3A_1816 = arith.addf %mul3A_1809, %select_n3A_1815 : vector<16xf32>
    %add3A_1817 = arith.addf %add3A_774, %add3A_1816 : vector<16xf32>
    %iota3A_1818 = tpu.iota {dimensions = array<i32: 0>} : vector<16xi32>
    %xor3A_1819 = arith.constant 8 : i32
    %xor3A_1820 = vector.broadcast %xor3A_1819 : i32 to vector<16xi32>
    %xor3A_1821 = arith.xori %iota3A_1818, %xor3A_1820 : vector<16xi32>
    %lt3A_1822 = arith.constant 0 : i32
    %lt3A_1823 = vector.broadcast %lt3A_1822 : i32 to vector<16xi32>
    %lt3A_1824 = arith.cmpi slt, %xor3A_1821, %lt3A_1823 : vector<16xi32>
    %add3A_1825 = arith.constant 16 : i32
    %add3A_1826 = vector.broadcast %add3A_1825 : i32 to vector<16xi32>
    %add3A_1827 = arith.addi %xor3A_1821, %add3A_1826 : vector<16xi32>
    %select_n3A_1828 = arith.select %lt3A_1824, %add3A_1827, %xor3A_1821 : vector<16xi1>, vector<16xi32>
    %broadcast_in_dim3A_1829 = vector.shape_cast %select_n3A_1828 : vector<16xi32> to vector<16x1xi32>
    %gather3A_1830 = vector.shape_cast %broadcast_in_dim3A_1829 : vector<16x1xi32> to vector<16xi32>
    %gather3A_1831 = tpu.dynamic_gather %add3A_1817[%gather3A_1830] in [0] : vector<16xf32>, vector<16xi32> -> vector<16xf32>
    %add3A_1832 = arith.addf %add3A_1817, %gather3A_1831 : vector<16xf32>
    %xor3A_1833 = arith.constant 4 : i32
    %xor3A_1834 = vector.broadcast %xor3A_1833 : i32 to vector<16xi32>
    %xor3A_1835 = arith.xori %iota3A_1818, %xor3A_1834 : vector<16xi32>
    %lt3A_1836 = arith.constant 0 : i32
    %lt3A_1837 = vector.broadcast %lt3A_1836 : i32 to vector<16xi32>
    %lt3A_1838 = arith.cmpi slt, %xor3A_1835, %lt3A_1837 : vector<16xi32>
    %add3A_1839 = arith.constant 16 : i32
    %add3A_1840 = vector.broadcast %add3A_1839 : i32 to vector<16xi32>
    %add3A_1841 = arith.addi %xor3A_1835, %add3A_1840 : vector<16xi32>
    %select_n3A_1842 = arith.select %lt3A_1838, %add3A_1841, %xor3A_1835 : vector<16xi1>, vector<16xi32>
    %broadcast_in_dim3A_1843 = vector.shape_cast %select_n3A_1842 : vector<16xi32> to vector<16x1xi32>
    %gather3A_1844 = vector.shape_cast %broadcast_in_dim3A_1843 : vector<16x1xi32> to vector<16xi32>
    %gather3A_1845 = tpu.dynamic_gather %add3A_1832[%gather3A_1844] in [0] : vector<16xf32>, vector<16xi32> -> vector<16xf32>
    %add3A_1846 = arith.addf %add3A_1832, %gather3A_1845 : vector<16xf32>
    %xor3A_1847 = arith.constant 2 : i32
    %xor3A_1848 = vector.broadcast %xor3A_1847 : i32 to vector<16xi32>
    %xor3A_1849 = arith.xori %iota3A_1818, %xor3A_1848 : vector<16xi32>
    %lt3A_1850 = arith.constant 0 : i32
    %lt3A_1851 = vector.broadcast %lt3A_1850 : i32 to vector<16xi32>
    %lt3A_1852 = arith.cmpi slt, %xor3A_1849, %lt3A_1851 : vector<16xi32>
    %add3A_1853 = arith.constant 16 : i32
    %add3A_1854 = vector.broadcast %add3A_1853 : i32 to vector<16xi32>
    %add3A_1855 = arith.addi %xor3A_1849, %add3A_1854 : vector<16xi32>
    %select_n3A_1856 = arith.select %lt3A_1852, %add3A_1855, %xor3A_1849 : vector<16xi1>, vector<16xi32>
    %broadcast_in_dim3A_1857 = vector.shape_cast %select_n3A_1856 : vector<16xi32> to vector<16x1xi32>
    %gather3A_1858 = vector.shape_cast %broadcast_in_dim3A_1857 : vector<16x1xi32> to vector<16xi32>
    %gather3A_1859 = tpu.dynamic_gather %add3A_1846[%gather3A_1858] in [0] : vector<16xf32>, vector<16xi32> -> vector<16xf32>
    %add3A_1860 = arith.addf %add3A_1846, %gather3A_1859 : vector<16xf32>
    %xor3A_1861 = arith.constant 1 : i32
    %xor3A_1862 = vector.broadcast %xor3A_1861 : i32 to vector<16xi32>
    %xor3A_1863 = arith.xori %iota3A_1818, %xor3A_1862 : vector<16xi32>
    %lt3A_1864 = arith.constant 0 : i32
    %lt3A_1865 = vector.broadcast %lt3A_1864 : i32 to vector<16xi32>
    %lt3A_1866 = arith.cmpi slt, %xor3A_1863, %lt3A_1865 : vector<16xi32>
    %add3A_1867 = arith.constant 16 : i32
    %add3A_1868 = vector.broadcast %add3A_1867 : i32 to vector<16xi32>
    %add3A_1869 = arith.addi %xor3A_1863, %add3A_1868 : vector<16xi32>
    %select_n3A_1870 = arith.select %lt3A_1866, %add3A_1869, %xor3A_1863 : vector<16xi1>, vector<16xi32>
    %broadcast_in_dim3A_1871 = vector.shape_cast %select_n3A_1870 : vector<16xi32> to vector<16x1xi32>
    %gather3A_1872 = vector.shape_cast %broadcast_in_dim3A_1871 : vector<16x1xi32> to vector<16xi32>
    %gather3A_1873 = tpu.dynamic_gather %add3A_1860[%gather3A_1872] in [0] : vector<16xf32>, vector<16xi32> -> vector<16xf32>
    %add3A_1874 = arith.addf %add3A_1860, %gather3A_1873 : vector<16xf32>
    %mul3A_1875 = arith.constant 2 : i32
    %mul3A_1876 = arith.muli %mul3A_1875, %arg1 : i32
    %add3A_1877 = arith.constant 31 : i32
    %add3A_1878 = arith.addi %add3A_1877, %mul3A_1876 : i32
    %add3A_1879 = arith.constant 1 : i32
    %add3A_1880 = arith.addi %add3A_1878, %add3A_1879 : i32
    %get3A_1881 = arith.constant 264 : index
    %get3A_1882 = tpu.vector_load %arg17[%get3A_1881] {strides = array<i32>} : memref<528xf32, #tpu.memory_space<vmem>>, vector<16xf32>,
    %get3A_1883 = vector.shape_cast %get3A_1882 : vector<16xf32> to vector<16xf32>
    %mul3A_1884 = arith.mulf %get3A_1883, %select_n3A : vector<16xf32>
    %get3A_1885 = arith.index_cast %add3A_1880 : i32 to index
    %get3A_1886 = tpu.vector_load %arg15[%get3A_1885] {strides = array<i32>} : memref<127xf32, #tpu.memory_space<vmem>>, vector<16xf32>,
    %get3A_1887 = vector.shape_cast %get3A_1886 : vector<16xf32> to vector<16xf32>
    %jit3A_1888 = arith.constant 0.000000e+00 : f32
    %broadcast_in_dim3A_1889 = vector.broadcast %jit3A_1888 : f32 to vector<16xf32>
    %select_n3A_1890 = arith.select %eq3A_149, %get3A_1887, %broadcast_in_dim3A_1889 : vector<16xi1>, vector<16xf32>
    %add3A_1891 = arith.addf %mul3A_1884, %select_n3A_1890 : vector<16xf32>
    %add3A_1892 = arith.addf %add3A_1382, %add3A_1891 : vector<16xf32>
    %iota3A_1893 = tpu.iota {dimensions = array<i32: 0>} : vector<16xi32>
    %xor3A_1894 = arith.constant 8 : i32
    %xor3A_1895 = vector.broadcast %xor3A_1894 : i32 to vector<16xi32>
    %xor3A_1896 = arith.xori %iota3A_1893, %xor3A_1895 : vector<16xi32>
    %lt3A_1897 = arith.constant 0 : i32
    %lt3A_1898 = vector.broadcast %lt3A_1897 : i32 to vector<16xi32>
    %lt3A_1899 = arith.cmpi slt, %xor3A_1896, %lt3A_1898 : vector<16xi32>
    %add3A_1900 = arith.constant 16 : i32
    %add3A_1901 = vector.broadcast %add3A_1900 : i32 to vector<16xi32>
    %add3A_1902 = arith.addi %xor3A_1896, %add3A_1901 : vector<16xi32>
    %select_n3A_1903 = arith.select %lt3A_1899, %add3A_1902, %xor3A_1896 : vector<16xi1>, vector<16xi32>
    %broadcast_in_dim3A_1904 = vector.shape_cast %select_n3A_1903 : vector<16xi32> to vector<16x1xi32>
    %gather3A_1905 = vector.shape_cast %broadcast_in_dim3A_1904 : vector<16x1xi32> to vector<16xi32>
    %gather3A_1906 = tpu.dynamic_gather %add3A_1892[%gather3A_1905] in [0] : vector<16xf32>, vector<16xi32> -> vector<16xf32>
    %add3A_1907 = arith.addf %add3A_1892, %gather3A_1906 : vector<16xf32>
    %xor3A_1908 = arith.constant 4 : i32
    %xor3A_1909 = vector.broadcast %xor3A_1908 : i32 to vector<16xi32>
    %xor3A_1910 = arith.xori %iota3A_1893, %xor3A_1909 : vector<16xi32>
    %lt3A_1911 = arith.constant 0 : i32
    %lt3A_1912 = vector.broadcast %lt3A_1911 : i32 to vector<16xi32>
    %lt3A_1913 = arith.cmpi slt, %xor3A_1910, %lt3A_1912 : vector<16xi32>
    %add3A_1914 = arith.constant 16 : i32
    %add3A_1915 = vector.broadcast %add3A_1914 : i32 to vector<16xi32>
    %add3A_1916 = arith.addi %xor3A_1910, %add3A_1915 : vector<16xi32>
    %select_n3A_1917 = arith.select %lt3A_1913, %add3A_1916, %xor3A_1910 : vector<16xi1>, vector<16xi32>
    %broadcast_in_dim3A_1918 = vector.shape_cast %select_n3A_1917 : vector<16xi32> to vector<16x1xi32>
    %gather3A_1919 = vector.shape_cast %broadcast_in_dim3A_1918 : vector<16x1xi32> to vector<16xi32>
    %gather3A_1920 = tpu.dynamic_gather %add3A_1907[%gather3A_1919] in [0] : vector<16xf32>, vector<16xi32> -> vector<16xf32>
    %add3A_1921 = arith.addf %add3A_1907, %gather3A_1920 : vector<16xf32>
    %xor3A_1922 = arith.constant 2 : i32
    %xor3A_1923 = vector.broadcast %xor3A_1922 : i32 to vector<16xi32>
    %xor3A_1924 = arith.xori %iota3A_1893, %xor3A_1923 : vector<16xi32>
    %lt3A_1925 = arith.constant 0 : i32
    %lt3A_1926 = vector.broadcast %lt3A_1925 : i32 to vector<16xi32>
    %lt3A_1927 = arith.cmpi slt, %xor3A_1924, %lt3A_1926 : vector<16xi32>
    %add3A_1928 = arith.constant 16 : i32
    %add3A_1929 = vector.broadcast %add3A_1928 : i32 to vector<16xi32>
    %add3A_1930 = arith.addi %xor3A_1924, %add3A_1929 : vector<16xi32>
    %select_n3A_1931 = arith.select %lt3A_1927, %add3A_1930, %xor3A_1924 : vector<16xi1>, vector<16xi32>
    %broadcast_in_dim3A_1932 = vector.shape_cast %select_n3A_1931 : vector<16xi32> to vector<16x1xi32>
    %gather3A_1933 = vector.shape_cast %broadcast_in_dim3A_1932 : vector<16x1xi32> to vector<16xi32>
    %gather3A_1934 = tpu.dynamic_gather %add3A_1921[%gather3A_1933] in [0] : vector<16xf32>, vector<16xi32> -> vector<16xf32>
    %add3A_1935 = arith.addf %add3A_1921, %gather3A_1934 : vector<16xf32>
    %xor3A_1936 = arith.constant 1 : i32
    %xor3A_1937 = vector.broadcast %xor3A_1936 : i32 to vector<16xi32>
    %xor3A_1938 = arith.xori %iota3A_1893, %xor3A_1937 : vector<16xi32>
    %lt3A_1939 = arith.constant 0 : i32
    %lt3A_1940 = vector.broadcast %lt3A_1939 : i32 to vector<16xi32>
    %lt3A_1941 = arith.cmpi slt, %xor3A_1938, %lt3A_1940 : vector<16xi32>
    %add3A_1942 = arith.constant 16 : i32
    %add3A_1943 = vector.broadcast %add3A_1942 : i32 to vector<16xi32>
    %add3A_1944 = arith.addi %xor3A_1938, %add3A_1943 : vector<16xi32>
    %select_n3A_1945 = arith.select %lt3A_1941, %add3A_1944, %xor3A_1938 : vector<16xi1>, vector<16xi32>
    %broadcast_in_dim3A_1946 = vector.shape_cast %select_n3A_1945 : vector<16xi32> to vector<16x1xi32>
    %gather3A_1947 = vector.shape_cast %broadcast_in_dim3A_1946 : vector<16x1xi32> to vector<16xi32>
    %gather3A_1948 = tpu.dynamic_gather %add3A_1935[%gather3A_1947] in [0] : vector<16xf32>, vector<16xi32> -> vector<16xf32>
    %add3A_1949 = arith.addf %add3A_1935, %gather3A_1948 : vector<16xf32>
    %mul3A_1950 = arith.constant 2 : i32
    %mul3A_1951 = arith.muli %mul3A_1950, %arg1 : i32
    %and3A_1952 = arith.constant 15 : i32
    %and3A_1953 = arith.andi %mul3A_1951, %and3A_1952 : i32
    %eq3A_1954 = vector.broadcast %and3A_1953 : i32 to vector<16xi32>
    %eq3A_1955 = arith.cmpi eq, %iota3A, %eq3A_1954 : vector<16xi32>
    %add3A_1956 = arith.constant 1 : i32
    %add3A_1957 = arith.addi %and3A_1953, %add3A_1956 : i32
    %eq3A_1958 = vector.broadcast %add3A_1957 : i32 to vector<16xi32>
    %eq3A_1959 = arith.cmpi eq, %iota3A, %eq3A_1958 : vector<16xi32>
    %jit3A_1960 = arith.constant 0.000000e+00 : f32
    %broadcast_in_dim3A_1961 = vector.broadcast %jit3A_1960 : f32 to vector<16xf32>
    %select_n3A_1962 = arith.select %eq3A_1959, %add3A_1949, %broadcast_in_dim3A_1961 : vector<16xi1>, vector<16xf32>
    %select_n3A_1963 = arith.select %eq3A_1955, %add3A_1874, %select_n3A_1962 : vector<16xi1>, vector<16xf32>
    %swap3A_1964 = arith.constant 80 : index
    %swap3A_1965 = tpu.vector_load %arg19[%swap3A_1964] {strides = array<i32>} : memref<112xf32, #tpu.memory_space<vmem>>, vector<16xf32>,
    %swap3A_1966 = vector.shape_cast %swap3A_1965 : vector<16xf32> to vector<16xf32>
    %swap3A_1967 = vector.shape_cast %select_n3A_1963 : vector<16xf32> to vector<16xf32>
    tpu.vector_store %arg19[%swap3A_1964], %swap3A_1967 {strides = array<i32>} : memref<112xf32, #tpu.memory_space<vmem>>, vector<16xf32>,
    %mul3A_1968 = arith.constant 4 : i32
    %mul3A_1969 = arith.muli %mul3A_1968, %arg1 : i32
    %add3A_1970 = arith.constant 63 : i32
    %add3A_1971 = arith.addi %add3A_1970, %mul3A_1969 : i32
    %add3A_1972 = arith.constant 0 : i32
    %add3A_1973 = arith.addi %add3A_1971, %add3A_1972 : i32
    %get3A_1974 = arith.constant 0 : index
    %get3A_1975 = tpu.vector_load %arg18[%get3A_1974] {strides = array<i32>} : memref<544xf32, #tpu.memory_space<vmem>>, vector<16xf32>,
    %get3A_1976 = vector.shape_cast %get3A_1975 : vector<16xf32> to vector<16xf32>
    %mul3A_1977 = arith.mulf %get3A_1976, %select_n3A : vector<16xf32>
    %get3A_1978 = arith.index_cast %add3A_1973 : i32 to index
    %get3A_1979 = tpu.vector_load %arg15[%get3A_1978] {strides = array<i32>} : memref<127xf32, #tpu.memory_space<vmem>>, vector<16xf32>,
    %get3A_1980 = vector.shape_cast %get3A_1979 : vector<16xf32> to vector<16xf32>
    %jit3A_1981 = arith.constant 0.000000e+00 : f32
    %broadcast_in_dim3A_1982 = vector.broadcast %jit3A_1981 : f32 to vector<16xf32>
    %select_n3A_1983 = arith.select %eq3A_149, %get3A_1980, %broadcast_in_dim3A_1982 : vector<16xi1>, vector<16xf32>
    %add3A_1984 = arith.addf %mul3A_1977, %select_n3A_1983 : vector<16xf32>
    %add3A_1985 = arith.addf %add3A_475, %add3A_1984 : vector<16xf32>
    %iota3A_1986 = tpu.iota {dimensions = array<i32: 0>} : vector<16xi32>
    %xor3A_1987 = arith.constant 8 : i32
    %xor3A_1988 = vector.broadcast %xor3A_1987 : i32 to vector<16xi32>
    %xor3A_1989 = arith.xori %iota3A_1986, %xor3A_1988 : vector<16xi32>
    %lt3A_1990 = arith.constant 0 : i32
    %lt3A_1991 = vector.broadcast %lt3A_1990 : i32 to vector<16xi32>
    %lt3A_1992 = arith.cmpi slt, %xor3A_1989, %lt3A_1991 : vector<16xi32>
    %add3A_1993 = arith.constant 16 : i32
    %add3A_1994 = vector.broadcast %add3A_1993 : i32 to vector<16xi32>
    %add3A_1995 = arith.addi %xor3A_1989, %add3A_1994 : vector<16xi32>
    %select_n3A_1996 = arith.select %lt3A_1992, %add3A_1995, %xor3A_1989 : vector<16xi1>, vector<16xi32>
    %broadcast_in_dim3A_1997 = vector.shape_cast %select_n3A_1996 : vector<16xi32> to vector<16x1xi32>
    %gather3A_1998 = vector.shape_cast %broadcast_in_dim3A_1997 : vector<16x1xi32> to vector<16xi32>
    %gather3A_1999 = tpu.dynamic_gather %add3A_1985[%gather3A_1998] in [0] : vector<16xf32>, vector<16xi32> -> vector<16xf32>
    %add3A_2000 = arith.addf %add3A_1985, %gather3A_1999 : vector<16xf32>
    %xor3A_2001 = arith.constant 4 : i32
    %xor3A_2002 = vector.broadcast %xor3A_2001 : i32 to vector<16xi32>
    %xor3A_2003 = arith.xori %iota3A_1986, %xor3A_2002 : vector<16xi32>
    %lt3A_2004 = arith.constant 0 : i32
    %lt3A_2005 = vector.broadcast %lt3A_2004 : i32 to vector<16xi32>
    %lt3A_2006 = arith.cmpi slt, %xor3A_2003, %lt3A_2005 : vector<16xi32>
    %add3A_2007 = arith.constant 16 : i32
    %add3A_2008 = vector.broadcast %add3A_2007 : i32 to vector<16xi32>
    %add3A_2009 = arith.addi %xor3A_2003, %add3A_2008 : vector<16xi32>
    %select_n3A_2010 = arith.select %lt3A_2006, %add3A_2009, %xor3A_2003 : vector<16xi1>, vector<16xi32>
    %broadcast_in_dim3A_2011 = vector.shape_cast %select_n3A_2010 : vector<16xi32> to vector<16x1xi32>
    %gather3A_2012 = vector.shape_cast %broadcast_in_dim3A_2011 : vector<16x1xi32> to vector<16xi32>
    %gather3A_2013 = tpu.dynamic_gather %add3A_2000[%gather3A_2012] in [0] : vector<16xf32>, vector<16xi32> -> vector<16xf32>
    %add3A_2014 = arith.addf %add3A_2000, %gather3A_2013 : vector<16xf32>
    %xor3A_2015 = arith.constant 2 : i32
    %xor3A_2016 = vector.broadcast %xor3A_2015 : i32 to vector<16xi32>
    %xor3A_2017 = arith.xori %iota3A_1986, %xor3A_2016 : vector<16xi32>
    %lt3A_2018 = arith.constant 0 : i32
    %lt3A_2019 = vector.broadcast %lt3A_2018 : i32 to vector<16xi32>
    %lt3A_2020 = arith.cmpi slt, %xor3A_2017, %lt3A_2019 : vector<16xi32>
    %add3A_2021 = arith.constant 16 : i32
    %add3A_2022 = vector.broadcast %add3A_2021 : i32 to vector<16xi32>
    %add3A_2023 = arith.addi %xor3A_2017, %add3A_2022 : vector<16xi32>
    %select_n3A_2024 = arith.select %lt3A_2020, %add3A_2023, %xor3A_2017 : vector<16xi1>, vector<16xi32>
    %broadcast_in_dim3A_2025 = vector.shape_cast %select_n3A_2024 : vector<16xi32> to vector<16x1xi32>
    %gather3A_2026 = vector.shape_cast %broadcast_in_dim3A_2025 : vector<16x1xi32> to vector<16xi32>
    %gather3A_2027 = tpu.dynamic_gather %add3A_2014[%gather3A_2026] in [0] : vector<16xf32>, vector<16xi32> -> vector<16xf32>
    %add3A_2028 = arith.addf %add3A_2014, %gather3A_2027 : vector<16xf32>
    %xor3A_2029 = arith.constant 1 : i32
    %xor3A_2030 = vector.broadcast %xor3A_2029 : i32 to vector<16xi32>
    %xor3A_2031 = arith.xori %iota3A_1986, %xor3A_2030 : vector<16xi32>
    %lt3A_2032 = arith.constant 0 : i32
    %lt3A_2033 = vector.broadcast %lt3A_2032 : i32 to vector<16xi32>
    %lt3A_2034 = arith.cmpi slt, %xor3A_2031, %lt3A_2033 : vector<16xi32>
    %add3A_2035 = arith.constant 16 : i32
    %add3A_2036 = vector.broadcast %add3A_2035 : i32 to vector<16xi32>
    %add3A_2037 = arith.addi %xor3A_2031, %add3A_2036 : vector<16xi32>
    %select_n3A_2038 = arith.select %lt3A_2034, %add3A_2037, %xor3A_2031 : vector<16xi1>, vector<16xi32>
    %broadcast_in_dim3A_2039 = vector.shape_cast %select_n3A_2038 : vector<16xi32> to vector<16x1xi32>
    %gather3A_2040 = vector.shape_cast %broadcast_in_dim3A_2039 : vector<16x1xi32> to vector<16xi32>
    %gather3A_2041 = tpu.dynamic_gather %add3A_2028[%gather3A_2040] in [0] : vector<16xf32>, vector<16xi32> -> vector<16xf32>
    %add3A_2042 = arith.addf %add3A_2028, %gather3A_2041 : vector<16xf32>
    %mul3A_2043 = arith.constant 4 : i32
    %mul3A_2044 = arith.muli %mul3A_2043, %arg1 : i32
    %add3A_2045 = arith.constant 63 : i32
    %add3A_2046 = arith.addi %add3A_2045, %mul3A_2044 : i32
    %add3A_2047 = arith.constant 1 : i32
    %add3A_2048 = arith.addi %add3A_2046, %add3A_2047 : i32
    %get3A_2049 = arith.constant 136 : index
    %get3A_2050 = tpu.vector_load %arg18[%get3A_2049] {strides = array<i32>} : memref<544xf32, #tpu.memory_space<vmem>>, vector<16xf32>,
    %get3A_2051 = vector.shape_cast %get3A_2050 : vector<16xf32> to vector<16xf32>
    %mul3A_2052 = arith.mulf %get3A_2051, %select_n3A : vector<16xf32>
    %get3A_2053 = arith.index_cast %add3A_2048 : i32 to index
    %get3A_2054 = tpu.vector_load %arg15[%get3A_2053] {strides = array<i32>} : memref<127xf32, #tpu.memory_space<vmem>>, vector<16xf32>,
    %get3A_2055 = vector.shape_cast %get3A_2054 : vector<16xf32> to vector<16xf32>
    %jit3A_2056 = arith.constant 0.000000e+00 : f32
    %broadcast_in_dim3A_2057 = vector.broadcast %jit3A_2056 : f32 to vector<16xf32>
    %select_n3A_2058 = arith.select %eq3A_149, %get3A_2055, %broadcast_in_dim3A_2057 : vector<16xi1>, vector<16xf32>
    %add3A_2059 = arith.addf %mul3A_2052, %select_n3A_2058 : vector<16xf32>
    %add3A_2060 = arith.addf %add3A_779, %add3A_2059 : vector<16xf32>
    %iota3A_2061 = tpu.iota {dimensions = array<i32: 0>} : vector<16xi32>
    %xor3A_2062 = arith.constant 8 : i32
    %xor3A_2063 = vector.broadcast %xor3A_2062 : i32 to vector<16xi32>
    %xor3A_2064 = arith.xori %iota3A_2061, %xor3A_2063 : vector<16xi32>
    %lt3A_2065 = arith.constant 0 : i32
    %lt3A_2066 = vector.broadcast %lt3A_2065 : i32 to vector<16xi32>
    %lt3A_2067 = arith.cmpi slt, %xor3A_2064, %lt3A_2066 : vector<16xi32>
    %add3A_2068 = arith.constant 16 : i32
    %add3A_2069 = vector.broadcast %add3A_2068 : i32 to vector<16xi32>
    %add3A_2070 = arith.addi %xor3A_2064, %add3A_2069 : vector<16xi32>
    %select_n3A_2071 = arith.select %lt3A_2067, %add3A_2070, %xor3A_2064 : vector<16xi1>, vector<16xi32>
    %broadcast_in_dim3A_2072 = vector.shape_cast %select_n3A_2071 : vector<16xi32> to vector<16x1xi32>
    %gather3A_2073 = vector.shape_cast %broadcast_in_dim3A_2072 : vector<16x1xi32> to vector<16xi32>
    %gather3A_2074 = tpu.dynamic_gather %add3A_2060[%gather3A_2073] in [0] : vector<16xf32>, vector<16xi32> -> vector<16xf32>
    %add3A_2075 = arith.addf %add3A_2060, %gather3A_2074 : vector<16xf32>
    %xor3A_2076 = arith.constant 4 : i32
    %xor3A_2077 = vector.broadcast %xor3A_2076 : i32 to vector<16xi32>
    %xor3A_2078 = arith.xori %iota3A_2061, %xor3A_2077 : vector<16xi32>
    %lt3A_2079 = arith.constant 0 : i32
    %lt3A_2080 = vector.broadcast %lt3A_2079 : i32 to vector<16xi32>
    %lt3A_2081 = arith.cmpi slt, %xor3A_2078, %lt3A_2080 : vector<16xi32>
    %add3A_2082 = arith.constant 16 : i32
    %add3A_2083 = vector.broadcast %add3A_2082 : i32 to vector<16xi32>
    %add3A_2084 = arith.addi %xor3A_2078, %add3A_2083 : vector<16xi32>
    %select_n3A_2085 = arith.select %lt3A_2081, %add3A_2084, %xor3A_2078 : vector<16xi1>, vector<16xi32>
    %broadcast_in_dim3A_2086 = vector.shape_cast %select_n3A_2085 : vector<16xi32> to vector<16x1xi32>
    %gather3A_2087 = vector.shape_cast %broadcast_in_dim3A_2086 : vector<16x1xi32> to vector<16xi32>
    %gather3A_2088 = tpu.dynamic_gather %add3A_2075[%gather3A_2087] in [0] : vector<16xf32>, vector<16xi32> -> vector<16xf32>
    %add3A_2089 = arith.addf %add3A_2075, %gather3A_2088 : vector<16xf32>
    %xor3A_2090 = arith.constant 2 : i32
    %xor3A_2091 = vector.broadcast %xor3A_2090 : i32 to vector<16xi32>
    %xor3A_2092 = arith.xori %iota3A_2061, %xor3A_2091 : vector<16xi32>
    %lt3A_2093 = arith.constant 0 : i32
    %lt3A_2094 = vector.broadcast %lt3A_2093 : i32 to vector<16xi32>
    %lt3A_2095 = arith.cmpi slt, %xor3A_2092, %lt3A_2094 : vector<16xi32>
    %add3A_2096 = arith.constant 16 : i32
    %add3A_2097 = vector.broadcast %add3A_2096 : i32 to vector<16xi32>
    %add3A_2098 = arith.addi %xor3A_2092, %add3A_2097 : vector<16xi32>
    %select_n3A_2099 = arith.select %lt3A_2095, %add3A_2098, %xor3A_2092 : vector<16xi1>, vector<16xi32>
    %broadcast_in_dim3A_2100 = vector.shape_cast %select_n3A_2099 : vector<16xi32> to vector<16x1xi32>
    %gather3A_2101 = vector.shape_cast %broadcast_in_dim3A_2100 : vector<16x1xi32> to vector<16xi32>
    %gather3A_2102 = tpu.dynamic_gather %add3A_2089[%gather3A_2101] in [0] : vector<16xf32>, vector<16xi32> -> vector<16xf32>
    %add3A_2103 = arith.addf %add3A_2089, %gather3A_2102 : vector<16xf32>
    %xor3A_2104 = arith.constant 1 : i32
    %xor3A_2105 = vector.broadcast %xor3A_2104 : i32 to vector<16xi32>
    %xor3A_2106 = arith.xori %iota3A_2061, %xor3A_2105 : vector<16xi32>
    %lt3A_2107 = arith.constant 0 : i32
    %lt3A_2108 = vector.broadcast %lt3A_2107 : i32 to vector<16xi32>
    %lt3A_2109 = arith.cmpi slt, %xor3A_2106, %lt3A_2108 : vector<16xi32>
    %add3A_2110 = arith.constant 16 : i32
    %add3A_2111 = vector.broadcast %add3A_2110 : i32 to vector<16xi32>
    %add3A_2112 = arith.addi %xor3A_2106, %add3A_2111 : vector<16xi32>
    %select_n3A_2113 = arith.select %lt3A_2109, %add3A_2112, %xor3A_2106 : vector<16xi1>, vector<16xi32>
    %broadcast_in_dim3A_2114 = vector.shape_cast %select_n3A_2113 : vector<16xi32> to vector<16x1xi32>
    %gather3A_2115 = vector.shape_cast %broadcast_in_dim3A_2114 : vector<16x1xi32> to vector<16xi32>
    %gather3A_2116 = tpu.dynamic_gather %add3A_2103[%gather3A_2115] in [0] : vector<16xf32>, vector<16xi32> -> vector<16xf32>
    %add3A_2117 = arith.addf %add3A_2103, %gather3A_2116 : vector<16xf32>
    %mul3A_2118 = arith.constant 4 : i32
    %mul3A_2119 = arith.muli %mul3A_2118, %arg1 : i32
    %add3A_2120 = arith.constant 63 : i32
    %add3A_2121 = arith.addi %add3A_2120, %mul3A_2119 : i32
    %add3A_2122 = arith.constant 2 : i32
    %add3A_2123 = arith.addi %add3A_2121, %add3A_2122 : i32
    %get3A_2124 = arith.constant 272 : index
    %get3A_2125 = tpu.vector_load %arg18[%get3A_2124] {strides = array<i32>} : memref<544xf32, #tpu.memory_space<vmem>>, vector<16xf32>,
    %get3A_2126 = vector.shape_cast %get3A_2125 : vector<16xf32> to vector<16xf32>
    %mul3A_2127 = arith.mulf %get3A_2126, %select_n3A : vector<16xf32>
    %get3A_2128 = arith.index_cast %add3A_2123 : i32 to index
    %get3A_2129 = tpu.vector_load %arg15[%get3A_2128] {strides = array<i32>} : memref<127xf32, #tpu.memory_space<vmem>>, vector<16xf32>,
    %get3A_2130 = vector.shape_cast %get3A_2129 : vector<16xf32> to vector<16xf32>
    %jit3A_2131 = arith.constant 0.000000e+00 : f32
    %broadcast_in_dim3A_2132 = vector.broadcast %jit3A_2131 : f32 to vector<16xf32>
    %select_n3A_2133 = arith.select %eq3A_149, %get3A_2130, %broadcast_in_dim3A_2132 : vector<16xi1>, vector<16xf32>
    %add3A_2134 = arith.addf %mul3A_2127, %select_n3A_2133 : vector<16xf32>
    %add3A_2135 = arith.addf %add3A_1083, %add3A_2134 : vector<16xf32>
    %iota3A_2136 = tpu.iota {dimensions = array<i32: 0>} : vector<16xi32>
    %xor3A_2137 = arith.constant 8 : i32
    %xor3A_2138 = vector.broadcast %xor3A_2137 : i32 to vector<16xi32>
    %xor3A_2139 = arith.xori %iota3A_2136, %xor3A_2138 : vector<16xi32>
    %lt3A_2140 = arith.constant 0 : i32
    %lt3A_2141 = vector.broadcast %lt3A_2140 : i32 to vector<16xi32>
    %lt3A_2142 = arith.cmpi slt, %xor3A_2139, %lt3A_2141 : vector<16xi32>
    %add3A_2143 = arith.constant 16 : i32
    %add3A_2144 = vector.broadcast %add3A_2143 : i32 to vector<16xi32>
    %add3A_2145 = arith.addi %xor3A_2139, %add3A_2144 : vector<16xi32>
    %select_n3A_2146 = arith.select %lt3A_2142, %add3A_2145, %xor3A_2139 : vector<16xi1>, vector<16xi32>
    %broadcast_in_dim3A_2147 = vector.shape_cast %select_n3A_2146 : vector<16xi32> to vector<16x1xi32>
    %gather3A_2148 = vector.shape_cast %broadcast_in_dim3A_2147 : vector<16x1xi32> to vector<16xi32>
    %gather3A_2149 = tpu.dynamic_gather %add3A_2135[%gather3A_2148] in [0] : vector<16xf32>, vector<16xi32> -> vector<16xf32>
    %add3A_2150 = arith.addf %add3A_2135, %gather3A_2149 : vector<16xf32>
    %xor3A_2151 = arith.constant 4 : i32
    %xor3A_2152 = vector.broadcast %xor3A_2151 : i32 to vector<16xi32>
    %xor3A_2153 = arith.xori %iota3A_2136, %xor3A_2152 : vector<16xi32>
    %lt3A_2154 = arith.constant 0 : i32
    %lt3A_2155 = vector.broadcast %lt3A_2154 : i32 to vector<16xi32>
    %lt3A_2156 = arith.cmpi slt, %xor3A_2153, %lt3A_2155 : vector<16xi32>
    %add3A_2157 = arith.constant 16 : i32
    %add3A_2158 = vector.broadcast %add3A_2157 : i32 to vector<16xi32>
    %add3A_2159 = arith.addi %xor3A_2153, %add3A_2158 : vector<16xi32>
    %select_n3A_2160 = arith.select %lt3A_2156, %add3A_2159, %xor3A_2153 : vector<16xi1>, vector<16xi32>
    %broadcast_in_dim3A_2161 = vector.shape_cast %select_n3A_2160 : vector<16xi32> to vector<16x1xi32>
    %gather3A_2162 = vector.shape_cast %broadcast_in_dim3A_2161 : vector<16x1xi32> to vector<16xi32>
    %gather3A_2163 = tpu.dynamic_gather %add3A_2150[%gather3A_2162] in [0] : vector<16xf32>, vector<16xi32> -> vector<16xf32>
    %add3A_2164 = arith.addf %add3A_2150, %gather3A_2163 : vector<16xf32>
    %xor3A_2165 = arith.constant 2 : i32
    %xor3A_2166 = vector.broadcast %xor3A_2165 : i32 to vector<16xi32>
    %xor3A_2167 = arith.xori %iota3A_2136, %xor3A_2166 : vector<16xi32>
    %lt3A_2168 = arith.constant 0 : i32
    %lt3A_2169 = vector.broadcast %lt3A_2168 : i32 to vector<16xi32>
    %lt3A_2170 = arith.cmpi slt, %xor3A_2167, %lt3A_2169 : vector<16xi32>
    %add3A_2171 = arith.constant 16 : i32
    %add3A_2172 = vector.broadcast %add3A_2171 : i32 to vector<16xi32>
    %add3A_2173 = arith.addi %xor3A_2167, %add3A_2172 : vector<16xi32>
    %select_n3A_2174 = arith.select %lt3A_2170, %add3A_2173, %xor3A_2167 : vector<16xi1>, vector<16xi32>
    %broadcast_in_dim3A_2175 = vector.shape_cast %select_n3A_2174 : vector<16xi32> to vector<16x1xi32>
    %gather3A_2176 = vector.shape_cast %broadcast_in_dim3A_2175 : vector<16x1xi32> to vector<16xi32>
    %gather3A_2177 = tpu.dynamic_gather %add3A_2164[%gather3A_2176] in [0] : vector<16xf32>, vector<16xi32> -> vector<16xf32>
    %add3A_2178 = arith.addf %add3A_2164, %gather3A_2177 : vector<16xf32>
    %xor3A_2179 = arith.constant 1 : i32
    %xor3A_2180 = vector.broadcast %xor3A_2179 : i32 to vector<16xi32>
    %xor3A_2181 = arith.xori %iota3A_2136, %xor3A_2180 : vector<16xi32>
    %lt3A_2182 = arith.constant 0 : i32
    %lt3A_2183 = vector.broadcast %lt3A_2182 : i32 to vector<16xi32>
    %lt3A_2184 = arith.cmpi slt, %xor3A_2181, %lt3A_2183 : vector<16xi32>
    %add3A_2185 = arith.constant 16 : i32
    %add3A_2186 = vector.broadcast %add3A_2185 : i32 to vector<16xi32>
    %add3A_2187 = arith.addi %xor3A_2181, %add3A_2186 : vector<16xi32>
    %select_n3A_2188 = arith.select %lt3A_2184, %add3A_2187, %xor3A_2181 : vector<16xi1>, vector<16xi32>
    %broadcast_in_dim3A_2189 = vector.shape_cast %select_n3A_2188 : vector<16xi32> to vector<16x1xi32>
    %gather3A_2190 = vector.shape_cast %broadcast_in_dim3A_2189 : vector<16x1xi32> to vector<16xi32>
    %gather3A_2191 = tpu.dynamic_gather %add3A_2178[%gather3A_2190] in [0] : vector<16xf32>, vector<16xi32> -> vector<16xf32>
    %add3A_2192 = arith.addf %add3A_2178, %gather3A_2191 : vector<16xf32>
    %mul3A_2193 = arith.constant 4 : i32
    %mul3A_2194 = arith.muli %mul3A_2193, %arg1 : i32
    %add3A_2195 = arith.constant 63 : i32
    %add3A_2196 = arith.addi %add3A_2195, %mul3A_2194 : i32
    %add3A_2197 = arith.constant 3 : i32
    %add3A_2198 = arith.addi %add3A_2196, %add3A_2197 : i32
    %get3A_2199 = arith.constant 408 : index
    %get3A_2200 = tpu.vector_load %arg18[%get3A_2199] {strides = array<i32>} : memref<544xf32, #tpu.memory_space<vmem>>, vector<16xf32>,
    %get3A_2201 = vector.shape_cast %get3A_2200 : vector<16xf32> to vector<16xf32>
    %mul3A_2202 = arith.mulf %get3A_2201, %select_n3A : vector<16xf32>
    %get3A_2203 = arith.index_cast %add3A_2198 : i32 to index
    %get3A_2204 = tpu.vector_load %arg15[%get3A_2203] {strides = array<i32>} : memref<127xf32, #tpu.memory_space<vmem>>, vector<16xf32>,
    %get3A_2205 = vector.shape_cast %get3A_2204 : vector<16xf32> to vector<16xf32>
    %jit3A_2206 = arith.constant 0.000000e+00 : f32
    %broadcast_in_dim3A_2207 = vector.broadcast %jit3A_2206 : f32 to vector<16xf32>
    %select_n3A_2208 = arith.select %eq3A_149, %get3A_2205, %broadcast_in_dim3A_2207 : vector<16xi1>, vector<16xf32>
    %add3A_2209 = arith.addf %mul3A_2202, %select_n3A_2208 : vector<16xf32>
    %add3A_2210 = arith.addf %add3A_1387, %add3A_2209 : vector<16xf32>
    %iota3A_2211 = tpu.iota {dimensions = array<i32: 0>} : vector<16xi32>
    %xor3A_2212 = arith.constant 8 : i32
    %xor3A_2213 = vector.broadcast %xor3A_2212 : i32 to vector<16xi32>
    %xor3A_2214 = arith.xori %iota3A_2211, %xor3A_2213 : vector<16xi32>
    %lt3A_2215 = arith.constant 0 : i32
    %lt3A_2216 = vector.broadcast %lt3A_2215 : i32 to vector<16xi32>
    %lt3A_2217 = arith.cmpi slt, %xor3A_2214, %lt3A_2216 : vector<16xi32>
    %add3A_2218 = arith.constant 16 : i32
    %add3A_2219 = vector.broadcast %add3A_2218 : i32 to vector<16xi32>
    %add3A_2220 = arith.addi %xor3A_2214, %add3A_2219 : vector<16xi32>
    %select_n3A_2221 = arith.select %lt3A_2217, %add3A_2220, %xor3A_2214 : vector<16xi1>, vector<16xi32>
    %broadcast_in_dim3A_2222 = vector.shape_cast %select_n3A_2221 : vector<16xi32> to vector<16x1xi32>
    %gather3A_2223 = vector.shape_cast %broadcast_in_dim3A_2222 : vector<16x1xi32> to vector<16xi32>
    %gather3A_2224 = tpu.dynamic_gather %add3A_2210[%gather3A_2223] in [0] : vector<16xf32>, vector<16xi32> -> vector<16xf32>
    %add3A_2225 = arith.addf %add3A_2210, %gather3A_2224 : vector<16xf32>
    %xor3A_2226 = arith.constant 4 : i32
    %xor3A_2227 = vector.broadcast %xor3A_2226 : i32 to vector<16xi32>
    %xor3A_2228 = arith.xori %iota3A_2211, %xor3A_2227 : vector<16xi32>
    %lt3A_2229 = arith.constant 0 : i32
    %lt3A_2230 = vector.broadcast %lt3A_2229 : i32 to vector<16xi32>
    %lt3A_2231 = arith.cmpi slt, %xor3A_2228, %lt3A_2230 : vector<16xi32>
    %add3A_2232 = arith.constant 16 : i32
    %add3A_2233 = vector.broadcast %add3A_2232 : i32 to vector<16xi32>
    %add3A_2234 = arith.addi %xor3A_2228, %add3A_2233 : vector<16xi32>
    %select_n3A_2235 = arith.select %lt3A_2231, %add3A_2234, %xor3A_2228 : vector<16xi1>, vector<16xi32>
    %broadcast_in_dim3A_2236 = vector.shape_cast %select_n3A_2235 : vector<16xi32> to vector<16x1xi32>
    %gather3A_2237 = vector.shape_cast %broadcast_in_dim3A_2236 : vector<16x1xi32> to vector<16xi32>
    %gather3A_2238 = tpu.dynamic_gather %add3A_2225[%gather3A_2237] in [0] : vector<16xf32>, vector<16xi32> -> vector<16xf32>
    %add3A_2239 = arith.addf %add3A_2225, %gather3A_2238 : vector<16xf32>
    %xor3A_2240 = arith.constant 2 : i32
    %xor3A_2241 = vector.broadcast %xor3A_2240 : i32 to vector<16xi32>
    %xor3A_2242 = arith.xori %iota3A_2211, %xor3A_2241 : vector<16xi32>
    %lt3A_2243 = arith.constant 0 : i32
    %lt3A_2244 = vector.broadcast %lt3A_2243 : i32 to vector<16xi32>
    %lt3A_2245 = arith.cmpi slt, %xor3A_2242, %lt3A_2244 : vector<16xi32>
    %add3A_2246 = arith.constant 16 : i32
    %add3A_2247 = vector.broadcast %add3A_2246 : i32 to vector<16xi32>
    %add3A_2248 = arith.addi %xor3A_2242, %add3A_2247 : vector<16xi32>
    %select_n3A_2249 = arith.select %lt3A_2245, %add3A_2248, %xor3A_2242 : vector<16xi1>, vector<16xi32>
    %broadcast_in_dim3A_2250 = vector.shape_cast %select_n3A_2249 : vector<16xi32> to vector<16x1xi32>
    %gather3A_2251 = vector.shape_cast %broadcast_in_dim3A_2250 : vector<16x1xi32> to vector<16xi32>
    %gather3A_2252 = tpu.dynamic_gather %add3A_2239[%gather3A_2251] in [0] : vector<16xf32>, vector<16xi32> -> vector<16xf32>
    %add3A_2253 = arith.addf %add3A_2239, %gather3A_2252 : vector<16xf32>
    %xor3A_2254 = arith.constant 1 : i32
    %xor3A_2255 = vector.broadcast %xor3A_2254 : i32 to vector<16xi32>
    %xor3A_2256 = arith.xori %iota3A_2211, %xor3A_2255 : vector<16xi32>
    %lt3A_2257 = arith.constant 0 : i32
    %lt3A_2258 = vector.broadcast %lt3A_2257 : i32 to vector<16xi32>
    %lt3A_2259 = arith.cmpi slt, %xor3A_2256, %lt3A_2258 : vector<16xi32>
    %add3A_2260 = arith.constant 16 : i32
    %add3A_2261 = vector.broadcast %add3A_2260 : i32 to vector<16xi32>
    %add3A_2262 = arith.addi %xor3A_2256, %add3A_2261 : vector<16xi32>
    %select_n3A_2263 = arith.select %lt3A_2259, %add3A_2262, %xor3A_2256 : vector<16xi1>, vector<16xi32>
    %broadcast_in_dim3A_2264 = vector.shape_cast %select_n3A_2263 : vector<16xi32> to vector<16x1xi32>
    %gather3A_2265 = vector.shape_cast %broadcast_in_dim3A_2264 : vector<16x1xi32> to vector<16xi32>
    %gather3A_2266 = tpu.dynamic_gather %add3A_2253[%gather3A_2265] in [0] : vector<16xf32>, vector<16xi32> -> vector<16xf32>
    %add3A_2267 = arith.addf %add3A_2253, %gather3A_2266 : vector<16xf32>
    %mul3A_2268 = arith.constant 4 : i32
    %mul3A_2269 = arith.muli %mul3A_2268, %arg1 : i32
    %and3A_2270 = arith.constant 15 : i32
    %and3A_2271 = arith.andi %mul3A_2269, %and3A_2270 : i32
    %eq3A_2272 = vector.broadcast %and3A_2271 : i32 to vector<16xi32>
    %eq3A_2273 = arith.cmpi eq, %iota3A, %eq3A_2272 : vector<16xi32>
    %add3A_2274 = arith.constant 1 : i32
    %add3A_2275 = arith.addi %and3A_2271, %add3A_2274 : i32
    %eq3A_2276 = vector.broadcast %add3A_2275 : i32 to vector<16xi32>
    %eq3A_2277 = arith.cmpi eq, %iota3A, %eq3A_2276 : vector<16xi32>
    %add3A_2278 = arith.constant 2 : i32
    %add3A_2279 = arith.addi %and3A_2271, %add3A_2278 : i32
    %eq3A_2280 = vector.broadcast %add3A_2279 : i32 to vector<16xi32>
    %eq3A_2281 = arith.cmpi eq, %iota3A, %eq3A_2280 : vector<16xi32>
    %add3A_2282 = arith.constant 3 : i32
    %add3A_2283 = arith.addi %and3A_2271, %add3A_2282 : i32
    %eq3A_2284 = vector.broadcast %add3A_2283 : i32 to vector<16xi32>
    %eq3A_2285 = arith.cmpi eq, %iota3A, %eq3A_2284 : vector<16xi32>
    %jit3A_2286 = arith.constant 0.000000e+00 : f32
    %broadcast_in_dim3A_2287 = vector.broadcast %jit3A_2286 : f32 to vector<16xf32>
    %select_n3A_2288 = arith.select %eq3A_2285, %add3A_2267, %broadcast_in_dim3A_2287 : vector<16xi1>, vector<16xf32>
    %select_n3A_2289 = arith.select %eq3A_2281, %add3A_2192, %select_n3A_2288 : vector<16xi1>, vector<16xf32>
    %select_n3A_2290 = arith.select %eq3A_2277, %add3A_2117, %select_n3A_2289 : vector<16xi1>, vector<16xf32>
    %select_n3A_2291 = arith.select %eq3A_2273, %add3A_2042, %select_n3A_2290 : vector<16xi1>, vector<16xf32>
    %swap3A_2292 = arith.constant 96 : index
    %swap3A_2293 = tpu.vector_load %arg19[%swap3A_2292] {strides = array<i32>} : memref<112xf32, #tpu.memory_space<vmem>>, vector<16xf32>,
    %swap3A_2294 = vector.shape_cast %swap3A_2293 : vector<16xf32> to vector<16xf32>
    %swap3A_2295 = vector.shape_cast %select_n3A_2291 : vector<16xf32> to vector<16xf32>
    tpu.vector_store %arg19[%swap3A_2292], %swap3A_2295 {strides = array<i32>} : memref<112xf32, #tpu.memory_space<vmem>>, vector<16xf32>,
    %mul3A_2296 = arith.constant 112 : i32
    %mul3A_2297 = arith.muli %arg1, %mul3A_2296 : i32
    "tpu.region"() ({
      %run_scoped3A = tpu.sem_alloc : memref<!tpu.dma_semaphore, #tpu.memory_space<semaphore_mem>>
      %dma_start3A_2304 = tpu.memref_slice %arg20[%mul3A_2297] : memref<1792xf32, #tpu.memory_space<vmem_shared>> -> memref<112xf32, #tpu.memory_space<vmem_shared>>
      %dma_start3A_2305 = tpu.memref_slice %arg20[%mul3A_2297] : memref<1792xf32, #tpu.memory_space<vmem_shared>> -> memref<112xf32, #tpu.memory_space<vmem_shared>>
      tpu.enqueue_dma source(%arg19 : memref<112xf32, #tpu.memory_space<vmem>>) target(%dma_start3A_2305 : memref<112xf32, #tpu.memory_space<vmem_shared>>) target_semaphore(%run_scoped3A : memref<!tpu.dma_semaphore, #tpu.memory_space<semaphore_mem>>)
      %dma_wait3A_2306 = tpu.memref_slice %arg20[%mul3A_2297] : memref<1792xf32, #tpu.memory_space<vmem_shared>> -> memref<112xf32, #tpu.memory_space<vmem_shared>>
      %dma_wait3A_2307 = tpu.memref_slice %arg20[%mul3A_2297] : memref<1792xf32, #tpu.memory_space<vmem_shared>> -> memref<112xf32, #tpu.memory_space<vmem_shared>>
      tpu.wait_dma2 semaphore(%run_scoped3A : memref<!tpu.dma_semaphore, #tpu.memory_space<semaphore_mem>>) src(%arg19 : memref<112xf32, #tpu.memory_space<vmem>>) dst(%dma_wait3A_2307 : memref<112xf32, #tpu.memory_space<vmem_shared>>)
      tpu.yield
    }) : () -> ()
    %barrier3A = arith.constant 0 : index
    tpu.barrier barrier_id(%barrier3A)
    %eq3A_2298 = arith.constant 0 : i32
    %eq3A_2299 = arith.cmpi eq, %arg1, %eq3A_2298 : i32
    %convert_element_type3A_2300 = arith.extui %eq3A_2299 : i1 to i32
    %cond3A_2301 = arith.constant 0.000000e+00 : f32
    %cond3A_2302 = arith.constant 0 : i32
    %cond3A_2303 = arith.cmpi ne, %convert_element_type3A_2300, %cond3A_2302 : i32
    scf.if %cond3A_2303 {
      "tpu.region"() ({
        %run_scoped3A = tpu.sem_alloc : memref<!tpu.dma_semaphore, #tpu.memory_space<semaphore_mem>>
        tpu.enqueue_dma source(%arg20 : memref<1792xf32, #tpu.memory_space<vmem_shared>>) target(%arg22 : memref<1792xf32, #tpu.memory_space<vmem>>) target_semaphore(%run_scoped3A : memref<!tpu.dma_semaphore, #tpu.memory_space<semaphore_mem>>)
        tpu.wait_dma2 semaphore(%run_scoped3A : memref<!tpu.dma_semaphore, #tpu.memory_space<semaphore_mem>>) src(%arg20 : memref<1792xf32, #tpu.memory_space<vmem_shared>>) dst(%arg22 : memref<1792xf32, #tpu.memory_space<vmem>>)
        tpu.yield
      }) : () -> ()
      %get3A_2304 = arith.constant 0 : index
      %get3A_2305 = tpu.vector_load %arg22[%get3A_2304] {strides = array<i32>} : memref<1792xf32, #tpu.memory_space<vmem>>, vector<16xf32>,
      %get3A_2306 = vector.shape_cast %get3A_2305 : vector<16xf32> to vector<16xf32>
      %get3A_2307 = arith.constant 112 : index
      %get3A_2308 = tpu.vector_load %arg22[%get3A_2307] {strides = array<i32>} : memref<1792xf32, #tpu.memory_space<vmem>>, vector<16xf32>,
      %get3A_2309 = vector.shape_cast %get3A_2308 : vector<16xf32> to vector<16xf32>
      %add3A_2310 = arith.addf %get3A_2306, %get3A_2309 : vector<16xf32>
      %get3A_2311 = arith.constant 224 : index
      %get3A_2312 = tpu.vector_load %arg22[%get3A_2311] {strides = array<i32>} : memref<1792xf32, #tpu.memory_space<vmem>>, vector<16xf32>,
      %get3A_2313 = vector.shape_cast %get3A_2312 : vector<16xf32> to vector<16xf32>
      %add3A_2314 = arith.addf %add3A_2310, %get3A_2313 : vector<16xf32>
      %get3A_2315 = arith.constant 336 : index
      %get3A_2316 = tpu.vector_load %arg22[%get3A_2315] {strides = array<i32>} : memref<1792xf32, #tpu.memory_space<vmem>>, vector<16xf32>,
      %get3A_2317 = vector.shape_cast %get3A_2316 : vector<16xf32> to vector<16xf32>
      %add3A_2318 = arith.addf %add3A_2314, %get3A_2317 : vector<16xf32>
      %get3A_2319 = arith.constant 448 : index
      %get3A_2320 = tpu.vector_load %arg22[%get3A_2319] {strides = array<i32>} : memref<1792xf32, #tpu.memory_space<vmem>>, vector<16xf32>,
      %get3A_2321 = vector.shape_cast %get3A_2320 : vector<16xf32> to vector<16xf32>
      %add3A_2322 = arith.addf %add3A_2318, %get3A_2321 : vector<16xf32>
      %get3A_2323 = arith.constant 560 : index
      %get3A_2324 = tpu.vector_load %arg22[%get3A_2323] {strides = array<i32>} : memref<1792xf32, #tpu.memory_space<vmem>>, vector<16xf32>,
      %get3A_2325 = vector.shape_cast %get3A_2324 : vector<16xf32> to vector<16xf32>
      %add3A_2326 = arith.addf %add3A_2322, %get3A_2325 : vector<16xf32>
      %get3A_2327 = arith.constant 672 : index
      %get3A_2328 = tpu.vector_load %arg22[%get3A_2327] {strides = array<i32>} : memref<1792xf32, #tpu.memory_space<vmem>>, vector<16xf32>,
      %get3A_2329 = vector.shape_cast %get3A_2328 : vector<16xf32> to vector<16xf32>
      %add3A_2330 = arith.addf %add3A_2326, %get3A_2329 : vector<16xf32>
      %get3A_2331 = arith.constant 784 : index
      %get3A_2332 = tpu.vector_load %arg22[%get3A_2331] {strides = array<i32>} : memref<1792xf32, #tpu.memory_space<vmem>>, vector<16xf32>,
      %get3A_2333 = vector.shape_cast %get3A_2332 : vector<16xf32> to vector<16xf32>
      %add3A_2334 = arith.addf %add3A_2330, %get3A_2333 : vector<16xf32>
      %get3A_2335 = arith.constant 896 : index
      %get3A_2336 = tpu.vector_load %arg22[%get3A_2335] {strides = array<i32>} : memref<1792xf32, #tpu.memory_space<vmem>>, vector<16xf32>,
      %get3A_2337 = vector.shape_cast %get3A_2336 : vector<16xf32> to vector<16xf32>
      %add3A_2338 = arith.addf %add3A_2334, %get3A_2337 : vector<16xf32>
      %get3A_2339 = arith.constant 1008 : index
      %get3A_2340 = tpu.vector_load %arg22[%get3A_2339] {strides = array<i32>} : memref<1792xf32, #tpu.memory_space<vmem>>, vector<16xf32>,
      %get3A_2341 = vector.shape_cast %get3A_2340 : vector<16xf32> to vector<16xf32>
      %add3A_2342 = arith.addf %add3A_2338, %get3A_2341 : vector<16xf32>
      %get3A_2343 = arith.constant 1120 : index
      %get3A_2344 = tpu.vector_load %arg22[%get3A_2343] {strides = array<i32>} : memref<1792xf32, #tpu.memory_space<vmem>>, vector<16xf32>,
      %get3A_2345 = vector.shape_cast %get3A_2344 : vector<16xf32> to vector<16xf32>
      %add3A_2346 = arith.addf %add3A_2342, %get3A_2345 : vector<16xf32>
      %get3A_2347 = arith.constant 1232 : index
      %get3A_2348 = tpu.vector_load %arg22[%get3A_2347] {strides = array<i32>} : memref<1792xf32, #tpu.memory_space<vmem>>, vector<16xf32>,
      %get3A_2349 = vector.shape_cast %get3A_2348 : vector<16xf32> to vector<16xf32>
      %add3A_2350 = arith.addf %add3A_2346, %get3A_2349 : vector<16xf32>
      %get3A_2351 = arith.constant 1344 : index
      %get3A_2352 = tpu.vector_load %arg22[%get3A_2351] {strides = array<i32>} : memref<1792xf32, #tpu.memory_space<vmem>>, vector<16xf32>,
      %get3A_2353 = vector.shape_cast %get3A_2352 : vector<16xf32> to vector<16xf32>
      %add3A_2354 = arith.addf %add3A_2350, %get3A_2353 : vector<16xf32>
      %get3A_2355 = arith.constant 1456 : index
      %get3A_2356 = tpu.vector_load %arg22[%get3A_2355] {strides = array<i32>} : memref<1792xf32, #tpu.memory_space<vmem>>, vector<16xf32>,
      %get3A_2357 = vector.shape_cast %get3A_2356 : vector<16xf32> to vector<16xf32>
      %add3A_2358 = arith.addf %add3A_2354, %get3A_2357 : vector<16xf32>
      %get3A_2359 = arith.constant 1568 : index
      %get3A_2360 = tpu.vector_load %arg22[%get3A_2359] {strides = array<i32>} : memref<1792xf32, #tpu.memory_space<vmem>>, vector<16xf32>,
      %get3A_2361 = vector.shape_cast %get3A_2360 : vector<16xf32> to vector<16xf32>
      %add3A_2362 = arith.addf %add3A_2358, %get3A_2361 : vector<16xf32>
      %get3A_2363 = arith.constant 1680 : index
      %get3A_2364 = tpu.vector_load %arg22[%get3A_2363] {strides = array<i32>} : memref<1792xf32, #tpu.memory_space<vmem>>, vector<16xf32>,
      %get3A_2365 = vector.shape_cast %get3A_2364 : vector<16xf32> to vector<16xf32>
      %add3A_2366 = arith.addf %add3A_2362, %get3A_2365 : vector<16xf32>
      %get3A_2367 = arith.constant 16 : index
      %get3A_2368 = tpu.vector_load %arg22[%get3A_2367] {strides = array<i32>} : memref<1792xf32, #tpu.memory_space<vmem>>, vector<16xf32>,
      %get3A_2369 = vector.shape_cast %get3A_2368 : vector<16xf32> to vector<16xf32>
      %get3A_2370 = arith.constant 128 : index
      %get3A_2371 = tpu.vector_load %arg22[%get3A_2370] {strides = array<i32>} : memref<1792xf32, #tpu.memory_space<vmem>>, vector<16xf32>,
      %get3A_2372 = vector.shape_cast %get3A_2371 : vector<16xf32> to vector<16xf32>
      %add3A_2373 = arith.addf %get3A_2369, %get3A_2372 : vector<16xf32>
      %get3A_2374 = arith.constant 240 : index
      %get3A_2375 = tpu.vector_load %arg22[%get3A_2374] {strides = array<i32>} : memref<1792xf32, #tpu.memory_space<vmem>>, vector<16xf32>,
      %get3A_2376 = vector.shape_cast %get3A_2375 : vector<16xf32> to vector<16xf32>
      %add3A_2377 = arith.addf %add3A_2373, %get3A_2376 : vector<16xf32>
      %get3A_2378 = arith.constant 352 : index
      %get3A_2379 = tpu.vector_load %arg22[%get3A_2378] {strides = array<i32>} : memref<1792xf32, #tpu.memory_space<vmem>>, vector<16xf32>,
      %get3A_2380 = vector.shape_cast %get3A_2379 : vector<16xf32> to vector<16xf32>
      %add3A_2381 = arith.addf %add3A_2377, %get3A_2380 : vector<16xf32>
      %get3A_2382 = arith.constant 464 : index
      %get3A_2383 = tpu.vector_load %arg22[%get3A_2382] {strides = array<i32>} : memref<1792xf32, #tpu.memory_space<vmem>>, vector<16xf32>,
      %get3A_2384 = vector.shape_cast %get3A_2383 : vector<16xf32> to vector<16xf32>
      %add3A_2385 = arith.addf %add3A_2381, %get3A_2384 : vector<16xf32>
      %get3A_2386 = arith.constant 576 : index
      %get3A_2387 = tpu.vector_load %arg22[%get3A_2386] {strides = array<i32>} : memref<1792xf32, #tpu.memory_space<vmem>>, vector<16xf32>,
      %get3A_2388 = vector.shape_cast %get3A_2387 : vector<16xf32> to vector<16xf32>
      %add3A_2389 = arith.addf %add3A_2385, %get3A_2388 : vector<16xf32>
      %get3A_2390 = arith.constant 688 : index
      %get3A_2391 = tpu.vector_load %arg22[%get3A_2390] {strides = array<i32>} : memref<1792xf32, #tpu.memory_space<vmem>>, vector<16xf32>,
      %get3A_2392 = vector.shape_cast %get3A_2391 : vector<16xf32> to vector<16xf32>
      %add3A_2393 = arith.addf %add3A_2389, %get3A_2392 : vector<16xf32>
      %get3A_2394 = arith.constant 800 : index
      %get3A_2395 = tpu.vector_load %arg22[%get3A_2394] {strides = array<i32>} : memref<1792xf32, #tpu.memory_space<vmem>>, vector<16xf32>,
      %get3A_2396 = vector.shape_cast %get3A_2395 : vector<16xf32> to vector<16xf32>
      %add3A_2397 = arith.addf %add3A_2393, %get3A_2396 : vector<16xf32>
      %get3A_2398 = arith.constant 912 : index
      %get3A_2399 = tpu.vector_load %arg22[%get3A_2398] {strides = array<i32>} : memref<1792xf32, #tpu.memory_space<vmem>>, vector<16xf32>,
      %get3A_2400 = vector.shape_cast %get3A_2399 : vector<16xf32> to vector<16xf32>
      %add3A_2401 = arith.addf %add3A_2397, %get3A_2400 : vector<16xf32>
      %get3A_2402 = arith.constant 1024 : index
      %get3A_2403 = tpu.vector_load %arg22[%get3A_2402] {strides = array<i32>} : memref<1792xf32, #tpu.memory_space<vmem>>, vector<16xf32>,
      %get3A_2404 = vector.shape_cast %get3A_2403 : vector<16xf32> to vector<16xf32>
      %add3A_2405 = arith.addf %add3A_2401, %get3A_2404 : vector<16xf32>
      %get3A_2406 = arith.constant 1136 : index
      %get3A_2407 = tpu.vector_load %arg22[%get3A_2406] {strides = array<i32>} : memref<1792xf32, #tpu.memory_space<vmem>>, vector<16xf32>,
      %get3A_2408 = vector.shape_cast %get3A_2407 : vector<16xf32> to vector<16xf32>
      %add3A_2409 = arith.addf %add3A_2405, %get3A_2408 : vector<16xf32>
      %get3A_2410 = arith.constant 1248 : index
      %get3A_2411 = tpu.vector_load %arg22[%get3A_2410] {strides = array<i32>} : memref<1792xf32, #tpu.memory_space<vmem>>, vector<16xf32>,
      %get3A_2412 = vector.shape_cast %get3A_2411 : vector<16xf32> to vector<16xf32>
      %add3A_2413 = arith.addf %add3A_2409, %get3A_2412 : vector<16xf32>
      %get3A_2414 = arith.constant 1360 : index
      %get3A_2415 = tpu.vector_load %arg22[%get3A_2414] {strides = array<i32>} : memref<1792xf32, #tpu.memory_space<vmem>>, vector<16xf32>,
      %get3A_2416 = vector.shape_cast %get3A_2415 : vector<16xf32> to vector<16xf32>
      %add3A_2417 = arith.addf %add3A_2413, %get3A_2416 : vector<16xf32>
      %get3A_2418 = arith.constant 1472 : index
      %get3A_2419 = tpu.vector_load %arg22[%get3A_2418] {strides = array<i32>} : memref<1792xf32, #tpu.memory_space<vmem>>, vector<16xf32>,
      %get3A_2420 = vector.shape_cast %get3A_2419 : vector<16xf32> to vector<16xf32>
      %add3A_2421 = arith.addf %add3A_2417, %get3A_2420 : vector<16xf32>
      %get3A_2422 = arith.constant 1584 : index
      %get3A_2423 = tpu.vector_load %arg22[%get3A_2422] {strides = array<i32>} : memref<1792xf32, #tpu.memory_space<vmem>>, vector<16xf32>,
      %get3A_2424 = vector.shape_cast %get3A_2423 : vector<16xf32> to vector<16xf32>
      %add3A_2425 = arith.addf %add3A_2421, %get3A_2424 : vector<16xf32>
      %get3A_2426 = arith.constant 1696 : index
      %get3A_2427 = tpu.vector_load %arg22[%get3A_2426] {strides = array<i32>} : memref<1792xf32, #tpu.memory_space<vmem>>, vector<16xf32>,
      %get3A_2428 = vector.shape_cast %get3A_2427 : vector<16xf32> to vector<16xf32>
      %add3A_2429 = arith.addf %add3A_2425, %get3A_2428 : vector<16xf32>
      %get3A_2430 = arith.constant 32 : index
      %get3A_2431 = tpu.vector_load %arg22[%get3A_2430] {strides = array<i32>} : memref<1792xf32, #tpu.memory_space<vmem>>, vector<16xf32>,
      %get3A_2432 = vector.shape_cast %get3A_2431 : vector<16xf32> to vector<16xf32>
      %get3A_2433 = arith.constant 144 : index
      %get3A_2434 = tpu.vector_load %arg22[%get3A_2433] {strides = array<i32>} : memref<1792xf32, #tpu.memory_space<vmem>>, vector<16xf32>,
      %get3A_2435 = vector.shape_cast %get3A_2434 : vector<16xf32> to vector<16xf32>
      %add3A_2436 = arith.addf %get3A_2432, %get3A_2435 : vector<16xf32>
      %get3A_2437 = arith.constant 256 : index
      %get3A_2438 = tpu.vector_load %arg22[%get3A_2437] {strides = array<i32>} : memref<1792xf32, #tpu.memory_space<vmem>>, vector<16xf32>,
      %get3A_2439 = vector.shape_cast %get3A_2438 : vector<16xf32> to vector<16xf32>
      %add3A_2440 = arith.addf %add3A_2436, %get3A_2439 : vector<16xf32>
      %get3A_2441 = arith.constant 368 : index
      %get3A_2442 = tpu.vector_load %arg22[%get3A_2441] {strides = array<i32>} : memref<1792xf32, #tpu.memory_space<vmem>>, vector<16xf32>,
      %get3A_2443 = vector.shape_cast %get3A_2442 : vector<16xf32> to vector<16xf32>
      %add3A_2444 = arith.addf %add3A_2440, %get3A_2443 : vector<16xf32>
      %get3A_2445 = arith.constant 480 : index
      %get3A_2446 = tpu.vector_load %arg22[%get3A_2445] {strides = array<i32>} : memref<1792xf32, #tpu.memory_space<vmem>>, vector<16xf32>,
      %get3A_2447 = vector.shape_cast %get3A_2446 : vector<16xf32> to vector<16xf32>
      %add3A_2448 = arith.addf %add3A_2444, %get3A_2447 : vector<16xf32>
      %get3A_2449 = arith.constant 592 : index
      %get3A_2450 = tpu.vector_load %arg22[%get3A_2449] {strides = array<i32>} : memref<1792xf32, #tpu.memory_space<vmem>>, vector<16xf32>,
      %get3A_2451 = vector.shape_cast %get3A_2450 : vector<16xf32> to vector<16xf32>
      %add3A_2452 = arith.addf %add3A_2448, %get3A_2451 : vector<16xf32>
      %get3A_2453 = arith.constant 704 : index
      %get3A_2454 = tpu.vector_load %arg22[%get3A_2453] {strides = array<i32>} : memref<1792xf32, #tpu.memory_space<vmem>>, vector<16xf32>,
      %get3A_2455 = vector.shape_cast %get3A_2454 : vector<16xf32> to vector<16xf32>
      %add3A_2456 = arith.addf %add3A_2452, %get3A_2455 : vector<16xf32>
      %get3A_2457 = arith.constant 816 : index
      %get3A_2458 = tpu.vector_load %arg22[%get3A_2457] {strides = array<i32>} : memref<1792xf32, #tpu.memory_space<vmem>>, vector<16xf32>,
      %get3A_2459 = vector.shape_cast %get3A_2458 : vector<16xf32> to vector<16xf32>
      %add3A_2460 = arith.addf %add3A_2456, %get3A_2459 : vector<16xf32>
      %get3A_2461 = arith.constant 928 : index
      %get3A_2462 = tpu.vector_load %arg22[%get3A_2461] {strides = array<i32>} : memref<1792xf32, #tpu.memory_space<vmem>>, vector<16xf32>,
      %get3A_2463 = vector.shape_cast %get3A_2462 : vector<16xf32> to vector<16xf32>
      %add3A_2464 = arith.addf %add3A_2460, %get3A_2463 : vector<16xf32>
      %get3A_2465 = arith.constant 1040 : index
      %get3A_2466 = tpu.vector_load %arg22[%get3A_2465] {strides = array<i32>} : memref<1792xf32, #tpu.memory_space<vmem>>, vector<16xf32>,
      %get3A_2467 = vector.shape_cast %get3A_2466 : vector<16xf32> to vector<16xf32>
      %add3A_2468 = arith.addf %add3A_2464, %get3A_2467 : vector<16xf32>
      %get3A_2469 = arith.constant 1152 : index
      %get3A_2470 = tpu.vector_load %arg22[%get3A_2469] {strides = array<i32>} : memref<1792xf32, #tpu.memory_space<vmem>>, vector<16xf32>,
      %get3A_2471 = vector.shape_cast %get3A_2470 : vector<16xf32> to vector<16xf32>
      %add3A_2472 = arith.addf %add3A_2468, %get3A_2471 : vector<16xf32>
      %get3A_2473 = arith.constant 1264 : index
      %get3A_2474 = tpu.vector_load %arg22[%get3A_2473] {strides = array<i32>} : memref<1792xf32, #tpu.memory_space<vmem>>, vector<16xf32>,
      %get3A_2475 = vector.shape_cast %get3A_2474 : vector<16xf32> to vector<16xf32>
      %add3A_2476 = arith.addf %add3A_2472, %get3A_2475 : vector<16xf32>
      %get3A_2477 = arith.constant 1376 : index
      %get3A_2478 = tpu.vector_load %arg22[%get3A_2477] {strides = array<i32>} : memref<1792xf32, #tpu.memory_space<vmem>>, vector<16xf32>,
      %get3A_2479 = vector.shape_cast %get3A_2478 : vector<16xf32> to vector<16xf32>
      %add3A_2480 = arith.addf %add3A_2476, %get3A_2479 : vector<16xf32>
      %get3A_2481 = arith.constant 1488 : index
      %get3A_2482 = tpu.vector_load %arg22[%get3A_2481] {strides = array<i32>} : memref<1792xf32, #tpu.memory_space<vmem>>, vector<16xf32>,
      %get3A_2483 = vector.shape_cast %get3A_2482 : vector<16xf32> to vector<16xf32>
      %add3A_2484 = arith.addf %add3A_2480, %get3A_2483 : vector<16xf32>
      %get3A_2485 = arith.constant 1600 : index
      %get3A_2486 = tpu.vector_load %arg22[%get3A_2485] {strides = array<i32>} : memref<1792xf32, #tpu.memory_space<vmem>>, vector<16xf32>,
      %get3A_2487 = vector.shape_cast %get3A_2486 : vector<16xf32> to vector<16xf32>
      %add3A_2488 = arith.addf %add3A_2484, %get3A_2487 : vector<16xf32>
      %get3A_2489 = arith.constant 1712 : index
      %get3A_2490 = tpu.vector_load %arg22[%get3A_2489] {strides = array<i32>} : memref<1792xf32, #tpu.memory_space<vmem>>, vector<16xf32>,
      %get3A_2491 = vector.shape_cast %get3A_2490 : vector<16xf32> to vector<16xf32>
      %add3A_2492 = arith.addf %add3A_2488, %get3A_2491 : vector<16xf32>
      %get3A_2493 = arith.constant 48 : index
      %get3A_2494 = tpu.vector_load %arg22[%get3A_2493] {strides = array<i32>} : memref<1792xf32, #tpu.memory_space<vmem>>, vector<16xf32>,
      %get3A_2495 = vector.shape_cast %get3A_2494 : vector<16xf32> to vector<16xf32>
      %get3A_2496 = arith.constant 160 : index
      %get3A_2497 = tpu.vector_load %arg22[%get3A_2496] {strides = array<i32>} : memref<1792xf32, #tpu.memory_space<vmem>>, vector<16xf32>,
      %get3A_2498 = vector.shape_cast %get3A_2497 : vector<16xf32> to vector<16xf32>
      %add3A_2499 = arith.addf %get3A_2495, %get3A_2498 : vector<16xf32>
      %get3A_2500 = arith.constant 272 : index
      %get3A_2501 = tpu.vector_load %arg22[%get3A_2500] {strides = array<i32>} : memref<1792xf32, #tpu.memory_space<vmem>>, vector<16xf32>,
      %get3A_2502 = vector.shape_cast %get3A_2501 : vector<16xf32> to vector<16xf32>
      %add3A_2503 = arith.addf %add3A_2499, %get3A_2502 : vector<16xf32>
      %get3A_2504 = arith.constant 384 : index
      %get3A_2505 = tpu.vector_load %arg22[%get3A_2504] {strides = array<i32>} : memref<1792xf32, #tpu.memory_space<vmem>>, vector<16xf32>,
      %get3A_2506 = vector.shape_cast %get3A_2505 : vector<16xf32> to vector<16xf32>
      %add3A_2507 = arith.addf %add3A_2503, %get3A_2506 : vector<16xf32>
      %get3A_2508 = arith.constant 496 : index
      %get3A_2509 = tpu.vector_load %arg22[%get3A_2508] {strides = array<i32>} : memref<1792xf32, #tpu.memory_space<vmem>>, vector<16xf32>,
      %get3A_2510 = vector.shape_cast %get3A_2509 : vector<16xf32> to vector<16xf32>
      %add3A_2511 = arith.addf %add3A_2507, %get3A_2510 : vector<16xf32>
      %get3A_2512 = arith.constant 608 : index
      %get3A_2513 = tpu.vector_load %arg22[%get3A_2512] {strides = array<i32>} : memref<1792xf32, #tpu.memory_space<vmem>>, vector<16xf32>,
      %get3A_2514 = vector.shape_cast %get3A_2513 : vector<16xf32> to vector<16xf32>
      %add3A_2515 = arith.addf %add3A_2511, %get3A_2514 : vector<16xf32>
      %get3A_2516 = arith.constant 720 : index
      %get3A_2517 = tpu.vector_load %arg22[%get3A_2516] {strides = array<i32>} : memref<1792xf32, #tpu.memory_space<vmem>>, vector<16xf32>,
      %get3A_2518 = vector.shape_cast %get3A_2517 : vector<16xf32> to vector<16xf32>
      %add3A_2519 = arith.addf %add3A_2515, %get3A_2518 : vector<16xf32>
      %get3A_2520 = arith.constant 832 : index
      %get3A_2521 = tpu.vector_load %arg22[%get3A_2520] {strides = array<i32>} : memref<1792xf32, #tpu.memory_space<vmem>>, vector<16xf32>,
      %get3A_2522 = vector.shape_cast %get3A_2521 : vector<16xf32> to vector<16xf32>
      %add3A_2523 = arith.addf %add3A_2519, %get3A_2522 : vector<16xf32>
      %get3A_2524 = arith.constant 944 : index
      %get3A_2525 = tpu.vector_load %arg22[%get3A_2524] {strides = array<i32>} : memref<1792xf32, #tpu.memory_space<vmem>>, vector<16xf32>,
      %get3A_2526 = vector.shape_cast %get3A_2525 : vector<16xf32> to vector<16xf32>
      %add3A_2527 = arith.addf %add3A_2523, %get3A_2526 : vector<16xf32>
      %get3A_2528 = arith.constant 1056 : index
      %get3A_2529 = tpu.vector_load %arg22[%get3A_2528] {strides = array<i32>} : memref<1792xf32, #tpu.memory_space<vmem>>, vector<16xf32>,
      %get3A_2530 = vector.shape_cast %get3A_2529 : vector<16xf32> to vector<16xf32>
      %add3A_2531 = arith.addf %add3A_2527, %get3A_2530 : vector<16xf32>
      %get3A_2532 = arith.constant 1168 : index
      %get3A_2533 = tpu.vector_load %arg22[%get3A_2532] {strides = array<i32>} : memref<1792xf32, #tpu.memory_space<vmem>>, vector<16xf32>,
      %get3A_2534 = vector.shape_cast %get3A_2533 : vector<16xf32> to vector<16xf32>
      %add3A_2535 = arith.addf %add3A_2531, %get3A_2534 : vector<16xf32>
      %get3A_2536 = arith.constant 1280 : index
      %get3A_2537 = tpu.vector_load %arg22[%get3A_2536] {strides = array<i32>} : memref<1792xf32, #tpu.memory_space<vmem>>, vector<16xf32>,
      %get3A_2538 = vector.shape_cast %get3A_2537 : vector<16xf32> to vector<16xf32>
      %add3A_2539 = arith.addf %add3A_2535, %get3A_2538 : vector<16xf32>
      %get3A_2540 = arith.constant 1392 : index
      %get3A_2541 = tpu.vector_load %arg22[%get3A_2540] {strides = array<i32>} : memref<1792xf32, #tpu.memory_space<vmem>>, vector<16xf32>,
      %get3A_2542 = vector.shape_cast %get3A_2541 : vector<16xf32> to vector<16xf32>
      %add3A_2543 = arith.addf %add3A_2539, %get3A_2542 : vector<16xf32>
      %get3A_2544 = arith.constant 1504 : index
      %get3A_2545 = tpu.vector_load %arg22[%get3A_2544] {strides = array<i32>} : memref<1792xf32, #tpu.memory_space<vmem>>, vector<16xf32>,
      %get3A_2546 = vector.shape_cast %get3A_2545 : vector<16xf32> to vector<16xf32>
      %add3A_2547 = arith.addf %add3A_2543, %get3A_2546 : vector<16xf32>
      %get3A_2548 = arith.constant 1616 : index
      %get3A_2549 = tpu.vector_load %arg22[%get3A_2548] {strides = array<i32>} : memref<1792xf32, #tpu.memory_space<vmem>>, vector<16xf32>,
      %get3A_2550 = vector.shape_cast %get3A_2549 : vector<16xf32> to vector<16xf32>
      %add3A_2551 = arith.addf %add3A_2547, %get3A_2550 : vector<16xf32>
      %get3A_2552 = arith.constant 1728 : index
      %get3A_2553 = tpu.vector_load %arg22[%get3A_2552] {strides = array<i32>} : memref<1792xf32, #tpu.memory_space<vmem>>, vector<16xf32>,
      %get3A_2554 = vector.shape_cast %get3A_2553 : vector<16xf32> to vector<16xf32>
      %add3A_2555 = arith.addf %add3A_2551, %get3A_2554 : vector<16xf32>
      %get3A_2556 = arith.constant 64 : index
      %get3A_2557 = tpu.vector_load %arg22[%get3A_2556] {strides = array<i32>} : memref<1792xf32, #tpu.memory_space<vmem>>, vector<16xf32>,
      %get3A_2558 = vector.shape_cast %get3A_2557 : vector<16xf32> to vector<16xf32>
      %get3A_2559 = arith.constant 176 : index
      %get3A_2560 = tpu.vector_load %arg22[%get3A_2559] {strides = array<i32>} : memref<1792xf32, #tpu.memory_space<vmem>>, vector<16xf32>,
      %get3A_2561 = vector.shape_cast %get3A_2560 : vector<16xf32> to vector<16xf32>
      %add3A_2562 = arith.addf %get3A_2558, %get3A_2561 : vector<16xf32>
      %get3A_2563 = arith.constant 288 : index
      %get3A_2564 = tpu.vector_load %arg22[%get3A_2563] {strides = array<i32>} : memref<1792xf32, #tpu.memory_space<vmem>>, vector<16xf32>,
      %get3A_2565 = vector.shape_cast %get3A_2564 : vector<16xf32> to vector<16xf32>
      %add3A_2566 = arith.addf %add3A_2562, %get3A_2565 : vector<16xf32>
      %get3A_2567 = arith.constant 400 : index
      %get3A_2568 = tpu.vector_load %arg22[%get3A_2567] {strides = array<i32>} : memref<1792xf32, #tpu.memory_space<vmem>>, vector<16xf32>,
      %get3A_2569 = vector.shape_cast %get3A_2568 : vector<16xf32> to vector<16xf32>
      %add3A_2570 = arith.addf %add3A_2566, %get3A_2569 : vector<16xf32>
      %get3A_2571 = arith.constant 512 : index
      %get3A_2572 = tpu.vector_load %arg22[%get3A_2571] {strides = array<i32>} : memref<1792xf32, #tpu.memory_space<vmem>>, vector<16xf32>,
      %get3A_2573 = vector.shape_cast %get3A_2572 : vector<16xf32> to vector<16xf32>
      %add3A_2574 = arith.addf %add3A_2570, %get3A_2573 : vector<16xf32>
      %get3A_2575 = arith.constant 624 : index
      %get3A_2576 = tpu.vector_load %arg22[%get3A_2575] {strides = array<i32>} : memref<1792xf32, #tpu.memory_space<vmem>>, vector<16xf32>,
      %get3A_2577 = vector.shape_cast %get3A_2576 : vector<16xf32> to vector<16xf32>
      %add3A_2578 = arith.addf %add3A_2574, %get3A_2577 : vector<16xf32>
      %get3A_2579 = arith.constant 736 : index
      %get3A_2580 = tpu.vector_load %arg22[%get3A_2579] {strides = array<i32>} : memref<1792xf32, #tpu.memory_space<vmem>>, vector<16xf32>,
      %get3A_2581 = vector.shape_cast %get3A_2580 : vector<16xf32> to vector<16xf32>
      %add3A_2582 = arith.addf %add3A_2578, %get3A_2581 : vector<16xf32>
      %get3A_2583 = arith.constant 848 : index
      %get3A_2584 = tpu.vector_load %arg22[%get3A_2583] {strides = array<i32>} : memref<1792xf32, #tpu.memory_space<vmem>>, vector<16xf32>,
      %get3A_2585 = vector.shape_cast %get3A_2584 : vector<16xf32> to vector<16xf32>
      %add3A_2586 = arith.addf %add3A_2582, %get3A_2585 : vector<16xf32>
      %get3A_2587 = arith.constant 960 : index
      %get3A_2588 = tpu.vector_load %arg22[%get3A_2587] {strides = array<i32>} : memref<1792xf32, #tpu.memory_space<vmem>>, vector<16xf32>,
      %get3A_2589 = vector.shape_cast %get3A_2588 : vector<16xf32> to vector<16xf32>
      %add3A_2590 = arith.addf %add3A_2586, %get3A_2589 : vector<16xf32>
      %get3A_2591 = arith.constant 1072 : index
      %get3A_2592 = tpu.vector_load %arg22[%get3A_2591] {strides = array<i32>} : memref<1792xf32, #tpu.memory_space<vmem>>, vector<16xf32>,
      %get3A_2593 = vector.shape_cast %get3A_2592 : vector<16xf32> to vector<16xf32>
      %add3A_2594 = arith.addf %add3A_2590, %get3A_2593 : vector<16xf32>
      %get3A_2595 = arith.constant 1184 : index
      %get3A_2596 = tpu.vector_load %arg22[%get3A_2595] {strides = array<i32>} : memref<1792xf32, #tpu.memory_space<vmem>>, vector<16xf32>,
      %get3A_2597 = vector.shape_cast %get3A_2596 : vector<16xf32> to vector<16xf32>
      %add3A_2598 = arith.addf %add3A_2594, %get3A_2597 : vector<16xf32>
      %get3A_2599 = arith.constant 1296 : index
      %get3A_2600 = tpu.vector_load %arg22[%get3A_2599] {strides = array<i32>} : memref<1792xf32, #tpu.memory_space<vmem>>, vector<16xf32>,
      %get3A_2601 = vector.shape_cast %get3A_2600 : vector<16xf32> to vector<16xf32>
      %add3A_2602 = arith.addf %add3A_2598, %get3A_2601 : vector<16xf32>
      %get3A_2603 = arith.constant 1408 : index
      %get3A_2604 = tpu.vector_load %arg22[%get3A_2603] {strides = array<i32>} : memref<1792xf32, #tpu.memory_space<vmem>>, vector<16xf32>,
      %get3A_2605 = vector.shape_cast %get3A_2604 : vector<16xf32> to vector<16xf32>
      %add3A_2606 = arith.addf %add3A_2602, %get3A_2605 : vector<16xf32>
      %get3A_2607 = arith.constant 1520 : index
      %get3A_2608 = tpu.vector_load %arg22[%get3A_2607] {strides = array<i32>} : memref<1792xf32, #tpu.memory_space<vmem>>, vector<16xf32>,
      %get3A_2609 = vector.shape_cast %get3A_2608 : vector<16xf32> to vector<16xf32>
      %add3A_2610 = arith.addf %add3A_2606, %get3A_2609 : vector<16xf32>
      %get3A_2611 = arith.constant 1632 : index
      %get3A_2612 = tpu.vector_load %arg22[%get3A_2611] {strides = array<i32>} : memref<1792xf32, #tpu.memory_space<vmem>>, vector<16xf32>,
      %get3A_2613 = vector.shape_cast %get3A_2612 : vector<16xf32> to vector<16xf32>
      %add3A_2614 = arith.addf %add3A_2610, %get3A_2613 : vector<16xf32>
      %get3A_2615 = arith.constant 1744 : index
      %get3A_2616 = tpu.vector_load %arg22[%get3A_2615] {strides = array<i32>} : memref<1792xf32, #tpu.memory_space<vmem>>, vector<16xf32>,
      %get3A_2617 = vector.shape_cast %get3A_2616 : vector<16xf32> to vector<16xf32>
      %add3A_2618 = arith.addf %add3A_2614, %get3A_2617 : vector<16xf32>
      %get3A_2619 = arith.constant 80 : index
      %get3A_2620 = tpu.vector_load %arg22[%get3A_2619] {strides = array<i32>} : memref<1792xf32, #tpu.memory_space<vmem>>, vector<16xf32>,
      %get3A_2621 = vector.shape_cast %get3A_2620 : vector<16xf32> to vector<16xf32>
      %get3A_2622 = arith.constant 192 : index
      %get3A_2623 = tpu.vector_load %arg22[%get3A_2622] {strides = array<i32>} : memref<1792xf32, #tpu.memory_space<vmem>>, vector<16xf32>,
      %get3A_2624 = vector.shape_cast %get3A_2623 : vector<16xf32> to vector<16xf32>
      %add3A_2625 = arith.addf %get3A_2621, %get3A_2624 : vector<16xf32>
      %get3A_2626 = arith.constant 304 : index
      %get3A_2627 = tpu.vector_load %arg22[%get3A_2626] {strides = array<i32>} : memref<1792xf32, #tpu.memory_space<vmem>>, vector<16xf32>,
      %get3A_2628 = vector.shape_cast %get3A_2627 : vector<16xf32> to vector<16xf32>
      %add3A_2629 = arith.addf %add3A_2625, %get3A_2628 : vector<16xf32>
      %get3A_2630 = arith.constant 416 : index
      %get3A_2631 = tpu.vector_load %arg22[%get3A_2630] {strides = array<i32>} : memref<1792xf32, #tpu.memory_space<vmem>>, vector<16xf32>,
      %get3A_2632 = vector.shape_cast %get3A_2631 : vector<16xf32> to vector<16xf32>
      %add3A_2633 = arith.addf %add3A_2629, %get3A_2632 : vector<16xf32>
      %get3A_2634 = arith.constant 528 : index
      %get3A_2635 = tpu.vector_load %arg22[%get3A_2634] {strides = array<i32>} : memref<1792xf32, #tpu.memory_space<vmem>>, vector<16xf32>,
      %get3A_2636 = vector.shape_cast %get3A_2635 : vector<16xf32> to vector<16xf32>
      %add3A_2637 = arith.addf %add3A_2633, %get3A_2636 : vector<16xf32>
      %get3A_2638 = arith.constant 640 : index
      %get3A_2639 = tpu.vector_load %arg22[%get3A_2638] {strides = array<i32>} : memref<1792xf32, #tpu.memory_space<vmem>>, vector<16xf32>,
      %get3A_2640 = vector.shape_cast %get3A_2639 : vector<16xf32> to vector<16xf32>
      %add3A_2641 = arith.addf %add3A_2637, %get3A_2640 : vector<16xf32>
      %get3A_2642 = arith.constant 752 : index
      %get3A_2643 = tpu.vector_load %arg22[%get3A_2642] {strides = array<i32>} : memref<1792xf32, #tpu.memory_space<vmem>>, vector<16xf32>,
      %get3A_2644 = vector.shape_cast %get3A_2643 : vector<16xf32> to vector<16xf32>
      %add3A_2645 = arith.addf %add3A_2641, %get3A_2644 : vector<16xf32>
      %get3A_2646 = arith.constant 864 : index
      %get3A_2647 = tpu.vector_load %arg22[%get3A_2646] {strides = array<i32>} : memref<1792xf32, #tpu.memory_space<vmem>>, vector<16xf32>,
      %get3A_2648 = vector.shape_cast %get3A_2647 : vector<16xf32> to vector<16xf32>
      %add3A_2649 = arith.addf %add3A_2645, %get3A_2648 : vector<16xf32>
      %get3A_2650 = arith.constant 976 : index
      %get3A_2651 = tpu.vector_load %arg22[%get3A_2650] {strides = array<i32>} : memref<1792xf32, #tpu.memory_space<vmem>>, vector<16xf32>,
      %get3A_2652 = vector.shape_cast %get3A_2651 : vector<16xf32> to vector<16xf32>
      %get3A_2653 = arith.constant 1088 : index
      %get3A_2654 = tpu.vector_load %arg22[%get3A_2653] {strides = array<i32>} : memref<1792xf32, #tpu.memory_space<vmem>>, vector<16xf32>,
      %get3A_2655 = vector.shape_cast %get3A_2654 : vector<16xf32> to vector<16xf32>
      %add3A_2656 = arith.addf %get3A_2652, %get3A_2655 : vector<16xf32>
      %get3A_2657 = arith.constant 1200 : index
      %get3A_2658 = tpu.vector_load %arg22[%get3A_2657] {strides = array<i32>} : memref<1792xf32, #tpu.memory_space<vmem>>, vector<16xf32>,
      %get3A_2659 = vector.shape_cast %get3A_2658 : vector<16xf32> to vector<16xf32>
      %add3A_2660 = arith.addf %add3A_2656, %get3A_2659 : vector<16xf32>
      %get3A_2661 = arith.constant 1312 : index
      %get3A_2662 = tpu.vector_load %arg22[%get3A_2661] {strides = array<i32>} : memref<1792xf32, #tpu.memory_space<vmem>>, vector<16xf32>,
      %get3A_2663 = vector.shape_cast %get3A_2662 : vector<16xf32> to vector<16xf32>
      %add3A_2664 = arith.addf %add3A_2660, %get3A_2663 : vector<16xf32>
      %get3A_2665 = arith.constant 1424 : index
      %get3A_2666 = tpu.vector_load %arg22[%get3A_2665] {strides = array<i32>} : memref<1792xf32, #tpu.memory_space<vmem>>, vector<16xf32>,
      %get3A_2667 = vector.shape_cast %get3A_2666 : vector<16xf32> to vector<16xf32>
      %add3A_2668 = arith.addf %add3A_2664, %get3A_2667 : vector<16xf32>
      %get3A_2669 = arith.constant 1536 : index
      %get3A_2670 = tpu.vector_load %arg22[%get3A_2669] {strides = array<i32>} : memref<1792xf32, #tpu.memory_space<vmem>>, vector<16xf32>,
      %get3A_2671 = vector.shape_cast %get3A_2670 : vector<16xf32> to vector<16xf32>
      %add3A_2672 = arith.addf %add3A_2668, %get3A_2671 : vector<16xf32>
      %get3A_2673 = arith.constant 1648 : index
      %get3A_2674 = tpu.vector_load %arg22[%get3A_2673] {strides = array<i32>} : memref<1792xf32, #tpu.memory_space<vmem>>, vector<16xf32>,
      %get3A_2675 = vector.shape_cast %get3A_2674 : vector<16xf32> to vector<16xf32>
      %add3A_2676 = arith.addf %add3A_2672, %get3A_2675 : vector<16xf32>
      %get3A_2677 = arith.constant 1760 : index
      %get3A_2678 = tpu.vector_load %arg22[%get3A_2677] {strides = array<i32>} : memref<1792xf32, #tpu.memory_space<vmem>>, vector<16xf32>,
      %get3A_2679 = vector.shape_cast %get3A_2678 : vector<16xf32> to vector<16xf32>
      %add3A_2680 = arith.addf %add3A_2676, %get3A_2679 : vector<16xf32>
      %get3A_2681 = arith.constant 96 : index
      %get3A_2682 = tpu.vector_load %arg22[%get3A_2681] {strides = array<i32>} : memref<1792xf32, #tpu.memory_space<vmem>>, vector<16xf32>,
      %get3A_2683 = vector.shape_cast %get3A_2682 : vector<16xf32> to vector<16xf32>
      %get3A_2684 = arith.constant 208 : index
      %get3A_2685 = tpu.vector_load %arg22[%get3A_2684] {strides = array<i32>} : memref<1792xf32, #tpu.memory_space<vmem>>, vector<16xf32>,
      %get3A_2686 = vector.shape_cast %get3A_2685 : vector<16xf32> to vector<16xf32>
      %add3A_2687 = arith.addf %get3A_2683, %get3A_2686 : vector<16xf32>
      %get3A_2688 = arith.constant 320 : index
      %get3A_2689 = tpu.vector_load %arg22[%get3A_2688] {strides = array<i32>} : memref<1792xf32, #tpu.memory_space<vmem>>, vector<16xf32>,
      %get3A_2690 = vector.shape_cast %get3A_2689 : vector<16xf32> to vector<16xf32>
      %add3A_2691 = arith.addf %add3A_2687, %get3A_2690 : vector<16xf32>
      %get3A_2692 = arith.constant 432 : index
      %get3A_2693 = tpu.vector_load %arg22[%get3A_2692] {strides = array<i32>} : memref<1792xf32, #tpu.memory_space<vmem>>, vector<16xf32>,
      %get3A_2694 = vector.shape_cast %get3A_2693 : vector<16xf32> to vector<16xf32>
      %add3A_2695 = arith.addf %add3A_2691, %get3A_2694 : vector<16xf32>
      %get3A_2696 = arith.constant 544 : index
      %get3A_2697 = tpu.vector_load %arg22[%get3A_2696] {strides = array<i32>} : memref<1792xf32, #tpu.memory_space<vmem>>, vector<16xf32>,
      %get3A_2698 = vector.shape_cast %get3A_2697 : vector<16xf32> to vector<16xf32>
      %get3A_2699 = arith.constant 656 : index
      %get3A_2700 = tpu.vector_load %arg22[%get3A_2699] {strides = array<i32>} : memref<1792xf32, #tpu.memory_space<vmem>>, vector<16xf32>,
      %get3A_2701 = vector.shape_cast %get3A_2700 : vector<16xf32> to vector<16xf32>
      %add3A_2702 = arith.addf %get3A_2698, %get3A_2701 : vector<16xf32>
      %get3A_2703 = arith.constant 768 : index
      %get3A_2704 = tpu.vector_load %arg22[%get3A_2703] {strides = array<i32>} : memref<1792xf32, #tpu.memory_space<vmem>>, vector<16xf32>,
      %get3A_2705 = vector.shape_cast %get3A_2704 : vector<16xf32> to vector<16xf32>
      %add3A_2706 = arith.addf %add3A_2702, %get3A_2705 : vector<16xf32>
      %get3A_2707 = arith.constant 880 : index
      %get3A_2708 = tpu.vector_load %arg22[%get3A_2707] {strides = array<i32>} : memref<1792xf32, #tpu.memory_space<vmem>>, vector<16xf32>,
      %get3A_2709 = vector.shape_cast %get3A_2708 : vector<16xf32> to vector<16xf32>
      %add3A_2710 = arith.addf %add3A_2706, %get3A_2709 : vector<16xf32>
      %get3A_2711 = arith.constant 992 : index
      %get3A_2712 = tpu.vector_load %arg22[%get3A_2711] {strides = array<i32>} : memref<1792xf32, #tpu.memory_space<vmem>>, vector<16xf32>,
      %get3A_2713 = vector.shape_cast %get3A_2712 : vector<16xf32> to vector<16xf32>
      %get3A_2714 = arith.constant 1104 : index
      %get3A_2715 = tpu.vector_load %arg22[%get3A_2714] {strides = array<i32>} : memref<1792xf32, #tpu.memory_space<vmem>>, vector<16xf32>,
      %get3A_2716 = vector.shape_cast %get3A_2715 : vector<16xf32> to vector<16xf32>
      %add3A_2717 = arith.addf %get3A_2713, %get3A_2716 : vector<16xf32>
      %get3A_2718 = arith.constant 1216 : index
      %get3A_2719 = tpu.vector_load %arg22[%get3A_2718] {strides = array<i32>} : memref<1792xf32, #tpu.memory_space<vmem>>, vector<16xf32>,
      %get3A_2720 = vector.shape_cast %get3A_2719 : vector<16xf32> to vector<16xf32>
      %add3A_2721 = arith.addf %add3A_2717, %get3A_2720 : vector<16xf32>
      %get3A_2722 = arith.constant 1328 : index
      %get3A_2723 = tpu.vector_load %arg22[%get3A_2722] {strides = array<i32>} : memref<1792xf32, #tpu.memory_space<vmem>>, vector<16xf32>,
      %get3A_2724 = vector.shape_cast %get3A_2723 : vector<16xf32> to vector<16xf32>
      %add3A_2725 = arith.addf %add3A_2721, %get3A_2724 : vector<16xf32>
      %get3A_2726 = arith.constant 1440 : index
      %get3A_2727 = tpu.vector_load %arg22[%get3A_2726] {strides = array<i32>} : memref<1792xf32, #tpu.memory_space<vmem>>, vector<16xf32>,
      %get3A_2728 = vector.shape_cast %get3A_2727 : vector<16xf32> to vector<16xf32>
      %get3A_2729 = arith.constant 1552 : index
      %get3A_2730 = tpu.vector_load %arg22[%get3A_2729] {strides = array<i32>} : memref<1792xf32, #tpu.memory_space<vmem>>, vector<16xf32>,
      %get3A_2731 = vector.shape_cast %get3A_2730 : vector<16xf32> to vector<16xf32>
      %add3A_2732 = arith.addf %get3A_2728, %get3A_2731 : vector<16xf32>
      %get3A_2733 = arith.constant 1664 : index
      %get3A_2734 = tpu.vector_load %arg22[%get3A_2733] {strides = array<i32>} : memref<1792xf32, #tpu.memory_space<vmem>>, vector<16xf32>,
      %get3A_2735 = vector.shape_cast %get3A_2734 : vector<16xf32> to vector<16xf32>
      %add3A_2736 = arith.addf %add3A_2732, %get3A_2735 : vector<16xf32>
      %get3A_2737 = arith.constant 1776 : index
      %get3A_2738 = tpu.vector_load %arg22[%get3A_2737] {strides = array<i32>} : memref<1792xf32, #tpu.memory_space<vmem>>, vector<16xf32>,
      %get3A_2739 = vector.shape_cast %get3A_2738 : vector<16xf32> to vector<16xf32>
      %add3A_2740 = arith.addf %add3A_2736, %get3A_2739 : vector<16xf32>
      %broadcast_in_dim3A_2741 = arith.constant 1.000000e+00 : f32
      %broadcast_in_dim3A_2742 = vector.broadcast %broadcast_in_dim3A_2741 : f32 to vector<16xf32>
      %iota3A_2743 = tpu.iota {dimensions = array<i32: 0>} : vector<16xi32>
      %eq3A_2744 = arith.constant 0 : i32
      %eq3A_2745 = vector.broadcast %eq3A_2744 : i32 to vector<16xi32>
      %eq3A_2746 = arith.cmpi eq, %iota3A_2743, %eq3A_2745 : vector<16xi32>
      %jit3A_2747 = arith.constant 0.000000e+00 : f32
      %broadcast_in_dim3A_2748 = vector.broadcast %jit3A_2747 : f32 to vector<16xf32>
      %select_n3A_2749 = arith.select %eq3A_2746, %add3A_2366, %broadcast_in_dim3A_2748 : vector<16xi1>, vector<16xf32>
      %iota3A_2750 = tpu.iota {dimensions = array<i32: 0>} : vector<16xi32>
      %xor3A_2751 = arith.constant 8 : i32
      %xor3A_2752 = vector.broadcast %xor3A_2751 : i32 to vector<16xi32>
      %xor3A_2753 = arith.xori %iota3A_2750, %xor3A_2752 : vector<16xi32>
      %lt3A_2754 = arith.constant 0 : i32
      %lt3A_2755 = vector.broadcast %lt3A_2754 : i32 to vector<16xi32>
      %lt3A_2756 = arith.cmpi slt, %xor3A_2753, %lt3A_2755 : vector<16xi32>
      %add3A_2757 = arith.constant 16 : i32
      %add3A_2758 = vector.broadcast %add3A_2757 : i32 to vector<16xi32>
      %add3A_2759 = arith.addi %xor3A_2753, %add3A_2758 : vector<16xi32>
      %select_n3A_2760 = arith.select %lt3A_2756, %add3A_2759, %xor3A_2753 : vector<16xi1>, vector<16xi32>
      %broadcast_in_dim3A_2761 = vector.shape_cast %select_n3A_2760 : vector<16xi32> to vector<16x1xi32>
      %gather3A_2762 = vector.shape_cast %broadcast_in_dim3A_2761 : vector<16x1xi32> to vector<16xi32>
      %gather3A_2763 = tpu.dynamic_gather %select_n3A_2749[%gather3A_2762] in [0] : vector<16xf32>, vector<16xi32> -> vector<16xf32>
      %add3A_2764 = arith.addf %select_n3A_2749, %gather3A_2763 : vector<16xf32>
      %xor3A_2765 = arith.constant 4 : i32
      %xor3A_2766 = vector.broadcast %xor3A_2765 : i32 to vector<16xi32>
      %xor3A_2767 = arith.xori %iota3A_2750, %xor3A_2766 : vector<16xi32>
      %lt3A_2768 = arith.constant 0 : i32
      %lt3A_2769 = vector.broadcast %lt3A_2768 : i32 to vector<16xi32>
      %lt3A_2770 = arith.cmpi slt, %xor3A_2767, %lt3A_2769 : vector<16xi32>
      %add3A_2771 = arith.constant 16 : i32
      %add3A_2772 = vector.broadcast %add3A_2771 : i32 to vector<16xi32>
      %add3A_2773 = arith.addi %xor3A_2767, %add3A_2772 : vector<16xi32>
      %select_n3A_2774 = arith.select %lt3A_2770, %add3A_2773, %xor3A_2767 : vector<16xi1>, vector<16xi32>
      %broadcast_in_dim3A_2775 = vector.shape_cast %select_n3A_2774 : vector<16xi32> to vector<16x1xi32>
      %gather3A_2776 = vector.shape_cast %broadcast_in_dim3A_2775 : vector<16x1xi32> to vector<16xi32>
      %gather3A_2777 = tpu.dynamic_gather %add3A_2764[%gather3A_2776] in [0] : vector<16xf32>, vector<16xi32> -> vector<16xf32>
      %add3A_2778 = arith.addf %add3A_2764, %gather3A_2777 : vector<16xf32>
      %xor3A_2779 = arith.constant 2 : i32
      %xor3A_2780 = vector.broadcast %xor3A_2779 : i32 to vector<16xi32>
      %xor3A_2781 = arith.xori %iota3A_2750, %xor3A_2780 : vector<16xi32>
      %lt3A_2782 = arith.constant 0 : i32
      %lt3A_2783 = vector.broadcast %lt3A_2782 : i32 to vector<16xi32>
      %lt3A_2784 = arith.cmpi slt, %xor3A_2781, %lt3A_2783 : vector<16xi32>
      %add3A_2785 = arith.constant 16 : i32
      %add3A_2786 = vector.broadcast %add3A_2785 : i32 to vector<16xi32>
      %add3A_2787 = arith.addi %xor3A_2781, %add3A_2786 : vector<16xi32>
      %select_n3A_2788 = arith.select %lt3A_2784, %add3A_2787, %xor3A_2781 : vector<16xi1>, vector<16xi32>
      %broadcast_in_dim3A_2789 = vector.shape_cast %select_n3A_2788 : vector<16xi32> to vector<16x1xi32>
      %gather3A_2790 = vector.shape_cast %broadcast_in_dim3A_2789 : vector<16x1xi32> to vector<16xi32>
      %gather3A_2791 = tpu.dynamic_gather %add3A_2778[%gather3A_2790] in [0] : vector<16xf32>, vector<16xi32> -> vector<16xf32>
      %add3A_2792 = arith.addf %add3A_2778, %gather3A_2791 : vector<16xf32>
      %xor3A_2793 = arith.constant 1 : i32
      %xor3A_2794 = vector.broadcast %xor3A_2793 : i32 to vector<16xi32>
      %xor3A_2795 = arith.xori %iota3A_2750, %xor3A_2794 : vector<16xi32>
      %lt3A_2796 = arith.constant 0 : i32
      %lt3A_2797 = vector.broadcast %lt3A_2796 : i32 to vector<16xi32>
      %lt3A_2798 = arith.cmpi slt, %xor3A_2795, %lt3A_2797 : vector<16xi32>
      %add3A_2799 = arith.constant 16 : i32
      %add3A_2800 = vector.broadcast %add3A_2799 : i32 to vector<16xi32>
      %add3A_2801 = arith.addi %xor3A_2795, %add3A_2800 : vector<16xi32>
      %select_n3A_2802 = arith.select %lt3A_2798, %add3A_2801, %xor3A_2795 : vector<16xi1>, vector<16xi32>
      %broadcast_in_dim3A_2803 = vector.shape_cast %select_n3A_2802 : vector<16xi32> to vector<16x1xi32>
      %gather3A_2804 = vector.shape_cast %broadcast_in_dim3A_2803 : vector<16x1xi32> to vector<16xi32>
      %gather3A_2805 = tpu.dynamic_gather %add3A_2792[%gather3A_2804] in [0] : vector<16xf32>, vector<16xi32> -> vector<16xf32>
      %add3A_2806 = arith.addf %add3A_2792, %gather3A_2805 : vector<16xf32>
      %neg3A = arith.constant 0.000000e+00 : f32
      %neg3A_2807 = vector.broadcast %neg3A : f32 to vector<16xf32>
      %neg3A_2808 = arith.subf %neg3A_2807, %add3A_2806 : vector<16xf32>
      %exp3A = math.exp %neg3A_2808 : vector<16xf32>
      %add3A_2809 = arith.constant 1.000000e+00 : f32
      %add3A_2810 = vector.broadcast %add3A_2809 : f32 to vector<16xf32>
      %add3A_2811 = arith.addf %add3A_2810, %exp3A : vector<16xf32>
      %mul3A_2812 = arith.mulf %broadcast_in_dim3A_2742, %add3A_2811 : vector<16xf32>
      %ge3A = vector.broadcast %cond3A_2301 : f32 to vector<16xf32>
      %ge3A_2813 = arith.cmpf oge, %add3A_2806, %ge3A : vector<16xf32>
      %jit3A_2814 = arith.constant 1 : i32
      %jit3A_2815 = arith.constant 0 : i32
      %broadcast_in_dim3A_2816 = vector.broadcast %jit3A_2814 : i32 to vector<16xi32>
      %broadcast_in_dim3A_2817 = vector.broadcast %jit3A_2815 : i32 to vector<16xi32>
      %select_n3A_2818 = arith.select %ge3A_2813, %broadcast_in_dim3A_2816, %broadcast_in_dim3A_2817 : vector<16xi1>, vector<16xi32>
      %mul3A_2819 = arith.constant 2 : i32
      %mul3A_2820 = arith.constant 0 : i32
      %mul3A_2821 = arith.muli %mul3A_2819, %mul3A_2820 : i32
      %slice3A = vector.extract_strided_slice %select_n3A_2818 {offsets = [0], sizes = [1], strides = [1]} : vector<16xi32> to vector<1xi32>
      %squeeze3A = vector.extract %slice3A[0] : i32 from vector<1xi32>
      %add3A_2822 = arith.addi %mul3A_2821, %squeeze3A : i32
      %iota3A_2823 = tpu.iota {dimensions = array<i32: 0>} : vector<16xi32>
      %eq3A_2824 = vector.broadcast %add3A_2822 : i32 to vector<16xi32>
      %eq3A_2825 = arith.cmpi eq, %iota3A_2823, %eq3A_2824 : vector<16xi32>
      %jit3A_2826 = arith.constant 0.000000e+00 : f32
      %broadcast_in_dim3A_2827 = vector.broadcast %jit3A_2826 : f32 to vector<16xf32>
      %select_n3A_2828 = arith.select %eq3A_2825, %add3A_2429, %broadcast_in_dim3A_2827 : vector<16xi1>, vector<16xf32>
      %iota3A_2829 = tpu.iota {dimensions = array<i32: 0>} : vector<16xi32>
      %xor3A_2830 = arith.constant 8 : i32
      %xor3A_2831 = vector.broadcast %xor3A_2830 : i32 to vector<16xi32>
      %xor3A_2832 = arith.xori %iota3A_2829, %xor3A_2831 : vector<16xi32>
      %lt3A_2833 = arith.constant 0 : i32
      %lt3A_2834 = vector.broadcast %lt3A_2833 : i32 to vector<16xi32>
      %lt3A_2835 = arith.cmpi slt, %xor3A_2832, %lt3A_2834 : vector<16xi32>
      %add3A_2836 = arith.constant 16 : i32
      %add3A_2837 = vector.broadcast %add3A_2836 : i32 to vector<16xi32>
      %add3A_2838 = arith.addi %xor3A_2832, %add3A_2837 : vector<16xi32>
      %select_n3A_2839 = arith.select %lt3A_2835, %add3A_2838, %xor3A_2832 : vector<16xi1>, vector<16xi32>
      %broadcast_in_dim3A_2840 = vector.shape_cast %select_n3A_2839 : vector<16xi32> to vector<16x1xi32>
      %gather3A_2841 = vector.shape_cast %broadcast_in_dim3A_2840 : vector<16x1xi32> to vector<16xi32>
      %gather3A_2842 = tpu.dynamic_gather %select_n3A_2828[%gather3A_2841] in [0] : vector<16xf32>, vector<16xi32> -> vector<16xf32>
      %add3A_2843 = arith.addf %select_n3A_2828, %gather3A_2842 : vector<16xf32>
      %xor3A_2844 = arith.constant 4 : i32
      %xor3A_2845 = vector.broadcast %xor3A_2844 : i32 to vector<16xi32>
      %xor3A_2846 = arith.xori %iota3A_2829, %xor3A_2845 : vector<16xi32>
      %lt3A_2847 = arith.constant 0 : i32
      %lt3A_2848 = vector.broadcast %lt3A_2847 : i32 to vector<16xi32>
      %lt3A_2849 = arith.cmpi slt, %xor3A_2846, %lt3A_2848 : vector<16xi32>
      %add3A_2850 = arith.constant 16 : i32
      %add3A_2851 = vector.broadcast %add3A_2850 : i32 to vector<16xi32>
      %add3A_2852 = arith.addi %xor3A_2846, %add3A_2851 : vector<16xi32>
      %select_n3A_2853 = arith.select %lt3A_2849, %add3A_2852, %xor3A_2846 : vector<16xi1>, vector<16xi32>
      %broadcast_in_dim3A_2854 = vector.shape_cast %select_n3A_2853 : vector<16xi32> to vector<16x1xi32>
      %gather3A_2855 = vector.shape_cast %broadcast_in_dim3A_2854 : vector<16x1xi32> to vector<16xi32>
      %gather3A_2856 = tpu.dynamic_gather %add3A_2843[%gather3A_2855] in [0] : vector<16xf32>, vector<16xi32> -> vector<16xf32>
      %add3A_2857 = arith.addf %add3A_2843, %gather3A_2856 : vector<16xf32>
      %xor3A_2858 = arith.constant 2 : i32
      %xor3A_2859 = vector.broadcast %xor3A_2858 : i32 to vector<16xi32>
      %xor3A_2860 = arith.xori %iota3A_2829, %xor3A_2859 : vector<16xi32>
      %lt3A_2861 = arith.constant 0 : i32
      %lt3A_2862 = vector.broadcast %lt3A_2861 : i32 to vector<16xi32>
      %lt3A_2863 = arith.cmpi slt, %xor3A_2860, %lt3A_2862 : vector<16xi32>
      %add3A_2864 = arith.constant 16 : i32
      %add3A_2865 = vector.broadcast %add3A_2864 : i32 to vector<16xi32>
      %add3A_2866 = arith.addi %xor3A_2860, %add3A_2865 : vector<16xi32>
      %select_n3A_2867 = arith.select %lt3A_2863, %add3A_2866, %xor3A_2860 : vector<16xi1>, vector<16xi32>
      %broadcast_in_dim3A_2868 = vector.shape_cast %select_n3A_2867 : vector<16xi32> to vector<16x1xi32>
      %gather3A_2869 = vector.shape_cast %broadcast_in_dim3A_2868 : vector<16x1xi32> to vector<16xi32>
      %gather3A_2870 = tpu.dynamic_gather %add3A_2857[%gather3A_2869] in [0] : vector<16xf32>, vector<16xi32> -> vector<16xf32>
      %add3A_2871 = arith.addf %add3A_2857, %gather3A_2870 : vector<16xf32>
      %xor3A_2872 = arith.constant 1 : i32
      %xor3A_2873 = vector.broadcast %xor3A_2872 : i32 to vector<16xi32>
      %xor3A_2874 = arith.xori %iota3A_2829, %xor3A_2873 : vector<16xi32>
      %lt3A_2875 = arith.constant 0 : i32
      %lt3A_2876 = vector.broadcast %lt3A_2875 : i32 to vector<16xi32>
      %lt3A_2877 = arith.cmpi slt, %xor3A_2874, %lt3A_2876 : vector<16xi32>
      %add3A_2878 = arith.constant 16 : i32
      %add3A_2879 = vector.broadcast %add3A_2878 : i32 to vector<16xi32>
      %add3A_2880 = arith.addi %xor3A_2874, %add3A_2879 : vector<16xi32>
      %select_n3A_2881 = arith.select %lt3A_2877, %add3A_2880, %xor3A_2874 : vector<16xi1>, vector<16xi32>
      %broadcast_in_dim3A_2882 = vector.shape_cast %select_n3A_2881 : vector<16xi32> to vector<16x1xi32>
      %gather3A_2883 = vector.shape_cast %broadcast_in_dim3A_2882 : vector<16x1xi32> to vector<16xi32>
      %gather3A_2884 = tpu.dynamic_gather %add3A_2871[%gather3A_2883] in [0] : vector<16xf32>, vector<16xi32> -> vector<16xf32>
      %add3A_2885 = arith.addf %add3A_2871, %gather3A_2884 : vector<16xf32>
      %neg3A_2886 = arith.constant 0.000000e+00 : f32
      %neg3A_2887 = vector.broadcast %neg3A_2886 : f32 to vector<16xf32>
      %neg3A_2888 = arith.subf %neg3A_2887, %add3A_2885 : vector<16xf32>
      %exp3A_2889 = math.exp %neg3A_2888 : vector<16xf32>
      %add3A_2890 = arith.constant 1.000000e+00 : f32
      %add3A_2891 = vector.broadcast %add3A_2890 : f32 to vector<16xf32>
      %add3A_2892 = arith.addf %add3A_2891, %exp3A_2889 : vector<16xf32>
      %mul3A_2893 = arith.mulf %mul3A_2812, %add3A_2892 : vector<16xf32>
      %ge3A_2894 = vector.broadcast %cond3A_2301 : f32 to vector<16xf32>
      %ge3A_2895 = arith.cmpf oge, %add3A_2885, %ge3A_2894 : vector<16xf32>
      %jit3A_2896 = arith.constant 1 : i32
      %jit3A_2897 = arith.constant 0 : i32
      %broadcast_in_dim3A_2898 = vector.broadcast %jit3A_2896 : i32 to vector<16xi32>
      %broadcast_in_dim3A_2899 = vector.broadcast %jit3A_2897 : i32 to vector<16xi32>
      %select_n3A_2900 = arith.select %ge3A_2895, %broadcast_in_dim3A_2898, %broadcast_in_dim3A_2899 : vector<16xi1>, vector<16xi32>
      %mul3A_2901 = arith.constant 2 : i32
      %mul3A_2902 = arith.muli %mul3A_2901, %add3A_2822 : i32
      %slice3A_2903 = vector.extract_strided_slice %select_n3A_2900 {offsets = [0], sizes = [1], strides = [1]} : vector<16xi32> to vector<1xi32>
      %squeeze3A_2904 = vector.extract %slice3A_2903[0] : i32 from vector<1xi32>
      %add3A_2905 = arith.addi %mul3A_2902, %squeeze3A_2904 : i32
      %iota3A_2906 = tpu.iota {dimensions = array<i32: 0>} : vector<16xi32>
      %eq3A_2907 = vector.broadcast %add3A_2905 : i32 to vector<16xi32>
      %eq3A_2908 = arith.cmpi eq, %iota3A_2906, %eq3A_2907 : vector<16xi32>
      %jit3A_2909 = arith.constant 0.000000e+00 : f32
      %broadcast_in_dim3A_2910 = vector.broadcast %jit3A_2909 : f32 to vector<16xf32>
      %select_n3A_2911 = arith.select %eq3A_2908, %add3A_2492, %broadcast_in_dim3A_2910 : vector<16xi1>, vector<16xf32>
      %iota3A_2912 = tpu.iota {dimensions = array<i32: 0>} : vector<16xi32>
      %xor3A_2913 = arith.constant 8 : i32
      %xor3A_2914 = vector.broadcast %xor3A_2913 : i32 to vector<16xi32>
      %xor3A_2915 = arith.xori %iota3A_2912, %xor3A_2914 : vector<16xi32>
      %lt3A_2916 = arith.constant 0 : i32
      %lt3A_2917 = vector.broadcast %lt3A_2916 : i32 to vector<16xi32>
      %lt3A_2918 = arith.cmpi slt, %xor3A_2915, %lt3A_2917 : vector<16xi32>
      %add3A_2919 = arith.constant 16 : i32
      %add3A_2920 = vector.broadcast %add3A_2919 : i32 to vector<16xi32>
      %add3A_2921 = arith.addi %xor3A_2915, %add3A_2920 : vector<16xi32>
      %select_n3A_2922 = arith.select %lt3A_2918, %add3A_2921, %xor3A_2915 : vector<16xi1>, vector<16xi32>
      %broadcast_in_dim3A_2923 = vector.shape_cast %select_n3A_2922 : vector<16xi32> to vector<16x1xi32>
      %gather3A_2924 = vector.shape_cast %broadcast_in_dim3A_2923 : vector<16x1xi32> to vector<16xi32>
      %gather3A_2925 = tpu.dynamic_gather %select_n3A_2911[%gather3A_2924] in [0] : vector<16xf32>, vector<16xi32> -> vector<16xf32>
      %add3A_2926 = arith.addf %select_n3A_2911, %gather3A_2925 : vector<16xf32>
      %xor3A_2927 = arith.constant 4 : i32
      %xor3A_2928 = vector.broadcast %xor3A_2927 : i32 to vector<16xi32>
      %xor3A_2929 = arith.xori %iota3A_2912, %xor3A_2928 : vector<16xi32>
      %lt3A_2930 = arith.constant 0 : i32
      %lt3A_2931 = vector.broadcast %lt3A_2930 : i32 to vector<16xi32>
      %lt3A_2932 = arith.cmpi slt, %xor3A_2929, %lt3A_2931 : vector<16xi32>
      %add3A_2933 = arith.constant 16 : i32
      %add3A_2934 = vector.broadcast %add3A_2933 : i32 to vector<16xi32>
      %add3A_2935 = arith.addi %xor3A_2929, %add3A_2934 : vector<16xi32>
      %select_n3A_2936 = arith.select %lt3A_2932, %add3A_2935, %xor3A_2929 : vector<16xi1>, vector<16xi32>
      %broadcast_in_dim3A_2937 = vector.shape_cast %select_n3A_2936 : vector<16xi32> to vector<16x1xi32>
      %gather3A_2938 = vector.shape_cast %broadcast_in_dim3A_2937 : vector<16x1xi32> to vector<16xi32>
      %gather3A_2939 = tpu.dynamic_gather %add3A_2926[%gather3A_2938] in [0] : vector<16xf32>, vector<16xi32> -> vector<16xf32>
      %add3A_2940 = arith.addf %add3A_2926, %gather3A_2939 : vector<16xf32>
      %xor3A_2941 = arith.constant 2 : i32
      %xor3A_2942 = vector.broadcast %xor3A_2941 : i32 to vector<16xi32>
      %xor3A_2943 = arith.xori %iota3A_2912, %xor3A_2942 : vector<16xi32>
      %lt3A_2944 = arith.constant 0 : i32
      %lt3A_2945 = vector.broadcast %lt3A_2944 : i32 to vector<16xi32>
      %lt3A_2946 = arith.cmpi slt, %xor3A_2943, %lt3A_2945 : vector<16xi32>
      %add3A_2947 = arith.constant 16 : i32
      %add3A_2948 = vector.broadcast %add3A_2947 : i32 to vector<16xi32>
      %add3A_2949 = arith.addi %xor3A_2943, %add3A_2948 : vector<16xi32>
      %select_n3A_2950 = arith.select %lt3A_2946, %add3A_2949, %xor3A_2943 : vector<16xi1>, vector<16xi32>
      %broadcast_in_dim3A_2951 = vector.shape_cast %select_n3A_2950 : vector<16xi32> to vector<16x1xi32>
      %gather3A_2952 = vector.shape_cast %broadcast_in_dim3A_2951 : vector<16x1xi32> to vector<16xi32>
      %gather3A_2953 = tpu.dynamic_gather %add3A_2940[%gather3A_2952] in [0] : vector<16xf32>, vector<16xi32> -> vector<16xf32>
      %add3A_2954 = arith.addf %add3A_2940, %gather3A_2953 : vector<16xf32>
      %xor3A_2955 = arith.constant 1 : i32
      %xor3A_2956 = vector.broadcast %xor3A_2955 : i32 to vector<16xi32>
      %xor3A_2957 = arith.xori %iota3A_2912, %xor3A_2956 : vector<16xi32>
      %lt3A_2958 = arith.constant 0 : i32
      %lt3A_2959 = vector.broadcast %lt3A_2958 : i32 to vector<16xi32>
      %lt3A_2960 = arith.cmpi slt, %xor3A_2957, %lt3A_2959 : vector<16xi32>
      %add3A_2961 = arith.constant 16 : i32
      %add3A_2962 = vector.broadcast %add3A_2961 : i32 to vector<16xi32>
      %add3A_2963 = arith.addi %xor3A_2957, %add3A_2962 : vector<16xi32>
      %select_n3A_2964 = arith.select %lt3A_2960, %add3A_2963, %xor3A_2957 : vector<16xi1>, vector<16xi32>
      %broadcast_in_dim3A_2965 = vector.shape_cast %select_n3A_2964 : vector<16xi32> to vector<16x1xi32>
      %gather3A_2966 = vector.shape_cast %broadcast_in_dim3A_2965 : vector<16x1xi32> to vector<16xi32>
      %gather3A_2967 = tpu.dynamic_gather %add3A_2954[%gather3A_2966] in [0] : vector<16xf32>, vector<16xi32> -> vector<16xf32>
      %add3A_2968 = arith.addf %add3A_2954, %gather3A_2967 : vector<16xf32>
      %neg3A_2969 = arith.constant 0.000000e+00 : f32
      %neg3A_2970 = vector.broadcast %neg3A_2969 : f32 to vector<16xf32>
      %neg3A_2971 = arith.subf %neg3A_2970, %add3A_2968 : vector<16xf32>
      %exp3A_2972 = math.exp %neg3A_2971 : vector<16xf32>
      %add3A_2973 = arith.constant 1.000000e+00 : f32
      %add3A_2974 = vector.broadcast %add3A_2973 : f32 to vector<16xf32>
      %add3A_2975 = arith.addf %add3A_2974, %exp3A_2972 : vector<16xf32>
      %mul3A_2976 = arith.mulf %mul3A_2893, %add3A_2975 : vector<16xf32>
      %ge3A_2977 = vector.broadcast %cond3A_2301 : f32 to vector<16xf32>
      %ge3A_2978 = arith.cmpf oge, %add3A_2968, %ge3A_2977 : vector<16xf32>
      %jit3A_2979 = arith.constant 1 : i32
      %jit3A_2980 = arith.constant 0 : i32
      %broadcast_in_dim3A_2981 = vector.broadcast %jit3A_2979 : i32 to vector<16xi32>
      %broadcast_in_dim3A_2982 = vector.broadcast %jit3A_2980 : i32 to vector<16xi32>
      %select_n3A_2983 = arith.select %ge3A_2978, %broadcast_in_dim3A_2981, %broadcast_in_dim3A_2982 : vector<16xi1>, vector<16xi32>
      %mul3A_2984 = arith.constant 2 : i32
      %mul3A_2985 = arith.muli %mul3A_2984, %add3A_2905 : i32
      %slice3A_2986 = vector.extract_strided_slice %select_n3A_2983 {offsets = [0], sizes = [1], strides = [1]} : vector<16xi32> to vector<1xi32>
      %squeeze3A_2987 = vector.extract %slice3A_2986[0] : i32 from vector<1xi32>
      %add3A_2988 = arith.addi %mul3A_2985, %squeeze3A_2987 : i32
      %iota3A_2989 = tpu.iota {dimensions = array<i32: 0>} : vector<16xi32>
      %eq3A_2990 = vector.broadcast %add3A_2988 : i32 to vector<16xi32>
      %eq3A_2991 = arith.cmpi eq, %iota3A_2989, %eq3A_2990 : vector<16xi32>
      %jit3A_2992 = arith.constant 0.000000e+00 : f32
      %broadcast_in_dim3A_2993 = vector.broadcast %jit3A_2992 : f32 to vector<16xf32>
      %select_n3A_2994 = arith.select %eq3A_2991, %add3A_2555, %broadcast_in_dim3A_2993 : vector<16xi1>, vector<16xf32>
      %iota3A_2995 = tpu.iota {dimensions = array<i32: 0>} : vector<16xi32>
      %xor3A_2996 = arith.constant 8 : i32
      %xor3A_2997 = vector.broadcast %xor3A_2996 : i32 to vector<16xi32>
      %xor3A_2998 = arith.xori %iota3A_2995, %xor3A_2997 : vector<16xi32>
      %lt3A_2999 = arith.constant 0 : i32
      %lt3A_3000 = vector.broadcast %lt3A_2999 : i32 to vector<16xi32>
      %lt3A_3001 = arith.cmpi slt, %xor3A_2998, %lt3A_3000 : vector<16xi32>
      %add3A_3002 = arith.constant 16 : i32
      %add3A_3003 = vector.broadcast %add3A_3002 : i32 to vector<16xi32>
      %add3A_3004 = arith.addi %xor3A_2998, %add3A_3003 : vector<16xi32>
      %select_n3A_3005 = arith.select %lt3A_3001, %add3A_3004, %xor3A_2998 : vector<16xi1>, vector<16xi32>
      %broadcast_in_dim3A_3006 = vector.shape_cast %select_n3A_3005 : vector<16xi32> to vector<16x1xi32>
      %gather3A_3007 = vector.shape_cast %broadcast_in_dim3A_3006 : vector<16x1xi32> to vector<16xi32>
      %gather3A_3008 = tpu.dynamic_gather %select_n3A_2994[%gather3A_3007] in [0] : vector<16xf32>, vector<16xi32> -> vector<16xf32>
      %add3A_3009 = arith.addf %select_n3A_2994, %gather3A_3008 : vector<16xf32>
      %xor3A_3010 = arith.constant 4 : i32
      %xor3A_3011 = vector.broadcast %xor3A_3010 : i32 to vector<16xi32>
      %xor3A_3012 = arith.xori %iota3A_2995, %xor3A_3011 : vector<16xi32>
      %lt3A_3013 = arith.constant 0 : i32
      %lt3A_3014 = vector.broadcast %lt3A_3013 : i32 to vector<16xi32>
      %lt3A_3015 = arith.cmpi slt, %xor3A_3012, %lt3A_3014 : vector<16xi32>
      %add3A_3016 = arith.constant 16 : i32
      %add3A_3017 = vector.broadcast %add3A_3016 : i32 to vector<16xi32>
      %add3A_3018 = arith.addi %xor3A_3012, %add3A_3017 : vector<16xi32>
      %select_n3A_3019 = arith.select %lt3A_3015, %add3A_3018, %xor3A_3012 : vector<16xi1>, vector<16xi32>
      %broadcast_in_dim3A_3020 = vector.shape_cast %select_n3A_3019 : vector<16xi32> to vector<16x1xi32>
      %gather3A_3021 = vector.shape_cast %broadcast_in_dim3A_3020 : vector<16x1xi32> to vector<16xi32>
      %gather3A_3022 = tpu.dynamic_gather %add3A_3009[%gather3A_3021] in [0] : vector<16xf32>, vector<16xi32> -> vector<16xf32>
      %add3A_3023 = arith.addf %add3A_3009, %gather3A_3022 : vector<16xf32>
      %xor3A_3024 = arith.constant 2 : i32
      %xor3A_3025 = vector.broadcast %xor3A_3024 : i32 to vector<16xi32>
      %xor3A_3026 = arith.xori %iota3A_2995, %xor3A_3025 : vector<16xi32>
      %lt3A_3027 = arith.constant 0 : i32
      %lt3A_3028 = vector.broadcast %lt3A_3027 : i32 to vector<16xi32>
      %lt3A_3029 = arith.cmpi slt, %xor3A_3026, %lt3A_3028 : vector<16xi32>
      %add3A_3030 = arith.constant 16 : i32
      %add3A_3031 = vector.broadcast %add3A_3030 : i32 to vector<16xi32>
      %add3A_3032 = arith.addi %xor3A_3026, %add3A_3031 : vector<16xi32>
      %select_n3A_3033 = arith.select %lt3A_3029, %add3A_3032, %xor3A_3026 : vector<16xi1>, vector<16xi32>
      %broadcast_in_dim3A_3034 = vector.shape_cast %select_n3A_3033 : vector<16xi32> to vector<16x1xi32>
      %gather3A_3035 = vector.shape_cast %broadcast_in_dim3A_3034 : vector<16x1xi32> to vector<16xi32>
      %gather3A_3036 = tpu.dynamic_gather %add3A_3023[%gather3A_3035] in [0] : vector<16xf32>, vector<16xi32> -> vector<16xf32>
      %add3A_3037 = arith.addf %add3A_3023, %gather3A_3036 : vector<16xf32>
      %xor3A_3038 = arith.constant 1 : i32
      %xor3A_3039 = vector.broadcast %xor3A_3038 : i32 to vector<16xi32>
      %xor3A_3040 = arith.xori %iota3A_2995, %xor3A_3039 : vector<16xi32>
      %lt3A_3041 = arith.constant 0 : i32
      %lt3A_3042 = vector.broadcast %lt3A_3041 : i32 to vector<16xi32>
      %lt3A_3043 = arith.cmpi slt, %xor3A_3040, %lt3A_3042 : vector<16xi32>
      %add3A_3044 = arith.constant 16 : i32
      %add3A_3045 = vector.broadcast %add3A_3044 : i32 to vector<16xi32>
      %add3A_3046 = arith.addi %xor3A_3040, %add3A_3045 : vector<16xi32>
      %select_n3A_3047 = arith.select %lt3A_3043, %add3A_3046, %xor3A_3040 : vector<16xi1>, vector<16xi32>
      %broadcast_in_dim3A_3048 = vector.shape_cast %select_n3A_3047 : vector<16xi32> to vector<16x1xi32>
      %gather3A_3049 = vector.shape_cast %broadcast_in_dim3A_3048 : vector<16x1xi32> to vector<16xi32>
      %gather3A_3050 = tpu.dynamic_gather %add3A_3037[%gather3A_3049] in [0] : vector<16xf32>, vector<16xi32> -> vector<16xf32>
      %add3A_3051 = arith.addf %add3A_3037, %gather3A_3050 : vector<16xf32>
      %neg3A_3052 = arith.constant 0.000000e+00 : f32
      %neg3A_3053 = vector.broadcast %neg3A_3052 : f32 to vector<16xf32>
      %neg3A_3054 = arith.subf %neg3A_3053, %add3A_3051 : vector<16xf32>
      %exp3A_3055 = math.exp %neg3A_3054 : vector<16xf32>
      %add3A_3056 = arith.constant 1.000000e+00 : f32
      %add3A_3057 = vector.broadcast %add3A_3056 : f32 to vector<16xf32>
      %add3A_3058 = arith.addf %add3A_3057, %exp3A_3055 : vector<16xf32>
      %mul3A_3059 = arith.mulf %mul3A_2976, %add3A_3058 : vector<16xf32>
      %ge3A_3060 = vector.broadcast %cond3A_2301 : f32 to vector<16xf32>
      %ge3A_3061 = arith.cmpf oge, %add3A_3051, %ge3A_3060 : vector<16xf32>
      %jit3A_3062 = arith.constant 1 : i32
      %jit3A_3063 = arith.constant 0 : i32
      %broadcast_in_dim3A_3064 = vector.broadcast %jit3A_3062 : i32 to vector<16xi32>
      %broadcast_in_dim3A_3065 = vector.broadcast %jit3A_3063 : i32 to vector<16xi32>
      %select_n3A_3066 = arith.select %ge3A_3061, %broadcast_in_dim3A_3064, %broadcast_in_dim3A_3065 : vector<16xi1>, vector<16xi32>
      %mul3A_3067 = arith.constant 2 : i32
      %mul3A_3068 = arith.muli %mul3A_3067, %add3A_2988 : i32
      %slice3A_3069 = vector.extract_strided_slice %select_n3A_3066 {offsets = [0], sizes = [1], strides = [1]} : vector<16xi32> to vector<1xi32>
      %squeeze3A_3070 = vector.extract %slice3A_3069[0] : i32 from vector<1xi32>
      %add3A_3071 = arith.addi %mul3A_3068, %squeeze3A_3070 : i32
      %iota3A_3072 = tpu.iota {dimensions = array<i32: 0>} : vector<16xi32>
      %eq3A_3073 = vector.broadcast %add3A_3071 : i32 to vector<16xi32>
      %eq3A_3074 = arith.cmpi eq, %iota3A_3072, %eq3A_3073 : vector<16xi32>
      %jit3A_3075 = arith.constant 0.000000e+00 : f32
      %broadcast_in_dim3A_3076 = vector.broadcast %jit3A_3075 : f32 to vector<16xf32>
      %select_n3A_3077 = arith.select %eq3A_3074, %add3A_2618, %broadcast_in_dim3A_3076 : vector<16xi1>, vector<16xf32>
      %iota3A_3078 = tpu.iota {dimensions = array<i32: 0>} : vector<16xi32>
      %xor3A_3079 = arith.constant 8 : i32
      %xor3A_3080 = vector.broadcast %xor3A_3079 : i32 to vector<16xi32>
      %xor3A_3081 = arith.xori %iota3A_3078, %xor3A_3080 : vector<16xi32>
      %lt3A_3082 = arith.constant 0 : i32
      %lt3A_3083 = vector.broadcast %lt3A_3082 : i32 to vector<16xi32>
      %lt3A_3084 = arith.cmpi slt, %xor3A_3081, %lt3A_3083 : vector<16xi32>
      %add3A_3085 = arith.constant 16 : i32
      %add3A_3086 = vector.broadcast %add3A_3085 : i32 to vector<16xi32>
      %add3A_3087 = arith.addi %xor3A_3081, %add3A_3086 : vector<16xi32>
      %select_n3A_3088 = arith.select %lt3A_3084, %add3A_3087, %xor3A_3081 : vector<16xi1>, vector<16xi32>
      %broadcast_in_dim3A_3089 = vector.shape_cast %select_n3A_3088 : vector<16xi32> to vector<16x1xi32>
      %gather3A_3090 = vector.shape_cast %broadcast_in_dim3A_3089 : vector<16x1xi32> to vector<16xi32>
      %gather3A_3091 = tpu.dynamic_gather %select_n3A_3077[%gather3A_3090] in [0] : vector<16xf32>, vector<16xi32> -> vector<16xf32>
      %add3A_3092 = arith.addf %select_n3A_3077, %gather3A_3091 : vector<16xf32>
      %xor3A_3093 = arith.constant 4 : i32
      %xor3A_3094 = vector.broadcast %xor3A_3093 : i32 to vector<16xi32>
      %xor3A_3095 = arith.xori %iota3A_3078, %xor3A_3094 : vector<16xi32>
      %lt3A_3096 = arith.constant 0 : i32
      %lt3A_3097 = vector.broadcast %lt3A_3096 : i32 to vector<16xi32>
      %lt3A_3098 = arith.cmpi slt, %xor3A_3095, %lt3A_3097 : vector<16xi32>
      %add3A_3099 = arith.constant 16 : i32
      %add3A_3100 = vector.broadcast %add3A_3099 : i32 to vector<16xi32>
      %add3A_3101 = arith.addi %xor3A_3095, %add3A_3100 : vector<16xi32>
      %select_n3A_3102 = arith.select %lt3A_3098, %add3A_3101, %xor3A_3095 : vector<16xi1>, vector<16xi32>
      %broadcast_in_dim3A_3103 = vector.shape_cast %select_n3A_3102 : vector<16xi32> to vector<16x1xi32>
      %gather3A_3104 = vector.shape_cast %broadcast_in_dim3A_3103 : vector<16x1xi32> to vector<16xi32>
      %gather3A_3105 = tpu.dynamic_gather %add3A_3092[%gather3A_3104] in [0] : vector<16xf32>, vector<16xi32> -> vector<16xf32>
      %add3A_3106 = arith.addf %add3A_3092, %gather3A_3105 : vector<16xf32>
      %xor3A_3107 = arith.constant 2 : i32
      %xor3A_3108 = vector.broadcast %xor3A_3107 : i32 to vector<16xi32>
      %xor3A_3109 = arith.xori %iota3A_3078, %xor3A_3108 : vector<16xi32>
      %lt3A_3110 = arith.constant 0 : i32
      %lt3A_3111 = vector.broadcast %lt3A_3110 : i32 to vector<16xi32>
      %lt3A_3112 = arith.cmpi slt, %xor3A_3109, %lt3A_3111 : vector<16xi32>
      %add3A_3113 = arith.constant 16 : i32
      %add3A_3114 = vector.broadcast %add3A_3113 : i32 to vector<16xi32>
      %add3A_3115 = arith.addi %xor3A_3109, %add3A_3114 : vector<16xi32>
      %select_n3A_3116 = arith.select %lt3A_3112, %add3A_3115, %xor3A_3109 : vector<16xi1>, vector<16xi32>
      %broadcast_in_dim3A_3117 = vector.shape_cast %select_n3A_3116 : vector<16xi32> to vector<16x1xi32>
      %gather3A_3118 = vector.shape_cast %broadcast_in_dim3A_3117 : vector<16x1xi32> to vector<16xi32>
      %gather3A_3119 = tpu.dynamic_gather %add3A_3106[%gather3A_3118] in [0] : vector<16xf32>, vector<16xi32> -> vector<16xf32>
      %add3A_3120 = arith.addf %add3A_3106, %gather3A_3119 : vector<16xf32>
      %xor3A_3121 = arith.constant 1 : i32
      %xor3A_3122 = vector.broadcast %xor3A_3121 : i32 to vector<16xi32>
      %xor3A_3123 = arith.xori %iota3A_3078, %xor3A_3122 : vector<16xi32>
      %lt3A_3124 = arith.constant 0 : i32
      %lt3A_3125 = vector.broadcast %lt3A_3124 : i32 to vector<16xi32>
      %lt3A_3126 = arith.cmpi slt, %xor3A_3123, %lt3A_3125 : vector<16xi32>
      %add3A_3127 = arith.constant 16 : i32
      %add3A_3128 = vector.broadcast %add3A_3127 : i32 to vector<16xi32>
      %add3A_3129 = arith.addi %xor3A_3123, %add3A_3128 : vector<16xi32>
      %select_n3A_3130 = arith.select %lt3A_3126, %add3A_3129, %xor3A_3123 : vector<16xi1>, vector<16xi32>
      %broadcast_in_dim3A_3131 = vector.shape_cast %select_n3A_3130 : vector<16xi32> to vector<16x1xi32>
      %gather3A_3132 = vector.shape_cast %broadcast_in_dim3A_3131 : vector<16x1xi32> to vector<16xi32>
      %gather3A_3133 = tpu.dynamic_gather %add3A_3120[%gather3A_3132] in [0] : vector<16xf32>, vector<16xi32> -> vector<16xf32>
      %add3A_3134 = arith.addf %add3A_3120, %gather3A_3133 : vector<16xf32>
      %neg3A_3135 = arith.constant 0.000000e+00 : f32
      %neg3A_3136 = vector.broadcast %neg3A_3135 : f32 to vector<16xf32>
      %neg3A_3137 = arith.subf %neg3A_3136, %add3A_3134 : vector<16xf32>
      %exp3A_3138 = math.exp %neg3A_3137 : vector<16xf32>
      %add3A_3139 = arith.constant 1.000000e+00 : f32
      %add3A_3140 = vector.broadcast %add3A_3139 : f32 to vector<16xf32>
      %add3A_3141 = arith.addf %add3A_3140, %exp3A_3138 : vector<16xf32>
      %mul3A_3142 = arith.mulf %mul3A_3059, %add3A_3141 : vector<16xf32>
      %ge3A_3143 = vector.broadcast %cond3A_2301 : f32 to vector<16xf32>
      %ge3A_3144 = arith.cmpf oge, %add3A_3134, %ge3A_3143 : vector<16xf32>
      %jit3A_3145 = arith.constant 1 : i32
      %jit3A_3146 = arith.constant 0 : i32
      %broadcast_in_dim3A_3147 = vector.broadcast %jit3A_3145 : i32 to vector<16xi32>
      %broadcast_in_dim3A_3148 = vector.broadcast %jit3A_3146 : i32 to vector<16xi32>
      %select_n3A_3149 = arith.select %ge3A_3144, %broadcast_in_dim3A_3147, %broadcast_in_dim3A_3148 : vector<16xi1>, vector<16xi32>
      %mul3A_3150 = arith.constant 2 : i32
      %mul3A_3151 = arith.muli %mul3A_3150, %add3A_3071 : i32
      %slice3A_3152 = vector.extract_strided_slice %select_n3A_3149 {offsets = [0], sizes = [1], strides = [1]} : vector<16xi32> to vector<1xi32>
      %squeeze3A_3153 = vector.extract %slice3A_3152[0] : i32 from vector<1xi32>
      %add3A_3154 = arith.addi %mul3A_3151, %squeeze3A_3153 : i32
      %lt3A_3155 = arith.constant 16 : i32
      %lt3A_3156 = arith.cmpi slt, %add3A_3154, %lt3A_3155 : i32
      %select_n3A_3157 = arith.select %lt3A_3156, %add3A_2649, %add3A_2680 : vector<16xf32>
      %and3A_3158 = arith.constant 15 : i32
      %and3A_3159 = arith.andi %add3A_3154, %and3A_3158 : i32
      %iota3A_3160 = tpu.iota {dimensions = array<i32: 0>} : vector<16xi32>
      %eq3A_3161 = vector.broadcast %and3A_3159 : i32 to vector<16xi32>
      %eq3A_3162 = arith.cmpi eq, %iota3A_3160, %eq3A_3161 : vector<16xi32>
      %jit3A_3163 = arith.constant 0.000000e+00 : f32
      %broadcast_in_dim3A_3164 = vector.broadcast %jit3A_3163 : f32 to vector<16xf32>
      %select_n3A_3165 = arith.select %eq3A_3162, %select_n3A_3157, %broadcast_in_dim3A_3164 : vector<16xi1>, vector<16xf32>
      %iota3A_3166 = tpu.iota {dimensions = array<i32: 0>} : vector<16xi32>
      %xor3A_3167 = arith.constant 8 : i32
      %xor3A_3168 = vector.broadcast %xor3A_3167 : i32 to vector<16xi32>
      %xor3A_3169 = arith.xori %iota3A_3166, %xor3A_3168 : vector<16xi32>
      %lt3A_3170 = arith.constant 0 : i32
      %lt3A_3171 = vector.broadcast %lt3A_3170 : i32 to vector<16xi32>
      %lt3A_3172 = arith.cmpi slt, %xor3A_3169, %lt3A_3171 : vector<16xi32>
      %add3A_3173 = arith.constant 16 : i32
      %add3A_3174 = vector.broadcast %add3A_3173 : i32 to vector<16xi32>
      %add3A_3175 = arith.addi %xor3A_3169, %add3A_3174 : vector<16xi32>
      %select_n3A_3176 = arith.select %lt3A_3172, %add3A_3175, %xor3A_3169 : vector<16xi1>, vector<16xi32>
      %broadcast_in_dim3A_3177 = vector.shape_cast %select_n3A_3176 : vector<16xi32> to vector<16x1xi32>
      %gather3A_3178 = vector.shape_cast %broadcast_in_dim3A_3177 : vector<16x1xi32> to vector<16xi32>
      %gather3A_3179 = tpu.dynamic_gather %select_n3A_3165[%gather3A_3178] in [0] : vector<16xf32>, vector<16xi32> -> vector<16xf32>
      %add3A_3180 = arith.addf %select_n3A_3165, %gather3A_3179 : vector<16xf32>
      %xor3A_3181 = arith.constant 4 : i32
      %xor3A_3182 = vector.broadcast %xor3A_3181 : i32 to vector<16xi32>
      %xor3A_3183 = arith.xori %iota3A_3166, %xor3A_3182 : vector<16xi32>
      %lt3A_3184 = arith.constant 0 : i32
      %lt3A_3185 = vector.broadcast %lt3A_3184 : i32 to vector<16xi32>
      %lt3A_3186 = arith.cmpi slt, %xor3A_3183, %lt3A_3185 : vector<16xi32>
      %add3A_3187 = arith.constant 16 : i32
      %add3A_3188 = vector.broadcast %add3A_3187 : i32 to vector<16xi32>
      %add3A_3189 = arith.addi %xor3A_3183, %add3A_3188 : vector<16xi32>
      %select_n3A_3190 = arith.select %lt3A_3186, %add3A_3189, %xor3A_3183 : vector<16xi1>, vector<16xi32>
      %broadcast_in_dim3A_3191 = vector.shape_cast %select_n3A_3190 : vector<16xi32> to vector<16x1xi32>
      %gather3A_3192 = vector.shape_cast %broadcast_in_dim3A_3191 : vector<16x1xi32> to vector<16xi32>
      %gather3A_3193 = tpu.dynamic_gather %add3A_3180[%gather3A_3192] in [0] : vector<16xf32>, vector<16xi32> -> vector<16xf32>
      %add3A_3194 = arith.addf %add3A_3180, %gather3A_3193 : vector<16xf32>
      %xor3A_3195 = arith.constant 2 : i32
      %xor3A_3196 = vector.broadcast %xor3A_3195 : i32 to vector<16xi32>
      %xor3A_3197 = arith.xori %iota3A_3166, %xor3A_3196 : vector<16xi32>
      %lt3A_3198 = arith.constant 0 : i32
      %lt3A_3199 = vector.broadcast %lt3A_3198 : i32 to vector<16xi32>
      %lt3A_3200 = arith.cmpi slt, %xor3A_3197, %lt3A_3199 : vector<16xi32>
      %add3A_3201 = arith.constant 16 : i32
      %add3A_3202 = vector.broadcast %add3A_3201 : i32 to vector<16xi32>
      %add3A_3203 = arith.addi %xor3A_3197, %add3A_3202 : vector<16xi32>
      %select_n3A_3204 = arith.select %lt3A_3200, %add3A_3203, %xor3A_3197 : vector<16xi1>, vector<16xi32>
      %broadcast_in_dim3A_3205 = vector.shape_cast %select_n3A_3204 : vector<16xi32> to vector<16x1xi32>
      %gather3A_3206 = vector.shape_cast %broadcast_in_dim3A_3205 : vector<16x1xi32> to vector<16xi32>
      %gather3A_3207 = tpu.dynamic_gather %add3A_3194[%gather3A_3206] in [0] : vector<16xf32>, vector<16xi32> -> vector<16xf32>
      %add3A_3208 = arith.addf %add3A_3194, %gather3A_3207 : vector<16xf32>
      %xor3A_3209 = arith.constant 1 : i32
      %xor3A_3210 = vector.broadcast %xor3A_3209 : i32 to vector<16xi32>
      %xor3A_3211 = arith.xori %iota3A_3166, %xor3A_3210 : vector<16xi32>
      %lt3A_3212 = arith.constant 0 : i32
      %lt3A_3213 = vector.broadcast %lt3A_3212 : i32 to vector<16xi32>
      %lt3A_3214 = arith.cmpi slt, %xor3A_3211, %lt3A_3213 : vector<16xi32>
      %add3A_3215 = arith.constant 16 : i32
      %add3A_3216 = vector.broadcast %add3A_3215 : i32 to vector<16xi32>
      %add3A_3217 = arith.addi %xor3A_3211, %add3A_3216 : vector<16xi32>
      %select_n3A_3218 = arith.select %lt3A_3214, %add3A_3217, %xor3A_3211 : vector<16xi1>, vector<16xi32>
      %broadcast_in_dim3A_3219 = vector.shape_cast %select_n3A_3218 : vector<16xi32> to vector<16x1xi32>
      %gather3A_3220 = vector.shape_cast %broadcast_in_dim3A_3219 : vector<16x1xi32> to vector<16xi32>
      %gather3A_3221 = tpu.dynamic_gather %add3A_3208[%gather3A_3220] in [0] : vector<16xf32>, vector<16xi32> -> vector<16xf32>
      %add3A_3222 = arith.addf %add3A_3208, %gather3A_3221 : vector<16xf32>
      %neg3A_3223 = arith.constant 0.000000e+00 : f32
      %neg3A_3224 = vector.broadcast %neg3A_3223 : f32 to vector<16xf32>
      %neg3A_3225 = arith.subf %neg3A_3224, %add3A_3222 : vector<16xf32>
      %exp3A_3226 = math.exp %neg3A_3225 : vector<16xf32>
      %add3A_3227 = arith.constant 1.000000e+00 : f32
      %add3A_3228 = vector.broadcast %add3A_3227 : f32 to vector<16xf32>
      %add3A_3229 = arith.addf %add3A_3228, %exp3A_3226 : vector<16xf32>
      %mul3A_3230 = arith.mulf %mul3A_3142, %add3A_3229 : vector<16xf32>
      %ge3A_3231 = vector.broadcast %cond3A_2301 : f32 to vector<16xf32>
      %ge3A_3232 = arith.cmpf oge, %add3A_3222, %ge3A_3231 : vector<16xf32>
      %jit3A_3233 = arith.constant 1 : i32
      %jit3A_3234 = arith.constant 0 : i32
      %broadcast_in_dim3A_3235 = vector.broadcast %jit3A_3233 : i32 to vector<16xi32>
      %broadcast_in_dim3A_3236 = vector.broadcast %jit3A_3234 : i32 to vector<16xi32>
      %select_n3A_3237 = arith.select %ge3A_3232, %broadcast_in_dim3A_3235, %broadcast_in_dim3A_3236 : vector<16xi1>, vector<16xi32>
      %mul3A_3238 = arith.constant 2 : i32
      %mul3A_3239 = arith.muli %mul3A_3238, %add3A_3154 : i32
      %slice3A_3240 = vector.extract_strided_slice %select_n3A_3237 {offsets = [0], sizes = [1], strides = [1]} : vector<16xi32> to vector<1xi32>
      %squeeze3A_3241 = vector.extract %slice3A_3240[0] : i32 from vector<1xi32>
      %add3A_3242 = arith.addi %mul3A_3239, %squeeze3A_3241 : i32
      %shift_right_logical3A_3243 = arith.constant 4 : i32
      %shift_right_logical3A_3244 = arith.shrui %add3A_3242, %shift_right_logical3A_3243 : i32
      %eq3A_3245 = arith.constant 0 : i32
      %eq3A_3246 = arith.cmpi eq, %shift_right_logical3A_3244, %eq3A_3245 : i32
      %eq3A_3247 = arith.constant 1 : i32
      %eq3A_3248 = arith.cmpi eq, %shift_right_logical3A_3244, %eq3A_3247 : i32
      %eq3A_3249 = arith.constant 2 : i32
      %eq3A_3250 = arith.cmpi eq, %shift_right_logical3A_3244, %eq3A_3249 : i32
      %select_n3A_3251 = arith.select %eq3A_3250, %add3A_2725, %add3A_2740 : vector<16xf32>
      %select_n3A_3252 = arith.select %eq3A_3248, %add3A_2710, %select_n3A_3251 : vector<16xf32>
      %select_n3A_3253 = arith.select %eq3A_3246, %add3A_2695, %select_n3A_3252 : vector<16xf32>
      %and3A_3254 = arith.constant 15 : i32
      %and3A_3255 = arith.andi %add3A_3242, %and3A_3254 : i32
      %iota3A_3256 = tpu.iota {dimensions = array<i32: 0>} : vector<16xi32>
      %eq3A_3257 = vector.broadcast %and3A_3255 : i32 to vector<16xi32>
      %eq3A_3258 = arith.cmpi eq, %iota3A_3256, %eq3A_3257 : vector<16xi32>
      %jit3A_3259 = arith.constant 0.000000e+00 : f32
      %broadcast_in_dim3A_3260 = vector.broadcast %jit3A_3259 : f32 to vector<16xf32>
      %select_n3A_3261 = arith.select %eq3A_3258, %select_n3A_3253, %broadcast_in_dim3A_3260 : vector<16xi1>, vector<16xf32>
      %iota3A_3262 = tpu.iota {dimensions = array<i32: 0>} : vector<16xi32>
      %xor3A_3263 = arith.constant 8 : i32
      %xor3A_3264 = vector.broadcast %xor3A_3263 : i32 to vector<16xi32>
      %xor3A_3265 = arith.xori %iota3A_3262, %xor3A_3264 : vector<16xi32>
      %lt3A_3266 = arith.constant 0 : i32
      %lt3A_3267 = vector.broadcast %lt3A_3266 : i32 to vector<16xi32>
      %lt3A_3268 = arith.cmpi slt, %xor3A_3265, %lt3A_3267 : vector<16xi32>
      %add3A_3269 = arith.constant 16 : i32
      %add3A_3270 = vector.broadcast %add3A_3269 : i32 to vector<16xi32>
      %add3A_3271 = arith.addi %xor3A_3265, %add3A_3270 : vector<16xi32>
      %select_n3A_3272 = arith.select %lt3A_3268, %add3A_3271, %xor3A_3265 : vector<16xi1>, vector<16xi32>
      %broadcast_in_dim3A_3273 = vector.shape_cast %select_n3A_3272 : vector<16xi32> to vector<16x1xi32>
      %gather3A_3274 = vector.shape_cast %broadcast_in_dim3A_3273 : vector<16x1xi32> to vector<16xi32>
      %gather3A_3275 = tpu.dynamic_gather %select_n3A_3261[%gather3A_3274] in [0] : vector<16xf32>, vector<16xi32> -> vector<16xf32>
      %add3A_3276 = arith.addf %select_n3A_3261, %gather3A_3275 : vector<16xf32>
      %xor3A_3277 = arith.constant 4 : i32
      %xor3A_3278 = vector.broadcast %xor3A_3277 : i32 to vector<16xi32>
      %xor3A_3279 = arith.xori %iota3A_3262, %xor3A_3278 : vector<16xi32>
      %lt3A_3280 = arith.constant 0 : i32
      %lt3A_3281 = vector.broadcast %lt3A_3280 : i32 to vector<16xi32>
      %lt3A_3282 = arith.cmpi slt, %xor3A_3279, %lt3A_3281 : vector<16xi32>
      %add3A_3283 = arith.constant 16 : i32
      %add3A_3284 = vector.broadcast %add3A_3283 : i32 to vector<16xi32>
      %add3A_3285 = arith.addi %xor3A_3279, %add3A_3284 : vector<16xi32>
      %select_n3A_3286 = arith.select %lt3A_3282, %add3A_3285, %xor3A_3279 : vector<16xi1>, vector<16xi32>
      %broadcast_in_dim3A_3287 = vector.shape_cast %select_n3A_3286 : vector<16xi32> to vector<16x1xi32>
      %gather3A_3288 = vector.shape_cast %broadcast_in_dim3A_3287 : vector<16x1xi32> to vector<16xi32>
      %gather3A_3289 = tpu.dynamic_gather %add3A_3276[%gather3A_3288] in [0] : vector<16xf32>, vector<16xi32> -> vector<16xf32>
      %add3A_3290 = arith.addf %add3A_3276, %gather3A_3289 : vector<16xf32>
      %xor3A_3291 = arith.constant 2 : i32
      %xor3A_3292 = vector.broadcast %xor3A_3291 : i32 to vector<16xi32>
      %xor3A_3293 = arith.xori %iota3A_3262, %xor3A_3292 : vector<16xi32>
      %lt3A_3294 = arith.constant 0 : i32
      %lt3A_3295 = vector.broadcast %lt3A_3294 : i32 to vector<16xi32>
      %lt3A_3296 = arith.cmpi slt, %xor3A_3293, %lt3A_3295 : vector<16xi32>
      %add3A_3297 = arith.constant 16 : i32
      %add3A_3298 = vector.broadcast %add3A_3297 : i32 to vector<16xi32>
      %add3A_3299 = arith.addi %xor3A_3293, %add3A_3298 : vector<16xi32>
      %select_n3A_3300 = arith.select %lt3A_3296, %add3A_3299, %xor3A_3293 : vector<16xi1>, vector<16xi32>
      %broadcast_in_dim3A_3301 = vector.shape_cast %select_n3A_3300 : vector<16xi32> to vector<16x1xi32>
      %gather3A_3302 = vector.shape_cast %broadcast_in_dim3A_3301 : vector<16x1xi32> to vector<16xi32>
      %gather3A_3303 = tpu.dynamic_gather %add3A_3290[%gather3A_3302] in [0] : vector<16xf32>, vector<16xi32> -> vector<16xf32>
      %add3A_3304 = arith.addf %add3A_3290, %gather3A_3303 : vector<16xf32>
      %xor3A_3305 = arith.constant 1 : i32
      %xor3A_3306 = vector.broadcast %xor3A_3305 : i32 to vector<16xi32>
      %xor3A_3307 = arith.xori %iota3A_3262, %xor3A_3306 : vector<16xi32>
      %lt3A_3308 = arith.constant 0 : i32
      %lt3A_3309 = vector.broadcast %lt3A_3308 : i32 to vector<16xi32>
      %lt3A_3310 = arith.cmpi slt, %xor3A_3307, %lt3A_3309 : vector<16xi32>
      %add3A_3311 = arith.constant 16 : i32
      %add3A_3312 = vector.broadcast %add3A_3311 : i32 to vector<16xi32>
      %add3A_3313 = arith.addi %xor3A_3307, %add3A_3312 : vector<16xi32>
      %select_n3A_3314 = arith.select %lt3A_3310, %add3A_3313, %xor3A_3307 : vector<16xi1>, vector<16xi32>
      %broadcast_in_dim3A_3315 = vector.shape_cast %select_n3A_3314 : vector<16xi32> to vector<16x1xi32>
      %gather3A_3316 = vector.shape_cast %broadcast_in_dim3A_3315 : vector<16x1xi32> to vector<16xi32>
      %gather3A_3317 = tpu.dynamic_gather %add3A_3304[%gather3A_3316] in [0] : vector<16xf32>, vector<16xi32> -> vector<16xf32>
      %add3A_3318 = arith.addf %add3A_3304, %gather3A_3317 : vector<16xf32>
      %neg3A_3319 = arith.constant 0.000000e+00 : f32
      %neg3A_3320 = vector.broadcast %neg3A_3319 : f32 to vector<16xf32>
      %neg3A_3321 = arith.subf %neg3A_3320, %add3A_3318 : vector<16xf32>
      %exp3A_3322 = math.exp %neg3A_3321 : vector<16xf32>
      %add3A_3323 = arith.constant 1.000000e+00 : f32
      %add3A_3324 = vector.broadcast %add3A_3323 : f32 to vector<16xf32>
      %add3A_3325 = arith.addf %add3A_3324, %exp3A_3322 : vector<16xf32>
      %mul3A_3326 = arith.mulf %mul3A_3230, %add3A_3325 : vector<16xf32>
      %ge3A_3327 = vector.broadcast %cond3A_2301 : f32 to vector<16xf32>
      %ge3A_3328 = arith.cmpf oge, %add3A_3318, %ge3A_3327 : vector<16xf32>
      %jit3A_3329 = arith.constant 1 : i32
      %jit3A_3330 = arith.constant 0 : i32
      %broadcast_in_dim3A_3331 = vector.broadcast %jit3A_3329 : i32 to vector<16xi32>
      %broadcast_in_dim3A_3332 = vector.broadcast %jit3A_3330 : i32 to vector<16xi32>
      %select_n3A_3333 = arith.select %ge3A_3328, %broadcast_in_dim3A_3331, %broadcast_in_dim3A_3332 : vector<16xi1>, vector<16xi32>
      %mul3A_3334 = arith.constant 2 : i32
      %mul3A_3335 = arith.muli %mul3A_3334, %add3A_3242 : i32
      %slice3A_3336 = vector.extract_strided_slice %select_n3A_3333 {offsets = [0], sizes = [1], strides = [1]} : vector<16xi32> to vector<1xi32>
      %squeeze3A_3337 = vector.extract %slice3A_3336[0] : i32 from vector<1xi32>
      %add3A_3338 = arith.addi %mul3A_3335, %squeeze3A_3337 : i32
      %shift_right_logical3A_3339 = arith.constant 4 : i32
      %shift_right_logical3A_3340 = arith.shrui %add3A_3338, %shift_right_logical3A_3339 : i32
      %shift_left3A = arith.constant 4 : i32
      %shift_left3A_3341 = arith.shli %shift_right_logical3A_3340, %shift_left3A : i32
      %get3A_3342 = arith.index_cast %shift_left3A_3341 : i32 to index
      %get3A_3343 = tpu.vector_load %arg21[%get3A_3342] {strides = array<i32>} : memref<128xf32, #tpu.memory_space<vmem>>, vector<16xf32>,
      %get3A_3344 = vector.shape_cast %get3A_3343 : vector<16xf32> to vector<16xf32>
      %and3A_3345 = arith.constant 15 : i32
      %and3A_3346 = arith.andi %add3A_3338, %and3A_3345 : i32
      %iota3A_3347 = tpu.iota {dimensions = array<i32: 0>} : vector<16xi32>
      %eq3A_3348 = vector.broadcast %and3A_3346 : i32 to vector<16xi32>
      %eq3A_3349 = arith.cmpi eq, %iota3A_3347, %eq3A_3348 : vector<16xi32>
      %jit3A_3350 = arith.constant 0.000000e+00 : f32
      %broadcast_in_dim3A_3351 = vector.broadcast %jit3A_3350 : f32 to vector<16xf32>
      %select_n3A_3352 = arith.select %eq3A_3349, %get3A_3344, %broadcast_in_dim3A_3351 : vector<16xi1>, vector<16xf32>
      %iota3A_3353 = tpu.iota {dimensions = array<i32: 0>} : vector<16xi32>
      %xor3A_3354 = arith.constant 8 : i32
      %xor3A_3355 = vector.broadcast %xor3A_3354 : i32 to vector<16xi32>
      %xor3A_3356 = arith.xori %iota3A_3353, %xor3A_3355 : vector<16xi32>
      %lt3A_3357 = arith.constant 0 : i32
      %lt3A_3358 = vector.broadcast %lt3A_3357 : i32 to vector<16xi32>
      %lt3A_3359 = arith.cmpi slt, %xor3A_3356, %lt3A_3358 : vector<16xi32>
      %add3A_3360 = arith.constant 16 : i32
      %add3A_3361 = vector.broadcast %add3A_3360 : i32 to vector<16xi32>
      %add3A_3362 = arith.addi %xor3A_3356, %add3A_3361 : vector<16xi32>
      %select_n3A_3363 = arith.select %lt3A_3359, %add3A_3362, %xor3A_3356 : vector<16xi1>, vector<16xi32>
      %broadcast_in_dim3A_3364 = vector.shape_cast %select_n3A_3363 : vector<16xi32> to vector<16x1xi32>
      %gather3A_3365 = vector.shape_cast %broadcast_in_dim3A_3364 : vector<16x1xi32> to vector<16xi32>
      %gather3A_3366 = tpu.dynamic_gather %select_n3A_3352[%gather3A_3365] in [0] : vector<16xf32>, vector<16xi32> -> vector<16xf32>
      %add3A_3367 = arith.addf %select_n3A_3352, %gather3A_3366 : vector<16xf32>
      %xor3A_3368 = arith.constant 4 : i32
      %xor3A_3369 = vector.broadcast %xor3A_3368 : i32 to vector<16xi32>
      %xor3A_3370 = arith.xori %iota3A_3353, %xor3A_3369 : vector<16xi32>
      %lt3A_3371 = arith.constant 0 : i32
      %lt3A_3372 = vector.broadcast %lt3A_3371 : i32 to vector<16xi32>
      %lt3A_3373 = arith.cmpi slt, %xor3A_3370, %lt3A_3372 : vector<16xi32>
      %add3A_3374 = arith.constant 16 : i32
      %add3A_3375 = vector.broadcast %add3A_3374 : i32 to vector<16xi32>
      %add3A_3376 = arith.addi %xor3A_3370, %add3A_3375 : vector<16xi32>
      %select_n3A_3377 = arith.select %lt3A_3373, %add3A_3376, %xor3A_3370 : vector<16xi1>, vector<16xi32>
      %broadcast_in_dim3A_3378 = vector.shape_cast %select_n3A_3377 : vector<16xi32> to vector<16x1xi32>
      %gather3A_3379 = vector.shape_cast %broadcast_in_dim3A_3378 : vector<16x1xi32> to vector<16xi32>
      %gather3A_3380 = tpu.dynamic_gather %add3A_3367[%gather3A_3379] in [0] : vector<16xf32>, vector<16xi32> -> vector<16xf32>
      %add3A_3381 = arith.addf %add3A_3367, %gather3A_3380 : vector<16xf32>
      %xor3A_3382 = arith.constant 2 : i32
      %xor3A_3383 = vector.broadcast %xor3A_3382 : i32 to vector<16xi32>
      %xor3A_3384 = arith.xori %iota3A_3353, %xor3A_3383 : vector<16xi32>
      %lt3A_3385 = arith.constant 0 : i32
      %lt3A_3386 = vector.broadcast %lt3A_3385 : i32 to vector<16xi32>
      %lt3A_3387 = arith.cmpi slt, %xor3A_3384, %lt3A_3386 : vector<16xi32>
      %add3A_3388 = arith.constant 16 : i32
      %add3A_3389 = vector.broadcast %add3A_3388 : i32 to vector<16xi32>
      %add3A_3390 = arith.addi %xor3A_3384, %add3A_3389 : vector<16xi32>
      %select_n3A_3391 = arith.select %lt3A_3387, %add3A_3390, %xor3A_3384 : vector<16xi1>, vector<16xi32>
      %broadcast_in_dim3A_3392 = vector.shape_cast %select_n3A_3391 : vector<16xi32> to vector<16x1xi32>
      %gather3A_3393 = vector.shape_cast %broadcast_in_dim3A_3392 : vector<16x1xi32> to vector<16xi32>
      %gather3A_3394 = tpu.dynamic_gather %add3A_3381[%gather3A_3393] in [0] : vector<16xf32>, vector<16xi32> -> vector<16xf32>
      %add3A_3395 = arith.addf %add3A_3381, %gather3A_3394 : vector<16xf32>
      %xor3A_3396 = arith.constant 1 : i32
      %xor3A_3397 = vector.broadcast %xor3A_3396 : i32 to vector<16xi32>
      %xor3A_3398 = arith.xori %iota3A_3353, %xor3A_3397 : vector<16xi32>
      %lt3A_3399 = arith.constant 0 : i32
      %lt3A_3400 = vector.broadcast %lt3A_3399 : i32 to vector<16xi32>
      %lt3A_3401 = arith.cmpi slt, %xor3A_3398, %lt3A_3400 : vector<16xi32>
      %add3A_3402 = arith.constant 16 : i32
      %add3A_3403 = vector.broadcast %add3A_3402 : i32 to vector<16xi32>
      %add3A_3404 = arith.addi %xor3A_3398, %add3A_3403 : vector<16xi32>
      %select_n3A_3405 = arith.select %lt3A_3401, %add3A_3404, %xor3A_3398 : vector<16xi1>, vector<16xi32>
      %broadcast_in_dim3A_3406 = vector.shape_cast %select_n3A_3405 : vector<16xi32> to vector<16x1xi32>
      %gather3A_3407 = vector.shape_cast %broadcast_in_dim3A_3406 : vector<16x1xi32> to vector<16xi32>
      %gather3A_3408 = tpu.dynamic_gather %add3A_3395[%gather3A_3407] in [0] : vector<16xf32>, vector<16xi32> -> vector<16xf32>
      %add3A_3409 = arith.addf %add3A_3395, %gather3A_3408 : vector<16xf32>
      %div3A = arith.divf %add3A_3409, %mul3A_3326 : vector<16xf32>
      %swap3A_3410 = arith.constant 0 : index
      %swap3A_3411 = tpu.vector_load %arg23[%swap3A_3410] {strides = array<i32>} : memref<16xf32, #tpu.memory_space<vmem>>, vector<16xf32>,
      %swap3A_3412 = vector.shape_cast %swap3A_3411 : vector<16xf32> to vector<16xf32>
      %swap3A_3413 = vector.shape_cast %div3A : vector<16xf32> to vector<16xf32>
      tpu.vector_store %arg23[%swap3A_3410], %swap3A_3413 {strides = array<i32>} : memref<16xf32, #tpu.memory_space<vmem>>, vector<16xf32>,
      "tpu.region"() ({
        %run_scoped3A = tpu.sem_alloc : memref<!tpu.dma_semaphore, #tpu.memory_space<semaphore_mem>>
        %dma_start3A_3414 = arith.constant 0 : i32
        %dma_start3A_3415 = tpu.memref_slice %arg23[%dma_start3A_3414] : memref<16xf32, #tpu.memory_space<vmem>> -> memref<1xf32, #tpu.memory_space<vmem>>
        %dma_start3A_3416 = arith.constant 0 : i32
        %dma_start3A_3417 = tpu.memref_slice %arg23[%dma_start3A_3416] : memref<16xf32, #tpu.memory_space<vmem>> -> memref<1xf32, #tpu.memory_space<vmem>>
        tpu.enqueue_dma source(%dma_start3A_3417 : memref<1xf32, #tpu.memory_space<vmem>>) target(%arg12 : memref<1xf32, #tpu.memory_space<hbm>>) target_semaphore(%run_scoped3A : memref<!tpu.dma_semaphore, #tpu.memory_space<semaphore_mem>>)
        %dma_wait3A_3418 = arith.constant 0 : i32
        %dma_wait3A_3419 = tpu.memref_slice %arg23[%dma_wait3A_3418] : memref<16xf32, #tpu.memory_space<vmem>> -> memref<1xf32, #tpu.memory_space<vmem>>
        %dma_wait3A_3420 = arith.constant 0 : i32
        %dma_wait3A_3421 = tpu.memref_slice %arg23[%dma_wait3A_3420] : memref<16xf32, #tpu.memory_space<vmem>> -> memref<1xf32, #tpu.memory_space<vmem>>
        tpu.wait_dma2 semaphore(%run_scoped3A : memref<!tpu.dma_semaphore, #tpu.memory_space<semaphore_mem>>) src(%dma_wait3A_3421 : memref<1xf32, #tpu.memory_space<vmem>>) dst(%arg12 : memref<1xf32, #tpu.memory_space<hbm>>)
        tpu.yield
      }) : () -> ()
    } else {
    }
    return
  }
}

</mosaic_0001>

<sc_bundles>
// kernel: kernel.3.cloned.1.call-start
scs
__scs_entry_jumppad:
0x0: {  	(pc) =	sbr.rel $0x88, $3  }
0x1: {  	(tag) =	ssettag $0x0;
	lr =	simm.s32 $0x1  }
0x2: {  	[smem:$0x3F97] =	sst lr;
	_ =	strace $0xD0000000  }
0x3: {  	_ = 	snop  }
0x4: {  	_ = 	snop  }
0x5: {  	_ = 	snop  }
0x6: {  	_ = 	snop  }
0x7: {  	_ = 	snop  }
__scs_overlays_trampoline_lowered:
0x8: {  	[smem:$0x3FA6] =	sst s0  }
0x9: {  	[smem:$0x3FA7] =	sst s1  }
0xa: {  	[smem:$0x3FA8] =	sst s2  }
0xb: {  	[smem:$0x3FA9] =	sst s3  }
0xc: {  	[smem:$0x3FAA] =	sst s4  }
0xd: {  	[smem:$0x3FAB] =	sst s5  }
0xe: {  	[smem:$0x3FAC] =	sst s6  }
0xf: {  	[smem:$0x3FAD] =	sst s7  }
0x10: {  	[smem:$0x3FAE] =	sst s8  }
0x11: {  	[smem:$0x3FAF] =	sst s9;
	s0 =	simm.s32 @!p0 $0x0  }
0x12: {  	s1 =	sld [smem:$0x3F95];
	s0 =	simm.s32 @p0 $0x1  }
0x13: {  	[smem:$0x3FB0] =	sst s0;
	s0 =	simm.s32 @!p1 $0x0  }
0x14: {  	s2 =	sld [smem:$0x3F94];
	s0 =	simm.s32 @p1 $0x1  }
0x15: {  	[smem:$0x3FB1] =	sst s0;
	s0 =	simm.s32 @!p2 $0x0  }
0x16: {  	s3 =	sld [smem:$0x3FDB];
	s0 =	simm.s32 @p2 $0x1  }
0x17: {  	s4 =	simm.s32 $0x1BF5;
	[smem:$0x3FB3] =	sst s0  }
0x18: {  	s0 =	sld [smem:$0x3F96];
	_ =	swait.ge [sflag:s4], $0x0  }
0x19: {  	s7 =	sld [smem:$0x3F97]  }
0x1a: {  	s8 =	sadd.s32 $0xFFFFE003, lr  }
0x1b: {  	s9 =	sadd.s32 $0xFFFFFEF7, lr;
	s5 =	simm.s32 $0xFFFFFFFF;
	p2 =	slt.u32 s8, $0xFFFFF086  }
0x1c: {  	p1 =	slt.u32 s9, $0xF7A;
	s5 =	simm.s32 @!p2 $0x0  }
0x1d: {  	s5 =	simm.s32 @p1 $0x1;
	p0 =	seq.s32 s7, s2  }
0x1e: {  	s7 =	smul.u32 @!p0 $0xF7A, s2;
	p2 =	seq.s32 @!p0 s5, $0x0  }
0x1f: {  	s9 =	smul.u32 $0xF7A, s1;
	s8 =	simm.s32 @!p0 $0x1BF5;
	p2 =	por !p2, p0  }
0x20: {  	[sflag:s8] =	ssyncset.s32 @!p0 $0xFFFFF086;
	s6 =	sadd.s32 @!p0 s3, s7;
	s7 =	simm.s32 @!p0 $0x108  }
0x21: {  	s3 =	sadd.s32 s3, s9;
	s6 =	sadd.s32 @!p0 $0x88, s6;
	s7 =	simm.s32 @p2 $0x1082  }
0x22: {  	[simem:s7], [sflag:s8] =	dma.local @!p0 [hbm:s6], $0xF7A  }
0x23: {  	s9 =	sor.u32 $0xD0000000, s2;
	s6 =	simm.s32 $0x108;
	_ =	swait.ge @!p0 [sflag:s8], $0x0  }
0x24: {  	s3 =	sadd.s32 $0x88, s3;
	s6 =	simm.s32 @!p1 $0x1082;
	[sflag:s4] =	ssyncset.s32 $0xFFFFF086  }
0x25: {  	[simem:s6], [sflag:s4] =	dma.local [hbm:s3], $0xF7A  }
0x26: {  	[smem:$0x3F97] =	sst s1;
	(tag) =	ssettag s2;
	_ =	strace s9  }
0x27: {  	s1 =	sld [smem:$0x3FA7]  }
0x28: {  	s2 =	sld [smem:$0x3FA8]  }
0x29: {  	s4 =	sld [smem:$0x3FAA]  }
0x2a: {  	p0 =	seq.s32 s5, $0x0;
	s5 =	sld [smem:$0x3FAB]  }
0x2b: {  	s6 =	sld [smem:$0x3FAC]  }
0x2c: {  	s7 =	sld [smem:$0x3FAD]  }
0x2d: {  	s3 =	simm.s32 $0x108;
	s8 =	sld [smem:$0x3FAE]  }
0x2e: {  	s3 =	simm.s32 @!p0 $0x1082;
	s9 =	sld [smem:$0x3FAF]  }
0x2f: {  	lr =	sadd.s32 s0, s3;
	s0 =	sld [smem:$0x3FA6]  }
0x30: {  	s3 =	sld [smem:$0x3FA9]  }
0x31: {  	[smem:$0x3FB2] =	sst s10  }
0x32: {  	s10 =	sld [smem:$0x3FB0];
	_ =	sdelay $0x3  }
0x33: {  	p0 =	seq.s32 s10, $0x1;
	s10 =	sld [smem:$0x3FB2];
	_ =	sdelay $0x3  }
0x34: {  	[smem:$0x3FB2] =	sst s10  }
0x35: {  	s10 =	sld [smem:$0x3FB1];
	_ =	sdelay $0x3  }
0x36: {  	p1 =	seq.s32 s10, $0x1;
	s10 =	sld [smem:$0x3FB2];
	_ =	sdelay $0x3  }
0x37: {  	[smem:$0x3FB2] =	sst s10  }
0x38: {  	s10 =	sld [smem:$0x3FB3]  }
0x39: {  	_ = 	snop;
	(pc) =	sbr.ind lr, $3  }
0x3a: {  	_ = 	snop  }
0x3b: {  	_ = 	snop  }
0x3c: {  	p2 =	seq.s32 s10, $0x1;
	s10 =	sld [smem:$0x3FB2]  }
0x3d: {  	_ =	shalt  }
0x3e: {  	_ =	shalt  }
0x3f: {  	_ =	shalt  }
0x40: {  	_ =	shalt  }
0x41: {  	_ =	shalt  }
0x42: {  	_ =	shalt  }
0x43: {  	_ =	shalt  }
0x44: {  	_ =	shalt  }
0x45: {  	_ =	shalt  }
0x46: {  	_ =	shalt  }
0x47: {  	_ =	shalt  }
0x48: {  	_ =	shalt  }
0x49: {  	_ =	shalt  }
0x4a: {  	_ =	shalt  }
0x4b: {  	_ =	shalt  }
0x4c: {  	_ =	shalt  }
0x4d: {  	_ =	shalt  }
0x4e: {  	_ =	shalt  }
0x4f: {  	_ =	shalt  }
0x50: {  	_ =	shalt  }
0x51: {  	_ =	shalt  }
0x52: {  	_ =	shalt  }
0x53: {  	_ =	shalt  }
0x54: {  	_ =	shalt  }
0x55: {  	_ =	shalt  }
0x56: {  	_ =	shalt  }
0x57: {  	_ =	shalt  }
0x58: {  	_ =	shalt  }
0x59: {  	_ =	shalt  }
0x5a: {  	_ =	shalt  }
0x5b: {  	_ =	shalt  }
0x5c: {  	_ =	shalt  }
0x5d: {  	_ =	shalt  }
0x5e: {  	_ =	shalt  }
0x5f: {  	_ =	shalt  }
0x60: {  	_ =	shalt  }
0x61: {  	_ =	shalt  }
0x62: {  	_ =	shalt  }
0x63: {  	_ =	shalt  }
0x64: {  	_ =	shalt  }
0x65: {  	_ =	shalt  }
0x66: {  	_ =	shalt  }
0x67: {  	_ =	shalt  }
0x68: {  	_ =	shalt  }
0x69: {  	_ =	shalt  }
0x6a: {  	_ =	shalt  }
0x6b: {  	_ =	shalt  }
0x6c: {  	_ =	shalt  }
0x6d: {  	_ =	shalt  }
0x6e: {  	_ =	shalt  }
0x6f: {  	_ =	shalt  }
0x70: {  	_ =	shalt  }
0x71: {  	_ =	shalt  }
0x72: {  	_ =	shalt  }
0x73: {  	_ =	shalt  }
0x74: {  	_ =	shalt  }
0x75: {  	_ =	shalt  }
0x76: {  	_ =	shalt  }
0x77: {  	_ =	shalt  }
0x78: {  	_ =	shalt  }
0x79: {  	_ =	shalt  }
0x7a: {  	_ =	shalt  }
0x7b: {  	_ =	shalt  }
0x7c: {  	_ =	shalt  }
0x7d: {  	_ =	shalt  }
0x7e: {  	_ =	shalt  }
0x7f: {  	_ =	shalt  }
0x80: {  	_ =	shalt  }
0x81: {  	_ =	shalt  }
0x82: {  	_ =	shalt  }
0x83: {  	_ =	shalt  }
0x84: {  	_ =	shalt  }
0x85: {  	_ =	shalt  }
0x86: {  	_ =	shalt  }
0x87: {  	_ =	shalt  }
.Lfunc_end0:
.L_simem_size_0:
called_computation_lowered:
.L_overlay_start_0:
0x88: {  	s0 =	sld [smem:$0x3FD9]  }
0x89: {  	s1 =	sld [smem:$0x3FFE];
	_ =	sdelay $0x3  }
0x8a: {  	s0 =	sadd.s32 s1, s0  }
0x8b: {  	[smem:$0x3FBE] =	sst s0  }
0x8c: {  	_ = 	snop  }
0x8d: {  	s0 =	sld [smem:$0x3FC9]  }
0x8e: {  	s16 =	sld [smem:$0x3FC1]  }
0x8f: {  	s2 =	sld [smem:$0x3FC0]  }
0x90: {  	s3 =	sld [smem:$0x3FD0];
	(tm) =	ssettm $0x1  }
0x91: {  	s4 =	sld [smem:$0x3FFB];
	_ =	sdelay $0x3  }
0x92: {  	_ =	strace s4  }
0x93: {  	s4 =	sld [smem:$0x3FFC];
	_ =	sdelay $0x3  }
0x94: {  	_ =	strace s4  }
0x95: {  	s4 =	sld [smem:$0x3FFD];
	_ =	sdelay $0x3  }
0x96: {  	_ =	strace s4  }
0x97: {  	_ =	strace $0x8FFFFFFF  }
0x98: {  	s17 =	sld [smem:$0x3FDB];
	_ =	sdelay $0x1  }
0x99: {  	s5 =	simm.s32 $_scs_section_size  }
0x9a: {  	s6 =	simm.s32 $_size__tile_overlayer_lowered;
	s7 =	simm.s32 $_tile_overlayer_lowered  }
0x9b: {  	s20 =	simm.s32 $0x1BFF;
	s19 =	sshll.u32 s7, $0x1;
	s4 =	sadd.s32 s5, s17  }
0x9c: {  	s8 =	simm.s32 $0x0;
	s18 =	sshll.u32 s6, $0x1;
	s6 =	sadd.s32 s19, s4  }
0x9d: {  	[timem:s8], [sflag:s20] =	dma.local [hbm:s6], s18  }
0x9e: {  	_ =	swait.ge [sflag:s20], s18  }
0x9f: {  	s5 =	ssub.s32 $0x0, s18;
	[sflag:s20] =	ssyncset.done $0x0  }
0xa0: {  	[sflag:s20] =	ssyncadd.s32 s5;
	_ =	sdelay $0x1  }
0xa1: {  	s21 =	simm.s32 $0x1B8B  }
0xa2: {  	_ =	swait.ge [sflag:s21], $0x1  }
0xa3: {  	[sflag:s21] =	ssyncset.done $0x0  }
0xa4: {  	s23 =	simm.s32 $0x1B8E;
	s22 =	sld [smem:$0x3FFE];
	[sflag:s21] =	ssyncadd.s32 $0xFFFFFFFF  }
0xa5: {  	s24 =	simm.s32 $execute0_lowered;
	[smem:$0x3FD2] =	sst s23  }
0xa6: {  	s6 =	sshll.u32 s24, $0x1;
	_ =	strace $0x80000046;
	[dreg:$0x1] =	wrdreg $0xFFFFFFFF  }
0xa7: {  	s25 =	simm.s32 $_size_execute0_lowered;
	s4 =	sadd.s32 s4, s6;
	[dreg:$0x0] =	wrdreg $0x0  }
0xa8: {  	s6 =	sshll.u32 s25, $0x1;
	[dreg:$0x2] =	wrdreg s4  }
0xa9: {  	[dreg:$0x3] =	wrdreg s6  }
0xaa: {  	[dreg:$0x4] =	wrdreg $0xC0  }
0xab: {  	_ =	task [dreg:s8], $0x5FFFF  }
0xac: {  	[dreg:$0x1] =	wrdreg $0xFFFFFFFF  }
0xad: {  	[dreg:$0x0] =	wrdreg $0x60  }
0xae: {  	[dreg:$0x2] =	wrdreg s0  }
0xaf: {  	[dreg:$0x3] =	wrdreg s22  }
0xb0: {  	[dreg:$0x4] =	wrdreg s16  }
0xb1: {  	[dreg:$0x5] =	wrdreg s2  }
0xb2: {  	[dreg:$0x6] =	wrdreg s3  }
0xb3: {  	[dreg:$0x7] =	wrdreg $0x13000  }
0xb4: {  	[dreg:$0x8] =	wrdreg $0x9  }
0xb5: {  	_ =	task.clear_ibuf [dreg:s8], $0x9FFFF;
	_ =	strace $0x90000046  }
0xb6: {  	s26 =	simm.s32 $0x9;
	_ =	strace $0x80000048  }
0xb7: {  	_ =	swait.ge [sflag:s26], $0x1  }
0xb8: {  	[sflag:s26] =	ssyncadd.s32 $0xFFFFFFFF  }
0xb9: {  	_ =	strace $0x90000048  }
0xba: {  	_ =	sfence  }
0xbb: {  	s28 =	sld [smem:$0x0];
	_ =	sdelay $0x1  }
0xbc: {  	s29 =	srdreg.scid  }
0xbd: {  	s30 =	sshll.u32 s29, $0xD;
	s31 =	sshrl.u32 s29, $0x2  }
0xbe: {  	s1 =	sand.u32 $0x1, s29;
	s2 =	sand.u32 $0x4000, s30;
	s0 =	sadd.s32 s31, s28  }
0xbf: {  	s1 =	sor.u32 s2, s1;
	s0 =	sshll.u32 s0, $0x11  }
0xc0: {  	s0 =	sor.u32 s0, s1  }
0xc1: {  	s0 =	sadd.s32 $0x8F2B, s0  }
0xc2: {  	[sflag:s0] =	ssyncadd.remote.s32 $0x1  }
0xc3: {  	_ =	sfence.sel $0xFFFF  }
0xc4: {  	[dreg:$0x0] =	wrdreg $0xFFFFFFFF;
	(pc) =	sbr.abs _section_cstart, $3  }
0xc5: {  	[dreg:$0x1] =	wrdreg $0xFFFFFFFF  }
0xc6: {  	_ =	task.clear_ibuf [dreg:s8], $0x2FFFF;
	_ =	strace $0x9FFFFFFF  }
0xc7: {  	(tm) =	ssettm $0x7FFFFFFF  }
tec
execute0_lowered:
.L_overlay_start_1:
0x0: {  	(tag) =	ssettag $0x1  }
0x1: {  	s12 =	rddreg [dreg:$0x0]  }
0x2: {  	s13 =	rddreg [dreg:$0x1]  }
0x3: {  	s14 =	rddreg [dreg:$0x2]  }
0x4: {  	s3 =	rddreg [dreg:$0x3]  }
0x5: {  	s1 =	rddreg [dreg:$0x4]  }
0x6: {  	s4 =	rddreg [dreg:$0x5]  }
0x7: {  	s5 =	stileid.u32;
	s0 =	rddreg [dreg:$0x6]  }
0x8: {  	s2 =	simm.s32 $0x0;
	s10 =	sshrl.u32 s5, $0x3;
	s11 =	sand.u32 $0x7, s5  }
0x9: {  	[smem:$0x7FF] =	sst s2;
	s15 =	sshll.u32 s5, $0x6;
	s6 =	smul.u32 $0x1008, s10  }
0xa: {  	s7 =	sshll.u32 s11, $0x9;
	s16 =	sadd.s32 s15, s13;
	s15 =	sadd.s32 s15, s12  }
0xb: {  	_ =	strace $0x80000047;
	s15 =	sadd.s32 $0x1, s15;
	s6 =	sadd.s32 s7, s6  }
0xc: {  	[tilespmem:s2], [sflag:$0x1] =	stream.linear.gather [hbm4b:s15+s2], $0x200, $0x38;
	[tilespmem:$0x1B70] =	vst v63  }
0xd: {  	s24 =	simm.s32 $0x280;
	s26 =	simm.s32 $0x300;
	s6 =	sshrl.u32 s6, $0x3  }
0xe: {  	s29 =	simm.s32 $0x508;
	s17 =	sadd.s32 s6, s13;
	s6 =	sshrl.u32 s5, $0x1  }
0xf: {  	s8 =	sshrl.u32 s5, $0x2;
	s7 =	sand.u32 $0x1, s5;
	s19 =	smul.u32 $0x408, s6  }
0x10: {  	s9 =	sand.u32 $0x3, s5;
	s18 =	smul.u32 $0x808, s8;
	s21 =	sshll.u32 s7, $0x9  }
0x11: {  	s20 =	sshll.u32 s9, $0x9;
	s19 =	sadd.s32 s21, s19;
	s21 =	simm.s32 $0x200  }
0x12: {  	[tilespmem:s21], [sflag:$0x1] =	stream.linear.gather [hbm4b:s12+s2], $0x10, $0x38;
	[tilespmem:$0x1B70] =	vst v63  }
0x13: {  	s31 =	simm.s32 $0x710;
	s25 =	smul.u32 $0x41, s5;
	s18 =	sadd.s32 s20, s18  }
0x14: {  	[tilespmem:s24], [sflag:$0x1] =	stream.linear.gather [hbm4b:s14+s2], $0x80, $0x38;
	[tilespmem:$0x1B70] =	vst v63  }
0x15: {  	s30 =	smul.u32 $0x42, s5;
	s16 =	sadd.s32 $0x3000, s16;
	s18 =	sshrl.u32 s18, $0x3  }
0x16: {  	[tilespmem:s26], [sflag:$0x1] =	stream.linear.gather [hbm4b:s16+s2], $0x208, $0x38;
	[tilespmem:$0x1B70] =	vst v63  }
0x17: {  	s22 =	sadd.s32 s18, s13;
	s28 =	sadd.s32 $0xC00, s17;
	s20 =	sshrl.u32 s19, $0x3  }
0x18: {  	[tilespmem:s29], [sflag:$0x1] =	stream.linear.gather [hbm4b:s28+s2], $0x208, $0x38;
	[tilespmem:$0x1B70] =	vst v63  }
0x19: {  	s18 =	simm.s32 $0x918;
	s12 =	sadd.s32 $0x1200, s22;
	s23 =	sadd.s32 s20, s13  }
0x1a: {  	[tilespmem:s31], [sflag:$0x1] =	stream.linear.gather [hbm4b:s12+s2], $0x208, $0x38;
	[tilespmem:$0x1B70] =	vst v63  }
0x1b: {  	s17 =	sadd.s32 s30, s13;
	s14 =	sadd.s32 s25, s13;
	s15 =	sadd.s32 $0x1800, s23  }
0x1c: {  	[tilespmem:s18], [sflag:$0x1] =	stream.linear.gather [hbm4b:s15+s2], $0x208, $0x38;
	[tilespmem:$0x1B70] =	vst v63  }
0x1d: {  	s19 =	smul.u32 $0x44, s5;
	s20 =	simm.s32 $0xB20;
	s14 =	sadd.s32 $0x1E00, s14  }
0x1e: {  	[tilespmem:s20], [sflag:$0x1] =	stream.linear.gather [hbm4b:s14+s2], $0x208, $0x38;
	[tilespmem:$0x1B70] =	vst v63  }
0x1f: {  	s21 =	simm.s32 $0xD80;
	s13 =	sadd.s32 s19, s13;
	s12 =	sadd.s32 $0x2400, s17  }
0x20: {  	[tilespmem:s21], [sflag:$0x1] =	stream.linear.gather [hbm4b:s12+s2], $0x210, $0x38;
	[tilespmem:$0x1B70] =	vst v63  }
0x21: {  	p0 =	sne.s32 s5, $0x0;
	s23 =	simm.s32 $0x1000;
	s22 =	sadd.s32 $0x2A00, s13  }
0x22: {  	[tilespmem:s23], [sflag:$0x1] =	stream.linear.gather [hbm4b:s22+s2], $0x220, $0x38;
	[tilespmem:$0x1B70] =	vst v63  }
0x23: {  	s13 =	simm.s32 @!p0 $0x1370;
	s12 =	simm.s32 @!p0 $0x0  }
0x24: {  	[tilespmem:s13], [sflag:$0x1] =	stream.linear.gather @!p0 [hbm4b:s3+s12], $0x80, $0x38;
	[tilespmem:$0x1B70] =	vst v63  }
0x25: {  	s3 =	simm.s32 @!p0 $0x1  }
0x26: {  	_ =	swait.ge @!p0 [sflag:s3], $0x80  }
0x27: {  	[sflag:s3] =	ssyncset.done @!p0 $0x0  }
0x28: {  	[sflag:s3] =	ssyncadd.s32 @!p0 $0xFFFFFF80;
	s3 =	simm.s32 $0x1  }
0x29: {  	_ =	swait.ge [sflag:s3], $0x200  }
0x2a: {  	[sflag:s3] =	ssyncset.done $0x0  }
0x2b: {  	[sflag:s3] =	ssyncadd.s32 $0xFFFFFE00  }
0x2c: {  	_ =	swait.ge [sflag:s3], $0x10  }
0x2d: {  	[sflag:s3] =	ssyncset.done $0x0  }
0x2e: {  	[sflag:s3] =	ssyncadd.s32 $0xFFFFFFF0  }
0x2f: {  	_ =	swait.ge [sflag:s3], $0x80  }
0x30: {  	[sflag:s3] =	ssyncset.done $0x0  }
0x31: {  	[sflag:s3] =	ssyncadd.s32 $0xFFFFFF80  }
0x32: {  	_ =	swait.ge [sflag:s3], $0x208  }
0x33: {  	[sflag:s3] =	ssyncset.done $0x0  }
0x34: {  	[sflag:s3] =	ssyncadd.s32 $0xFFFFFDF8  }
0x35: {  	_ =	swait.ge [sflag:s3], $0x208  }
0x36: {  	[sflag:s3] =	ssyncset.done $0x0  }
0x37: {  	[sflag:s3] =	ssyncadd.s32 $0xFFFFFDF8  }
0x38: {  	_ =	swait.ge [sflag:s3], $0x208  }
0x39: {  	[sflag:s3] =	ssyncset.done $0x0  }
0x3a: {  	[sflag:s3] =	ssyncadd.s32 $0xFFFFFDF8  }
0x3b: {  	_ =	swait.ge [sflag:s3], $0x208  }
0x3c: {  	[sflag:s3] =	ssyncset.done $0x0  }
0x3d: {  	[sflag:s3] =	ssyncadd.s32 $0xFFFFFDF8  }
0x3e: {  	_ =	swait.ge [sflag:s3], $0x208  }
0x3f: {  	[sflag:s3] =	ssyncset.done $0x0  }
0x40: {  	[sflag:s3] =	ssyncadd.s32 $0xFFFFFDF8  }
0x41: {  	_ =	swait.ge [sflag:s3], $0x210  }
0x42: {  	[sflag:s3] =	ssyncset.done $0x0  }
0x43: {  	[sflag:s3] =	ssyncadd.s32 $0xFFFFFDF0  }
0x44: {  	_ =	swait.ge [sflag:s3], $0x220  }
0x45: {  	[sflag:s3] =	ssyncset.done $0x0  }
0x46: {  	[sflag:s3] =	ssyncadd.s32 $0xFFFFFDE0  }
0x47: {  	v0 =	vld [tilespmem:$0x200]  }
0x48: {  	v28 =	vld [tilespmem:$0x0]  }
0x49: {  	v6 =	vld [tilespmem:$0x308]  }
0x4a: {  	v17 =	vld [tilespmem:$0x510]  }
0x4b: {  	v18 =	vld [tilespmem:$0x718]  }
0x4c: {  	v42 =	vld [tilespmem:$0x920]  }
0x4d: {  	v1 =	vld [tilespmem:$0x1008]  }
0x4e: {  	v26 =	vld [tilespmem:$0x10]  }
0x4f: {  	v7 =	vld [tilespmem:$0x318]  }
0x50: {  	v20 =	vld [tilespmem:$0x520]  }
0x51: {  	v34 =	vld [tilespmem:$0x728]  }
0x52: {  	v4 =	vld [tilespmem:$0x930]  }
0x53: {  	v12 =	vld [tilespmem:$0x20]  }
0x54: {  	v13 =	vld [tilespmem:$0x328]  }
0x55: {  	v23 =	vld [tilespmem:$0x530]  }
0x56: {  	v33 =	vld [tilespmem:$0x738]  }
0x57: {  	v11 =	vld [tilespmem:$0x30]  }
0x58: {  	v14 =	vld [tilespmem:$0x338]  }
0x59: {  	v24 =	vld [tilespmem:$0x540]  }
0x5a: {  	v32 =	vld [tilespmem:$0x748]  }
0x5b: {  	v10 =	vld [tilespmem:$0x40]  }
0x5c: {  	v21 =	vld [tilespmem:$0x348]  }
0x5d: {  	v25 =	vld [tilespmem:$0x550]  }
0x5e: {  	v31 =	vld [tilespmem:$0x758]  }
0x5f: {  	v9 =	vld [tilespmem:$0x50]  }
0x60: {  	v22 =	vld [tilespmem:$0x358]  }
0x61: {  	v35 =	vld [tilespmem:$0x560]  }
0x62: {  	v30 =	vld [tilespmem:$0x768]  }
0x63: {  	v8 =	vld [tilespmem:$0x60]  }
0x64: {  	v36 =	vld [tilespmem:$0x368]  }
0x65: {  	v37 =	vld [tilespmem:$0x570]  }
0x66: {  	v3 =	vld [tilespmem:$0x778]  }
0x67: {  	v5 =	vld [tilespmem:$0x70]  }
0x68: {  	v38 =	vld [tilespmem:$0x378]  }
0x69: {  	v40 =	vld [tilespmem:$0x580]  }
0x6a: {  	v2 =	vld [tilespmem:$0x788]  }
0x6b: {  	v27 =	vld [tilespmem:$0x80]  }
0x6c: {  	v43 =	vld [tilespmem:$0x388]  }
0x6d: {  	v44 =	vld [tilespmem:$0x590]  }
0x6e: {  	v19 =	vld [tilespmem:$0x90]  }
0x6f: {  	v45 =	vld [tilespmem:$0x398]  }
0x70: {  	v46 =	vld [tilespmem:$0x5A0]  }
0x71: {  	v16 =	vld [tilespmem:$0xA0]  }
0x72: {  	v47 =	vld [tilespmem:$0x3A8];
	v6 =	vmul.f32 v6, v28  }
0x73: {  	v48 =	vld [tilespmem:$0x5B0]  }
0x74: {  	v15 =	vld [tilespmem:$0xB0];
	v7 =	vmul.f32 v7, v26;
	v6 =	vadd.f32 $0.0e+00, v6  }
0x75: {  	v49 =	vld [tilespmem:$0x3B8]  }
0x76: {  	v50 =	vld [tilespmem:$0x5C0];
	v6 =	vadd.f32 v7, v6;
	v7 =	vmul.f32 v13, v12  }
0x77: {  	v60 =	vld [tilespmem:$0x3C8]  }
0x78: {  	v51 =	vld [tilespmem:$0x5D0];
	v6 =	vadd.f32 v7, v6;
	v7 =	vmul.f32 v14, v11  }
0x79: {  	v52 =	vld [tilespmem:$0x5E0]  }
0x7a: {  	v63 =	vld [tilespmem:$0x3E8];
	v6 =	vadd.f32 v7, v6;
	v7 =	vmul.f32 v21, v10  }
0x7b: {  	v53 =	vld [tilespmem:$0x3F8]  }
0x7c: {  	v54 =	vld [tilespmem:$0x600];
	v6 =	vadd.f32 v7, v6;
	v7 =	vmul.f32 v22, v9  }
0x7d: {  	v55 =	vld [tilespmem:$0x610]  }
0x7e: {  	v56 =	vld [tilespmem:$0x418];
	v6 =	vadd.f32 v7, v6;
	v7 =	vmul.f32 v36, v8  }
0x7f: {  	v57 =	vld [tilespmem:$0x630]  }
0x80: {  	[tilespmem:$0x1FFF0] =	vst v1;
	v1 =	vld [tilespmem:$0x798];
	v61 =	vmul.f32 v38, v5;
	v17 =	vmul.f32 v17, v28;
	v6 =	vadd.f32 v7, v6  }
0x81: {  	v62 =	vmul.f32 v43, v27;
	v43 =	vld [tilespmem:$0x5F0];
	v59 =	vmul.f32 v49, v15  }
0x82: {  	v49 =	vld [tilespmem:$0x408];
	v20 =	vmul.f32 v20, v26;
	v17 =	vadd.f32 $0.0e+00, v17;
	v6 =	vadd.f32 v61, v6  }
0x83: {  	v13 =	vld [tilespmem:$0xD0]  }
0x84: {  	v45 =	vmul.f32 v45, v19;
	v17 =	vadd.f32 v20, v17;
	v20 =	vld [tilespmem:$0x150];
	v21 =	vadd.f32 v62, v6  }
0x85: {  	v14 =	vld [tilespmem:$0xC0]  }
0x86: {  	v47 =	vmul.f32 v47, v16;
	v22 =	vld [tilespmem:$0x110];
	v45 =	vadd.f32 v45, v21  }
0x87: {  	v36 =	vld [tilespmem:$0x3D8]  }
0x88: {  	v7 =	vld [tilespmem:$0xE0];
	v45 =	vadd.f32 v47, v45  }
0x89: {  	v61 =	vmul.f32 v23, v12;
	v23 =	vld [tilespmem:$0x120]  }
0x8a: {  	v60 =	vmul.f32 v60, v14;
	v6 =	vld [tilespmem:$0xF0];
	v45 =	vadd.f32 v59, v45  }
0x8b: {  	v17 =	vadd.f32 v61, v17;
	v62 =	vmul.f32 v24, v11;
	v24 =	vld [tilespmem:$0x130]  }
0x8c: {  	v36 =	vmul.f32 v36, v13;
	v61 =	vmul.f32 v56, v22;
	v56 =	vld [tilespmem:$0x478];
	v45 =	vadd.f32 v60, v45  }
0x8d: {  	v25 =	vmul.f32 v25, v10;
	v21 =	vld [tilespmem:$0x100];
	v17 =	vadd.f32 v62, v17  }
0x8e: {  	v38 =	vmul.f32 v63, v7;
	v47 =	vld [tilespmem:$0x620];
	v36 =	vadd.f32 v36, v45  }
0x8f: {  	v17 =	vadd.f32 v25, v17;
	v25 =	vld [tilespmem:$0x140]  }
0x90: {  	v63 =	vmul.f32 v53, v6;
	v45 =	vld [tilespmem:$0x428];
	v36 =	vadd.f32 v38, v36  }
0x91: {  	v53 =	vld [tilespmem:$0x438]  }
0x92: {  	v59 =	vmul.f32 v35, v9;
	v58 =	vmul.f32 v49, v21;
	v49 =	vld [tilespmem:$0x640];
	v36 =	vadd.f32 v63, v36  }
0x93: {  	v38 =	vld [tilespmem:$0x448];
	v63 =	vmul.f32 v18, v28  }
0x94: {  	v37 =	vmul.f32 v37, v8;
	v17 =	vadd.f32 v59, v17;
	v18 =	vld [tilespmem:$0x160];
	v60 =	vadd.f32 v58, v36  }
0x95: {  	v34 =	vmul.f32 v34, v26;
	v62 =	vmul.f32 v45, v23;
	v45 =	vld [tilespmem:$0x458];
	v63 =	vadd.f32 $0.0e+00, v63  }
0x96: {  	v44 =	vmul.f32 v44, v27;
	v17 =	vadd.f32 v37, v17;
	v36 =	vld [tilespmem:$0x180];
	v35 =	vadd.f32 v61, v60  }
0x97: {  	v60 =	vmul.f32 v40, v5;
	v34 =	vadd.f32 v34, v63;
	v63 =	vmul.f32 v50, v15;
	v50 =	vld [tilespmem:$0x4A8]  }
0x98: {  	v33 =	vmul.f32 v33, v12;
	v32 =	vmul.f32 v32, v11;
	v35 =	vadd.f32 v62, v35;
	v62 =	vld [tilespmem:$0x468]  }
0x99: {  	v31 =	vmul.f32 v31, v10;
	v61 =	vmul.f32 v53, v24;
	v37 =	vadd.f32 v60, v17;
	v17 =	vld [tilespmem:$0x170]  }
0x9a: {  	v58 =	vmul.f32 v46, v19;
	v38 =	vmul.f32 v38, v25;
	v60 =	vld [tilespmem:$0x488];
	v33 =	vadd.f32 v33, v34  }
0x9b: {  	v35 =	vadd.f32 v61, v35;
	v37 =	vadd.f32 v44, v37;
	v61 =	vmul.f32 v48, v16;
	v48 =	vld [tilespmem:$0x498]  }
0x9c: {  	v3 =	vmul.f32 v3, v8;
	v42 =	vmul.f32 v42, v28;
	v32 =	vadd.f32 v32, v33;
	v33 =	vld [tilespmem:$0x1D0]  }
0x9d: {  	v59 =	vmul.f32 v45, v20;
	v35 =	vadd.f32 v38, v35;
	v44 =	vadd.f32 v58, v37;
	v37 =	vld [tilespmem:$0x190]  }
0x9e: {  	v38 =	vld [tilespmem:$0x1A0];
	v40 =	vmul.f32 v62, v18;
	v53 =	vmul.f32 v56, v17  }
0x9f: {  	v35 =	vadd.f32 v59, v35;
	v62 =	vadd.f32 v61, v44;
	v59 =	vmul.f32 v60, v36;
	v60 =	vld [tilespmem:$0x4B8]  }
0xa0: {  	vm0 =	vmmov $0xff;
	v61 =	vmul.f32 v52, v13;
	v52 =	vmul.f32 v30, v9;
	v30 =	vld [tilespmem:$0x1E0]  }
0xa1: {  	v56 =	vmul.f32 v51, v14;
	v40 =	vadd.f32 v40, v35;
	v34 =	vadd.f32 v63, v62;
	v35 =	vld [tilespmem:$0x1B0]  }
0xa2: {  	v2 =	vmul.f32 v2, v5;
	v4 =	vmul.f32 v4, v26;
	v42 =	vadd.f32 $0.0e+00, v42;
	v62 =	vld [tilespmem:$0x4C8]  }
0xa3: {  	v43 =	vmul.f32 v43, v7;
	v58 =	vadd.f32 v53, v40;
	v44 =	vadd.f32 v56, v34;
	v34 =	vld [tilespmem:$0x1C0]  }
0xa4: {  	v57 =	vmul.f32 v57, v23;
	v47 =	vmul.f32 v47, v22;
	v31 =	vadd.f32 v31, v32;
	v56 =	vld [tilespmem:$0x4D8]  }
0xa5: {  	v48 =	vmul.f32 v48, v37;
	v40 =	vadd.f32 v59, v58;
	v63 =	vadd.f32 v61, v44;
	v59 =	vld [tilespmem:$0x4E8]  }
0xa6: {  	v44 =	vadd.f32 v52, v31;
	v52 =	vmul.f32 v1, v27;
	v1 =	vmul.f32 v49, v24;
	v49 =	vld [tilespmem:$0x940]  }
0xa7: {  	v41 =	vld [tilespmem:$0xB28];
	v4 =	vadd.f32 v4, v42;
	v53 =	vmul.f32 v50, v38;
	v58 =	vmul.f32 v54, v6  }
0xa8: {  	v45 =	vmul.f32 v60, v35;
	v40 =	vadd.f32 v48, v40;
	v32 =	vadd.f32 v43, v63;
	v63 =	vld [tilespmem:$0x300]  }
0xa9: {  	v31 =	vld [tilespmem:$0x1F0];
	v60 =	vmul.f32 v55, v21;
	v3 =	vadd.f32 v3, v44;
	v61 =	vmul.f32 v62, v34  }
0xaa: {  	v62 =	vld [tilespmem:$0x4F8];
	v55 =	vmul.f32 v56, v33;
	v40 =	vadd.f32 v53, v40;
	v32 =	vadd.f32 v58, v32  }
0xab: {  	v56 =	vld [tilespmem:$0x280];
	v3 =	vadd.f32 v2, v3;
	v46 =	vmul.f32 v59, v30;
	v49 =	vmul.f32 v49, v12  }
0xac: {  	v39 =	vld [tilespmem:$0xD88];
	v40 =	vadd.f32 v45, v40;
	v43 =	vadd.f32 v60, v32;
	v32 =	vnsel vm0, $0x0, v0  }
0xad: {  	v42 =	vld [tilespmem:$0xB78];
	vm0 =	vmmov $0x1;
	v60 =	vimm.s32 $0xFEDCBA98;
	v59 =	vmul.f32 v63, v32  }
0xae: {  	v44 =	vld [tilespmem:$0xB38];
	v51 =	vunpack.c.l.s4.s8 v60;
	v60 =	vimm.s32 $0xBA98FEDC;
	v4 =	vadd.f32 v49, v4  }
0xaf: {  	v2 =	vld [tilespmem:$0x650];
	v40 =	vadd.f32 v61, v40;
	v0 =	vadd.f32 v47, v43;
	v50 =	vmul.f32 v62, v31  }
0xb0: {  	v49 =	vld [tilespmem:$0x858];
	v48 =	vnsel vm0, $0x0, v56;
	v61 =	vimm.s32 $0x76543210;
	v54 =	vunpack.c.l.s4.s8 v60  }
0xb1: {  	v47 =	vld [tilespmem:$0x950];
	v48 =	vadd.f32 v48, v59;
	v62 =	vunpack.c.l.s4.s8 v61;
	v45 =	vadd.f32 v55, v40  }
0xb2: {  	v56 =	vld [tilespmem:$0x670];
	v63 =	vunpack.c.0.s8.s32 v51;
	v61 =	vimm.s32 $0x32107654;
	v59 =	vimm.s32 $0x54761032  }
0xb3: {  	p1 =	seq.s32 s5, $0x0;
	v60 =	vld [tilespmem:$0x680];
	v0 =	vadd.f32 v57, v0;
	v55 =	vunpack.c.l.s4.s8 v61;
	v58 =	vadd.f32 v46, v45  }
0xb4: {  	v43 =	vld [tilespmem:$0xB68];
	v48 =	vpsel !p1, $0x0, v48;
	v53 =	vunpack.c.0.s8.s32 v62;
	v62 =	vand.u32 $0xF, v63  }
0xb5: {  	v0 =	vadd.f32 v1, v0;
	v1 =	vmul.f32 v2, v25;
	v2 =	vld [tilespmem:$0x660];
	v50 =	vadd.f32 v50, v58  }
0xb6: {  	v29 =	vcombine.low v62, v53;
	v53 =	vunpack.c.0.s8.s32 v54;
	v54 =	vunpack.c.0.s8.s32 v55;
	v55 =	vld [tilespmem:$0x7A8]  }
0xb7: {  	v3 =	vadd.f32 v52, v3;
	v51 =	vld [tilespmem:$0x960];
	v61 =	vunpack.c.l.s4.s8 v59;
	v48 =	vadd.f32 v48, v50  }
0xb8: {  	v40 =	vld [tilespmem:$0xD98];
	v56 =	vmul.f32 v56, v18;
	v62 =	vimm.s32 $0xEFCDAB89;
	v60 =	vmul.f32 v60, v17  }
0xb9: {  	v59 =	vld [tilespmem:$0x7B8];
	v1 =	vadd.f32 v1, v0;
	v58 =	vimm.s32 $0xDCFE98BA;
	v57 =	vperm.xlane v48, v29  }
0xba: {  	v45 =	vld [tilespmem:$0xB48];
	v53 =	vcombine.low v54, v53;
	v63 =	vunpack.c.l.s4.s8 v58;
	v2 =	vmul.f32 v2, v20  }
0xbb: {  	v0 =	vld [tilespmem:$0x6A0];
	v54 =	vunpack.c.0.s8.s32 v61;
	v52 =	vmul.f32 v55, v19;
	v48 =	vadd.f32 v48, v57  }
0xbc: {  	v58 =	vld [tilespmem:$0x690];
	v2 =	vadd.f32 v2, v1;
	v1 =	vand.u32 $0xF, v53;
	v53 =	vunpack.c.0.s8.s32 v63  }
0xbd: {  	v62 =	vunpack.c.l.s4.s8 v62;
	v50 =	vld [tilespmem:$0x970];
	v63 =	vimm.s32 $0x67452301;
	v61 =	vperm.xlane v48, v1  }
0xbe: {  	v55 =	vld [tilespmem:$0x6B0];
	v63 =	vunpack.c.l.s4.s8 v63;
	v52 =	vadd.f32 v52, v3;
	v53 =	vcombine.low v54, v53  }
0xbf: {  	v59 =	vmul.f32 v59, v16;
	v57 =	vld [tilespmem:$0x7C8];
	v56 =	vadd.f32 v56, v2;
	v48 =	vadd.f32 v48, v61  }
0xc0: {  	v54 =	vld [tilespmem:$0x7D8];
	v2 =	vand.u32 $0xF, v53;
	v53 =	vunpack.c.0.s8.s32 v62;
	v62 =	vunpack.c.0.s8.s32 v63  }
0xc1: {  	v52 =	vadd.f32 v59, v52;
	v59 =	vld [tilespmem:$0x700];
	v63 =	vperm.xlane v48, v2  }
0xc2: {  	v58 =	vmul.f32 v58, v36;
	v56 =	vadd.f32 v60, v56;
	v60 =	vld [tilespmem:$0x7F8];
	v53 =	vcombine.low v62, v53  }
0xc3: {  	v62 =	vld [tilespmem:$0x6C0];
	v48 =	vadd.f32 v48, v63  }
0xc4: {  	v0 =	vmul.f32 v0, v37;
	v61 =	vld [tilespmem:$0x7E8];
	v56 =	vadd.f32 v58, v56;
	v3 =	vand.u32 $0xF, v53  }
0xc5: {  	v53 =	vmul.f32 v57, v15;
	v57 =	vld [tilespmem:$0x6D0];
	v58 =	vperm.xlane v48, v3  }
0xc6: {  	v55 =	vmul.f32 v55, v38;
	v0 =	vadd.f32 v0, v56;
	v56 =	vld [tilespmem:$0x818]  }
0xc7: {  	v52 =	vadd.f32 v53, v52;
	v53 =	vmul.f32 v54, v14;
	v54 =	vld [tilespmem:$0x6E0];
	v48 =	vadd.f32 v48, v58  }
0xc8: {  	v39 =	vmul.f32 v39, v28;
	v63 =	vld [tilespmem:$0x808];
	v0 =	vadd.f32 v55, v0;
	v62 =	vmul.f32 v62, v35  }
0xc9: {  	v61 =	vmul.f32 v61, v13;
	v52 =	vadd.f32 v53, v52;
	v58 =	vld [tilespmem:$0x6F0];
	v48 =	vnsel vm0, $0x0, v48  }
0xca: {  	v0 =	vadd.f32 v62, v0;
	v62 =	vmul.f32 v57, v34;
	[tilespmem:$0x1280] =	vst v48;
	v48 =	vld [tilespmem:$0x508]  }
0xcb: {  	v39 =	vadd.f32 $0.0e+00, v39;
	v52 =	vadd.f32 v61, v52;
	v61 =	vmul.f32 v60, v7;
	v57 =	vld [tilespmem:s10+$0x281]  }
0xcc: {  	v40 =	vmul.f32 v40, v26;
	v0 =	vadd.f32 v62, v0;
	v62 =	vld [tilespmem:$0x828];
	v54 =	vmul.f32 v54, v33  }
0xcd: {  	v47 =	vmul.f32 v47, v11;
	v63 =	vmul.f32 v63, v6;
	v60 =	vld [tilespmem:$0x838];
	v52 =	vadd.f32 v61, v52  }
0xce: {  	v46 =	vld [tilespmem:$0xB58];
	v39 =	vadd.f32 v40, v39;
	v0 =	vadd.f32 v54, v0;
	v58 =	vmul.f32 v58, v30  }
0xcf: {  	v40 =	vld [tilespmem:$0x1068];
	v56 =	vmul.f32 v56, v21;
	v52 =	vadd.f32 v63, v52;
	v48 =	vmul.f32 v48, v32  }
0xd0: {  	v59 =	vmul.f32 v59, v31;
	v61 =	vld [tilespmem:$0x848];
	v0 =	vadd.f32 v58, v0;
	v57 =	vnsel vm0, $0x0, v57  }
0xd1: {  	v53 =	vld [tilespmem:$0x980];
	v52 =	vadd.f32 v56, v52;
	v55 =	vmul.f32 v62, v22;
	v48 =	vadd.f32 v57, v48  }
0xd2: {  	p4 =	seq.s32 s11, $0x0;
	v54 =	vmul.f32 v60, v23;
	v60 =	vmul.f32 v50, v9;
	v50 =	vld [tilespmem:$0x878];
	v0 =	vadd.f32 v59, v0  }
0xd3: {  	v56 =	vld [tilespmem:$0x990];
	v52 =	vadd.f32 v55, v52;
	v48 =	vpsel !p4, $0x0, v48  }
0xd4: {  	v4 =	vadd.f32 v47, v4;
	v62 =	vmul.f32 v51, v10;
	v51 =	vld [tilespmem:$0x868];
	v0 =	vadd.f32 v48, v0  }
0xd5: {  	v58 =	vld [tilespmem:$0x9C0];
	v63 =	vmul.f32 v61, v24;
	v52 =	vadd.f32 v54, v52  }
0xd6: {  	v4 =	vadd.f32 v62, v4;
	v59 =	vld [tilespmem:$0x9E0];
	v61 =	vperm.xlane v0, v29  }
0xd7: {  	v49 =	vmul.f32 v49, v25;
	v57 =	vld [tilespmem:$0x9A0];
	v52 =	vadd.f32 v63, v52  }
0xd8: {  	v62 =	vmul.f32 v53, v8;
	v4 =	vadd.f32 v60, v4;
	v63 =	vld [tilespmem:$0x888];
	v0 =	vadd.f32 v0, v61  }
0xd9: {  	v51 =	vmul.f32 v51, v20;
	v48 =	vld [tilespmem:$0x9B0];
	v49 =	vadd.f32 v49, v52  }
0xda: {  	v60 =	vmul.f32 v56, v5;
	v4 =	vadd.f32 v62, v4;
	v52 =	vld [tilespmem:$0x898];
	v55 =	vperm.xlane v0, v1  }
0xdb: {  	v53 =	vld [tilespmem:$0xA10];
	v50 =	vmul.f32 v50, v18;
	v56 =	vmov s10;
	v49 =	vadd.f32 v51, v49  }
0xdc: {  	v62 =	vld [tilespmem:$0x8A8];
	v47 =	vadd.f32 v60, v4;
	v61 =	vmul.f32 v57, v27;
	v0 =	vadd.f32 v0, v55  }
0xdd: {  	v54 =	vld [tilespmem:$0x9D0];
	v4 =	vlaneseq.u32;
	v63 =	vmul.f32 v63, v17;
	v49 =	vadd.f32 v50, v49  }
0xde: {  	v51 =	vld [tilespmem:$0x8B8];
	v48 =	vmul.f32 v48, v19;
	v47 =	vadd.f32 v61, v47;
	v60 =	vperm.xlane v0, v2  }
0xdf: {  	vm1 =	veq.s32 v56, v4;
	v56 =	vld [tilespmem:$0x8C8];
	v52 =	vmul.f32 v52, v36;
	v49 =	vadd.f32 v63, v49  }
0xe0: {  	v50 =	vld [tilespmem:$0xA00];
	v61 =	vmul.f32 v58, v16;
	v47 =	vadd.f32 v48, v47;
	v0 =	vadd.f32 v0, v60  }
0xe1: {  	v41 =	vmul.f32 v41, v28;
	v62 =	vmul.f32 v62, v37;
	v55 =	vld [tilespmem:$0x9F0];
	v49 =	vadd.f32 v52, v49  }
0xe2: {  	v63 =	vmul.f32 v54, v15;
	v54 =	vld [tilespmem:$0x8D8];
	v47 =	vadd.f32 v61, v47;
	v60 =	vperm.xlane v0, v3  }
0xe3: {  	v41 =	vadd.f32 $0.0e+00, v41;
	v51 =	vmul.f32 v51, v38;
	v52 =	vld [tilespmem:$0xA20];
	v49 =	vadd.f32 v62, v49  }
0xe4: {  	v61 =	vmul.f32 v59, v14;
	v47 =	vadd.f32 v63, v47;
	v62 =	vld [tilespmem:$0x8E8];
	v0 =	vadd.f32 v0, v60  }
0xe5: {  	v44 =	vmul.f32 v44, v26;
	v63 =	vmul.f32 v56, v35;
	v56 =	vld [tilespmem:$0x8F8];
	v49 =	vadd.f32 v51, v49  }
0xe6: {  	v57 =	vmul.f32 v55, v13;
	v55 =	vld [tilespmem:$0x908];
	v47 =	vadd.f32 v61, v47;
	v0 =	vnsel vm1, $0x0, v0  }
0xe7: {  	v41 =	vadd.f32 v44, v41;
	v59 =	vadd.f32 v63, v49;
	v60 =	vmul.f32 v54, v34;
	[tilespmem:$0x1290] =	vst v0;
	v0 =	vld [tilespmem:$0x710]  }
0xe8: {  	v45 =	vmul.f32 v45, v12;
	v61 =	vmul.f32 v50, v7;
	v47 =	vadd.f32 v57, v47;
	v50 =	vld [tilespmem:s8+$0x283]  }
0xe9: {  	v51 =	vld [tilespmem:$0xA30];
	v62 =	vmul.f32 v62, v33;
	v44 =	vadd.f32 v60, v59  }
0xea: {  	v41 =	vadd.f32 v45, v41;
	v45 =	vld [tilespmem:$0xB88];
	v63 =	vmul.f32 v53, v6;
	v47 =	vadd.f32 v61, v47  }
0xeb: {  	v46 =	vmul.f32 v46, v11;
	v57 =	vld [tilespmem:$0xA40];
	v58 =	vmul.f32 v56, v30;
	v44 =	vadd.f32 v62, v44  }
0xec: {  	v48 =	vld [tilespmem:$0xC28];
	v59 =	vmul.f32 v52, v21;
	v47 =	vadd.f32 v63, v47;
	v0 =	vmul.f32 v0, v32  }
0xed: {  	v60 =	vld [tilespmem:$0xA50];
	v61 =	vmul.f32 v55, v31;
	v44 =	vadd.f32 v58, v44;
	v50 =	vnsel vm0, $0x0, v50  }
0xee: {  	v54 =	vld [tilespmem:$0xB98];
	v62 =	vmul.f32 v51, v22;
	v47 =	vadd.f32 v59, v47;
	v0 =	vadd.f32 v50, v0  }
0xef: {  	p5 =	seq.s32 s9, $0x0;
	v43 =	vmul.f32 v43, v10;
	v41 =	vadd.f32 v46, v41;
	v63 =	vld [tilespmem:$0xA60];
	v44 =	vadd.f32 v61, v44  }
0xf0: {  	v49 =	vld [tilespmem:$0xBB8];
	v56 =	vmul.f32 v57, v23;
	v47 =	vadd.f32 v62, v47;
	v0 =	vpsel !p5, $0x0, v0  }
0xf1: {  	v42 =	vmul.f32 v42, v9;
	v41 =	vadd.f32 v43, v41;
	v57 =	vld [tilespmem:$0xA70];
	v0 =	vadd.f32 v0, v44  }
0xf2: {  	v55 =	vld [tilespmem:$0xBA8];
	v58 =	vmul.f32 v60, v24;
	v47 =	vadd.f32 v56, v47  }
0xf3: {  	v41 =	vadd.f32 v42, v41;
	v59 =	vmul.f32 v45, v8;
	v60 =	vld [tilespmem:$0xA80];
	v61 =	vperm.xlane v0, v29  }
0xf4: {  	v53 =	vld [tilespmem:$0xBF8];
	v46 =	vmul.f32 v63, v25;
	v47 =	vadd.f32 v58, v47  }
0xf5: {  	v41 =	vadd.f32 v59, v41;
	v62 =	vmul.f32 v54, v5;
	v63 =	vld [tilespmem:$0xA90];
	v0 =	vadd.f32 v0, v61  }
0xf6: {  	v43 =	vmul.f32 v57, v20;
	v44 =	vld [tilespmem:$0xBC8];
	v46 =	vadd.f32 v46, v47  }
0xf7: {  	v41 =	vadd.f32 v62, v41;
	v56 =	vmul.f32 v55, v27;
	v57 =	vld [tilespmem:$0xAA0];
	v58 =	vperm.xlane v0, v1  }
0xf8: {  	v51 =	vld [tilespmem:$0xBD8];
	v45 =	vmul.f32 v60, v18;
	v43 =	vadd.f32 v43, v46  }
0xf9: {  	v59 =	vmul.f32 v49, v19;
	v41 =	vadd.f32 v56, v41;
	v60 =	vld [tilespmem:$0xAB0];
	v0 =	vadd.f32 v0, v58  }
0xfa: {  	v50 =	vld [tilespmem:$0xBE8];
	v61 =	vmul.f32 v63, v17;
	v43 =	vadd.f32 v45, v43  }
0xfb: {  	v41 =	vadd.f32 v59, v41;
	v62 =	vmul.f32 v44, v16;
	v44 =	vld [tilespmem:$0xAC0];
	v63 =	vperm.xlane v0, v2  }
0xfc: {  	v52 =	vld [tilespmem:$0xC18];
	v56 =	vmul.f32 v57, v36;
	v43 =	vadd.f32 v61, v43  }
0xfd: {  	v57 =	vmul.f32 v51, v15;
	v41 =	vadd.f32 v62, v41;
	v58 =	vld [tilespmem:$0xAD0];
	v0 =	vadd.f32 v0, v63  }
0xfe: {  	v49 =	vld [tilespmem:$0xC08];
	v59 =	vmul.f32 v60, v37;
	v43 =	vadd.f32 v56, v43  }
0xff: {  	v60 =	vmul.f32 v50, v14;
	v61 =	vld [tilespmem:$0xAE0];
	v41 =	vadd.f32 v57, v41;
	v62 =	vperm.xlane v0, v3  }
0x100: {  	v54 =	vld [tilespmem:$0xC38];
	v56 =	vmul.f32 v53, v13;
	v44 =	vmul.f32 v44, v38;
	v43 =	vadd.f32 v59, v43  }
0x101: {  	v57 =	vld [tilespmem:$0xAF0];
	v41 =	vadd.f32 v60, v41;
	v63 =	vmov s8;
	v0 =	vadd.f32 v0, v62  }
0x102: {  	v59 =	vld [tilespmem:$0xB00];
	vm1 =	veq.s32 v63, v4;
	v43 =	vadd.f32 v44, v43;
	v58 =	vmul.f32 v58, v35  }
0x103: {  	v60 =	vmul.f32 v49, v7;
	v49 =	vld [tilespmem:$0xB10];
	v41 =	vadd.f32 v56, v41;
	v0 =	vnsel vm1, $0x0, v0  }
0x104: {  	v61 =	vmul.f32 v61, v34;
	v43 =	vadd.f32 v58, v43;
	[tilespmem:$0x12A0] =	vst v0;
	v0 =	vld [tilespmem:$0x918]  }
0x105: {  	v41 =	vadd.f32 v60, v41;
	v62 =	vmul.f32 v52, v6;
	v63 =	vld [tilespmem:s6+$0x287]  }
0x106: {  	v55 =	vld [tilespmem:$0xC48];
	v56 =	vmul.f32 v57, v33;
	v43 =	vadd.f32 v61, v43  }
0x107: {  	v47 =	vld [tilespmem:$0xDA8];
	v57 =	vmul.f32 v48, v21;
	v41 =	vadd.f32 v62, v41  }
0x108: {  	v58 =	vld [tilespmem:$0xC58];
	v59 =	vmul.f32 v59, v30;
	v43 =	vadd.f32 v56, v43  }
0x109: {  	v50 =	vld [tilespmem:$0xCD8];
	v60 =	vmul.f32 v54, v22;
	v41 =	vadd.f32 v57, v41;
	v0 =	vmul.f32 v0, v32  }
0x10a: {  	v49 =	vmul.f32 v49, v31;
	v61 =	vld [tilespmem:$0xC68];
	v43 =	vadd.f32 v59, v43;
	v46 =	vnsel vm0, $0x0, v63  }
0x10b: {  	v45 =	vld [tilespmem:$0x1018];
	v62 =	vmul.f32 v55, v23;
	v41 =	vadd.f32 v60, v41;
	v0 =	vadd.f32 v46, v0  }
0x10c: {  	p6 =	seq.s32 s7, $0x0;
	v43 =	vadd.f32 v49, v43;
	v63 =	vld [tilespmem:$0xC78]  }
0x10d: {  	v53 =	vld [tilespmem:$0xCE8];
	v48 =	vmul.f32 v58, v24;
	v42 =	vadd.f32 v62, v41;
	v0 =	vpsel !p6, $0x0, v0  }
0x10e: {  	v56 =	vld [tilespmem:$0xC88];
	v0 =	vadd.f32 v0, v43  }
0x10f: {  	v44 =	vld [tilespmem:$0x1028];
	v57 =	vmul.f32 v61, v25;
	v42 =	vadd.f32 v48, v42  }
0x110: {  	v58 =	vld [tilespmem:$0xC98];
	v59 =	vperm.xlane v0, v29  }
0x111: {  	v54 =	vld [tilespmem:$0xDD8];
	v43 =	vadd.f32 v57, v42;
	v46 =	vmul.f32 v63, v20  }
0x112: {  	v60 =	vld [tilespmem:$0xCA8];
	v0 =	vadd.f32 v0, v59  }
0x113: {  	v52 =	vld [tilespmem:$0xDC8];
	v61 =	vmul.f32 v56, v18;
	v43 =	vadd.f32 v46, v43  }
0x114: {  	v62 =	vld [tilespmem:$0xCB8];
	v51 =	vperm.xlane v0, v1  }
0x115: {  	v55 =	vld [tilespmem:$0xEA0];
	v48 =	vmul.f32 v58, v17;
	v46 =	vadd.f32 v61, v43  }
0x116: {  	v63 =	vld [tilespmem:$0xCC8];
	v0 =	vadd.f32 v0, v51  }
0x117: {  	v49 =	vld [tilespmem:$0xDB8];
	v60 =	vmul.f32 v60, v36;
	v46 =	vadd.f32 v48, v46  }
0x118: {  	v41 =	vld [tilespmem:$0x1038];
	v61 =	vperm.xlane v0, v2  }
0x119: {  	v56 =	vld [tilespmem:$0xE90];
	v62 =	vmul.f32 v62, v37;
	v46 =	vadd.f32 v60, v46  }
0x11a: {  	v58 =	vld [tilespmem:$0xDF8];
	v0 =	vadd.f32 v0, v61  }
0x11b: {  	v42 =	vld [tilespmem:$0x1048];
	v63 =	vmul.f32 v63, v38;
	v46 =	vadd.f32 v62, v46  }
0x11c: {  	v61 =	vld [tilespmem:$0xCF8];
	v60 =	vperm.xlane v0, v3  }
0x11d: {  	v50 =	vmul.f32 v50, v35;
	v46 =	vadd.f32 v63, v46;
	v63 =	vld [tilespmem:$0xD08]  }
0x11e: {  	v57 =	vld [tilespmem:$0xEB0];
	v62 =	vmov s6;
	v0 =	vadd.f32 v0, v60  }
0x11f: {  	v59 =	vmul.f32 v53, v34;
	v53 =	vld [tilespmem:$0xD18];
	vm1 =	veq.s32 v62, v4;
	v46 =	vadd.f32 v50, v46  }
0x120: {  	v60 =	vmul.f32 v47, v12;
	v47 =	vld [tilespmem:$0xEC0];
	v0 =	vnsel vm1, $0x0, v0  }
0x121: {  	v62 =	vmul.f32 v56, v21;
	v46 =	vadd.f32 v59, v46;
	v61 =	vmul.f32 v61, v33;
	[tilespmem:$0x12B0] =	vst v0;
	v0 =	vld [tilespmem:$0xB20]  }
0x122: {  	v52 =	vmul.f32 v52, v10;
	v39 =	vadd.f32 v60, v39;
	v63 =	vmul.f32 v63, v30;
	v48 =	vld [tilespmem:s5+$0x28F]  }
0x123: {  	v43 =	vld [tilespmem:$0x1058];
	v60 =	vadd.f32 $0.0e+00, v62;
	v46 =	vadd.f32 v61, v46;
	v61 =	vmul.f32 v55, v22  }
0x124: {  	v49 =	vmul.f32 v49, v11;
	v10 =	vmul.f32 v42, v10;
	v62 =	vld [tilespmem:$0xED0]  }
0x125: {  	v42 =	vld [tilespmem:$0x1168];
	v46 =	vadd.f32 v63, v46;
	v50 =	vadd.f32 v61, v60;
	v63 =	vmul.f32 v57, v23  }
0x126: {  	v53 =	vmul.f32 v53, v31;
	v49 =	vadd.f32 v49, v39;
	v57 =	vld [tilespmem:$0xEE0];
	v0 =	vmul.f32 v0, v32  }
0x127: {  	v51 =	vld [tilespmem:$0xDE8];
	v47 =	vmul.f32 v47, v24;
	v50 =	vadd.f32 v63, v50;
	v48 =	vnsel vm0, $0x0, v48  }
0x128: {  	v59 =	vmul.f32 v54, v9;
	v54 =	vld [tilespmem:$0xEF0];
	v46 =	vadd.f32 v53, v46;
	v0 =	vadd.f32 v48, v0  }
0x129: {  	v56 =	vld [tilespmem:$0xE78];
	v60 =	vmul.f32 v62, v25;
	v47 =	vadd.f32 v47, v50  }
0x12a: {  	v49 =	vadd.f32 v52, v49;
	v52 =	vld [tilespmem:$0xF00];
	v0 =	vadd.f32 v0, v46  }
0x12b: {  	v53 =	vld [tilespmem:$0xE08];
	v48 =	vmul.f32 v57, v20;
	v47 =	vadd.f32 v60, v47  }
0x12c: {  	v51 =	vmul.f32 v51, v8;
	v63 =	vld [tilespmem:$0xF10];
	v49 =	vadd.f32 v59, v49;
	v61 =	vperm.xlane v0, v29  }
0x12d: {  	v55 =	vld [tilespmem:$0xE58];
	v60 =	vmul.f32 v54, v18;
	v47 =	vadd.f32 v48, v47  }
0x12e: {  	v62 =	vmul.f32 v58, v5;
	v50 =	vld [tilespmem:$0xE18];
	v49 =	vadd.f32 v51, v49;
	v0 =	vadd.f32 v0, v61  }
0x12f: {  	v59 =	vld [tilespmem:$0xE28];
	v52 =	vmul.f32 v52, v17;
	v47 =	vadd.f32 v60, v47  }
0x130: {  	v49 =	vadd.f32 v62, v49;
	v61 =	vmul.f32 v53, v27;
	v53 =	vld [tilespmem:$0xF20];
	v62 =	vperm.xlane v0, v1  }
0x131: {  	v51 =	vld [tilespmem:$0xF30];
	v63 =	vmul.f32 v63, v36;
	v47 =	vadd.f32 v52, v47  }
0x132: {  	v48 =	vld [tilespmem:$0xE38];
	v0 =	vadd.f32 v0, v62  }
0x133: {  	v50 =	vmul.f32 v50, v19;
	v49 =	vadd.f32 v61, v49;
	v47 =	vadd.f32 v63, v47;
	v63 =	vld [tilespmem:$0x1FFF0]  }
0x134: {  	v54 =	vld [tilespmem:$0xE48];
	v61 =	vperm.xlane v0, v2  }
0x135: {  	v60 =	vmul.f32 v59, v16;
	v49 =	vadd.f32 v50, v49;
	v62 =	vmul.f32 v53, v37;
	v53 =	vld [tilespmem:$0xF40]  }
0x136: {  	v26 =	vmul.f32 v45, v26;
	v52 =	vld [tilespmem:$0xF50];
	v0 =	vadd.f32 v0, v61  }
0x137: {  	v57 =	vld [tilespmem:$0xF70];
	v51 =	vmul.f32 v51, v38;
	v48 =	vmul.f32 v48, v15;
	v49 =	vadd.f32 v60, v49  }
0x138: {  	v46 =	vld [tilespmem:$0x1090];
	v47 =	vadd.f32 v62, v47;
	v28 =	vmul.f32 v63, v28;
	v60 =	vperm.xlane v0, v3  }
0x139: {  	v62 =	vld [tilespmem:$0xF60];
	v48 =	vadd.f32 v48, v49;
	v61 =	vmul.f32 v54, v14;
	v63 =	vmov s5  }
0x13a: {  	v50 =	vld [tilespmem:$0xE68];
	v47 =	vadd.f32 v51, v47;
	v53 =	vmul.f32 v53, v35;
	v0 =	vadd.f32 v0, v60  }
0x13b: {  	v8 =	vmul.f32 v40, v8;
	v59 =	vmul.f32 v52, v34;
	v52 =	vld [tilespmem:$0xD80];
	vm1 =	veq.s32 v63, v4  }
0x13c: {  	s24 =	sshll.u32 s5, $0x1;
	v58 =	vadd.f32 v61, v48;
	v48 =	vld [tilespmem:$0xF80];
	v47 =	vadd.f32 v53, v47;
	v0 =	vnsel vm1, $0x0, v0  }
0x13d: {  	s25 =	sand.u32 $0xE, s24;
	v12 =	vmul.f32 v44, v12;
	v27 =	vmul.f32 v46, v27;
	v28 =	vadd.f32 $0.0e+00, v28;
	[tilespmem:$0x12C0] =	vst v0;
	v0 =	vld [tilespmem:$0xE88]  }
0x13e: {  	s26 =	sor.u32 $0x1, s25;
	v61 =	vmul.f32 v55, v13;
	v62 =	vmul.f32 v62, v33;
	v47 =	vadd.f32 v59, v47;
	v63 =	vld [tilespmem:s24+$0x2A0]  }
0x13f: {  	v54 =	vmul.f32 v50, v7;
	v60 =	vmov s26;
	v26 =	vadd.f32 v26, v28;
	v50 =	vld [tilespmem:s24+$0x29F]  }
0x140: {  	v28 =	vadd.f32 v61, v58;
	v58 =	vmul.f32 v57, v30;
	v55 =	vadd.f32 v62, v47;
	v47 =	vld [tilespmem:$0x10A0]  }
0x141: {  	v40 =	vld [tilespmem:$0x11C0];
	v27 =	vadd.f32 $0.0e+00, v27;
	v52 =	vmul.f32 v52, v32;
	vm1 =	veq.s32 v60, v4  }
0x142: {  	v39 =	vld [tilespmem:$0x1078];
	v48 =	vmul.f32 v48, v31;
	v44 =	vadd.f32 v58, v55;
	v0 =	vmul.f32 v0, v32  }
0x143: {  	v61 =	vld [tilespmem:$0x10C0];
	v28 =	vadd.f32 v54, v28;
	v60 =	vmul.f32 v56, v6;
	v51 =	vnsel vm0, $0x0, v63  }
0x144: {  	v53 =	vld [tilespmem:$0x1128];
	v44 =	vadd.f32 v48, v44;
	v50 =	vnsel vm0, $0x0, v50;
	v0 =	vadd.f32 v51, v0  }
0x145: {  	v57 =	vld [tilespmem:$0x11A0];
	v28 =	vadd.f32 v60, v28;
	v19 =	vmul.f32 v47, v19;
	v52 =	vadd.f32 v50, v52  }
0x146: {  	v11 =	vmul.f32 v41, v11;
	v59 =	vld [tilespmem:$0x10B0];
	v12 =	vadd.f32 v12, v26;
	v0 =	vadd.f32 v0, v44  }
0x147: {  	v9 =	vmul.f32 v43, v9;
	v26 =	vld [tilespmem:$0x1100];
	v19 =	vadd.f32 v19, v27;
	v27 =	vadd.f32 v52, v28  }
0x148: {  	v5 =	vmul.f32 v39, v5;
	v62 =	vld [tilespmem:$0x10D0];
	v11 =	vadd.f32 v11, v12;
	v54 =	vperm.xlane v0, v29  }
0x149: {  	v43 =	vld [tilespmem:$0x11D0];
	v15 =	vmul.f32 v61, v15;
	v56 =	vperm.xlane v27, v29  }
0x14a: {  	v12 =	vmul.f32 v53, v22;
	v10 =	vadd.f32 v10, v11;
	v63 =	vld [tilespmem:$0x10E0];
	v0 =	vadd.f32 v0, v54  }
0x14b: {  	v11 =	vmul.f32 v57, v36;
	v16 =	vmul.f32 v59, v16;
	v28 =	vld [tilespmem:$0x1118];
	v58 =	vadd.f32 v27, v56  }
0x14c: {  	v59 =	vld [tilespmem:$0x11B0];
	v6 =	vmul.f32 v26, v6;
	v60 =	vperm.xlane v0, v1  }
0x14d: {  	v55 =	vld [tilespmem:$0x1138];
	v14 =	vmul.f32 v62, v14;
	v16 =	vadd.f32 v16, v19;
	v62 =	vperm.xlane v58, v1  }
0x14e: {  	v57 =	vld [tilespmem:$0x1210];
	v9 =	vadd.f32 v9, v10;
	v48 =	vmul.f32 v40, v38;
	v0 =	vadd.f32 v0, v60  }
0x14f: {  	v50 =	vld [tilespmem:$0x10F0];
	v13 =	vmul.f32 v63, v13;
	v15 =	vadd.f32 v15, v16;
	v16 =	vadd.f32 v58, v62  }
0x150: {  	v8 =	vadd.f32 v8, v9;
	v27 =	vld [tilespmem:$0x1148];
	v63 =	vmul.f32 v28, v21;
	v28 =	vperm.xlane v0, v2  }
0x151: {  	v49 =	vld [tilespmem:$0x11E0];
	v11 =	vadd.f32 $0.0e+00, v11;
	v10 =	vmul.f32 v59, v37;
	v45 =	vperm.xlane v16, v2  }
0x152: {  	v61 =	vld [tilespmem:$0x1158];
	v46 =	vmul.f32 v55, v23;
	v5 =	vadd.f32 v5, v8;
	v0 =	vadd.f32 v0, v28  }
0x153: {  	v47 =	vld [tilespmem:$0x1188];
	v37 =	vmul.f32 v57, v31;
	v10 =	vadd.f32 v10, v11;
	v16 =	vadd.f32 v16, v45  }
0x154: {  	v55 =	vld [tilespmem:$0x1200];
	v7 =	vmul.f32 v50, v7;
	v9 =	vadd.f32 $0.0e+00, v63;
	v53 =	vperm.xlane v0, v3  }
0x155: {  	v44 =	vld [tilespmem:$0x1178];
	v10 =	vadd.f32 v48, v10;
	v51 =	vmul.f32 v27, v24;
	v27 =	vperm.xlane v16, v3  }
0x156: {  	v52 =	vld [tilespmem:$0x11F0];
	v54 =	vmul.f32 v43, v35;
	v9 =	vadd.f32 v12, v9;
	v0 =	vadd.f32 v0, v53  }
0x157: {  	v59 =	vld [tilespmem:$0x1000];
	v14 =	vadd.f32 v14, v15;
	v58 =	vmov s25;
	v16 =	vadd.f32 v16, v27  }
0x158: {  	v60 =	vld [tilespmem:$0x1088];
	vm2 =	veq.s32 v58, v4;
	v9 =	vadd.f32 v46, v9;
	v0 =	vnsel vm1, $0x0, v0  }
0x159: {  	v21 =	vmul.f32 v49, v34;
	v10 =	vadd.f32 v54, v10;
	v62 =	vld [tilespmem:$0x1110];
	v0 =	vsel vm2, v16, v0  }
0x15a: {  	s28 =	sshll.u32 s5, $0x2;
	v56 =	vmul.f32 v61, v25;
	v13 =	vadd.f32 v13, v14;
	v9 =	vadd.f32 v51, v9;
	[tilespmem:$0x12D0] =	vst v0;
	v0 =	vld [tilespmem:$0x1198]  }
0x15b: {  	v61 =	vmul.f32 v42, v20;
	v63 =	vmul.f32 v52, v33;
	v10 =	vadd.f32 v21, v10;
	v23 =	vld [tilespmem:s28+$0x2C2]  }
0x15c: {  	v25 =	vmul.f32 v55, v30;
	v7 =	vadd.f32 v7, v13;
	v9 =	vadd.f32 v56, v9;
	v33 =	vld [tilespmem:s28+$0x2C1]  }
0x15d: {  	v34 =	vmul.f32 v47, v17;
	v42 =	vmul.f32 v59, v32;
	v10 =	vadd.f32 v63, v10;
	v35 =	vld [tilespmem:s28+$0x2C0]  }
0x15e: {  	v21 =	vmul.f32 v44, v18;
	v6 =	vadd.f32 v6, v7;
	v9 =	vadd.f32 v61, v9;
	v38 =	vld [tilespmem:s28+$0x2BF]  }
0x15f: {  	v36 =	vadd.f32 v25, v10;
	v39 =	vmul.f32 v62, v32;
	v0 =	vmul.f32 v0, v32  }
0x160: {  	v11 =	vmul.f32 v60, v32;
	v9 =	vadd.f32 v21, v9;
	v40 =	vnsel vm0, $0x0, v23  }
0x161: {  	v8 =	vadd.f32 v37, v36;
	v41 =	vnsel vm0, $0x0, v33;
	v0 =	vadd.f32 v40, v0  }
0x162: {  	v7 =	vadd.f32 v34, v9;
	v43 =	vnsel vm0, $0x0, v35;
	v9 =	vadd.f32 v41, v39  }
0x163: {  	v44 =	vnsel vm0, $0x0, v38;
	v11 =	vadd.f32 v43, v11;
	v0 =	vadd.f32 v0, v8  }
0x164: {  	v45 =	vadd.f32 v44, v42;
	v7 =	vadd.f32 v9, v7  }
0x165: {  	v6 =	vadd.f32 v11, v6;
	v46 =	vperm.xlane v0, v29  }
0x166: {  	v5 =	vadd.f32 v45, v5;
	v47 =	vperm.xlane v7, v29  }
0x167: {  	v48 =	vperm.xlane v6, v29;
	v0 =	vadd.f32 v0, v46  }
0x168: {  	v49 =	vperm.xlane v5, v29;
	v7 =	vadd.f32 v7, v47  }
0x169: {  	v6 =	vadd.f32 v6, v48;
	v50 =	vperm.xlane v0, v1  }
0x16a: {  	v5 =	vadd.f32 v5, v49;
	v51 =	vperm.xlane v7, v1  }
0x16b: {  	v10 =	vperm.xlane v6, v1;
	v0 =	vadd.f32 v0, v50  }
0x16c: {  	v52 =	vperm.xlane v5, v1;
	v7 =	vadd.f32 v7, v51  }
0x16d: {  	v6 =	vadd.f32 v6, v10;
	v53 =	vperm.xlane v0, v2  }
0x16e: {  	s6 =	sand.u32 $0xC, s28;
	v5 =	vadd.f32 v5, v52;
	v54 =	vperm.xlane v7, v2  }
0x16f: {  	s29 =	sor.u32 $0x1, s6;
	v10 =	vperm.xlane v6, v2;
	v0 =	vadd.f32 v0, v53  }
0x170: {  	v57 =	vmov s29;
	v56 =	vperm.xlane v5, v2;
	v7 =	vadd.f32 v7, v54  }
0x171: {  	s30 =	sor.u32 $0x2, s6;
	v55 =	vmov s6;
	v6 =	vadd.f32 v6, v10;
	v58 =	vperm.xlane v0, v3  }
0x172: {  	s6 =	sor.u32 $0x3, s6;
	v59 =	vmov s30;
	v5 =	vadd.f32 v5, v56;
	v60 =	vperm.xlane v7, v3  }
0x173: {  	v61 =	vmov s6;
	v62 =	vperm.xlane v6, v3;
	v0 =	vadd.f32 v0, v58  }
0x174: {  	vm1 =	veq.s32 v61, v4;
	v63 =	vperm.xlane v5, v3;
	v7 =	vadd.f32 v7, v60  }
0x175: {  	vm2 =	veq.s32 v59, v4;
	v6 =	vadd.f32 v6, v62;
	v0 =	vnsel vm1, $0x0, v0  }
0x176: {  	s5 =	smul.u32 $0x1C0, s5;
	v5 =	vadd.f32 v5, v63;
	vm1 =	veq.s32 v57, v4;
	v0 =	vsel vm2, v7, v0  }
0x177: {  	vm2 =	veq.s32 v55, v4;
	v0 =	vsel vm1, v6, v0  }
0x178: {  	s5 =	sshrl.u32 s5, $0x2;
	v0 =	vsel vm2, v5, v0  }
0x179: {  	s31 =	simm.s32 $0x1280;
	s5 =	sadd.s32 s5, s4;
	[tilespmem:$0x12E0] =	vst v0  }
0x17a: {  	[spmem:s5] =	stream.linear.scatter [tilespmem:s31], [sflag:$0x2], $0x70, $0x38;
	[tilespmem:$0x1B70] =	vst v63  }
0x17b: {  	s5 =	simm.s32 $0x2  }
0x17c: {  	_ =	swait.ge [sflag:s5], $0x70  }
0x17d: {  	[sflag:s5] =	ssyncset.done $0x0  }
0x17e: {  	[sflag:s5] =	ssyncadd.s32 $0xFFFFFF90  }
0x17f: {  	[bflag:$0x0] =	sbarrier.arrive $0xFFFF  }
0x180: {  	_ =	sfence.sel @p0 $0x180000  }
0x181: {  	[bflag:$0x0] =	sbarrier.arrive @p0 $0xFFFF  }
0x182: {  	_ =	strace @p0 $0x90000047  }
0x183: {  	[bflag:$0x2] =	sbarrier.arrive @p0 $0xFFFF  }
0x184: {  	_ =	shalt @p0  }
.LBB2_1:
0x185: {  	s6 =	simm.s32 $0x13F0  }
0x186: {  	[tilespmem:s6], [sflag:$0x2] =	stream.linear.gather [spmem:s4], $0x700, $0x38;
	[tilespmem:$0x1B70] =	vst v63  }
0x187: {  	_ =	swait.ge [sflag:s5], $0x700  }
0x188: {  	[sflag:s5] =	ssyncset.done $0x0  }
0x189: {  	[sflag:s5] =	ssyncadd.s32 $0xFFFFF900  }
0x18a: {  	v0 =	vld [tilespmem:$0x13F0]  }
0x18b: {  	v5 =	vld [tilespmem:$0x1460];
	_ =	sdelay $0x1  }
0x18c: {  	v6 =	vld [tilespmem:$0x14D0];
	_ =	sdelay $0x1  }
0x18d: {  	v7 =	vld [tilespmem:$0x1540]  }
0x18e: {  	v0 =	vadd.f32 v5, v0  }
0x18f: {  	v61 =	vld [tilespmem:$0x15B0]  }
0x190: {  	v0 =	vadd.f32 v6, v0  }
0x191: {  	v62 =	vld [tilespmem:$0x1620]  }
0x192: {  	v0 =	vadd.f32 v7, v0  }
0x193: {  	v63 =	vld [tilespmem:$0x1690]  }
0x194: {  	v0 =	vadd.f32 v61, v0  }
0x195: {  	v9 =	vld [tilespmem:$0x1700]  }
0x196: {  	v0 =	vadd.f32 v62, v0  }
0x197: {  	v10 =	vld [tilespmem:$0x1770]  }
0x198: {  	v0 =	vadd.f32 v63, v0  }
0x199: {  	v11 =	vld [tilespmem:$0x17E0]  }
0x19a: {  	v0 =	vadd.f32 v9, v0  }
0x19b: {  	v12 =	vld [tilespmem:$0x1850]  }
0x19c: {  	v0 =	vadd.f32 v10, v0  }
0x19d: {  	v13 =	vld [tilespmem:$0x18C0]  }
0x19e: {  	v0 =	vadd.f32 v11, v0  }
0x19f: {  	v14 =	vld [tilespmem:$0x1930]  }
0x1a0: {  	v0 =	vadd.f32 v12, v0  }
0x1a1: {  	v15 =	vld [tilespmem:$0x19A0]  }
0x1a2: {  	v0 =	vadd.f32 v13, v0  }
0x1a3: {  	v16 =	vld [tilespmem:$0x1A10]  }
0x1a4: {  	v0 =	vadd.f32 v14, v0  }
0x1a5: {  	v17 =	vld [tilespmem:$0x1A80]  }
0x1a6: {  	v0 =	vadd.f32 v15, v0;
	_ =	sdelay $0x1  }
0x1a7: {  	v0 =	vadd.f32 v16, v0;
	_ =	sdelay $0x1  }
0x1a8: {  	v0 =	vadd.f32 v17, v0;
	_ =	sdelay $0x1  }
0x1a9: {  	v0 =	vnsel vm0, $0x0, v0  }
0x1aa: {  	v18 =	vperm.xlane v0, v29  }
0x1ab: {  	v19 =	vld [tilespmem:$0x1400]  }
0x1ac: {  	v20 =	vld [tilespmem:$0x1470];
	v0 =	vadd.f32 v18, v0;
	_ =	sdelay $0x1  }
0x1ad: {  	v21 =	vld [tilespmem:$0x14E0];
	v8 =	vperm.xlane v0, v1;
	_ =	sdelay $0x1  }
0x1ae: {  	v9 =	vld [tilespmem:$0x1550];
	v0 =	vadd.f32 v8, v0  }
0x1af: {  	v6 =	vadd.f32 v20, v19  }
0x1b0: {  	v22 =	vld [tilespmem:$0x15C0];
	v8 =	vperm.xlane v0, v2  }
0x1b1: {  	v5 =	vadd.f32 v21, v6  }
0x1b2: {  	v23 =	vld [tilespmem:$0x1630];
	v0 =	vadd.f32 v8, v0  }
0x1b3: {  	v5 =	vadd.f32 v9, v5  }
0x1b4: {  	v24 =	vld [tilespmem:$0x16A0];
	v25 =	vperm.xlane v0, v3  }
0x1b5: {  	v7 =	vadd.f32 v22, v5  }
0x1b6: {  	v10 =	vld [tilespmem:$0x1710];
	v5 =	vadd.f32 v25, v0  }
0x1b7: {  	v26 =	vadd.f32 v23, v7  }
0x1b8: {  	v27 =	vld [tilespmem:$0x1780];
	(v2sf) =	vpush v5, $0x0  }
0x1b9: {  	v0 =	vadd.f32 v24, v26  }
0x1ba: {  	v28 =	vld [tilespmem:$0x17F0]  }
0x1bb: {  	v0 =	vadd.f32 v10, v0  }
0x1bc: {  	v30 =	vld [tilespmem:$0x1860]  }
0x1bd: {  	v0 =	vadd.f32 v27, v0  }
0x1be: {  	v31 =	vld [tilespmem:$0x18D0]  }
0x1bf: {  	v0 =	vadd.f32 v28, v0  }
0x1c0: {  	v32 =	vld [tilespmem:$0x1940]  }
0x1c1: {  	v0 =	vadd.f32 v30, v0  }
0x1c2: {  	v33 =	vld [tilespmem:$0x19B0]  }
0x1c3: {  	v0 =	vadd.f32 v31, v0  }
0x1c4: {  	v34 =	vld [tilespmem:$0x1A20]  }
0x1c5: {  	v0 =	vadd.f32 v32, v0  }
0x1c6: {  	v35 =	vld [tilespmem:$0x1A90]  }
0x1c7: {  	v0 =	vadd.f32 v33, v0;
	s21 =	spop (v2sf)  }
0x1c8: {  	p0 =	sge.f32 s21, $0.0e+00  }
0x1c9: {  	s4 =	simm.s32 $0x1;
	v0 =	vadd.f32 v34, v0  }
0x1ca: {  	s4 =	simm.s32 @!p0 $0x0  }
0x1cb: {  	v0 =	vadd.f32 v35, v0;
	v36 =	vmov s4  }
0x1cc: {  	vm9 =	veq.s32 v36, v4  }
0x1cd: {  	v0 =	vnsel vm9, $0x0, v0  }
0x1ce: {  	v37 =	vperm.xlane v0, v29;
	_ =	sdelay $0x1  }
0x1cf: {  	v38 =	vld [tilespmem:$0x1410];
	v0 =	vadd.f32 v0, v37  }
0x1d0: {  	v39 =	vld [tilespmem:$0x1480]  }
0x1d1: {  	v40 =	vperm.xlane v0, v1  }
0x1d2: {  	v41 =	vld [tilespmem:$0x14F0]  }
0x1d3: {  	v0 =	vadd.f32 v0, v40  }
0x1d4: {  	v42 =	vld [tilespmem:$0x1560]  }
0x1d5: {  	v6 =	vadd.f32 v39, v38;
	v43 =	vperm.xlane v0, v2  }
0x1d6: {  	v44 =	vld [tilespmem:$0x15D0]  }
0x1d7: {  	v6 =	vadd.f32 v41, v6;
	v0 =	vadd.f32 v0, v43  }
0x1d8: {  	v45 =	vld [tilespmem:$0x1640]  }
0x1d9: {  	v6 =	vadd.f32 v42, v6;
	v46 =	vperm.xlane v0, v3  }
0x1da: {  	v47 =	vld [tilespmem:$0x16B0]  }
0x1db: {  	v10 =	vadd.f32 v44, v6;
	v6 =	vadd.f32 v0, v46  }
0x1dc: {  	v48 =	vld [tilespmem:$0x1720]  }
0x1dd: {  	v7 =	vadd.f32 v45, v10;
	(v2sf) =	vpush v6, $0x0  }
0x1de: {  	v49 =	vld [tilespmem:$0x1790]  }
0x1df: {  	v7 =	vadd.f32 v47, v7  }
0x1e0: {  	v50 =	vld [tilespmem:$0x1800]  }
0x1e1: {  	v0 =	vadd.f32 v48, v7  }
0x1e2: {  	v51 =	vld [tilespmem:$0x1870]  }
0x1e3: {  	v0 =	vadd.f32 v49, v0  }
0x1e4: {  	v52 =	vld [tilespmem:$0x18E0]  }
0x1e5: {  	v0 =	vadd.f32 v50, v0  }
0x1e6: {  	v53 =	vld [tilespmem:$0x1950]  }
0x1e7: {  	v0 =	vadd.f32 v51, v0  }
0x1e8: {  	v54 =	vld [tilespmem:$0x19C0]  }
0x1e9: {  	v0 =	vadd.f32 v52, v0  }
0x1ea: {  	v55 =	vld [tilespmem:$0x1A30]  }
0x1eb: {  	v0 =	vadd.f32 v53, v0  }
0x1ec: {  	v56 =	vld [tilespmem:$0x1AA0];
	s22 =	spop (v2sf)  }
0x1ed: {  	v0 =	vadd.f32 v54, v0;
	p1 =	sge.f32 s22, $0.0e+00  }
0x1ee: {  	s6 =	simm.s32 $0x1;
	s4 =	simm.s32 $0x2  }
0x1ef: {  	s4 =	simm.s32 @!p0 $0x0;
	v0 =	vadd.f32 v55, v0;
	s6 =	simm.s32 @!p1 $0x0  }
0x1f0: {  	s4 =	sor.u32 s6, s4  }
0x1f1: {  	v0 =	vadd.f32 v56, v0;
	v57 =	vmov s4  }
0x1f2: {  	vm10 =	veq.s32 v57, v4  }
0x1f3: {  	v0 =	vnsel vm10, $0x0, v0  }
0x1f4: {  	v58 =	vperm.xlane v0, v29;
	_ =	sdelay $0x1  }
0x1f5: {  	v59 =	vld [tilespmem:$0x1420];
	v0 =	vadd.f32 v0, v58  }
0x1f6: {  	v60 =	vld [tilespmem:$0x1490]  }
0x1f7: {  	v61 =	vperm.xlane v0, v1  }
0x1f8: {  	v62 =	vld [tilespmem:$0x1500]  }
0x1f9: {  	v0 =	vadd.f32 v0, v61  }
0x1fa: {  	v63 =	vld [tilespmem:$0x1570]  }
0x1fb: {  	v7 =	vadd.f32 v60, v59;
	v12 =	vperm.xlane v0, v2  }
0x1fc: {  	v11 =	vld [tilespmem:$0x15E0]  }
0x1fd: {  	v7 =	vadd.f32 v62, v7;
	v0 =	vadd.f32 v0, v12  }
0x1fe: {  	v13 =	vld [tilespmem:$0x1650]  }
0x1ff: {  	v7 =	vadd.f32 v63, v7;
	v14 =	vperm.xlane v0, v3  }
0x200: {  	v15 =	vld [tilespmem:$0x16C0]  }
0x201: {  	v11 =	vadd.f32 v11, v7;
	v7 =	vadd.f32 v0, v14  }
0x202: {  	v16 =	vld [tilespmem:$0x1730]  }
0x203: {  	v8 =	vadd.f32 v13, v11;
	(v2sf) =	vpush v7, $0x0  }
0x204: {  	v17 =	vld [tilespmem:$0x17A0]  }
0x205: {  	v8 =	vadd.f32 v15, v8  }
0x206: {  	v18 =	vld [tilespmem:$0x1810]  }
0x207: {  	v0 =	vadd.f32 v16, v8  }
0x208: {  	v19 =	vld [tilespmem:$0x1880]  }
0x209: {  	v0 =	vadd.f32 v17, v0  }
0x20a: {  	v20 =	vld [tilespmem:$0x18F0]  }
0x20b: {  	v0 =	vadd.f32 v18, v0  }
0x20c: {  	v21 =	vld [tilespmem:$0x1960]  }
0x20d: {  	v0 =	vadd.f32 v19, v0  }
0x20e: {  	v22 =	vld [tilespmem:$0x19D0]  }
0x20f: {  	v0 =	vadd.f32 v20, v0  }
0x210: {  	v23 =	vld [tilespmem:$0x1A40]  }
0x211: {  	v0 =	vadd.f32 v21, v0  }
0x212: {  	v24 =	vld [tilespmem:$0x1AB0];
	s23 =	spop (v2sf)  }
0x213: {  	v0 =	vadd.f32 v22, v0;
	p1 =	sge.f32 s23, $0.0e+00  }
0x214: {  	s6 =	simm.s32 $0x1  }
0x215: {  	s7 =	sshll.u32 s4, $0x1;
	v0 =	vadd.f32 v23, v0;
	s6 =	simm.s32 @!p1 $0x0  }
0x216: {  	s6 =	sor.u32 s6, s7  }
0x217: {  	v0 =	vadd.f32 v24, v0;
	v25 =	vmov s6  }
0x218: {  	vm11 =	veq.s32 v25, v4  }
0x219: {  	v0 =	vnsel vm11, $0x0, v0  }
0x21a: {  	v26 =	vperm.xlane v0, v29;
	_ =	sdelay $0x1  }
0x21b: {  	v27 =	vld [tilespmem:$0x1430];
	v0 =	vadd.f32 v0, v26  }
0x21c: {  	v28 =	vld [tilespmem:$0x14A0]  }
0x21d: {  	v30 =	vperm.xlane v0, v1  }
0x21e: {  	v31 =	vld [tilespmem:$0x1510]  }
0x21f: {  	v0 =	vadd.f32 v0, v30  }
0x220: {  	v32 =	vld [tilespmem:$0x1580]  }
0x221: {  	v8 =	vadd.f32 v28, v27;
	v33 =	vperm.xlane v0, v2  }
0x222: {  	v12 =	vld [tilespmem:$0x15F0]  }
0x223: {  	v8 =	vadd.f32 v31, v8;
	v0 =	vadd.f32 v0, v33  }
0x224: {  	v34 =	vld [tilespmem:$0x1660]  }
0x225: {  	v8 =	vadd.f32 v32, v8;
	v35 =	vperm.xlane v0, v3  }
0x226: {  	v36 =	vld [tilespmem:$0x16D0]  }
0x227: {  	v12 =	vadd.f32 v12, v8;
	v8 =	vadd.f32 v0, v35  }
0x228: {  	v37 =	vld [tilespmem:$0x1740]  }
0x229: {  	v9 =	vadd.f32 v34, v12;
	(v2sf) =	vpush v8, $0x0  }
0x22a: {  	v38 =	vld [tilespmem:$0x17B0]  }
0x22b: {  	v9 =	vadd.f32 v36, v9  }
0x22c: {  	v39 =	vld [tilespmem:$0x1820]  }
0x22d: {  	v0 =	vadd.f32 v37, v9  }
0x22e: {  	v40 =	vld [tilespmem:$0x1890]  }
0x22f: {  	v0 =	vadd.f32 v38, v0  }
0x230: {  	v41 =	vld [tilespmem:$0x1900]  }
0x231: {  	v0 =	vadd.f32 v39, v0  }
0x232: {  	v42 =	vld [tilespmem:$0x1970]  }
0x233: {  	v0 =	vadd.f32 v40, v0  }
0x234: {  	v43 =	vld [tilespmem:$0x19E0]  }
0x235: {  	v0 =	vadd.f32 v41, v0  }
0x236: {  	v44 =	vld [tilespmem:$0x1A50]  }
0x237: {  	v0 =	vadd.f32 v42, v0  }
0x238: {  	v45 =	vld [tilespmem:$0x1AC0];
	s24 =	spop (v2sf)  }
0x239: {  	v0 =	vadd.f32 v43, v0;
	p1 =	sge.f32 s24, $0.0e+00  }
0x23a: {  	s7 =	simm.s32 $0x1  }
0x23b: {  	s6 =	sshll.u32 s6, $0x1;
	v0 =	vadd.f32 v44, v0;
	s7 =	simm.s32 @!p1 $0x0  }
0x23c: {  	s6 =	sor.u32 s7, s6  }
0x23d: {  	v0 =	vadd.f32 v45, v0;
	v46 =	vmov s6  }
0x23e: {  	vm12 =	veq.s32 v46, v4  }
0x23f: {  	v0 =	vnsel vm12, $0x0, v0  }
0x240: {  	v47 =	vperm.xlane v0, v29;
	_ =	sdelay $0x1  }
0x241: {  	v0 =	vadd.f32 v0, v47;
	_ =	sdelay $0x1  }
0x242: {  	v9 =	vperm.xlane v0, v1;
	_ =	sdelay $0x1  }
0x243: {  	v0 =	vadd.f32 v0, v9;
	_ =	sdelay $0x1  }
0x244: {  	v9 =	vperm.xlane v0, v2;
	_ =	sdelay $0x1  }
0x245: {  	v0 =	vadd.f32 v0, v9;
	_ =	sdelay $0x1  }
0x246: {  	v9 =	vperm.xlane v0, v3;
	_ =	sdelay $0x1  }
0x247: {  	v0 =	vadd.f32 v0, v9;
	_ =	sdelay $0x1  }
0x248: {  	v48 =	vld [tilespmem:$0x1440];
	(v2sf) =	vpush v0, $0x0  }
0x249: {  	v49 =	vld [tilespmem:$0x14B0]  }
0x24a: {  	v50 =	vld [tilespmem:$0x17C0]  }
0x24b: {  	v51 =	vld [tilespmem:$0x1830]  }
0x24c: {  	v13 =	vld [tilespmem:$0x1520]  }
0x24d: {  	v14 =	vld [tilespmem:$0x18A0]  }
0x24e: {  	v15 =	vld [tilespmem:$0x1590]  }
0x24f: {  	v16 =	vld [tilespmem:$0x1910]  }
0x250: {  	v52 =	vld [tilespmem:$0x1600];
	v11 =	vadd.f32 v51, v50;
	v9 =	vadd.f32 v49, v48  }
0x251: {  	v53 =	vld [tilespmem:$0x1980]  }
0x252: {  	v54 =	vld [tilespmem:$0x1670];
	v11 =	vadd.f32 v14, v11;
	v9 =	vadd.f32 v13, v9  }
0x253: {  	v55 =	vld [tilespmem:$0x19F0]  }
0x254: {  	v56 =	vld [tilespmem:$0x16E0];
	v11 =	vadd.f32 v16, v11;
	v9 =	vadd.f32 v15, v9  }
0x255: {  	v57 =	vld [tilespmem:$0x1A60]  }
0x256: {  	v59 =	vld [tilespmem:$0x1AD0];
	v11 =	vadd.f32 v53, v11;
	v9 =	vadd.f32 v52, v9  }
0x257: {  	v58 =	vld [tilespmem:$0x1750];
	s25 =	spop (v2sf)  }
0x258: {  	v11 =	vadd.f32 v55, v11;
	v9 =	vadd.f32 v54, v9;
	p1 =	sge.f32 s25, $0.0e+00  }
0x259: {  	s7 =	simm.s32 $0x1  }
0x25a: {  	v11 =	vadd.f32 v57, v11;
	s6 =	sshll.u32 s6, $0x1;
	v9 =	vadd.f32 v56, v9;
	s7 =	simm.s32 @!p1 $0x0  }
0x25b: {  	s6 =	sor.u32 s7, s6  }
0x25c: {  	v60 =	vadd.f32 v59, v11;
	v9 =	vadd.f32 v58, v9;
	s7 =	sand.u32 $0xF, s6  }
0x25d: {  	v61 =	vmov s7  }
0x25e: {  	v9 =	vpsel p0, v60, v9;
	vm13 =	veq.s32 v61, v4  }
0x25f: {  	v9 =	vnsel vm13, $0x0, v9  }
0x260: {  	v62 =	vperm.xlane v9, v29;
	_ =	sdelay $0x1  }
0x261: {  	v9 =	vadd.f32 v9, v62;
	_ =	sdelay $0x1  }
0x262: {  	v10 =	vperm.xlane v9, v1;
	_ =	sdelay $0x1  }
0x263: {  	v9 =	vadd.f32 v9, v10;
	_ =	sdelay $0x1  }
0x264: {  	v10 =	vperm.xlane v9, v2;
	_ =	sdelay $0x1  }
0x265: {  	v9 =	vadd.f32 v9, v10;
	_ =	sdelay $0x1  }
0x266: {  	v10 =	vperm.xlane v9, v3;
	_ =	sdelay $0x1  }
0x267: {  	v9 =	vadd.f32 v9, v10;
	_ =	sdelay $0x1  }
0x268: {  	v63 =	vld [tilespmem:$0x1450];
	(v2sf) =	vpush v9, $0x0  }
0x269: {  	v27 =	vld [tilespmem:$0x1680]  }
0x26a: {  	v28 =	vld [tilespmem:$0x16F0]  }
0x26b: {  	v17 =	vld [tilespmem:$0x1840]  }
0x26c: {  	v18 =	vld [tilespmem:$0x1990]  }
0x26d: {  	v19 =	vld [tilespmem:$0x1A00]  }
0x26e: {  	v20 =	vld [tilespmem:$0x18B0]  }
0x26f: {  	v21 =	vld [tilespmem:$0x1A70]  }
0x270: {  	v30 =	vld [tilespmem:$0x17D0]  }
0x271: {  	v22 =	vld [tilespmem:$0x1920]  }
0x272: {  	v26 =	vld [tilespmem:$0x1610]  }
0x273: {  	v24 =	vld [tilespmem:$0x14C0]  }
0x274: {  	v23 =	vld [tilespmem:$0x1AE0]  }
0x275: {  	v25 =	vld [tilespmem:$0x1530];
	v16 =	vadd.f32 v17, v30  }
0x276: {  	v32 =	vld [tilespmem:$0x1760];
	v31 =	vadd.f32 v19, v18  }
0x277: {  	v34 =	vld [tilespmem:$0x15A0];
	v33 =	vadd.f32 v27, v26;
	v35 =	vadd.f32 v20, v16;
	s26 =	spop (v2sf)  }
0x278: {  	v36 =	vadd.f32 v21, v31;
	v10 =	vadd.f32 v24, v63;
	p0 =	sge.f32 s26, $0.0e+00  }
0x279: {  	v11 =	vadd.f32 v28, v33;
	v37 =	vadd.f32 v22, v35;
	s7 =	simm.s32 $0x1  }
0x27a: {  	v38 =	vadd.f32 v23, v36;
	s6 =	sshll.u32 s6, $0x1;
	v10 =	vadd.f32 v25, v10;
	s7 =	simm.s32 @!p0 $0x0  }
0x27b: {  	p4 =	seq.s32 s4, $0x2;
	v11 =	vadd.f32 v32, v11;
	s6 =	sor.u32 s7, s6  }
0x27c: {  	p5 =	seq.s32 s4, $0x1;
	v12 =	vpsel p4, v37, v38;
	v10 =	vadd.f32 v34, v10;
	s7 =	sand.u32 $0xF, s6  }
0x27d: {  	p6 =	seq.s32 s4, $0x0;
	v11 =	vpsel p5, v11, v12;
	v39 =	vmov s7  }
0x27e: {  	v10 =	vpsel p6, v10, v11;
	vm14 =	veq.s32 v39, v4  }
0x27f: {  	v10 =	vnsel vm14, $0x0, v10  }
0x280: {  	v40 =	vperm.xlane v10, v29;
	_ =	sdelay $0x1  }
0x281: {  	v10 =	vadd.f32 v10, v40;
	_ =	sdelay $0x1  }
0x282: {  	v11 =	vperm.xlane v10, v1;
	_ =	sdelay $0x1  }
0x283: {  	v10 =	vadd.f32 v10, v11;
	_ =	sdelay $0x1  }
0x284: {  	v11 =	vperm.xlane v10, v2;
	_ =	sdelay $0x1  }
0x285: {  	v10 =	vadd.f32 v10, v11;
	_ =	sdelay $0x1  }
0x286: {  	v11 =	vperm.xlane v10, v3;
	_ =	sdelay $0x1  }
0x287: {  	v10 =	vadd.f32 v10, v11;
	_ =	sdelay $0x1  }
0x288: {  	v5 =	vsub.f32 $0.0e+00, v5;
	(v2sf) =	vpush v10, $0x0  }
0x289: {  	v6 =	vsub.f32 $0.0e+00, v6  }
0x28a: {  	v5 =	vmul.f32 $1.442695020e+00, v5  }
0x28b: {  	v6 =	vmul.f32 $1.442695020e+00, v6;
	v7 =	vsub.f32 $0.0e+00, v7  }
0x28c: {  	(erf) = vpow2.f32 v5  }
0x28d: {  	(erf) = vpow2.f32 v6;
	v41 =	vmul.f32 $1.442695020e+00, v7;
	v42 =	vsub.f32 $0.0e+00, v8;
	_ =	sdelay $0x1  }
0x28e: {  	(erf) = vpow2.f32 v41;
	v43 =	vmul.f32 $1.442695020e+00, v42;
	v0 =	vsub.f32 $0.0e+00, v0;
	_ =	sdelay $0x1  }
0x28f: {  	(erf) = vpow2.f32 v43;
	v0 =	vmul.f32 $1.442695020e+00, v0;
	v44 =	vsub.f32 $0.0e+00, v9;
	_ =	sdelay $0x1  }
0x290: {  	(erf) = vpow2.f32 v0;
	v45 =	vmul.f32 $1.442695020e+00, v44;
	v46 =	vsub.f32 $0.0e+00, v10;
	_ =	sdelay $0x1  }
0x291: {  	v47 =	vpop (erf);
	(erf) = vpow2.f32 v45;
	v48 =	vmul.f32 $1.442695020e+00, v46  }
0x292: {  	v49 =	vpop (erf)  }
0x293: {  	v6 =	vadd.f32 $1.000000000e+00, v47;
	v5 =	vadd.f32 $1.000000000e+00, v49;
	s28 =	sshll.u32 s6, $0x1;
	(erf) = vpow2.f32 v48;
	s29 =	spop (v2sf)  }
0x294: {  	v50 =	vpop (erf);
	s30 =	sand.u32 $0x7FFFFFF0, s28;
	p0 =	sge.f32 s29, $0.0e+00  }
0x295: {  	v5 =	vmul.f32 v5, v6;
	v0 =	vadd.f32 $1.000000000e+00, v50;
	v51 =	vld [tilespmem:s30+$0x1370]  }
0x296: {  	v52 =	vpop (erf);
	s4 =	sand.u32 $0xE, s28;
	s3 =	simm.s32 @!p0 $0x0  }
0x297: {  	v53 =	vadd.f32 $1.000000000e+00, v52;
	v0 =	vmul.f32 v0, v5;
	s3 =	sor.u32 s3, s4  }
0x298: {  	v54 =	vpop (erf);
	v55 =	vmov s3  }
0x299: {  	v0 =	vmul.f32 v53, v0;
	v56 =	vadd.f32 $1.000000000e+00, v54;
	vm15 =	veq.s32 v55, v4  }
0x29a: {  	v57 =	vpop (erf);
	v6 =	vnsel vm15, $0x0, v51  }
0x29b: {  	v0 =	vmul.f32 v56, v0;
	v4 =	vadd.f32 $1.000000000e+00, v57;
	v58 =	vperm.xlane v6, v29  }
0x29c: {  	v59 =	vpop (erf)  }
0x29d: {  	v60 =	vadd.f32 $1.000000000e+00, v59;
	v0 =	vmul.f32 v4, v0;
	v5 =	vadd.f32 v6, v58;
	_ =	sdelay $0x1  }
0x29e: {  	v0 =	vmul.f32 v60, v0;
	v61 =	vperm.xlane v5, v1;
	_ =	sdelay $0x1  }
0x29f: {  	(erf) = vrcp.f32 v0;
	v1 =	vadd.f32 v5, v61;
	_ =	sdelay $0x1  }
0x2a0: {  	v62 =	vperm.xlane v1, v2;
	_ =	sdelay $0x1  }
0x2a1: {  	v0 =	vadd.f32 v1, v62;
	_ =	sdelay $0x1  }
0x2a2: {  	v1 =	vperm.xlane v0, v3;
	_ =	sdelay $0x1  }
0x2a3: {  	v0 =	vadd.f32 v0, v1  }
0x2a4: {  	v63 =	vpop (erf)  }
0x2a5: {  	v0 =	vmul.f32 v0, v63;
	_ =	sdelay $0x1  }
0x2a6: {  	s31 =	simm.s32 $0x1AF0;
	[tilespmem:$0x1AF0] =	vst v0  }
0x2a7: {  	[hbm4b:s1+s2] =	stream.linear.scatter [tilespmem:s31], [sflag:$0x2], $0x1, $0x38;
	[tilespmem:$0x1B70] =	vst v63  }
0x2a8: {  	_ =	swait.ge [sflag:s5], $0x1  }
0x2a9: {  	[sflag:s5] =	ssyncset.done $0x0  }
0x2aa: {  	[sflag:s5] =	ssyncadd.s32 $0xFFFFFFFF  }
0x2ab: {  	_ =	sfence.sel $0x180000  }
0x2ac: {  	[bflag:$0x0] =	sbarrier.arrive $0xFFFF  }
0x2ad: {  	_ =	strace $0x90000047  }
0x2ae: {  	s0 =	sadd.s32 $0x100000, s0;
	[bflag:$0x2] =	sbarrier.arrive $0xFFFF  }
0x2af: {  	[sflag:s0] =	ssyncadd.tile.s32 $0x1;
	_ =	shalt  }
.Lfunc_end2:
_tile_overlayer_lowered:
.L_overlay_start_2:
0x2b0: {  	(tag) =	ssettag $0x2  }
0x2b1: {  	s0 =	rddreg [dreg:$0x0];
	s2 =	stileid.u32  }
0x2b2: {  	s1 =	rddreg [dreg:$0x1];
	p0 =	sne.s32 s2, $0x0  }
0x2b3: {  	s3 =	rddreg [dreg:$0x2];
	[bflag:$0x3] =	sbarrier.arrive $0xFFFF;
	s2 =	simm.s32 @!p0 $0x1C02  }
0x2b4: {  	[timem:s3], [sflag:s2] =	dma.local @!p0 [hbm:s0], s1  }
0x2b5: {  	s0 =	simm.s32 @!p0 $0x2  }
0x2b6: {  	_ =	swait.ge @!p0 [sflag:s0], s1  }
0x2b7: {  	s1 =	ssub.s32 @!p0 $0x0, s1;
	[sflag:s0] =	ssyncset.done @!p0 $0x0  }
0x2b8: {  	[sflag:s0] =	ssyncadd.s32 @!p0 s1  }
0x2b9: {  	[bflag:$0x3] =	sbarrier.arrive $0xFFFF  }
0x2ba: {  	_ =	shalt  }

</sc_bundles>
